<compile_context>
chip_gen: v7x
topology: tpu7x:2x2x1
jax: 0.10.2.dev20260603
libtpu: 0.0.44.dev20260713+nightly
codegen_flags: <defaults>
</compile_context>

<pallas_src>
import functools

import jax
import jax.numpy as jnp
from jax import lax
from jax.experimental import pallas as pl
from jax.experimental.pallas import tpu as pltpu
from jax.experimental.pallas import tpu_sc as plsc

NC = 2
NS = 16
NW = NC * NS
LANES = 16
B_EDGE = 80
NBUF = 5
PRE = NBUF - 2


def _round_up(x, m):
    return (x + m - 1) // m * m


_SC_PARAMS = pltpu.CompilerParams(needs_layout_passes=False,
                                  use_tc_tiling_on_sc=False)



def _make_deg_kernel(NP, EW):
    R = NP // NS
    UNR = 25
    assert EW % (LANES * UNR) == 0
    mesh = plsc.VectorSubcoreMesh(core_axis_name="c", subcore_axis_name="s")

    @functools.partial(
        pl.kernel,
        out_type=jax.ShapeDtypeStruct((NC, NP), jnp.float32),
        mesh=mesh,
        scratch_types=[
            pltpu.VMEM((EW,), jnp.int32),
            pltpu.VMEM((NP,), jnp.float32),
            pltpu.VMEM((R,), jnp.float32),
            pltpu.VMEM((R,), jnp.float32),
            pltpu.VMEM_SHARED((NS, NP), jnp.float32),
            pltpu.SemaphoreType.DMA,
        ],
        compiler_params=_SC_PARAMS,
    )
    def deg_kernel(edges_hbm, out_hbm, idx_d, hist, accb, tmpb, shist, sem):
        c = lax.axis_index("c")
        s = lax.axis_index("s")
        wid = c * NS + s
        idx_cp = pltpu.async_copy(edges_hbm.at[1].at[pl.ds(wid * EW, EW)],
                                  idx_d, sem)

        zero16 = jnp.zeros((LANES,), jnp.float32)

        @pl.loop(0, NP // LANES)
        def _(i):
            hist[pl.ds(i * LANES, LANES)] = zero16

        ones = jnp.ones((LANES,), jnp.float32)
        idx_cp.wait()

        @pl.loop(0, EW // (LANES * UNR))
        def _(k):
            for j in range(UNR):
                idxv = idx_d[pl.ds((k * UNR + j) * LANES, LANES)]
                plsc.addupdate_scatter(hist, [idxv], ones)

        pltpu.sync_copy(hist, shist.at[s])
        plsc.subcore_barrier()

        pltpu.sync_copy(shist.at[0, pl.ds(s * R, R)], accb)
        for t in range(1, NS):
            pltpu.sync_copy(shist.at[t, pl.ds(s * R, R)], tmpb)

            @pl.loop(0, R // LANES)
            def _(j):
                sl = pl.ds(j * LANES, LANES)
                accb[sl] = accb[sl] + tmpb[sl]

        pltpu.sync_copy(accb, out_hbm.at[c, pl.ds(s * R, R)])

    return deg_kernel


def _make_agg_kernel(NP, EW, D):
    R = NP // NS
    ZR = 16
    K = EW // B_EDGE
    mesh = plsc.VectorSubcoreMesh(core_axis_name="c", subcore_axis_name="s")

    @functools.partial(
        pl.kernel,
        out_type=jax.ShapeDtypeStruct((NC, NP, D), jnp.float32),
        mesh=mesh,
        scratch_types=[
            pltpu.VMEM((EW,), jnp.int32),
            pltpu.VMEM((EW,), jnp.int32),
            pltpu.VMEM((NBUF, B_EDGE, D), jnp.float32),
            pltpu.VMEM((ZR, D), jnp.float32),
            pltpu.VMEM_SHARED((NP, D), jnp.float32),
            pltpu.VMEM_SHARED((NP, D), jnp.float32),
            pltpu.SemaphoreType.DMA((NBUF,)),
            pltpu.SemaphoreType.DMA((NBUF,)),
            pltpu.SemaphoreType.DMA,
        ],
        compiler_params=_SC_PARAMS,
    )
    def agg_kernel(hs_hbm, edges_hbm, out_hbm,
                   idx_s, idx_d, rows, zblk, acc, hs_s, gsems, ssems, sem):
        c = lax.axis_index("c")
        s = lax.axis_index("s")
        wid = c * NS + s
        cp_s = pltpu.async_copy(edges_hbm.at[0].at[pl.ds(wid * EW, EW)],
                                idx_s, gsems.at[0])
        cp_d = pltpu.async_copy(edges_hbm.at[1].at[pl.ds(wid * EW, EW)],
                                idx_d, gsems.at[1])
        cp_h = pltpu.async_copy(hs_hbm.at[pl.ds(s * R, R)],
                                hs_s.at[pl.ds(s * R, R)], sem)

        zero16 = jnp.zeros((LANES,), jnp.float32)

        @pl.loop(0, ZR)
        def _(r):
            for cc in range(D // LANES):
                zblk[r, pl.ds(cc * LANES, LANES)] = zero16

        @pl.loop(0, R // ZR)
        def _(t):
            pltpu.sync_copy(zblk, acc.at[pl.ds(s * R + t * ZR, ZR)])

        cp_s.wait()
        cp_d.wait()
        cp_h.wait()
        plsc.subcore_barrier()

        assert K % NBUF == 0 and K >= 2 * NBUF

        def bsl(j):
            return pl.ds(j * B_EDGE, B_EDGE)

        def gath(j, slot):
            pltpu.async_copy(hs_s.at[idx_s.at[bsl(j)]], rows.at[slot],
                             gsems.at[slot])

        def gath_wait(j, slot):
            pltpu.make_async_copy(hs_s.at[idx_s.at[bsl(j)]], rows.at[slot],
                                  gsems.at[slot]).wait()

        def scat(j, slot):
            pltpu.async_copy(rows.at[slot], acc.at[idx_d.at[bsl(j)]],
                             ssems.at[slot], add=True)

        def scat_wait(j, slot):
            pltpu.make_async_copy(rows.at[slot], acc.at[idx_d.at[bsl(j)]],
                                  ssems.at[slot]).wait()

        for j in range(PRE):
            gath(j, j % NBUF)
        for j in range(2):
            gath(j + PRE, (j + PRE) % NBUF)
            gath_wait(j, j % NBUF)
            scat(j, j % NBUF)

        @pl.loop(2, K - PRE, step=NBUF)
        def _(k0):
            for b in range(NBUF):
                j = k0 + b
                scat_wait(j - 2, b)
                gath(j + PRE, b)
                gath_wait(j, (2 + b) % NBUF)
                scat(j, (2 + b) % NBUF)

        for j in range(K - PRE, K):
            gath_wait(j, j % NBUF)
            scat(j, j % NBUF)
        for j in range(K - NBUF, K):
            scat_wait(j, j % NBUF)

        plsc.subcore_barrier()
        pltpu.sync_copy(acc.at[pl.ds(s * R, R)],
                        out_hbm.at[c].at[pl.ds(s * R, R)])

    return agg_kernel



def _dinv_blk(deg_blk, blk):
    del blk
    return lax.rsqrt(deg_blk[0] + deg_blk[1] + 1.0)[:, None]


def _tc_mm_scale(deg, x, w, NP, blk=2048):
    KD = x.shape[1]
    D = w.shape[1]

    def body(deg_ref, x_ref, w_ref, o_ref):
        h = jnp.dot(x_ref[...], w_ref[...],
                    preferred_element_type=jnp.float32)
        o_ref[...] = h * _dinv_blk(deg_ref[...], blk)

    return pl.pallas_call(
        body,
        grid=(NP // blk,),
        in_specs=[
            pl.BlockSpec((2, blk), lambda i: (0, i)),
            pl.BlockSpec((blk, KD), lambda i: (i, 0)),
            pl.BlockSpec((KD, D), lambda i: (0, 0)),
        ],
        out_specs=pl.BlockSpec((blk, D), lambda i: (i, 0)),
        out_shape=jax.ShapeDtypeStruct((NP, D), jnp.float32),
    )(deg, x, w)


def _tc_mid(acc, deg, h1, b1, w2p, blk=1024):
    NP, D = h1.shape
    D2 = w2p.shape[1]

    def body(acc_ref, deg_ref, hs1_ref, b1_ref, w2_ref, hs2_ref):
        dinv = _dinv_blk(deg_ref[...], blk)
        out1 = (acc_ref[0] + acc_ref[1] + hs1_ref[...]) * dinv + b1_ref[...]
        x1 = jnp.where(out1 >= 0, out1, 0.01 * out1)
        h2 = jnp.dot(x1, w2_ref[...], preferred_element_type=jnp.float32)
        hs2_ref[...] = h2 * dinv

    return pl.pallas_call(
        body,
        grid=(NP // blk,),
        in_specs=[
            pl.BlockSpec((2, blk, D), lambda i: (0, i, 0)),
            pl.BlockSpec((2, blk), lambda i: (0, i)),
            pl.BlockSpec((blk, D), lambda i: (i, 0)),
            pl.BlockSpec((1, D), lambda i: (0, 0)),
            pl.BlockSpec((D, D2), lambda i: (0, 0)),
        ],
        out_specs=pl.BlockSpec((blk, D2), lambda i: (i, 0)),
        out_shape=jax.ShapeDtypeStruct((NP, D2), jnp.float32),
    )(acc, deg, h1, b1, w2p)


def _tc_final(acc, deg, h2, b2p, N, ncls, blk=2048):
    NP, D2 = h2.shape

    def body(acc_ref, deg_ref, hs2_ref, b2_ref, o_ref):
        dinv = _dinv_blk(deg_ref[...], blk)
        o = (acc_ref[0] + acc_ref[1] + hs2_ref[...]) * dinv + b2_ref[...]
        col = lax.broadcasted_iota(jnp.int32, (blk, D2), 1)
        valid = col < ncls
        om = jnp.where(valid, o, -1e30)
        m = jnp.max(om, axis=1, keepdims=True)
        e = jnp.where(valid, jnp.exp(om - m), 0.0)
        ssum = jnp.sum(e, axis=1, keepdims=True)
        o_ref[...] = (e / ssum)[:, :ncls]

    return pl.pallas_call(
        body,
        grid=(NP // blk,),
        in_specs=[
            pl.BlockSpec((2, blk, D2), lambda i: (0, i, 0)),
            pl.BlockSpec((2, blk), lambda i: (0, i)),
            pl.BlockSpec((blk, D2), lambda i: (i, 0)),
            pl.BlockSpec((1, D2), lambda i: (0, 0)),
        ],
        out_specs=pl.BlockSpec((blk, ncls), lambda i: (i, 0)),
        out_shape=jax.ShapeDtypeStruct((N, ncls), jnp.float32),
    )(acc, deg, h2, b2p)



def kernel(x_embeddings, edge_index, W1, b1, W2, b2):
    N, F0 = x_embeddings.shape
    E = edge_index.shape[1]
    F1 = W1.shape[1]
    ncls = W2.shape[1]
    D2 = 16

    NP = _round_up(N + 1, NS * 64)
    EW = E // NW
    assert E % NW == 0 and EW % B_EDGE == 0

    e32 = edge_index.astype(jnp.int32)
    w2p = jnp.pad(W2, ((0, 0), (0, D2 - ncls)))
    b1r = b1.reshape(1, F1)
    b2r = jnp.pad(b2, (0, D2 - ncls)).reshape(1, D2)

    deg3 = _make_deg_kernel(NP, EW)(e32)

    hs1 = _tc_mm_scale(deg3, x_embeddings, W1, NP)

    acc1 = _make_agg_kernel(NP, EW, F1)(hs1, e32)

    hs2 = _tc_mid(acc1, deg3, hs1, b1r, w2p)

    acc2 = _make_agg_kernel(NP, EW, D2)(hs2, e32)

    return _tc_final(acc2, deg3, hs2, b2r, N, ncls)

# --- scband reference (transcript-rebuilt; emitter-appended) ---
"""Pipeline reference for scband-gcnn-42863773614285 (READ-ONLY COPY).

The authoritative reference and input builder live on the scoring server;
editing this copy changes nothing except your own understanding.
"""

import jax, jax.numpy as jnp
import numpy as np


def gcn_conv(x, edge_index, W, b):
    N = x.shape[0]
    src = edge_index[0]
    dst = edge_index[1]
    loop = jnp.arange(N, dtype=edge_index.dtype)
    src = jnp.concatenate([src, loop])
    dst = jnp.concatenate([dst, loop])
    deg = jnp.zeros((N,), dtype=x.dtype).at[dst].add(1.0)
    dinv = jnp.where(deg > 0, deg ** -0.5, 0.0)
    norm = dinv[src] * dinv[dst]
    h = x @ W
    msg = h[src] * norm[:, None]
    out = jnp.zeros((N, W.shape[1]), dtype=x.dtype).at[dst].add(msg)
    return out + b


def setup_inputs(seed: int = 0) -> dict:
    key = jax.random.key(seed)
    k1, k2, k3, k4, k5, k6 = jax.random.split(key, 6)
    N, E = 10000, 320000
    x_embeddings = jax.random.normal(k1, (N, 128), dtype=jnp.float32)
    edge_index = jax.random.randint(k2, (2, E), 0, N, dtype=jnp.int64)
    W1 = jax.random.normal(k3, (128, 64), dtype=jnp.float32) * (1.0 / np.sqrt(128.0))
    b1 = jnp.zeros((64,), dtype=jnp.float32)
    W2 = jax.random.normal(k4, (64, 4), dtype=jnp.float32) * (1.0 / np.sqrt(64.0))
    b2 = jnp.zeros((4,), dtype=jnp.float32)
    return {"x_embeddings": x_embeddings, "edge_index": edge_index, "W1": W1, "b1": b1, "W2": W2, "b2": b2}


def reference(x_embeddings, edge_index, W1, b1, W2, b2):
    x = gcn_conv(x_embeddings, edge_index, W1, b1)
    x = jax.nn.leaky_relu(x, negative_slope=0.01)
    # F.dropout in eval mode (deterministic reference): identity
    x = gcn_conv(x, edge_index, W2, b2)
    out = jax.nn.softmax(x, axis=1)
    return out

if __name__ == "__main__":
    import jax
    _d = setup_inputs()
    print(jax.jit(kernel)(*tuple(_d.values())))

</pallas_src>

<mosaic_0001>
#map = affine_map<(d0, d1) -> (0, 0)>
module attributes {stable_mosaic.version = 14 : i64} {
  func.func @deg_kernel(%arg0: i32, %arg1: i32, %arg2: memref<2x320000xi32, #tpu.memory_space<hbm>>, %arg3: memref<2x10240xf32, #tpu.memory_space<hbm>>, %arg4: memref<10000xi32, #tpu.memory_space<vmem>>, %arg5: memref<10240xf32, #tpu.memory_space<vmem>>, %arg6: memref<640xf32, #tpu.memory_space<vmem>>, %arg7: memref<640xf32, #tpu.memory_space<vmem>>, %arg8: memref<16x10240xf32, #tpu.memory_space<vmem_shared>>, %arg9: memref<!tpu.dma_semaphore, #tpu.memory_space<semaphore_mem>>) attributes {dimension_semantics = [#tpu.dimension_semantics<core_parallel>, #tpu.dimension_semantics<subcore_parallel>], iteration_bounds = array<i64: 2, 16>, scalar_prefetch = 0 : i64, scratch_operands = 6 : i64, tpu.core_type = #tpu.core_type<sc_vector_subcore>, window_params = [{transform_indices = #map}, {transform_indices = #map}]} {
    %mul3A = arith.constant 16 : i32
    %mul3A_0 = arith.muli %arg0, %mul3A : i32
    %add3A = arith.addi %mul3A_0, %arg1 : i32
    %mul3A_1 = arith.constant 10000 : i32
    %mul3A_2 = arith.muli %add3A, %mul3A_1 : i32
    %dma_start3A = arith.constant 1 : i32
    %dma_start3A_3 = arith.constant 0 : i32
    %dma_start3A_4 = tpu.memref_slice %arg2[%dma_start3A, %dma_start3A_3] : memref<2x320000xi32, #tpu.memory_space<hbm>> -> memref<1x320000xi32, #tpu.memory_space<hbm>>
    %dma_start3A_5 = tpu.memref_squeeze %dma_start3A_4 : memref<1x320000xi32, #tpu.memory_space<hbm>> -> memref<320000xi32, #tpu.memory_space<hbm>>
    %dma_start3A_6 = tpu.memref_slice %dma_start3A_5[%mul3A_2] : memref<320000xi32, #tpu.memory_space<hbm>> -> memref<10000xi32, #tpu.memory_space<hbm>>
    %dma_start3A_7 = arith.constant 0 : i32
    %dma_start3A_8 = tpu.memref_slice %arg2[%dma_start3A, %dma_start3A_7] : memref<2x320000xi32, #tpu.memory_space<hbm>> -> memref<1x320000xi32, #tpu.memory_space<hbm>>
    %dma_start3A_9 = tpu.memref_squeeze %dma_start3A_8 : memref<1x320000xi32, #tpu.memory_space<hbm>> -> memref<320000xi32, #tpu.memory_space<hbm>>
    %dma_start3A_10 = tpu.memref_slice %dma_start3A_9[%mul3A_2] : memref<320000xi32, #tpu.memory_space<hbm>> -> memref<10000xi32, #tpu.memory_space<hbm>>
    tpu.enqueue_dma source(%dma_start3A_10 : memref<10000xi32, #tpu.memory_space<hbm>>) target(%arg4 : memref<10000xi32, #tpu.memory_space<vmem>>) target_semaphore(%arg9 : memref<!tpu.dma_semaphore, #tpu.memory_space<semaphore_mem>>)
    %broadcast_in_dim3A = arith.constant 0.000000e+00 : f32
    %broadcast_in_dim3A_11 = vector.broadcast %broadcast_in_dim3A : f32 to vector<16xf32>
    %scan3A = arith.constant 0 : i32
    %scan3A_12 = arith.constant 640 : i32
    %scan3A_13 = arith.addi %scan3A, %scan3A_12 : i32
    %scan3A_14 = arith.constant 1 : i32
    scf.for %scan3A_155 = %scan3A to %scan3A_13 step %scan3A_14  : i32 {
      %mul3A_156 = arith.constant 1 : i32
      %mul3A_157 = arith.muli %scan3A_155, %mul3A_156 : i32
      %add3A_158 = arith.constant 0 : i32
      %add3A_159 = arith.addi %add3A_158, %mul3A_157 : i32
      %mul3A_160 = arith.constant 16 : i32
      %mul3A_161 = arith.muli %add3A_159, %mul3A_160 : i32
      %swap3A = arith.index_cast %mul3A_161 : i32 to index
      %swap3A_162 = tpu.vector_load %arg5[%swap3A] {strides = array<i32>} : memref<10240xf32, #tpu.memory_space<vmem>>, vector<16xf32>,
      tpu.vector_store %arg5[%swap3A], %broadcast_in_dim3A_11 {strides = array<i32>} : memref<10240xf32, #tpu.memory_space<vmem>>, vector<16xf32>,
    }
    %scan3A_15 = arith.constant 640 : i32
    %broadcast_in_dim3A_16 = arith.constant 1.000000e+00 : f32
    %broadcast_in_dim3A_17 = vector.broadcast %broadcast_in_dim3A_16 : f32 to vector<16xf32>
    %dma_wait3A = arith.constant 1 : i32
    %dma_wait3A_18 = arith.constant 0 : i32
    %dma_wait3A_19 = tpu.memref_slice %arg2[%dma_wait3A, %dma_wait3A_18] : memref<2x320000xi32, #tpu.memory_space<hbm>> -> memref<1x320000xi32, #tpu.memory_space<hbm>>
    %dma_wait3A_20 = tpu.memref_squeeze %dma_wait3A_19 : memref<1x320000xi32, #tpu.memory_space<hbm>> -> memref<320000xi32, #tpu.memory_space<hbm>>
    %dma_wait3A_21 = tpu.memref_slice %dma_wait3A_20[%mul3A_2] : memref<320000xi32, #tpu.memory_space<hbm>> -> memref<10000xi32, #tpu.memory_space<hbm>>
    %dma_wait3A_22 = arith.constant 0 : i32
    %dma_wait3A_23 = tpu.memref_slice %arg2[%dma_wait3A, %dma_wait3A_22] : memref<2x320000xi32, #tpu.memory_space<hbm>> -> memref<1x320000xi32, #tpu.memory_space<hbm>>
    %dma_wait3A_24 = tpu.memref_squeeze %dma_wait3A_23 : memref<1x320000xi32, #tpu.memory_space<hbm>> -> memref<320000xi32, #tpu.memory_space<hbm>>
    %dma_wait3A_25 = tpu.memref_slice %dma_wait3A_24[%mul3A_2] : memref<320000xi32, #tpu.memory_space<hbm>> -> memref<10000xi32, #tpu.memory_space<hbm>>
    tpu.wait_dma2 semaphore(%arg9 : memref<!tpu.dma_semaphore, #tpu.memory_space<semaphore_mem>>) src(%dma_wait3A_25 : memref<10000xi32, #tpu.memory_space<hbm>>) dst(%arg4 : memref<10000xi32, #tpu.memory_space<vmem>>)
    %scan3A_26 = arith.constant 0 : i32
    %scan3A_27 = arith.constant 25 : i32
    %scan3A_28 = arith.addi %scan3A_26, %scan3A_27 : i32
    %scan3A_29 = arith.constant 1 : i32
    scf.for %scan3A_155 = %scan3A_26 to %scan3A_28 step %scan3A_29  : i32 {
      %mul3A_156 = arith.constant 1 : i32
      %mul3A_157 = arith.muli %scan3A_155, %mul3A_156 : i32
      %add3A_158 = arith.constant 0 : i32
      %add3A_159 = arith.addi %add3A_158, %mul3A_157 : i32
      %mul3A_160 = arith.constant 25 : i32
      %mul3A_161 = arith.muli %add3A_159, %mul3A_160 : i32
      %add3A_162 = arith.constant 0 : i32
      %add3A_163 = arith.addi %mul3A_161, %add3A_162 : i32
      %mul3A_164 = arith.constant 16 : i32
      %mul3A_165 = arith.muli %add3A_163, %mul3A_164 : i32
      %get3A = arith.index_cast %mul3A_165 : i32 to index
      %get3A_166 = tpu.vector_load %arg4[%get3A] {strides = array<i32>} : memref<10000xi32, #tpu.memory_space<vmem>>, vector<16xi32>,
      tpu.vector_store_idx %arg5[%get3A_166], %broadcast_in_dim3A_17 {add = true} : memref<10240xf32, #tpu.memory_space<vmem>>[vector<16xi32>], vector<16xf32>,
      %mul3A_167 = arith.constant 25 : i32
      %mul3A_168 = arith.muli %add3A_159, %mul3A_167 : i32
      %add3A_169 = arith.constant 1 : i32
      %add3A_170 = arith.addi %mul3A_168, %add3A_169 : i32
      %mul3A_171 = arith.constant 16 : i32
      %mul3A_172 = arith.muli %add3A_170, %mul3A_171 : i32
      %get3A_173 = arith.index_cast %mul3A_172 : i32 to index
      %get3A_174 = tpu.vector_load %arg4[%get3A_173] {strides = array<i32>} : memref<10000xi32, #tpu.memory_space<vmem>>, vector<16xi32>,
      tpu.vector_store_idx %arg5[%get3A_174], %broadcast_in_dim3A_17 {add = true} : memref<10240xf32, #tpu.memory_space<vmem>>[vector<16xi32>], vector<16xf32>,
      %mul3A_175 = arith.constant 25 : i32
      %mul3A_176 = arith.muli %add3A_159, %mul3A_175 : i32
      %add3A_177 = arith.constant 2 : i32
      %add3A_178 = arith.addi %mul3A_176, %add3A_177 : i32
      %mul3A_179 = arith.constant 16 : i32
      %mul3A_180 = arith.muli %add3A_178, %mul3A_179 : i32
      %get3A_181 = arith.index_cast %mul3A_180 : i32 to index
      %get3A_182 = tpu.vector_load %arg4[%get3A_181] {strides = array<i32>} : memref<10000xi32, #tpu.memory_space<vmem>>, vector<16xi32>,
      tpu.vector_store_idx %arg5[%get3A_182], %broadcast_in_dim3A_17 {add = true} : memref<10240xf32, #tpu.memory_space<vmem>>[vector<16xi32>], vector<16xf32>,
      %mul3A_183 = arith.constant 25 : i32
      %mul3A_184 = arith.muli %add3A_159, %mul3A_183 : i32
      %add3A_185 = arith.constant 3 : i32
      %add3A_186 = arith.addi %mul3A_184, %add3A_185 : i32
      %mul3A_187 = arith.constant 16 : i32
      %mul3A_188 = arith.muli %add3A_186, %mul3A_187 : i32
      %get3A_189 = arith.index_cast %mul3A_188 : i32 to index
      %get3A_190 = tpu.vector_load %arg4[%get3A_189] {strides = array<i32>} : memref<10000xi32, #tpu.memory_space<vmem>>, vector<16xi32>,
      tpu.vector_store_idx %arg5[%get3A_190], %broadcast_in_dim3A_17 {add = true} : memref<10240xf32, #tpu.memory_space<vmem>>[vector<16xi32>], vector<16xf32>,
      %mul3A_191 = arith.constant 25 : i32
      %mul3A_192 = arith.muli %add3A_159, %mul3A_191 : i32
      %add3A_193 = arith.constant 4 : i32
      %add3A_194 = arith.addi %mul3A_192, %add3A_193 : i32
      %mul3A_195 = arith.constant 16 : i32
      %mul3A_196 = arith.muli %add3A_194, %mul3A_195 : i32
      %get3A_197 = arith.index_cast %mul3A_196 : i32 to index
      %get3A_198 = tpu.vector_load %arg4[%get3A_197] {strides = array<i32>} : memref<10000xi32, #tpu.memory_space<vmem>>, vector<16xi32>,
      tpu.vector_store_idx %arg5[%get3A_198], %broadcast_in_dim3A_17 {add = true} : memref<10240xf32, #tpu.memory_space<vmem>>[vector<16xi32>], vector<16xf32>,
      %mul3A_199 = arith.constant 25 : i32
      %mul3A_200 = arith.muli %add3A_159, %mul3A_199 : i32
      %add3A_201 = arith.constant 5 : i32
      %add3A_202 = arith.addi %mul3A_200, %add3A_201 : i32
      %mul3A_203 = arith.constant 16 : i32
      %mul3A_204 = arith.muli %add3A_202, %mul3A_203 : i32
      %get3A_205 = arith.index_cast %mul3A_204 : i32 to index
      %get3A_206 = tpu.vector_load %arg4[%get3A_205] {strides = array<i32>} : memref<10000xi32, #tpu.memory_space<vmem>>, vector<16xi32>,
      tpu.vector_store_idx %arg5[%get3A_206], %broadcast_in_dim3A_17 {add = true} : memref<10240xf32, #tpu.memory_space<vmem>>[vector<16xi32>], vector<16xf32>,
      %mul3A_207 = arith.constant 25 : i32
      %mul3A_208 = arith.muli %add3A_159, %mul3A_207 : i32
      %add3A_209 = arith.constant 6 : i32
      %add3A_210 = arith.addi %mul3A_208, %add3A_209 : i32
      %mul3A_211 = arith.constant 16 : i32
      %mul3A_212 = arith.muli %add3A_210, %mul3A_211 : i32
      %get3A_213 = arith.index_cast %mul3A_212 : i32 to index
      %get3A_214 = tpu.vector_load %arg4[%get3A_213] {strides = array<i32>} : memref<10000xi32, #tpu.memory_space<vmem>>, vector<16xi32>,
      tpu.vector_store_idx %arg5[%get3A_214], %broadcast_in_dim3A_17 {add = true} : memref<10240xf32, #tpu.memory_space<vmem>>[vector<16xi32>], vector<16xf32>,
      %mul3A_215 = arith.constant 25 : i32
      %mul3A_216 = arith.muli %add3A_159, %mul3A_215 : i32
      %add3A_217 = arith.constant 7 : i32
      %add3A_218 = arith.addi %mul3A_216, %add3A_217 : i32
      %mul3A_219 = arith.constant 16 : i32
      %mul3A_220 = arith.muli %add3A_218, %mul3A_219 : i32
      %get3A_221 = arith.index_cast %mul3A_220 : i32 to index
      %get3A_222 = tpu.vector_load %arg4[%get3A_221] {strides = array<i32>} : memref<10000xi32, #tpu.memory_space<vmem>>, vector<16xi32>,
      tpu.vector_store_idx %arg5[%get3A_222], %broadcast_in_dim3A_17 {add = true} : memref<10240xf32, #tpu.memory_space<vmem>>[vector<16xi32>], vector<16xf32>,
      %mul3A_223 = arith.constant 25 : i32
      %mul3A_224 = arith.muli %add3A_159, %mul3A_223 : i32
      %add3A_225 = arith.constant 8 : i32
      %add3A_226 = arith.addi %mul3A_224, %add3A_225 : i32
      %mul3A_227 = arith.constant 16 : i32
      %mul3A_228 = arith.muli %add3A_226, %mul3A_227 : i32
      %get3A_229 = arith.index_cast %mul3A_228 : i32 to index
      %get3A_230 = tpu.vector_load %arg4[%get3A_229] {strides = array<i32>} : memref<10000xi32, #tpu.memory_space<vmem>>, vector<16xi32>,
      tpu.vector_store_idx %arg5[%get3A_230], %broadcast_in_dim3A_17 {add = true} : memref<10240xf32, #tpu.memory_space<vmem>>[vector<16xi32>], vector<16xf32>,
      %mul3A_231 = arith.constant 25 : i32
      %mul3A_232 = arith.muli %add3A_159, %mul3A_231 : i32
      %add3A_233 = arith.constant 9 : i32
      %add3A_234 = arith.addi %mul3A_232, %add3A_233 : i32
      %mul3A_235 = arith.constant 16 : i32
      %mul3A_236 = arith.muli %add3A_234, %mul3A_235 : i32
      %get3A_237 = arith.index_cast %mul3A_236 : i32 to index
      %get3A_238 = tpu.vector_load %arg4[%get3A_237] {strides = array<i32>} : memref<10000xi32, #tpu.memory_space<vmem>>, vector<16xi32>,
      tpu.vector_store_idx %arg5[%get3A_238], %broadcast_in_dim3A_17 {add = true} : memref<10240xf32, #tpu.memory_space<vmem>>[vector<16xi32>], vector<16xf32>,
      %mul3A_239 = arith.constant 25 : i32
      %mul3A_240 = arith.muli %add3A_159, %mul3A_239 : i32
      %add3A_241 = arith.constant 10 : i32
      %add3A_242 = arith.addi %mul3A_240, %add3A_241 : i32
      %mul3A_243 = arith.constant 16 : i32
      %mul3A_244 = arith.muli %add3A_242, %mul3A_243 : i32
      %get3A_245 = arith.index_cast %mul3A_244 : i32 to index
      %get3A_246 = tpu.vector_load %arg4[%get3A_245] {strides = array<i32>} : memref<10000xi32, #tpu.memory_space<vmem>>, vector<16xi32>,
      tpu.vector_store_idx %arg5[%get3A_246], %broadcast_in_dim3A_17 {add = true} : memref<10240xf32, #tpu.memory_space<vmem>>[vector<16xi32>], vector<16xf32>,
      %mul3A_247 = arith.constant 25 : i32
      %mul3A_248 = arith.muli %add3A_159, %mul3A_247 : i32
      %add3A_249 = arith.constant 11 : i32
      %add3A_250 = arith.addi %mul3A_248, %add3A_249 : i32
      %mul3A_251 = arith.constant 16 : i32
      %mul3A_252 = arith.muli %add3A_250, %mul3A_251 : i32
      %get3A_253 = arith.index_cast %mul3A_252 : i32 to index
      %get3A_254 = tpu.vector_load %arg4[%get3A_253] {strides = array<i32>} : memref<10000xi32, #tpu.memory_space<vmem>>, vector<16xi32>,
      tpu.vector_store_idx %arg5[%get3A_254], %broadcast_in_dim3A_17 {add = true} : memref<10240xf32, #tpu.memory_space<vmem>>[vector<16xi32>], vector<16xf32>,
      %mul3A_255 = arith.constant 25 : i32
      %mul3A_256 = arith.muli %add3A_159, %mul3A_255 : i32
      %add3A_257 = arith.constant 12 : i32
      %add3A_258 = arith.addi %mul3A_256, %add3A_257 : i32
      %mul3A_259 = arith.constant 16 : i32
      %mul3A_260 = arith.muli %add3A_258, %mul3A_259 : i32
      %get3A_261 = arith.index_cast %mul3A_260 : i32 to index
      %get3A_262 = tpu.vector_load %arg4[%get3A_261] {strides = array<i32>} : memref<10000xi32, #tpu.memory_space<vmem>>, vector<16xi32>,
      tpu.vector_store_idx %arg5[%get3A_262], %broadcast_in_dim3A_17 {add = true} : memref<10240xf32, #tpu.memory_space<vmem>>[vector<16xi32>], vector<16xf32>,
      %mul3A_263 = arith.constant 25 : i32
      %mul3A_264 = arith.muli %add3A_159, %mul3A_263 : i32
      %add3A_265 = arith.constant 13 : i32
      %add3A_266 = arith.addi %mul3A_264, %add3A_265 : i32
      %mul3A_267 = arith.constant 16 : i32
      %mul3A_268 = arith.muli %add3A_266, %mul3A_267 : i32
      %get3A_269 = arith.index_cast %mul3A_268 : i32 to index
      %get3A_270 = tpu.vector_load %arg4[%get3A_269] {strides = array<i32>} : memref<10000xi32, #tpu.memory_space<vmem>>, vector<16xi32>,
      tpu.vector_store_idx %arg5[%get3A_270], %broadcast_in_dim3A_17 {add = true} : memref<10240xf32, #tpu.memory_space<vmem>>[vector<16xi32>], vector<16xf32>,
      %mul3A_271 = arith.constant 25 : i32
      %mul3A_272 = arith.muli %add3A_159, %mul3A_271 : i32
      %add3A_273 = arith.constant 14 : i32
      %add3A_274 = arith.addi %mul3A_272, %add3A_273 : i32
      %mul3A_275 = arith.constant 16 : i32
      %mul3A_276 = arith.muli %add3A_274, %mul3A_275 : i32
      %get3A_277 = arith.index_cast %mul3A_276 : i32 to index
      %get3A_278 = tpu.vector_load %arg4[%get3A_277] {strides = array<i32>} : memref<10000xi32, #tpu.memory_space<vmem>>, vector<16xi32>,
      tpu.vector_store_idx %arg5[%get3A_278], %broadcast_in_dim3A_17 {add = true} : memref<10240xf32, #tpu.memory_space<vmem>>[vector<16xi32>], vector<16xf32>,
      %mul3A_279 = arith.constant 25 : i32
      %mul3A_280 = arith.muli %add3A_159, %mul3A_279 : i32
      %add3A_281 = arith.constant 15 : i32
      %add3A_282 = arith.addi %mul3A_280, %add3A_281 : i32
      %mul3A_283 = arith.constant 16 : i32
      %mul3A_284 = arith.muli %add3A_282, %mul3A_283 : i32
      %get3A_285 = arith.index_cast %mul3A_284 : i32 to index
      %get3A_286 = tpu.vector_load %arg4[%get3A_285] {strides = array<i32>} : memref<10000xi32, #tpu.memory_space<vmem>>, vector<16xi32>,
      tpu.vector_store_idx %arg5[%get3A_286], %broadcast_in_dim3A_17 {add = true} : memref<10240xf32, #tpu.memory_space<vmem>>[vector<16xi32>], vector<16xf32>,
      %mul3A_287 = arith.constant 25 : i32
      %mul3A_288 = arith.muli %add3A_159, %mul3A_287 : i32
      %add3A_289 = arith.constant 16 : i32
      %add3A_290 = arith.addi %mul3A_288, %add3A_289 : i32
      %mul3A_291 = arith.constant 16 : i32
      %mul3A_292 = arith.muli %add3A_290, %mul3A_291 : i32
      %get3A_293 = arith.index_cast %mul3A_292 : i32 to index
      %get3A_294 = tpu.vector_load %arg4[%get3A_293] {strides = array<i32>} : memref<10000xi32, #tpu.memory_space<vmem>>, vector<16xi32>,
      tpu.vector_store_idx %arg5[%get3A_294], %broadcast_in_dim3A_17 {add = true} : memref<10240xf32, #tpu.memory_space<vmem>>[vector<16xi32>], vector<16xf32>,
      %mul3A_295 = arith.constant 25 : i32
      %mul3A_296 = arith.muli %add3A_159, %mul3A_295 : i32
      %add3A_297 = arith.constant 17 : i32
      %add3A_298 = arith.addi %mul3A_296, %add3A_297 : i32
      %mul3A_299 = arith.constant 16 : i32
      %mul3A_300 = arith.muli %add3A_298, %mul3A_299 : i32
      %get3A_301 = arith.index_cast %mul3A_300 : i32 to index
      %get3A_302 = tpu.vector_load %arg4[%get3A_301] {strides = array<i32>} : memref<10000xi32, #tpu.memory_space<vmem>>, vector<16xi32>,
      tpu.vector_store_idx %arg5[%get3A_302], %broadcast_in_dim3A_17 {add = true} : memref<10240xf32, #tpu.memory_space<vmem>>[vector<16xi32>], vector<16xf32>,
      %mul3A_303 = arith.constant 25 : i32
      %mul3A_304 = arith.muli %add3A_159, %mul3A_303 : i32
      %add3A_305 = arith.constant 18 : i32
      %add3A_306 = arith.addi %mul3A_304, %add3A_305 : i32
      %mul3A_307 = arith.constant 16 : i32
      %mul3A_308 = arith.muli %add3A_306, %mul3A_307 : i32
      %get3A_309 = arith.index_cast %mul3A_308 : i32 to index
      %get3A_310 = tpu.vector_load %arg4[%get3A_309] {strides = array<i32>} : memref<10000xi32, #tpu.memory_space<vmem>>, vector<16xi32>,
      tpu.vector_store_idx %arg5[%get3A_310], %broadcast_in_dim3A_17 {add = true} : memref<10240xf32, #tpu.memory_space<vmem>>[vector<16xi32>], vector<16xf32>,
      %mul3A_311 = arith.constant 25 : i32
      %mul3A_312 = arith.muli %add3A_159, %mul3A_311 : i32
      %add3A_313 = arith.constant 19 : i32
      %add3A_314 = arith.addi %mul3A_312, %add3A_313 : i32
      %mul3A_315 = arith.constant 16 : i32
      %mul3A_316 = arith.muli %add3A_314, %mul3A_315 : i32
      %get3A_317 = arith.index_cast %mul3A_316 : i32 to index
      %get3A_318 = tpu.vector_load %arg4[%get3A_317] {strides = array<i32>} : memref<10000xi32, #tpu.memory_space<vmem>>, vector<16xi32>,
      tpu.vector_store_idx %arg5[%get3A_318], %broadcast_in_dim3A_17 {add = true} : memref<10240xf32, #tpu.memory_space<vmem>>[vector<16xi32>], vector<16xf32>,
      %mul3A_319 = arith.constant 25 : i32
      %mul3A_320 = arith.muli %add3A_159, %mul3A_319 : i32
      %add3A_321 = arith.constant 20 : i32
      %add3A_322 = arith.addi %mul3A_320, %add3A_321 : i32
      %mul3A_323 = arith.constant 16 : i32
      %mul3A_324 = arith.muli %add3A_322, %mul3A_323 : i32
      %get3A_325 = arith.index_cast %mul3A_324 : i32 to index
      %get3A_326 = tpu.vector_load %arg4[%get3A_325] {strides = array<i32>} : memref<10000xi32, #tpu.memory_space<vmem>>, vector<16xi32>,
      tpu.vector_store_idx %arg5[%get3A_326], %broadcast_in_dim3A_17 {add = true} : memref<10240xf32, #tpu.memory_space<vmem>>[vector<16xi32>], vector<16xf32>,
      %mul3A_327 = arith.constant 25 : i32
      %mul3A_328 = arith.muli %add3A_159, %mul3A_327 : i32
      %add3A_329 = arith.constant 21 : i32
      %add3A_330 = arith.addi %mul3A_328, %add3A_329 : i32
      %mul3A_331 = arith.constant 16 : i32
      %mul3A_332 = arith.muli %add3A_330, %mul3A_331 : i32
      %get3A_333 = arith.index_cast %mul3A_332 : i32 to index
      %get3A_334 = tpu.vector_load %arg4[%get3A_333] {strides = array<i32>} : memref<10000xi32, #tpu.memory_space<vmem>>, vector<16xi32>,
      tpu.vector_store_idx %arg5[%get3A_334], %broadcast_in_dim3A_17 {add = true} : memref<10240xf32, #tpu.memory_space<vmem>>[vector<16xi32>], vector<16xf32>,
      %mul3A_335 = arith.constant 25 : i32
      %mul3A_336 = arith.muli %add3A_159, %mul3A_335 : i32
      %add3A_337 = arith.constant 22 : i32
      %add3A_338 = arith.addi %mul3A_336, %add3A_337 : i32
      %mul3A_339 = arith.constant 16 : i32
      %mul3A_340 = arith.muli %add3A_338, %mul3A_339 : i32
      %get3A_341 = arith.index_cast %mul3A_340 : i32 to index
      %get3A_342 = tpu.vector_load %arg4[%get3A_341] {strides = array<i32>} : memref<10000xi32, #tpu.memory_space<vmem>>, vector<16xi32>,
      tpu.vector_store_idx %arg5[%get3A_342], %broadcast_in_dim3A_17 {add = true} : memref<10240xf32, #tpu.memory_space<vmem>>[vector<16xi32>], vector<16xf32>,
      %mul3A_343 = arith.constant 25 : i32
      %mul3A_344 = arith.muli %add3A_159, %mul3A_343 : i32
      %add3A_345 = arith.constant 23 : i32
      %add3A_346 = arith.addi %mul3A_344, %add3A_345 : i32
      %mul3A_347 = arith.constant 16 : i32
      %mul3A_348 = arith.muli %add3A_346, %mul3A_347 : i32
      %get3A_349 = arith.index_cast %mul3A_348 : i32 to index
      %get3A_350 = tpu.vector_load %arg4[%get3A_349] {strides = array<i32>} : memref<10000xi32, #tpu.memory_space<vmem>>, vector<16xi32>,
      tpu.vector_store_idx %arg5[%get3A_350], %broadcast_in_dim3A_17 {add = true} : memref<10240xf32, #tpu.memory_space<vmem>>[vector<16xi32>], vector<16xf32>,
      %mul3A_351 = arith.constant 25 : i32
      %mul3A_352 = arith.muli %add3A_159, %mul3A_351 : i32
      %add3A_353 = arith.constant 24 : i32
      %add3A_354 = arith.addi %mul3A_352, %add3A_353 : i32
      %mul3A_355 = arith.constant 16 : i32
      %mul3A_356 = arith.muli %add3A_354, %mul3A_355 : i32
      %get3A_357 = arith.index_cast %mul3A_356 : i32 to index
      %get3A_358 = tpu.vector_load %arg4[%get3A_357] {strides = array<i32>} : memref<10000xi32, #tpu.memory_space<vmem>>, vector<16xi32>,
      tpu.vector_store_idx %arg5[%get3A_358], %broadcast_in_dim3A_17 {add = true} : memref<10240xf32, #tpu.memory_space<vmem>>[vector<16xi32>], vector<16xf32>,
    }
    %scan3A_30 = arith.constant 25 : i32
    "tpu.region"() ({
      %run_scoped3A_155 = tpu.sem_alloc : memref<!tpu.dma_semaphore, #tpu.memory_space<semaphore_mem>>
      %dma_start3A_156 = arith.constant 0 : i32
      %dma_start3A_157 = tpu.memref_slice %arg8[%arg1, %dma_start3A_156] : memref<16x10240xf32, #tpu.memory_space<vmem_shared>> -> memref<1x10240xf32, #tpu.memory_space<vmem_shared>>
      %dma_start3A_158 = tpu.memref_squeeze %dma_start3A_157 : memref<1x10240xf32, #tpu.memory_space<vmem_shared>> -> memref<10240xf32, #tpu.memory_space<vmem_shared>>
      %dma_start3A_159 = arith.constant 0 : i32
      %dma_start3A_160 = tpu.memref_slice %arg8[%arg1, %dma_start3A_159] : memref<16x10240xf32, #tpu.memory_space<vmem_shared>> -> memref<1x10240xf32, #tpu.memory_space<vmem_shared>>
      %dma_start3A_161 = tpu.memref_squeeze %dma_start3A_160 : memref<1x10240xf32, #tpu.memory_space<vmem_shared>> -> memref<10240xf32, #tpu.memory_space<vmem_shared>>
      tpu.enqueue_dma source(%arg5 : memref<10240xf32, #tpu.memory_space<vmem>>) target(%dma_start3A_161 : memref<10240xf32, #tpu.memory_space<vmem_shared>>) target_semaphore(%run_scoped3A_155 : memref<!tpu.dma_semaphore, #tpu.memory_space<semaphore_mem>>)
      %dma_wait3A_162 = arith.constant 0 : i32
      %dma_wait3A_163 = tpu.memref_slice %arg8[%arg1, %dma_wait3A_162] : memref<16x10240xf32, #tpu.memory_space<vmem_shared>> -> memref<1x10240xf32, #tpu.memory_space<vmem_shared>>
      %dma_wait3A_164 = tpu.memref_squeeze %dma_wait3A_163 : memref<1x10240xf32, #tpu.memory_space<vmem_shared>> -> memref<10240xf32, #tpu.memory_space<vmem_shared>>
      %dma_wait3A_165 = arith.constant 0 : i32
      %dma_wait3A_166 = tpu.memref_slice %arg8[%arg1, %dma_wait3A_165] : memref<16x10240xf32, #tpu.memory_space<vmem_shared>> -> memref<1x10240xf32, #tpu.memory_space<vmem_shared>>
      %dma_wait3A_167 = tpu.memref_squeeze %dma_wait3A_166 : memref<1x10240xf32, #tpu.memory_space<vmem_shared>> -> memref<10240xf32, #tpu.memory_space<vmem_shared>>
      tpu.wait_dma2 semaphore(%run_scoped3A_155 : memref<!tpu.dma_semaphore, #tpu.memory_space<semaphore_mem>>) src(%arg5 : memref<10240xf32, #tpu.memory_space<vmem>>) dst(%dma_wait3A_167 : memref<10240xf32, #tpu.memory_space<vmem_shared>>)
      tpu.yield
    }) : () -> ()
    %barrier3A = arith.constant 0 : index
    tpu.barrier barrier_id(%barrier3A)
    %mul3A_31 = arith.constant 640 : i32
    %mul3A_32 = arith.muli %arg1, %mul3A_31 : i32
    %run_scoped3A = arith.constant 0 : i32
    "tpu.region"() ({
      %run_scoped3A_155 = tpu.sem_alloc : memref<!tpu.dma_semaphore, #tpu.memory_space<semaphore_mem>>
      %dma_start3A_156 = tpu.memref_slice %arg8[%run_scoped3A, %mul3A_32] : memref<16x10240xf32, #tpu.memory_space<vmem_shared>> -> memref<1x640xf32, #tpu.memory_space<vmem_shared>>
      %dma_start3A_157 = tpu.memref_squeeze %dma_start3A_156 : memref<1x640xf32, #tpu.memory_space<vmem_shared>> -> memref<640xf32, #tpu.memory_space<vmem_shared>>
      %dma_start3A_158 = tpu.memref_slice %arg8[%run_scoped3A, %mul3A_32] : memref<16x10240xf32, #tpu.memory_space<vmem_shared>> -> memref<1x640xf32, #tpu.memory_space<vmem_shared>>
      %dma_start3A_159 = tpu.memref_squeeze %dma_start3A_158 : memref<1x640xf32, #tpu.memory_space<vmem_shared>> -> memref<640xf32, #tpu.memory_space<vmem_shared>>
      tpu.enqueue_dma source(%dma_start3A_159 : memref<640xf32, #tpu.memory_space<vmem_shared>>) target(%arg6 : memref<640xf32, #tpu.memory_space<vmem>>) target_semaphore(%run_scoped3A_155 : memref<!tpu.dma_semaphore, #tpu.memory_space<semaphore_mem>>)
      %dma_wait3A_160 = tpu.memref_slice %arg8[%run_scoped3A, %mul3A_32] : memref<16x10240xf32, #tpu.memory_space<vmem_shared>> -> memref<1x640xf32, #tpu.memory_space<vmem_shared>>
      %dma_wait3A_161 = tpu.memref_squeeze %dma_wait3A_160 : memref<1x640xf32, #tpu.memory_space<vmem_shared>> -> memref<640xf32, #tpu.memory_space<vmem_shared>>
      %dma_wait3A_162 = tpu.memref_slice %arg8[%run_scoped3A, %mul3A_32] : memref<16x10240xf32, #tpu.memory_space<vmem_shared>> -> memref<1x640xf32, #tpu.memory_space<vmem_shared>>
      %dma_wait3A_163 = tpu.memref_squeeze %dma_wait3A_162 : memref<1x640xf32, #tpu.memory_space<vmem_shared>> -> memref<640xf32, #tpu.memory_space<vmem_shared>>
      tpu.wait_dma2 semaphore(%run_scoped3A_155 : memref<!tpu.dma_semaphore, #tpu.memory_space<semaphore_mem>>) src(%dma_wait3A_163 : memref<640xf32, #tpu.memory_space<vmem_shared>>) dst(%arg6 : memref<640xf32, #tpu.memory_space<vmem>>)
      tpu.yield
    }) : () -> ()
    %mul3A_33 = arith.constant 640 : i32
    %mul3A_34 = arith.muli %arg1, %mul3A_33 : i32
    %run_scoped3A_35 = arith.constant 1 : i32
    "tpu.region"() ({
      %run_scoped3A_155 = tpu.sem_alloc : memref<!tpu.dma_semaphore, #tpu.memory_space<semaphore_mem>>
      %dma_start3A_156 = tpu.memref_slice %arg8[%run_scoped3A_35, %mul3A_34] : memref<16x10240xf32, #tpu.memory_space<vmem_shared>> -> memref<1x640xf32, #tpu.memory_space<vmem_shared>>
      %dma_start3A_157 = tpu.memref_squeeze %dma_start3A_156 : memref<1x640xf32, #tpu.memory_space<vmem_shared>> -> memref<640xf32, #tpu.memory_space<vmem_shared>>
      %dma_start3A_158 = tpu.memref_slice %arg8[%run_scoped3A_35, %mul3A_34] : memref<16x10240xf32, #tpu.memory_space<vmem_shared>> -> memref<1x640xf32, #tpu.memory_space<vmem_shared>>
      %dma_start3A_159 = tpu.memref_squeeze %dma_start3A_158 : memref<1x640xf32, #tpu.memory_space<vmem_shared>> -> memref<640xf32, #tpu.memory_space<vmem_shared>>
      tpu.enqueue_dma source(%dma_start3A_159 : memref<640xf32, #tpu.memory_space<vmem_shared>>) target(%arg7 : memref<640xf32, #tpu.memory_space<vmem>>) target_semaphore(%run_scoped3A_155 : memref<!tpu.dma_semaphore, #tpu.memory_space<semaphore_mem>>)
      %dma_wait3A_160 = tpu.memref_slice %arg8[%run_scoped3A_35, %mul3A_34] : memref<16x10240xf32, #tpu.memory_space<vmem_shared>> -> memref<1x640xf32, #tpu.memory_space<vmem_shared>>
      %dma_wait3A_161 = tpu.memref_squeeze %dma_wait3A_160 : memref<1x640xf32, #tpu.memory_space<vmem_shared>> -> memref<640xf32, #tpu.memory_space<vmem_shared>>
      %dma_wait3A_162 = tpu.memref_slice %arg8[%run_scoped3A_35, %mul3A_34] : memref<16x10240xf32, #tpu.memory_space<vmem_shared>> -> memref<1x640xf32, #tpu.memory_space<vmem_shared>>
      %dma_wait3A_163 = tpu.memref_squeeze %dma_wait3A_162 : memref<1x640xf32, #tpu.memory_space<vmem_shared>> -> memref<640xf32, #tpu.memory_space<vmem_shared>>
      tpu.wait_dma2 semaphore(%run_scoped3A_155 : memref<!tpu.dma_semaphore, #tpu.memory_space<semaphore_mem>>) src(%dma_wait3A_163 : memref<640xf32, #tpu.memory_space<vmem_shared>>) dst(%arg7 : memref<640xf32, #tpu.memory_space<vmem>>)
      tpu.yield
    }) : () -> ()
    %scan3A_36 = arith.constant 0 : i32
    %scan3A_37 = arith.constant 40 : i32
    %scan3A_38 = arith.addi %scan3A_36, %scan3A_37 : i32
    %scan3A_39 = arith.constant 1 : i32
    scf.for %scan3A_155 = %scan3A_36 to %scan3A_38 step %scan3A_39  : i32 {
      %mul3A_156 = arith.constant 1 : i32
      %mul3A_157 = arith.muli %scan3A_155, %mul3A_156 : i32
      %add3A_158 = arith.constant 0 : i32
      %add3A_159 = arith.addi %add3A_158, %mul3A_157 : i32
      %mul3A_160 = arith.constant 16 : i32
      %mul3A_161 = arith.muli %add3A_159, %mul3A_160 : i32
      %get3A = arith.index_cast %mul3A_161 : i32 to index
      %get3A_162 = tpu.vector_load %arg6[%get3A] {strides = array<i32>} : memref<640xf32, #tpu.memory_space<vmem>>, vector<16xf32>,
      %get3A_163 = arith.index_cast %mul3A_161 : i32 to index
      %get3A_164 = tpu.vector_load %arg7[%get3A_163] {strides = array<i32>} : memref<640xf32, #tpu.memory_space<vmem>>, vector<16xf32>,
      %add3A_165 = arith.addf %get3A_162, %get3A_164 : vector<16xf32>
      %swap3A = arith.index_cast %mul3A_161 : i32 to index
      %swap3A_166 = tpu.vector_load %arg6[%swap3A] {strides = array<i32>} : memref<640xf32, #tpu.memory_space<vmem>>, vector<16xf32>,
      tpu.vector_store %arg6[%swap3A], %add3A_165 {strides = array<i32>} : memref<640xf32, #tpu.memory_space<vmem>>, vector<16xf32>,
    }
    %scan3A_40 = arith.constant 40 : i32
    %mul3A_41 = arith.constant 640 : i32
    %mul3A_42 = arith.muli %arg1, %mul3A_41 : i32
    %run_scoped3A_43 = arith.constant 2 : i32
    "tpu.region"() ({
      %run_scoped3A_155 = tpu.sem_alloc : memref<!tpu.dma_semaphore, #tpu.memory_space<semaphore_mem>>
      %dma_start3A_156 = tpu.memref_slice %arg8[%run_scoped3A_43, %mul3A_42] : memref<16x10240xf32, #tpu.memory_space<vmem_shared>> -> memref<1x640xf32, #tpu.memory_space<vmem_shared>>
      %dma_start3A_157 = tpu.memref_squeeze %dma_start3A_156 : memref<1x640xf32, #tpu.memory_space<vmem_shared>> -> memref<640xf32, #tpu.memory_space<vmem_shared>>
      %dma_start3A_158 = tpu.memref_slice %arg8[%run_scoped3A_43, %mul3A_42] : memref<16x10240xf32, #tpu.memory_space<vmem_shared>> -> memref<1x640xf32, #tpu.memory_space<vmem_shared>>
      %dma_start3A_159 = tpu.memref_squeeze %dma_start3A_158 : memref<1x640xf32, #tpu.memory_space<vmem_shared>> -> memref<640xf32, #tpu.memory_space<vmem_shared>>
      tpu.enqueue_dma source(%dma_start3A_159 : memref<640xf32, #tpu.memory_space<vmem_shared>>) target(%arg7 : memref<640xf32, #tpu.memory_space<vmem>>) target_semaphore(%run_scoped3A_155 : memref<!tpu.dma_semaphore, #tpu.memory_space<semaphore_mem>>)
      %dma_wait3A_160 = tpu.memref_slice %arg8[%run_scoped3A_43, %mul3A_42] : memref<16x10240xf32, #tpu.memory_space<vmem_shared>> -> memref<1x640xf32, #tpu.memory_space<vmem_shared>>
      %dma_wait3A_161 = tpu.memref_squeeze %dma_wait3A_160 : memref<1x640xf32, #tpu.memory_space<vmem_shared>> -> memref<640xf32, #tpu.memory_space<vmem_shared>>
      %dma_wait3A_162 = tpu.memref_slice %arg8[%run_scoped3A_43, %mul3A_42] : memref<16x10240xf32, #tpu.memory_space<vmem_shared>> -> memref<1x640xf32, #tpu.memory_space<vmem_shared>>
      %dma_wait3A_163 = tpu.memref_squeeze %dma_wait3A_162 : memref<1x640xf32, #tpu.memory_space<vmem_shared>> -> memref<640xf32, #tpu.memory_space<vmem_shared>>
      tpu.wait_dma2 semaphore(%run_scoped3A_155 : memref<!tpu.dma_semaphore, #tpu.memory_space<semaphore_mem>>) src(%dma_wait3A_163 : memref<640xf32, #tpu.memory_space<vmem_shared>>) dst(%arg7 : memref<640xf32, #tpu.memory_space<vmem>>)
      tpu.yield
    }) : () -> ()
    %scan3A_44 = arith.constant 0 : i32
    %scan3A_45 = arith.constant 40 : i32
    %scan3A_46 = arith.addi %scan3A_44, %scan3A_45 : i32
    %scan3A_47 = arith.constant 1 : i32
    scf.for %scan3A_155 = %scan3A_44 to %scan3A_46 step %scan3A_47  : i32 {
      %mul3A_156 = arith.constant 1 : i32
      %mul3A_157 = arith.muli %scan3A_155, %mul3A_156 : i32
      %add3A_158 = arith.constant 0 : i32
      %add3A_159 = arith.addi %add3A_158, %mul3A_157 : i32
      %mul3A_160 = arith.constant 16 : i32
      %mul3A_161 = arith.muli %add3A_159, %mul3A_160 : i32
      %get3A = arith.index_cast %mul3A_161 : i32 to index
      %get3A_162 = tpu.vector_load %arg6[%get3A] {strides = array<i32>} : memref<640xf32, #tpu.memory_space<vmem>>, vector<16xf32>,
      %get3A_163 = arith.index_cast %mul3A_161 : i32 to index
      %get3A_164 = tpu.vector_load %arg7[%get3A_163] {strides = array<i32>} : memref<640xf32, #tpu.memory_space<vmem>>, vector<16xf32>,
      %add3A_165 = arith.addf %get3A_162, %get3A_164 : vector<16xf32>
      %swap3A = arith.index_cast %mul3A_161 : i32 to index
      %swap3A_166 = tpu.vector_load %arg6[%swap3A] {strides = array<i32>} : memref<640xf32, #tpu.memory_space<vmem>>, vector<16xf32>,
      tpu.vector_store %arg6[%swap3A], %add3A_165 {strides = array<i32>} : memref<640xf32, #tpu.memory_space<vmem>>, vector<16xf32>,
    }
    %scan3A_48 = arith.constant 40 : i32
    %mul3A_49 = arith.constant 640 : i32
    %mul3A_50 = arith.muli %arg1, %mul3A_49 : i32
    %run_scoped3A_51 = arith.constant 3 : i32
    "tpu.region"() ({
      %run_scoped3A_155 = tpu.sem_alloc : memref<!tpu.dma_semaphore, #tpu.memory_space<semaphore_mem>>
      %dma_start3A_156 = tpu.memref_slice %arg8[%run_scoped3A_51, %mul3A_50] : memref<16x10240xf32, #tpu.memory_space<vmem_shared>> -> memref<1x640xf32, #tpu.memory_space<vmem_shared>>
      %dma_start3A_157 = tpu.memref_squeeze %dma_start3A_156 : memref<1x640xf32, #tpu.memory_space<vmem_shared>> -> memref<640xf32, #tpu.memory_space<vmem_shared>>
      %dma_start3A_158 = tpu.memref_slice %arg8[%run_scoped3A_51, %mul3A_50] : memref<16x10240xf32, #tpu.memory_space<vmem_shared>> -> memref<1x640xf32, #tpu.memory_space<vmem_shared>>
      %dma_start3A_159 = tpu.memref_squeeze %dma_start3A_158 : memref<1x640xf32, #tpu.memory_space<vmem_shared>> -> memref<640xf32, #tpu.memory_space<vmem_shared>>
      tpu.enqueue_dma source(%dma_start3A_159 : memref<640xf32, #tpu.memory_space<vmem_shared>>) target(%arg7 : memref<640xf32, #tpu.memory_space<vmem>>) target_semaphore(%run_scoped3A_155 : memref<!tpu.dma_semaphore, #tpu.memory_space<semaphore_mem>>)
      %dma_wait3A_160 = tpu.memref_slice %arg8[%run_scoped3A_51, %mul3A_50] : memref<16x10240xf32, #tpu.memory_space<vmem_shared>> -> memref<1x640xf32, #tpu.memory_space<vmem_shared>>
      %dma_wait3A_161 = tpu.memref_squeeze %dma_wait3A_160 : memref<1x640xf32, #tpu.memory_space<vmem_shared>> -> memref<640xf32, #tpu.memory_space<vmem_shared>>
      %dma_wait3A_162 = tpu.memref_slice %arg8[%run_scoped3A_51, %mul3A_50] : memref<16x10240xf32, #tpu.memory_space<vmem_shared>> -> memref<1x640xf32, #tpu.memory_space<vmem_shared>>
      %dma_wait3A_163 = tpu.memref_squeeze %dma_wait3A_162 : memref<1x640xf32, #tpu.memory_space<vmem_shared>> -> memref<640xf32, #tpu.memory_space<vmem_shared>>
      tpu.wait_dma2 semaphore(%run_scoped3A_155 : memref<!tpu.dma_semaphore, #tpu.memory_space<semaphore_mem>>) src(%dma_wait3A_163 : memref<640xf32, #tpu.memory_space<vmem_shared>>) dst(%arg7 : memref<640xf32, #tpu.memory_space<vmem>>)
      tpu.yield
    }) : () -> ()
    %scan3A_52 = arith.constant 0 : i32
    %scan3A_53 = arith.constant 40 : i32
    %scan3A_54 = arith.addi %scan3A_52, %scan3A_53 : i32
    %scan3A_55 = arith.constant 1 : i32
    scf.for %scan3A_155 = %scan3A_52 to %scan3A_54 step %scan3A_55  : i32 {
      %mul3A_156 = arith.constant 1 : i32
      %mul3A_157 = arith.muli %scan3A_155, %mul3A_156 : i32
      %add3A_158 = arith.constant 0 : i32
      %add3A_159 = arith.addi %add3A_158, %mul3A_157 : i32
      %mul3A_160 = arith.constant 16 : i32
      %mul3A_161 = arith.muli %add3A_159, %mul3A_160 : i32
      %get3A = arith.index_cast %mul3A_161 : i32 to index
      %get3A_162 = tpu.vector_load %arg6[%get3A] {strides = array<i32>} : memref<640xf32, #tpu.memory_space<vmem>>, vector<16xf32>,
      %get3A_163 = arith.index_cast %mul3A_161 : i32 to index
      %get3A_164 = tpu.vector_load %arg7[%get3A_163] {strides = array<i32>} : memref<640xf32, #tpu.memory_space<vmem>>, vector<16xf32>,
      %add3A_165 = arith.addf %get3A_162, %get3A_164 : vector<16xf32>
      %swap3A = arith.index_cast %mul3A_161 : i32 to index
      %swap3A_166 = tpu.vector_load %arg6[%swap3A] {strides = array<i32>} : memref<640xf32, #tpu.memory_space<vmem>>, vector<16xf32>,
      tpu.vector_store %arg6[%swap3A], %add3A_165 {strides = array<i32>} : memref<640xf32, #tpu.memory_space<vmem>>, vector<16xf32>,
    }
    %scan3A_56 = arith.constant 40 : i32
    %mul3A_57 = arith.constant 640 : i32
    %mul3A_58 = arith.muli %arg1, %mul3A_57 : i32
    %run_scoped3A_59 = arith.constant 4 : i32
    "tpu.region"() ({
      %run_scoped3A_155 = tpu.sem_alloc : memref<!tpu.dma_semaphore, #tpu.memory_space<semaphore_mem>>
      %dma_start3A_156 = tpu.memref_slice %arg8[%run_scoped3A_59, %mul3A_58] : memref<16x10240xf32, #tpu.memory_space<vmem_shared>> -> memref<1x640xf32, #tpu.memory_space<vmem_shared>>
      %dma_start3A_157 = tpu.memref_squeeze %dma_start3A_156 : memref<1x640xf32, #tpu.memory_space<vmem_shared>> -> memref<640xf32, #tpu.memory_space<vmem_shared>>
      %dma_start3A_158 = tpu.memref_slice %arg8[%run_scoped3A_59, %mul3A_58] : memref<16x10240xf32, #tpu.memory_space<vmem_shared>> -> memref<1x640xf32, #tpu.memory_space<vmem_shared>>
      %dma_start3A_159 = tpu.memref_squeeze %dma_start3A_158 : memref<1x640xf32, #tpu.memory_space<vmem_shared>> -> memref<640xf32, #tpu.memory_space<vmem_shared>>
      tpu.enqueue_dma source(%dma_start3A_159 : memref<640xf32, #tpu.memory_space<vmem_shared>>) target(%arg7 : memref<640xf32, #tpu.memory_space<vmem>>) target_semaphore(%run_scoped3A_155 : memref<!tpu.dma_semaphore, #tpu.memory_space<semaphore_mem>>)
      %dma_wait3A_160 = tpu.memref_slice %arg8[%run_scoped3A_59, %mul3A_58] : memref<16x10240xf32, #tpu.memory_space<vmem_shared>> -> memref<1x640xf32, #tpu.memory_space<vmem_shared>>
      %dma_wait3A_161 = tpu.memref_squeeze %dma_wait3A_160 : memref<1x640xf32, #tpu.memory_space<vmem_shared>> -> memref<640xf32, #tpu.memory_space<vmem_shared>>
      %dma_wait3A_162 = tpu.memref_slice %arg8[%run_scoped3A_59, %mul3A_58] : memref<16x10240xf32, #tpu.memory_space<vmem_shared>> -> memref<1x640xf32, #tpu.memory_space<vmem_shared>>
      %dma_wait3A_163 = tpu.memref_squeeze %dma_wait3A_162 : memref<1x640xf32, #tpu.memory_space<vmem_shared>> -> memref<640xf32, #tpu.memory_space<vmem_shared>>
      tpu.wait_dma2 semaphore(%run_scoped3A_155 : memref<!tpu.dma_semaphore, #tpu.memory_space<semaphore_mem>>) src(%dma_wait3A_163 : memref<640xf32, #tpu.memory_space<vmem_shared>>) dst(%arg7 : memref<640xf32, #tpu.memory_space<vmem>>)
      tpu.yield
    }) : () -> ()
    %scan3A_60 = arith.constant 0 : i32
    %scan3A_61 = arith.constant 40 : i32
    %scan3A_62 = arith.addi %scan3A_60, %scan3A_61 : i32
    %scan3A_63 = arith.constant 1 : i32
    scf.for %scan3A_155 = %scan3A_60 to %scan3A_62 step %scan3A_63  : i32 {
      %mul3A_156 = arith.constant 1 : i32
      %mul3A_157 = arith.muli %scan3A_155, %mul3A_156 : i32
      %add3A_158 = arith.constant 0 : i32
      %add3A_159 = arith.addi %add3A_158, %mul3A_157 : i32
      %mul3A_160 = arith.constant 16 : i32
      %mul3A_161 = arith.muli %add3A_159, %mul3A_160 : i32
      %get3A = arith.index_cast %mul3A_161 : i32 to index
      %get3A_162 = tpu.vector_load %arg6[%get3A] {strides = array<i32>} : memref<640xf32, #tpu.memory_space<vmem>>, vector<16xf32>,
      %get3A_163 = arith.index_cast %mul3A_161 : i32 to index
      %get3A_164 = tpu.vector_load %arg7[%get3A_163] {strides = array<i32>} : memref<640xf32, #tpu.memory_space<vmem>>, vector<16xf32>,
      %add3A_165 = arith.addf %get3A_162, %get3A_164 : vector<16xf32>
      %swap3A = arith.index_cast %mul3A_161 : i32 to index
      %swap3A_166 = tpu.vector_load %arg6[%swap3A] {strides = array<i32>} : memref<640xf32, #tpu.memory_space<vmem>>, vector<16xf32>,
      tpu.vector_store %arg6[%swap3A], %add3A_165 {strides = array<i32>} : memref<640xf32, #tpu.memory_space<vmem>>, vector<16xf32>,
    }
    %scan3A_64 = arith.constant 40 : i32
    %mul3A_65 = arith.constant 640 : i32
    %mul3A_66 = arith.muli %arg1, %mul3A_65 : i32
    %run_scoped3A_67 = arith.constant 5 : i32
    "tpu.region"() ({
      %run_scoped3A_155 = tpu.sem_alloc : memref<!tpu.dma_semaphore, #tpu.memory_space<semaphore_mem>>
      %dma_start3A_156 = tpu.memref_slice %arg8[%run_scoped3A_67, %mul3A_66] : memref<16x10240xf32, #tpu.memory_space<vmem_shared>> -> memref<1x640xf32, #tpu.memory_space<vmem_shared>>
      %dma_start3A_157 = tpu.memref_squeeze %dma_start3A_156 : memref<1x640xf32, #tpu.memory_space<vmem_shared>> -> memref<640xf32, #tpu.memory_space<vmem_shared>>
      %dma_start3A_158 = tpu.memref_slice %arg8[%run_scoped3A_67, %mul3A_66] : memref<16x10240xf32, #tpu.memory_space<vmem_shared>> -> memref<1x640xf32, #tpu.memory_space<vmem_shared>>
      %dma_start3A_159 = tpu.memref_squeeze %dma_start3A_158 : memref<1x640xf32, #tpu.memory_space<vmem_shared>> -> memref<640xf32, #tpu.memory_space<vmem_shared>>
      tpu.enqueue_dma source(%dma_start3A_159 : memref<640xf32, #tpu.memory_space<vmem_shared>>) target(%arg7 : memref<640xf32, #tpu.memory_space<vmem>>) target_semaphore(%run_scoped3A_155 : memref<!tpu.dma_semaphore, #tpu.memory_space<semaphore_mem>>)
      %dma_wait3A_160 = tpu.memref_slice %arg8[%run_scoped3A_67, %mul3A_66] : memref<16x10240xf32, #tpu.memory_space<vmem_shared>> -> memref<1x640xf32, #tpu.memory_space<vmem_shared>>
      %dma_wait3A_161 = tpu.memref_squeeze %dma_wait3A_160 : memref<1x640xf32, #tpu.memory_space<vmem_shared>> -> memref<640xf32, #tpu.memory_space<vmem_shared>>
      %dma_wait3A_162 = tpu.memref_slice %arg8[%run_scoped3A_67, %mul3A_66] : memref<16x10240xf32, #tpu.memory_space<vmem_shared>> -> memref<1x640xf32, #tpu.memory_space<vmem_shared>>
      %dma_wait3A_163 = tpu.memref_squeeze %dma_wait3A_162 : memref<1x640xf32, #tpu.memory_space<vmem_shared>> -> memref<640xf32, #tpu.memory_space<vmem_shared>>
      tpu.wait_dma2 semaphore(%run_scoped3A_155 : memref<!tpu.dma_semaphore, #tpu.memory_space<semaphore_mem>>) src(%dma_wait3A_163 : memref<640xf32, #tpu.memory_space<vmem_shared>>) dst(%arg7 : memref<640xf32, #tpu.memory_space<vmem>>)
      tpu.yield
    }) : () -> ()
    %scan3A_68 = arith.constant 0 : i32
    %scan3A_69 = arith.constant 40 : i32
    %scan3A_70 = arith.addi %scan3A_68, %scan3A_69 : i32
    %scan3A_71 = arith.constant 1 : i32
    scf.for %scan3A_155 = %scan3A_68 to %scan3A_70 step %scan3A_71  : i32 {
      %mul3A_156 = arith.constant 1 : i32
      %mul3A_157 = arith.muli %scan3A_155, %mul3A_156 : i32
      %add3A_158 = arith.constant 0 : i32
      %add3A_159 = arith.addi %add3A_158, %mul3A_157 : i32
      %mul3A_160 = arith.constant 16 : i32
      %mul3A_161 = arith.muli %add3A_159, %mul3A_160 : i32
      %get3A = arith.index_cast %mul3A_161 : i32 to index
      %get3A_162 = tpu.vector_load %arg6[%get3A] {strides = array<i32>} : memref<640xf32, #tpu.memory_space<vmem>>, vector<16xf32>,
      %get3A_163 = arith.index_cast %mul3A_161 : i32 to index
      %get3A_164 = tpu.vector_load %arg7[%get3A_163] {strides = array<i32>} : memref<640xf32, #tpu.memory_space<vmem>>, vector<16xf32>,
      %add3A_165 = arith.addf %get3A_162, %get3A_164 : vector<16xf32>
      %swap3A = arith.index_cast %mul3A_161 : i32 to index
      %swap3A_166 = tpu.vector_load %arg6[%swap3A] {strides = array<i32>} : memref<640xf32, #tpu.memory_space<vmem>>, vector<16xf32>,
      tpu.vector_store %arg6[%swap3A], %add3A_165 {strides = array<i32>} : memref<640xf32, #tpu.memory_space<vmem>>, vector<16xf32>,
    }
    %scan3A_72 = arith.constant 40 : i32
    %mul3A_73 = arith.constant 640 : i32
    %mul3A_74 = arith.muli %arg1, %mul3A_73 : i32
    %run_scoped3A_75 = arith.constant 6 : i32
    "tpu.region"() ({
      %run_scoped3A_155 = tpu.sem_alloc : memref<!tpu.dma_semaphore, #tpu.memory_space<semaphore_mem>>
      %dma_start3A_156 = tpu.memref_slice %arg8[%run_scoped3A_75, %mul3A_74] : memref<16x10240xf32, #tpu.memory_space<vmem_shared>> -> memref<1x640xf32, #tpu.memory_space<vmem_shared>>
      %dma_start3A_157 = tpu.memref_squeeze %dma_start3A_156 : memref<1x640xf32, #tpu.memory_space<vmem_shared>> -> memref<640xf32, #tpu.memory_space<vmem_shared>>
      %dma_start3A_158 = tpu.memref_slice %arg8[%run_scoped3A_75, %mul3A_74] : memref<16x10240xf32, #tpu.memory_space<vmem_shared>> -> memref<1x640xf32, #tpu.memory_space<vmem_shared>>
      %dma_start3A_159 = tpu.memref_squeeze %dma_start3A_158 : memref<1x640xf32, #tpu.memory_space<vmem_shared>> -> memref<640xf32, #tpu.memory_space<vmem_shared>>
      tpu.enqueue_dma source(%dma_start3A_159 : memref<640xf32, #tpu.memory_space<vmem_shared>>) target(%arg7 : memref<640xf32, #tpu.memory_space<vmem>>) target_semaphore(%run_scoped3A_155 : memref<!tpu.dma_semaphore, #tpu.memory_space<semaphore_mem>>)
      %dma_wait3A_160 = tpu.memref_slice %arg8[%run_scoped3A_75, %mul3A_74] : memref<16x10240xf32, #tpu.memory_space<vmem_shared>> -> memref<1x640xf32, #tpu.memory_space<vmem_shared>>
      %dma_wait3A_161 = tpu.memref_squeeze %dma_wait3A_160 : memref<1x640xf32, #tpu.memory_space<vmem_shared>> -> memref<640xf32, #tpu.memory_space<vmem_shared>>
      %dma_wait3A_162 = tpu.memref_slice %arg8[%run_scoped3A_75, %mul3A_74] : memref<16x10240xf32, #tpu.memory_space<vmem_shared>> -> memref<1x640xf32, #tpu.memory_space<vmem_shared>>
      %dma_wait3A_163 = tpu.memref_squeeze %dma_wait3A_162 : memref<1x640xf32, #tpu.memory_space<vmem_shared>> -> memref<640xf32, #tpu.memory_space<vmem_shared>>
      tpu.wait_dma2 semaphore(%run_scoped3A_155 : memref<!tpu.dma_semaphore, #tpu.memory_space<semaphore_mem>>) src(%dma_wait3A_163 : memref<640xf32, #tpu.memory_space<vmem_shared>>) dst(%arg7 : memref<640xf32, #tpu.memory_space<vmem>>)
      tpu.yield
    }) : () -> ()
    %scan3A_76 = arith.constant 0 : i32
    %scan3A_77 = arith.constant 40 : i32
    %scan3A_78 = arith.addi %scan3A_76, %scan3A_77 : i32
    %scan3A_79 = arith.constant 1 : i32
    scf.for %scan3A_155 = %scan3A_76 to %scan3A_78 step %scan3A_79  : i32 {
      %mul3A_156 = arith.constant 1 : i32
      %mul3A_157 = arith.muli %scan3A_155, %mul3A_156 : i32
      %add3A_158 = arith.constant 0 : i32
      %add3A_159 = arith.addi %add3A_158, %mul3A_157 : i32
      %mul3A_160 = arith.constant 16 : i32
      %mul3A_161 = arith.muli %add3A_159, %mul3A_160 : i32
      %get3A = arith.index_cast %mul3A_161 : i32 to index
      %get3A_162 = tpu.vector_load %arg6[%get3A] {strides = array<i32>} : memref<640xf32, #tpu.memory_space<vmem>>, vector<16xf32>,
      %get3A_163 = arith.index_cast %mul3A_161 : i32 to index
      %get3A_164 = tpu.vector_load %arg7[%get3A_163] {strides = array<i32>} : memref<640xf32, #tpu.memory_space<vmem>>, vector<16xf32>,
      %add3A_165 = arith.addf %get3A_162, %get3A_164 : vector<16xf32>
      %swap3A = arith.index_cast %mul3A_161 : i32 to index
      %swap3A_166 = tpu.vector_load %arg6[%swap3A] {strides = array<i32>} : memref<640xf32, #tpu.memory_space<vmem>>, vector<16xf32>,
      tpu.vector_store %arg6[%swap3A], %add3A_165 {strides = array<i32>} : memref<640xf32, #tpu.memory_space<vmem>>, vector<16xf32>,
    }
    %scan3A_80 = arith.constant 40 : i32
    %mul3A_81 = arith.constant 640 : i32
    %mul3A_82 = arith.muli %arg1, %mul3A_81 : i32
    %run_scoped3A_83 = arith.constant 7 : i32
    "tpu.region"() ({
      %run_scoped3A_155 = tpu.sem_alloc : memref<!tpu.dma_semaphore, #tpu.memory_space<semaphore_mem>>
      %dma_start3A_156 = tpu.memref_slice %arg8[%run_scoped3A_83, %mul3A_82] : memref<16x10240xf32, #tpu.memory_space<vmem_shared>> -> memref<1x640xf32, #tpu.memory_space<vmem_shared>>
      %dma_start3A_157 = tpu.memref_squeeze %dma_start3A_156 : memref<1x640xf32, #tpu.memory_space<vmem_shared>> -> memref<640xf32, #tpu.memory_space<vmem_shared>>
      %dma_start3A_158 = tpu.memref_slice %arg8[%run_scoped3A_83, %mul3A_82] : memref<16x10240xf32, #tpu.memory_space<vmem_shared>> -> memref<1x640xf32, #tpu.memory_space<vmem_shared>>
      %dma_start3A_159 = tpu.memref_squeeze %dma_start3A_158 : memref<1x640xf32, #tpu.memory_space<vmem_shared>> -> memref<640xf32, #tpu.memory_space<vmem_shared>>
      tpu.enqueue_dma source(%dma_start3A_159 : memref<640xf32, #tpu.memory_space<vmem_shared>>) target(%arg7 : memref<640xf32, #tpu.memory_space<vmem>>) target_semaphore(%run_scoped3A_155 : memref<!tpu.dma_semaphore, #tpu.memory_space<semaphore_mem>>)
      %dma_wait3A_160 = tpu.memref_slice %arg8[%run_scoped3A_83, %mul3A_82] : memref<16x10240xf32, #tpu.memory_space<vmem_shared>> -> memref<1x640xf32, #tpu.memory_space<vmem_shared>>
      %dma_wait3A_161 = tpu.memref_squeeze %dma_wait3A_160 : memref<1x640xf32, #tpu.memory_space<vmem_shared>> -> memref<640xf32, #tpu.memory_space<vmem_shared>>
      %dma_wait3A_162 = tpu.memref_slice %arg8[%run_scoped3A_83, %mul3A_82] : memref<16x10240xf32, #tpu.memory_space<vmem_shared>> -> memref<1x640xf32, #tpu.memory_space<vmem_shared>>
      %dma_wait3A_163 = tpu.memref_squeeze %dma_wait3A_162 : memref<1x640xf32, #tpu.memory_space<vmem_shared>> -> memref<640xf32, #tpu.memory_space<vmem_shared>>
      tpu.wait_dma2 semaphore(%run_scoped3A_155 : memref<!tpu.dma_semaphore, #tpu.memory_space<semaphore_mem>>) src(%dma_wait3A_163 : memref<640xf32, #tpu.memory_space<vmem_shared>>) dst(%arg7 : memref<640xf32, #tpu.memory_space<vmem>>)
      tpu.yield
    }) : () -> ()
    %scan3A_84 = arith.constant 0 : i32
    %scan3A_85 = arith.constant 40 : i32
    %scan3A_86 = arith.addi %scan3A_84, %scan3A_85 : i32
    %scan3A_87 = arith.constant 1 : i32
    scf.for %scan3A_155 = %scan3A_84 to %scan3A_86 step %scan3A_87  : i32 {
      %mul3A_156 = arith.constant 1 : i32
      %mul3A_157 = arith.muli %scan3A_155, %mul3A_156 : i32
      %add3A_158 = arith.constant 0 : i32
      %add3A_159 = arith.addi %add3A_158, %mul3A_157 : i32
      %mul3A_160 = arith.constant 16 : i32
      %mul3A_161 = arith.muli %add3A_159, %mul3A_160 : i32
      %get3A = arith.index_cast %mul3A_161 : i32 to index
      %get3A_162 = tpu.vector_load %arg6[%get3A] {strides = array<i32>} : memref<640xf32, #tpu.memory_space<vmem>>, vector<16xf32>,
      %get3A_163 = arith.index_cast %mul3A_161 : i32 to index
      %get3A_164 = tpu.vector_load %arg7[%get3A_163] {strides = array<i32>} : memref<640xf32, #tpu.memory_space<vmem>>, vector<16xf32>,
      %add3A_165 = arith.addf %get3A_162, %get3A_164 : vector<16xf32>
      %swap3A = arith.index_cast %mul3A_161 : i32 to index
      %swap3A_166 = tpu.vector_load %arg6[%swap3A] {strides = array<i32>} : memref<640xf32, #tpu.memory_space<vmem>>, vector<16xf32>,
      tpu.vector_store %arg6[%swap3A], %add3A_165 {strides = array<i32>} : memref<640xf32, #tpu.memory_space<vmem>>, vector<16xf32>,
    }
    %scan3A_88 = arith.constant 40 : i32
    %mul3A_89 = arith.constant 640 : i32
    %mul3A_90 = arith.muli %arg1, %mul3A_89 : i32
    %run_scoped3A_91 = arith.constant 8 : i32
    "tpu.region"() ({
      %run_scoped3A_155 = tpu.sem_alloc : memref<!tpu.dma_semaphore, #tpu.memory_space<semaphore_mem>>
      %dma_start3A_156 = tpu.memref_slice %arg8[%run_scoped3A_91, %mul3A_90] : memref<16x10240xf32, #tpu.memory_space<vmem_shared>> -> memref<1x640xf32, #tpu.memory_space<vmem_shared>>
      %dma_start3A_157 = tpu.memref_squeeze %dma_start3A_156 : memref<1x640xf32, #tpu.memory_space<vmem_shared>> -> memref<640xf32, #tpu.memory_space<vmem_shared>>
      %dma_start3A_158 = tpu.memref_slice %arg8[%run_scoped3A_91, %mul3A_90] : memref<16x10240xf32, #tpu.memory_space<vmem_shared>> -> memref<1x640xf32, #tpu.memory_space<vmem_shared>>
      %dma_start3A_159 = tpu.memref_squeeze %dma_start3A_158 : memref<1x640xf32, #tpu.memory_space<vmem_shared>> -> memref<640xf32, #tpu.memory_space<vmem_shared>>
      tpu.enqueue_dma source(%dma_start3A_159 : memref<640xf32, #tpu.memory_space<vmem_shared>>) target(%arg7 : memref<640xf32, #tpu.memory_space<vmem>>) target_semaphore(%run_scoped3A_155 : memref<!tpu.dma_semaphore, #tpu.memory_space<semaphore_mem>>)
      %dma_wait3A_160 = tpu.memref_slice %arg8[%run_scoped3A_91, %mul3A_90] : memref<16x10240xf32, #tpu.memory_space<vmem_shared>> -> memref<1x640xf32, #tpu.memory_space<vmem_shared>>
      %dma_wait3A_161 = tpu.memref_squeeze %dma_wait3A_160 : memref<1x640xf32, #tpu.memory_space<vmem_shared>> -> memref<640xf32, #tpu.memory_space<vmem_shared>>
      %dma_wait3A_162 = tpu.memref_slice %arg8[%run_scoped3A_91, %mul3A_90] : memref<16x10240xf32, #tpu.memory_space<vmem_shared>> -> memref<1x640xf32, #tpu.memory_space<vmem_shared>>
      %dma_wait3A_163 = tpu.memref_squeeze %dma_wait3A_162 : memref<1x640xf32, #tpu.memory_space<vmem_shared>> -> memref<640xf32, #tpu.memory_space<vmem_shared>>
      tpu.wait_dma2 semaphore(%run_scoped3A_155 : memref<!tpu.dma_semaphore, #tpu.memory_space<semaphore_mem>>) src(%dma_wait3A_163 : memref<640xf32, #tpu.memory_space<vmem_shared>>) dst(%arg7 : memref<640xf32, #tpu.memory_space<vmem>>)
      tpu.yield
    }) : () -> ()
    %scan3A_92 = arith.constant 0 : i32
    %scan3A_93 = arith.constant 40 : i32
    %scan3A_94 = arith.addi %scan3A_92, %scan3A_93 : i32
    %scan3A_95 = arith.constant 1 : i32
    scf.for %scan3A_155 = %scan3A_92 to %scan3A_94 step %scan3A_95  : i32 {
      %mul3A_156 = arith.constant 1 : i32
      %mul3A_157 = arith.muli %scan3A_155, %mul3A_156 : i32
      %add3A_158 = arith.constant 0 : i32
      %add3A_159 = arith.addi %add3A_158, %mul3A_157 : i32
      %mul3A_160 = arith.constant 16 : i32
      %mul3A_161 = arith.muli %add3A_159, %mul3A_160 : i32
      %get3A = arith.index_cast %mul3A_161 : i32 to index
      %get3A_162 = tpu.vector_load %arg6[%get3A] {strides = array<i32>} : memref<640xf32, #tpu.memory_space<vmem>>, vector<16xf32>,
      %get3A_163 = arith.index_cast %mul3A_161 : i32 to index
      %get3A_164 = tpu.vector_load %arg7[%get3A_163] {strides = array<i32>} : memref<640xf32, #tpu.memory_space<vmem>>, vector<16xf32>,
      %add3A_165 = arith.addf %get3A_162, %get3A_164 : vector<16xf32>
      %swap3A = arith.index_cast %mul3A_161 : i32 to index
      %swap3A_166 = tpu.vector_load %arg6[%swap3A] {strides = array<i32>} : memref<640xf32, #tpu.memory_space<vmem>>, vector<16xf32>,
      tpu.vector_store %arg6[%swap3A], %add3A_165 {strides = array<i32>} : memref<640xf32, #tpu.memory_space<vmem>>, vector<16xf32>,
    }
    %scan3A_96 = arith.constant 40 : i32
    %mul3A_97 = arith.constant 640 : i32
    %mul3A_98 = arith.muli %arg1, %mul3A_97 : i32
    %run_scoped3A_99 = arith.constant 9 : i32
    "tpu.region"() ({
      %run_scoped3A_155 = tpu.sem_alloc : memref<!tpu.dma_semaphore, #tpu.memory_space<semaphore_mem>>
      %dma_start3A_156 = tpu.memref_slice %arg8[%run_scoped3A_99, %mul3A_98] : memref<16x10240xf32, #tpu.memory_space<vmem_shared>> -> memref<1x640xf32, #tpu.memory_space<vmem_shared>>
      %dma_start3A_157 = tpu.memref_squeeze %dma_start3A_156 : memref<1x640xf32, #tpu.memory_space<vmem_shared>> -> memref<640xf32, #tpu.memory_space<vmem_shared>>
      %dma_start3A_158 = tpu.memref_slice %arg8[%run_scoped3A_99, %mul3A_98] : memref<16x10240xf32, #tpu.memory_space<vmem_shared>> -> memref<1x640xf32, #tpu.memory_space<vmem_shared>>
      %dma_start3A_159 = tpu.memref_squeeze %dma_start3A_158 : memref<1x640xf32, #tpu.memory_space<vmem_shared>> -> memref<640xf32, #tpu.memory_space<vmem_shared>>
      tpu.enqueue_dma source(%dma_start3A_159 : memref<640xf32, #tpu.memory_space<vmem_shared>>) target(%arg7 : memref<640xf32, #tpu.memory_space<vmem>>) target_semaphore(%run_scoped3A_155 : memref<!tpu.dma_semaphore, #tpu.memory_space<semaphore_mem>>)
      %dma_wait3A_160 = tpu.memref_slice %arg8[%run_scoped3A_99, %mul3A_98] : memref<16x10240xf32, #tpu.memory_space<vmem_shared>> -> memref<1x640xf32, #tpu.memory_space<vmem_shared>>
      %dma_wait3A_161 = tpu.memref_squeeze %dma_wait3A_160 : memref<1x640xf32, #tpu.memory_space<vmem_shared>> -> memref<640xf32, #tpu.memory_space<vmem_shared>>
      %dma_wait3A_162 = tpu.memref_slice %arg8[%run_scoped3A_99, %mul3A_98] : memref<16x10240xf32, #tpu.memory_space<vmem_shared>> -> memref<1x640xf32, #tpu.memory_space<vmem_shared>>
      %dma_wait3A_163 = tpu.memref_squeeze %dma_wait3A_162 : memref<1x640xf32, #tpu.memory_space<vmem_shared>> -> memref<640xf32, #tpu.memory_space<vmem_shared>>
      tpu.wait_dma2 semaphore(%run_scoped3A_155 : memref<!tpu.dma_semaphore, #tpu.memory_space<semaphore_mem>>) src(%dma_wait3A_163 : memref<640xf32, #tpu.memory_space<vmem_shared>>) dst(%arg7 : memref<640xf32, #tpu.memory_space<vmem>>)
      tpu.yield
    }) : () -> ()
    %scan3A_100 = arith.constant 0 : i32
    %scan3A_101 = arith.constant 40 : i32
    %scan3A_102 = arith.addi %scan3A_100, %scan3A_101 : i32
    %scan3A_103 = arith.constant 1 : i32
    scf.for %scan3A_155 = %scan3A_100 to %scan3A_102 step %scan3A_103  : i32 {
      %mul3A_156 = arith.constant 1 : i32
      %mul3A_157 = arith.muli %scan3A_155, %mul3A_156 : i32
      %add3A_158 = arith.constant 0 : i32
      %add3A_159 = arith.addi %add3A_158, %mul3A_157 : i32
      %mul3A_160 = arith.constant 16 : i32
      %mul3A_161 = arith.muli %add3A_159, %mul3A_160 : i32
      %get3A = arith.index_cast %mul3A_161 : i32 to index
      %get3A_162 = tpu.vector_load %arg6[%get3A] {strides = array<i32>} : memref<640xf32, #tpu.memory_space<vmem>>, vector<16xf32>,
      %get3A_163 = arith.index_cast %mul3A_161 : i32 to index
      %get3A_164 = tpu.vector_load %arg7[%get3A_163] {strides = array<i32>} : memref<640xf32, #tpu.memory_space<vmem>>, vector<16xf32>,
      %add3A_165 = arith.addf %get3A_162, %get3A_164 : vector<16xf32>
      %swap3A = arith.index_cast %mul3A_161 : i32 to index
      %swap3A_166 = tpu.vector_load %arg6[%swap3A] {strides = array<i32>} : memref<640xf32, #tpu.memory_space<vmem>>, vector<16xf32>,
      tpu.vector_store %arg6[%swap3A], %add3A_165 {strides = array<i32>} : memref<640xf32, #tpu.memory_space<vmem>>, vector<16xf32>,
    }
    %scan3A_104 = arith.constant 40 : i32
    %mul3A_105 = arith.constant 640 : i32
    %mul3A_106 = arith.muli %arg1, %mul3A_105 : i32
    %run_scoped3A_107 = arith.constant 10 : i32
    "tpu.region"() ({
      %run_scoped3A_155 = tpu.sem_alloc : memref<!tpu.dma_semaphore, #tpu.memory_space<semaphore_mem>>
      %dma_start3A_156 = tpu.memref_slice %arg8[%run_scoped3A_107, %mul3A_106] : memref<16x10240xf32, #tpu.memory_space<vmem_shared>> -> memref<1x640xf32, #tpu.memory_space<vmem_shared>>
      %dma_start3A_157 = tpu.memref_squeeze %dma_start3A_156 : memref<1x640xf32, #tpu.memory_space<vmem_shared>> -> memref<640xf32, #tpu.memory_space<vmem_shared>>
      %dma_start3A_158 = tpu.memref_slice %arg8[%run_scoped3A_107, %mul3A_106] : memref<16x10240xf32, #tpu.memory_space<vmem_shared>> -> memref<1x640xf32, #tpu.memory_space<vmem_shared>>
      %dma_start3A_159 = tpu.memref_squeeze %dma_start3A_158 : memref<1x640xf32, #tpu.memory_space<vmem_shared>> -> memref<640xf32, #tpu.memory_space<vmem_shared>>
      tpu.enqueue_dma source(%dma_start3A_159 : memref<640xf32, #tpu.memory_space<vmem_shared>>) target(%arg7 : memref<640xf32, #tpu.memory_space<vmem>>) target_semaphore(%run_scoped3A_155 : memref<!tpu.dma_semaphore, #tpu.memory_space<semaphore_mem>>)
      %dma_wait3A_160 = tpu.memref_slice %arg8[%run_scoped3A_107, %mul3A_106] : memref<16x10240xf32, #tpu.memory_space<vmem_shared>> -> memref<1x640xf32, #tpu.memory_space<vmem_shared>>
      %dma_wait3A_161 = tpu.memref_squeeze %dma_wait3A_160 : memref<1x640xf32, #tpu.memory_space<vmem_shared>> -> memref<640xf32, #tpu.memory_space<vmem_shared>>
      %dma_wait3A_162 = tpu.memref_slice %arg8[%run_scoped3A_107, %mul3A_106] : memref<16x10240xf32, #tpu.memory_space<vmem_shared>> -> memref<1x640xf32, #tpu.memory_space<vmem_shared>>
      %dma_wait3A_163 = tpu.memref_squeeze %dma_wait3A_162 : memref<1x640xf32, #tpu.memory_space<vmem_shared>> -> memref<640xf32, #tpu.memory_space<vmem_shared>>
      tpu.wait_dma2 semaphore(%run_scoped3A_155 : memref<!tpu.dma_semaphore, #tpu.memory_space<semaphore_mem>>) src(%dma_wait3A_163 : memref<640xf32, #tpu.memory_space<vmem_shared>>) dst(%arg7 : memref<640xf32, #tpu.memory_space<vmem>>)
      tpu.yield
    }) : () -> ()
    %scan3A_108 = arith.constant 0 : i32
    %scan3A_109 = arith.constant 40 : i32
    %scan3A_110 = arith.addi %scan3A_108, %scan3A_109 : i32
    %scan3A_111 = arith.constant 1 : i32
    scf.for %scan3A_155 = %scan3A_108 to %scan3A_110 step %scan3A_111  : i32 {
      %mul3A_156 = arith.constant 1 : i32
      %mul3A_157 = arith.muli %scan3A_155, %mul3A_156 : i32
      %add3A_158 = arith.constant 0 : i32
      %add3A_159 = arith.addi %add3A_158, %mul3A_157 : i32
      %mul3A_160 = arith.constant 16 : i32
      %mul3A_161 = arith.muli %add3A_159, %mul3A_160 : i32
      %get3A = arith.index_cast %mul3A_161 : i32 to index
      %get3A_162 = tpu.vector_load %arg6[%get3A] {strides = array<i32>} : memref<640xf32, #tpu.memory_space<vmem>>, vector<16xf32>,
      %get3A_163 = arith.index_cast %mul3A_161 : i32 to index
      %get3A_164 = tpu.vector_load %arg7[%get3A_163] {strides = array<i32>} : memref<640xf32, #tpu.memory_space<vmem>>, vector<16xf32>,
      %add3A_165 = arith.addf %get3A_162, %get3A_164 : vector<16xf32>
      %swap3A = arith.index_cast %mul3A_161 : i32 to index
      %swap3A_166 = tpu.vector_load %arg6[%swap3A] {strides = array<i32>} : memref<640xf32, #tpu.memory_space<vmem>>, vector<16xf32>,
      tpu.vector_store %arg6[%swap3A], %add3A_165 {strides = array<i32>} : memref<640xf32, #tpu.memory_space<vmem>>, vector<16xf32>,
    }
    %scan3A_112 = arith.constant 40 : i32
    %mul3A_113 = arith.constant 640 : i32
    %mul3A_114 = arith.muli %arg1, %mul3A_113 : i32
    %run_scoped3A_115 = arith.constant 11 : i32
    "tpu.region"() ({
      %run_scoped3A_155 = tpu.sem_alloc : memref<!tpu.dma_semaphore, #tpu.memory_space<semaphore_mem>>
      %dma_start3A_156 = tpu.memref_slice %arg8[%run_scoped3A_115, %mul3A_114] : memref<16x10240xf32, #tpu.memory_space<vmem_shared>> -> memref<1x640xf32, #tpu.memory_space<vmem_shared>>
      %dma_start3A_157 = tpu.memref_squeeze %dma_start3A_156 : memref<1x640xf32, #tpu.memory_space<vmem_shared>> -> memref<640xf32, #tpu.memory_space<vmem_shared>>
      %dma_start3A_158 = tpu.memref_slice %arg8[%run_scoped3A_115, %mul3A_114] : memref<16x10240xf32, #tpu.memory_space<vmem_shared>> -> memref<1x640xf32, #tpu.memory_space<vmem_shared>>
      %dma_start3A_159 = tpu.memref_squeeze %dma_start3A_158 : memref<1x640xf32, #tpu.memory_space<vmem_shared>> -> memref<640xf32, #tpu.memory_space<vmem_shared>>
      tpu.enqueue_dma source(%dma_start3A_159 : memref<640xf32, #tpu.memory_space<vmem_shared>>) target(%arg7 : memref<640xf32, #tpu.memory_space<vmem>>) target_semaphore(%run_scoped3A_155 : memref<!tpu.dma_semaphore, #tpu.memory_space<semaphore_mem>>)
      %dma_wait3A_160 = tpu.memref_slice %arg8[%run_scoped3A_115, %mul3A_114] : memref<16x10240xf32, #tpu.memory_space<vmem_shared>> -> memref<1x640xf32, #tpu.memory_space<vmem_shared>>
      %dma_wait3A_161 = tpu.memref_squeeze %dma_wait3A_160 : memref<1x640xf32, #tpu.memory_space<vmem_shared>> -> memref<640xf32, #tpu.memory_space<vmem_shared>>
      %dma_wait3A_162 = tpu.memref_slice %arg8[%run_scoped3A_115, %mul3A_114] : memref<16x10240xf32, #tpu.memory_space<vmem_shared>> -> memref<1x640xf32, #tpu.memory_space<vmem_shared>>
      %dma_wait3A_163 = tpu.memref_squeeze %dma_wait3A_162 : memref<1x640xf32, #tpu.memory_space<vmem_shared>> -> memref<640xf32, #tpu.memory_space<vmem_shared>>
      tpu.wait_dma2 semaphore(%run_scoped3A_155 : memref<!tpu.dma_semaphore, #tpu.memory_space<semaphore_mem>>) src(%dma_wait3A_163 : memref<640xf32, #tpu.memory_space<vmem_shared>>) dst(%arg7 : memref<640xf32, #tpu.memory_space<vmem>>)
      tpu.yield
    }) : () -> ()
    %scan3A_116 = arith.constant 0 : i32
    %scan3A_117 = arith.constant 40 : i32
    %scan3A_118 = arith.addi %scan3A_116, %scan3A_117 : i32
    %scan3A_119 = arith.constant 1 : i32
    scf.for %scan3A_155 = %scan3A_116 to %scan3A_118 step %scan3A_119  : i32 {
      %mul3A_156 = arith.constant 1 : i32
      %mul3A_157 = arith.muli %scan3A_155, %mul3A_156 : i32
      %add3A_158 = arith.constant 0 : i32
      %add3A_159 = arith.addi %add3A_158, %mul3A_157 : i32
      %mul3A_160 = arith.constant 16 : i32
      %mul3A_161 = arith.muli %add3A_159, %mul3A_160 : i32
      %get3A = arith.index_cast %mul3A_161 : i32 to index
      %get3A_162 = tpu.vector_load %arg6[%get3A] {strides = array<i32>} : memref<640xf32, #tpu.memory_space<vmem>>, vector<16xf32>,
      %get3A_163 = arith.index_cast %mul3A_161 : i32 to index
      %get3A_164 = tpu.vector_load %arg7[%get3A_163] {strides = array<i32>} : memref<640xf32, #tpu.memory_space<vmem>>, vector<16xf32>,
      %add3A_165 = arith.addf %get3A_162, %get3A_164 : vector<16xf32>
      %swap3A = arith.index_cast %mul3A_161 : i32 to index
      %swap3A_166 = tpu.vector_load %arg6[%swap3A] {strides = array<i32>} : memref<640xf32, #tpu.memory_space<vmem>>, vector<16xf32>,
      tpu.vector_store %arg6[%swap3A], %add3A_165 {strides = array<i32>} : memref<640xf32, #tpu.memory_space<vmem>>, vector<16xf32>,
    }
    %scan3A_120 = arith.constant 40 : i32
    %mul3A_121 = arith.constant 640 : i32
    %mul3A_122 = arith.muli %arg1, %mul3A_121 : i32
    %run_scoped3A_123 = arith.constant 12 : i32
    "tpu.region"() ({
      %run_scoped3A_155 = tpu.sem_alloc : memref<!tpu.dma_semaphore, #tpu.memory_space<semaphore_mem>>
      %dma_start3A_156 = tpu.memref_slice %arg8[%run_scoped3A_123, %mul3A_122] : memref<16x10240xf32, #tpu.memory_space<vmem_shared>> -> memref<1x640xf32, #tpu.memory_space<vmem_shared>>
      %dma_start3A_157 = tpu.memref_squeeze %dma_start3A_156 : memref<1x640xf32, #tpu.memory_space<vmem_shared>> -> memref<640xf32, #tpu.memory_space<vmem_shared>>
      %dma_start3A_158 = tpu.memref_slice %arg8[%run_scoped3A_123, %mul3A_122] : memref<16x10240xf32, #tpu.memory_space<vmem_shared>> -> memref<1x640xf32, #tpu.memory_space<vmem_shared>>
      %dma_start3A_159 = tpu.memref_squeeze %dma_start3A_158 : memref<1x640xf32, #tpu.memory_space<vmem_shared>> -> memref<640xf32, #tpu.memory_space<vmem_shared>>
      tpu.enqueue_dma source(%dma_start3A_159 : memref<640xf32, #tpu.memory_space<vmem_shared>>) target(%arg7 : memref<640xf32, #tpu.memory_space<vmem>>) target_semaphore(%run_scoped3A_155 : memref<!tpu.dma_semaphore, #tpu.memory_space<semaphore_mem>>)
      %dma_wait3A_160 = tpu.memref_slice %arg8[%run_scoped3A_123, %mul3A_122] : memref<16x10240xf32, #tpu.memory_space<vmem_shared>> -> memref<1x640xf32, #tpu.memory_space<vmem_shared>>
      %dma_wait3A_161 = tpu.memref_squeeze %dma_wait3A_160 : memref<1x640xf32, #tpu.memory_space<vmem_shared>> -> memref<640xf32, #tpu.memory_space<vmem_shared>>
      %dma_wait3A_162 = tpu.memref_slice %arg8[%run_scoped3A_123, %mul3A_122] : memref<16x10240xf32, #tpu.memory_space<vmem_shared>> -> memref<1x640xf32, #tpu.memory_space<vmem_shared>>
      %dma_wait3A_163 = tpu.memref_squeeze %dma_wait3A_162 : memref<1x640xf32, #tpu.memory_space<vmem_shared>> -> memref<640xf32, #tpu.memory_space<vmem_shared>>
      tpu.wait_dma2 semaphore(%run_scoped3A_155 : memref<!tpu.dma_semaphore, #tpu.memory_space<semaphore_mem>>) src(%dma_wait3A_163 : memref<640xf32, #tpu.memory_space<vmem_shared>>) dst(%arg7 : memref<640xf32, #tpu.memory_space<vmem>>)
      tpu.yield
    }) : () -> ()
    %scan3A_124 = arith.constant 0 : i32
    %scan3A_125 = arith.constant 40 : i32
    %scan3A_126 = arith.addi %scan3A_124, %scan3A_125 : i32
    %scan3A_127 = arith.constant 1 : i32
    scf.for %scan3A_155 = %scan3A_124 to %scan3A_126 step %scan3A_127  : i32 {
      %mul3A_156 = arith.constant 1 : i32
      %mul3A_157 = arith.muli %scan3A_155, %mul3A_156 : i32
      %add3A_158 = arith.constant 0 : i32
      %add3A_159 = arith.addi %add3A_158, %mul3A_157 : i32
      %mul3A_160 = arith.constant 16 : i32
      %mul3A_161 = arith.muli %add3A_159, %mul3A_160 : i32
      %get3A = arith.index_cast %mul3A_161 : i32 to index
      %get3A_162 = tpu.vector_load %arg6[%get3A] {strides = array<i32>} : memref<640xf32, #tpu.memory_space<vmem>>, vector<16xf32>,
      %get3A_163 = arith.index_cast %mul3A_161 : i32 to index
      %get3A_164 = tpu.vector_load %arg7[%get3A_163] {strides = array<i32>} : memref<640xf32, #tpu.memory_space<vmem>>, vector<16xf32>,
      %add3A_165 = arith.addf %get3A_162, %get3A_164 : vector<16xf32>
      %swap3A = arith.index_cast %mul3A_161 : i32 to index
      %swap3A_166 = tpu.vector_load %arg6[%swap3A] {strides = array<i32>} : memref<640xf32, #tpu.memory_space<vmem>>, vector<16xf32>,
      tpu.vector_store %arg6[%swap3A], %add3A_165 {strides = array<i32>} : memref<640xf32, #tpu.memory_space<vmem>>, vector<16xf32>,
    }
    %scan3A_128 = arith.constant 40 : i32
    %mul3A_129 = arith.constant 640 : i32
    %mul3A_130 = arith.muli %arg1, %mul3A_129 : i32
    %run_scoped3A_131 = arith.constant 13 : i32
    "tpu.region"() ({
      %run_scoped3A_155 = tpu.sem_alloc : memref<!tpu.dma_semaphore, #tpu.memory_space<semaphore_mem>>
      %dma_start3A_156 = tpu.memref_slice %arg8[%run_scoped3A_131, %mul3A_130] : memref<16x10240xf32, #tpu.memory_space<vmem_shared>> -> memref<1x640xf32, #tpu.memory_space<vmem_shared>>
      %dma_start3A_157 = tpu.memref_squeeze %dma_start3A_156 : memref<1x640xf32, #tpu.memory_space<vmem_shared>> -> memref<640xf32, #tpu.memory_space<vmem_shared>>
      %dma_start3A_158 = tpu.memref_slice %arg8[%run_scoped3A_131, %mul3A_130] : memref<16x10240xf32, #tpu.memory_space<vmem_shared>> -> memref<1x640xf32, #tpu.memory_space<vmem_shared>>
      %dma_start3A_159 = tpu.memref_squeeze %dma_start3A_158 : memref<1x640xf32, #tpu.memory_space<vmem_shared>> -> memref<640xf32, #tpu.memory_space<vmem_shared>>
      tpu.enqueue_dma source(%dma_start3A_159 : memref<640xf32, #tpu.memory_space<vmem_shared>>) target(%arg7 : memref<640xf32, #tpu.memory_space<vmem>>) target_semaphore(%run_scoped3A_155 : memref<!tpu.dma_semaphore, #tpu.memory_space<semaphore_mem>>)
      %dma_wait3A_160 = tpu.memref_slice %arg8[%run_scoped3A_131, %mul3A_130] : memref<16x10240xf32, #tpu.memory_space<vmem_shared>> -> memref<1x640xf32, #tpu.memory_space<vmem_shared>>
      %dma_wait3A_161 = tpu.memref_squeeze %dma_wait3A_160 : memref<1x640xf32, #tpu.memory_space<vmem_shared>> -> memref<640xf32, #tpu.memory_space<vmem_shared>>
      %dma_wait3A_162 = tpu.memref_slice %arg8[%run_scoped3A_131, %mul3A_130] : memref<16x10240xf32, #tpu.memory_space<vmem_shared>> -> memref<1x640xf32, #tpu.memory_space<vmem_shared>>
      %dma_wait3A_163 = tpu.memref_squeeze %dma_wait3A_162 : memref<1x640xf32, #tpu.memory_space<vmem_shared>> -> memref<640xf32, #tpu.memory_space<vmem_shared>>
      tpu.wait_dma2 semaphore(%run_scoped3A_155 : memref<!tpu.dma_semaphore, #tpu.memory_space<semaphore_mem>>) src(%dma_wait3A_163 : memref<640xf32, #tpu.memory_space<vmem_shared>>) dst(%arg7 : memref<640xf32, #tpu.memory_space<vmem>>)
      tpu.yield
    }) : () -> ()
    %scan3A_132 = arith.constant 0 : i32
    %scan3A_133 = arith.constant 40 : i32
    %scan3A_134 = arith.addi %scan3A_132, %scan3A_133 : i32
    %scan3A_135 = arith.constant 1 : i32
    scf.for %scan3A_155 = %scan3A_132 to %scan3A_134 step %scan3A_135  : i32 {
      %mul3A_156 = arith.constant 1 : i32
      %mul3A_157 = arith.muli %scan3A_155, %mul3A_156 : i32
      %add3A_158 = arith.constant 0 : i32
      %add3A_159 = arith.addi %add3A_158, %mul3A_157 : i32
      %mul3A_160 = arith.constant 16 : i32
      %mul3A_161 = arith.muli %add3A_159, %mul3A_160 : i32
      %get3A = arith.index_cast %mul3A_161 : i32 to index
      %get3A_162 = tpu.vector_load %arg6[%get3A] {strides = array<i32>} : memref<640xf32, #tpu.memory_space<vmem>>, vector<16xf32>,
      %get3A_163 = arith.index_cast %mul3A_161 : i32 to index
      %get3A_164 = tpu.vector_load %arg7[%get3A_163] {strides = array<i32>} : memref<640xf32, #tpu.memory_space<vmem>>, vector<16xf32>,
      %add3A_165 = arith.addf %get3A_162, %get3A_164 : vector<16xf32>
      %swap3A = arith.index_cast %mul3A_161 : i32 to index
      %swap3A_166 = tpu.vector_load %arg6[%swap3A] {strides = array<i32>} : memref<640xf32, #tpu.memory_space<vmem>>, vector<16xf32>,
      tpu.vector_store %arg6[%swap3A], %add3A_165 {strides = array<i32>} : memref<640xf32, #tpu.memory_space<vmem>>, vector<16xf32>,
    }
    %scan3A_136 = arith.constant 40 : i32
    %mul3A_137 = arith.constant 640 : i32
    %mul3A_138 = arith.muli %arg1, %mul3A_137 : i32
    %run_scoped3A_139 = arith.constant 14 : i32
    "tpu.region"() ({
      %run_scoped3A_155 = tpu.sem_alloc : memref<!tpu.dma_semaphore, #tpu.memory_space<semaphore_mem>>
      %dma_start3A_156 = tpu.memref_slice %arg8[%run_scoped3A_139, %mul3A_138] : memref<16x10240xf32, #tpu.memory_space<vmem_shared>> -> memref<1x640xf32, #tpu.memory_space<vmem_shared>>
      %dma_start3A_157 = tpu.memref_squeeze %dma_start3A_156 : memref<1x640xf32, #tpu.memory_space<vmem_shared>> -> memref<640xf32, #tpu.memory_space<vmem_shared>>
      %dma_start3A_158 = tpu.memref_slice %arg8[%run_scoped3A_139, %mul3A_138] : memref<16x10240xf32, #tpu.memory_space<vmem_shared>> -> memref<1x640xf32, #tpu.memory_space<vmem_shared>>
      %dma_start3A_159 = tpu.memref_squeeze %dma_start3A_158 : memref<1x640xf32, #tpu.memory_space<vmem_shared>> -> memref<640xf32, #tpu.memory_space<vmem_shared>>
      tpu.enqueue_dma source(%dma_start3A_159 : memref<640xf32, #tpu.memory_space<vmem_shared>>) target(%arg7 : memref<640xf32, #tpu.memory_space<vmem>>) target_semaphore(%run_scoped3A_155 : memref<!tpu.dma_semaphore, #tpu.memory_space<semaphore_mem>>)
      %dma_wait3A_160 = tpu.memref_slice %arg8[%run_scoped3A_139, %mul3A_138] : memref<16x10240xf32, #tpu.memory_space<vmem_shared>> -> memref<1x640xf32, #tpu.memory_space<vmem_shared>>
      %dma_wait3A_161 = tpu.memref_squeeze %dma_wait3A_160 : memref<1x640xf32, #tpu.memory_space<vmem_shared>> -> memref<640xf32, #tpu.memory_space<vmem_shared>>
      %dma_wait3A_162 = tpu.memref_slice %arg8[%run_scoped3A_139, %mul3A_138] : memref<16x10240xf32, #tpu.memory_space<vmem_shared>> -> memref<1x640xf32, #tpu.memory_space<vmem_shared>>
      %dma_wait3A_163 = tpu.memref_squeeze %dma_wait3A_162 : memref<1x640xf32, #tpu.memory_space<vmem_shared>> -> memref<640xf32, #tpu.memory_space<vmem_shared>>
      tpu.wait_dma2 semaphore(%run_scoped3A_155 : memref<!tpu.dma_semaphore, #tpu.memory_space<semaphore_mem>>) src(%dma_wait3A_163 : memref<640xf32, #tpu.memory_space<vmem_shared>>) dst(%arg7 : memref<640xf32, #tpu.memory_space<vmem>>)
      tpu.yield
    }) : () -> ()
    %scan3A_140 = arith.constant 0 : i32
    %scan3A_141 = arith.constant 40 : i32
    %scan3A_142 = arith.addi %scan3A_140, %scan3A_141 : i32
    %scan3A_143 = arith.constant 1 : i32
    scf.for %scan3A_155 = %scan3A_140 to %scan3A_142 step %scan3A_143  : i32 {
      %mul3A_156 = arith.constant 1 : i32
      %mul3A_157 = arith.muli %scan3A_155, %mul3A_156 : i32
      %add3A_158 = arith.constant 0 : i32
      %add3A_159 = arith.addi %add3A_158, %mul3A_157 : i32
      %mul3A_160 = arith.constant 16 : i32
      %mul3A_161 = arith.muli %add3A_159, %mul3A_160 : i32
      %get3A = arith.index_cast %mul3A_161 : i32 to index
      %get3A_162 = tpu.vector_load %arg6[%get3A] {strides = array<i32>} : memref<640xf32, #tpu.memory_space<vmem>>, vector<16xf32>,
      %get3A_163 = arith.index_cast %mul3A_161 : i32 to index
      %get3A_164 = tpu.vector_load %arg7[%get3A_163] {strides = array<i32>} : memref<640xf32, #tpu.memory_space<vmem>>, vector<16xf32>,
      %add3A_165 = arith.addf %get3A_162, %get3A_164 : vector<16xf32>
      %swap3A = arith.index_cast %mul3A_161 : i32 to index
      %swap3A_166 = tpu.vector_load %arg6[%swap3A] {strides = array<i32>} : memref<640xf32, #tpu.memory_space<vmem>>, vector<16xf32>,
      tpu.vector_store %arg6[%swap3A], %add3A_165 {strides = array<i32>} : memref<640xf32, #tpu.memory_space<vmem>>, vector<16xf32>,
    }
    %scan3A_144 = arith.constant 40 : i32
    %mul3A_145 = arith.constant 640 : i32
    %mul3A_146 = arith.muli %arg1, %mul3A_145 : i32
    %run_scoped3A_147 = arith.constant 15 : i32
    "tpu.region"() ({
      %run_scoped3A_155 = tpu.sem_alloc : memref<!tpu.dma_semaphore, #tpu.memory_space<semaphore_mem>>
      %dma_start3A_156 = tpu.memref_slice %arg8[%run_scoped3A_147, %mul3A_146] : memref<16x10240xf32, #tpu.memory_space<vmem_shared>> -> memref<1x640xf32, #tpu.memory_space<vmem_shared>>
      %dma_start3A_157 = tpu.memref_squeeze %dma_start3A_156 : memref<1x640xf32, #tpu.memory_space<vmem_shared>> -> memref<640xf32, #tpu.memory_space<vmem_shared>>
      %dma_start3A_158 = tpu.memref_slice %arg8[%run_scoped3A_147, %mul3A_146] : memref<16x10240xf32, #tpu.memory_space<vmem_shared>> -> memref<1x640xf32, #tpu.memory_space<vmem_shared>>
      %dma_start3A_159 = tpu.memref_squeeze %dma_start3A_158 : memref<1x640xf32, #tpu.memory_space<vmem_shared>> -> memref<640xf32, #tpu.memory_space<vmem_shared>>
      tpu.enqueue_dma source(%dma_start3A_159 : memref<640xf32, #tpu.memory_space<vmem_shared>>) target(%arg7 : memref<640xf32, #tpu.memory_space<vmem>>) target_semaphore(%run_scoped3A_155 : memref<!tpu.dma_semaphore, #tpu.memory_space<semaphore_mem>>)
      %dma_wait3A_160 = tpu.memref_slice %arg8[%run_scoped3A_147, %mul3A_146] : memref<16x10240xf32, #tpu.memory_space<vmem_shared>> -> memref<1x640xf32, #tpu.memory_space<vmem_shared>>
      %dma_wait3A_161 = tpu.memref_squeeze %dma_wait3A_160 : memref<1x640xf32, #tpu.memory_space<vmem_shared>> -> memref<640xf32, #tpu.memory_space<vmem_shared>>
      %dma_wait3A_162 = tpu.memref_slice %arg8[%run_scoped3A_147, %mul3A_146] : memref<16x10240xf32, #tpu.memory_space<vmem_shared>> -> memref<1x640xf32, #tpu.memory_space<vmem_shared>>
      %dma_wait3A_163 = tpu.memref_squeeze %dma_wait3A_162 : memref<1x640xf32, #tpu.memory_space<vmem_shared>> -> memref<640xf32, #tpu.memory_space<vmem_shared>>
      tpu.wait_dma2 semaphore(%run_scoped3A_155 : memref<!tpu.dma_semaphore, #tpu.memory_space<semaphore_mem>>) src(%dma_wait3A_163 : memref<640xf32, #tpu.memory_space<vmem_shared>>) dst(%arg7 : memref<640xf32, #tpu.memory_space<vmem>>)
      tpu.yield
    }) : () -> ()
    %scan3A_148 = arith.constant 0 : i32
    %scan3A_149 = arith.constant 40 : i32
    %scan3A_150 = arith.addi %scan3A_148, %scan3A_149 : i32
    %scan3A_151 = arith.constant 1 : i32
    scf.for %scan3A_155 = %scan3A_148 to %scan3A_150 step %scan3A_151  : i32 {
      %mul3A_156 = arith.constant 1 : i32
      %mul3A_157 = arith.muli %scan3A_155, %mul3A_156 : i32
      %add3A_158 = arith.constant 0 : i32
      %add3A_159 = arith.addi %add3A_158, %mul3A_157 : i32
      %mul3A_160 = arith.constant 16 : i32
      %mul3A_161 = arith.muli %add3A_159, %mul3A_160 : i32
      %get3A = arith.index_cast %mul3A_161 : i32 to index
      %get3A_162 = tpu.vector_load %arg6[%get3A] {strides = array<i32>} : memref<640xf32, #tpu.memory_space<vmem>>, vector<16xf32>,
      %get3A_163 = arith.index_cast %mul3A_161 : i32 to index
      %get3A_164 = tpu.vector_load %arg7[%get3A_163] {strides = array<i32>} : memref<640xf32, #tpu.memory_space<vmem>>, vector<16xf32>,
      %add3A_165 = arith.addf %get3A_162, %get3A_164 : vector<16xf32>
      %swap3A = arith.index_cast %mul3A_161 : i32 to index
      %swap3A_166 = tpu.vector_load %arg6[%swap3A] {strides = array<i32>} : memref<640xf32, #tpu.memory_space<vmem>>, vector<16xf32>,
      tpu.vector_store %arg6[%swap3A], %add3A_165 {strides = array<i32>} : memref<640xf32, #tpu.memory_space<vmem>>, vector<16xf32>,
    }
    %scan3A_152 = arith.constant 40 : i32
    %mul3A_153 = arith.constant 640 : i32
    %mul3A_154 = arith.muli %arg1, %mul3A_153 : i32
    "tpu.region"() ({
      %run_scoped3A_155 = tpu.sem_alloc : memref<!tpu.dma_semaphore, #tpu.memory_space<semaphore_mem>>
      %dma_start3A_156 = tpu.memref_slice %arg3[%arg0, %mul3A_154] : memref<2x10240xf32, #tpu.memory_space<hbm>> -> memref<1x640xf32, #tpu.memory_space<hbm>>
      %dma_start3A_157 = tpu.memref_squeeze %dma_start3A_156 : memref<1x640xf32, #tpu.memory_space<hbm>> -> memref<640xf32, #tpu.memory_space<hbm>>
      %dma_start3A_158 = tpu.memref_slice %arg3[%arg0, %mul3A_154] : memref<2x10240xf32, #tpu.memory_space<hbm>> -> memref<1x640xf32, #tpu.memory_space<hbm>>
      %dma_start3A_159 = tpu.memref_squeeze %dma_start3A_158 : memref<1x640xf32, #tpu.memory_space<hbm>> -> memref<640xf32, #tpu.memory_space<hbm>>
      tpu.enqueue_dma source(%arg6 : memref<640xf32, #tpu.memory_space<vmem>>) target(%dma_start3A_159 : memref<640xf32, #tpu.memory_space<hbm>>) target_semaphore(%run_scoped3A_155 : memref<!tpu.dma_semaphore, #tpu.memory_space<semaphore_mem>>)
      %dma_wait3A_160 = tpu.memref_slice %arg3[%arg0, %mul3A_154] : memref<2x10240xf32, #tpu.memory_space<hbm>> -> memref<1x640xf32, #tpu.memory_space<hbm>>
      %dma_wait3A_161 = tpu.memref_squeeze %dma_wait3A_160 : memref<1x640xf32, #tpu.memory_space<hbm>> -> memref<640xf32, #tpu.memory_space<hbm>>
      %dma_wait3A_162 = tpu.memref_slice %arg3[%arg0, %mul3A_154] : memref<2x10240xf32, #tpu.memory_space<hbm>> -> memref<1x640xf32, #tpu.memory_space<hbm>>
      %dma_wait3A_163 = tpu.memref_squeeze %dma_wait3A_162 : memref<1x640xf32, #tpu.memory_space<hbm>> -> memref<640xf32, #tpu.memory_space<hbm>>
      tpu.wait_dma2 semaphore(%run_scoped3A_155 : memref<!tpu.dma_semaphore, #tpu.memory_space<semaphore_mem>>) src(%arg6 : memref<640xf32, #tpu.memory_space<vmem>>) dst(%dma_wait3A_163 : memref<640xf32, #tpu.memory_space<hbm>>)
      tpu.yield
    }) : () -> ()
    return
  }
}

#map = affine_map<(d0, d1) -> (0, 0)>
#map1 = affine_map<(d0, d1) -> (0, 0, 0)>
module attributes {stable_mosaic.version = 14 : i64} {
  func.func @agg_kernel(%arg0: i32, %arg1: i32, %arg2: memref<10240x16xf32, #tpu.memory_space<hbm>>, %arg3: memref<2x320000xi32, #tpu.memory_space<hbm>>, %arg4: memref<2x10240x16xf32, #tpu.memory_space<hbm>>, %arg5: memref<10000xi32, #tpu.memory_space<vmem>>, %arg6: memref<10000xi32, #tpu.memory_space<vmem>>, %arg7: memref<5x80x16xf32, #tpu.memory_space<vmem>>, %arg8: memref<16x16xf32, #tpu.memory_space<vmem>>, %arg9: memref<10240x16xf32, #tpu.memory_space<vmem_shared>>, %arg10: memref<10240x16xf32, #tpu.memory_space<vmem_shared>>, %arg11: memref<5x!tpu.dma_semaphore, #tpu.memory_space<semaphore_mem>>, %arg12: memref<5x!tpu.dma_semaphore, #tpu.memory_space<semaphore_mem>>, %arg13: memref<!tpu.dma_semaphore, #tpu.memory_space<semaphore_mem>>) attributes {dimension_semantics = [#tpu.dimension_semantics<core_parallel>, #tpu.dimension_semantics<subcore_parallel>], iteration_bounds = array<i64: 2, 16>, scalar_prefetch = 0 : i64, scratch_operands = 9 : i64, tpu.core_type = #tpu.core_type<sc_vector_subcore>, window_params = [{transform_indices = #map}, {transform_indices = #map}, {transform_indices = #map1}]} {
    %mul3A = arith.constant 16 : i32
    %mul3A_0 = arith.muli %arg0, %mul3A : i32
    %add3A = arith.addi %mul3A_0, %arg1 : i32
    %mul3A_1 = arith.constant 10000 : i32
    %mul3A_2 = arith.muli %add3A, %mul3A_1 : i32
    %dma_start3A = arith.constant 0 : i32
    %dma_start3A_3 = arith.constant 0 : i32
    %dma_start3A_4 = arith.constant 0 : i32
    %dma_start3A_5 = tpu.memref_slice %arg3[%dma_start3A, %dma_start3A_4] : memref<2x320000xi32, #tpu.memory_space<hbm>> -> memref<1x320000xi32, #tpu.memory_space<hbm>>
    %dma_start3A_6 = tpu.memref_squeeze %dma_start3A_5 : memref<1x320000xi32, #tpu.memory_space<hbm>> -> memref<320000xi32, #tpu.memory_space<hbm>>
    %dma_start3A_7 = tpu.memref_slice %dma_start3A_6[%mul3A_2] : memref<320000xi32, #tpu.memory_space<hbm>> -> memref<10000xi32, #tpu.memory_space<hbm>>
    %dma_start3A_8 = tpu.memref_slice %arg11[%dma_start3A_3] : memref<5x!tpu.dma_semaphore, #tpu.memory_space<semaphore_mem>> -> memref<1x!tpu.dma_semaphore, #tpu.memory_space<semaphore_mem>>
    %dma_start3A_9 = tpu.memref_squeeze %dma_start3A_8 : memref<1x!tpu.dma_semaphore, #tpu.memory_space<semaphore_mem>> -> memref<!tpu.dma_semaphore, #tpu.memory_space<semaphore_mem>>
    %dma_start3A_10 = arith.constant 0 : i32
    %dma_start3A_11 = tpu.memref_slice %arg3[%dma_start3A, %dma_start3A_10] : memref<2x320000xi32, #tpu.memory_space<hbm>> -> memref<1x320000xi32, #tpu.memory_space<hbm>>
    %dma_start3A_12 = tpu.memref_squeeze %dma_start3A_11 : memref<1x320000xi32, #tpu.memory_space<hbm>> -> memref<320000xi32, #tpu.memory_space<hbm>>
    %dma_start3A_13 = tpu.memref_slice %dma_start3A_12[%mul3A_2] : memref<320000xi32, #tpu.memory_space<hbm>> -> memref<10000xi32, #tpu.memory_space<hbm>>
    tpu.enqueue_dma source(%dma_start3A_13 : memref<10000xi32, #tpu.memory_space<hbm>>) target(%arg5 : memref<10000xi32, #tpu.memory_space<vmem>>) target_semaphore(%dma_start3A_9 : memref<!tpu.dma_semaphore, #tpu.memory_space<semaphore_mem>>)
    %mul3A_14 = arith.constant 10000 : i32
    %mul3A_15 = arith.muli %add3A, %mul3A_14 : i32
    %dma_start3A_16 = arith.constant 1 : i32
    %dma_start3A_17 = arith.constant 1 : i32
    %dma_start3A_18 = arith.constant 0 : i32
    %dma_start3A_19 = tpu.memref_slice %arg3[%dma_start3A_16, %dma_start3A_18] : memref<2x320000xi32, #tpu.memory_space<hbm>> -> memref<1x320000xi32, #tpu.memory_space<hbm>>
    %dma_start3A_20 = tpu.memref_squeeze %dma_start3A_19 : memref<1x320000xi32, #tpu.memory_space<hbm>> -> memref<320000xi32, #tpu.memory_space<hbm>>
    %dma_start3A_21 = tpu.memref_slice %dma_start3A_20[%mul3A_15] : memref<320000xi32, #tpu.memory_space<hbm>> -> memref<10000xi32, #tpu.memory_space<hbm>>
    %dma_start3A_22 = tpu.memref_slice %arg11[%dma_start3A_17] : memref<5x!tpu.dma_semaphore, #tpu.memory_space<semaphore_mem>> -> memref<1x!tpu.dma_semaphore, #tpu.memory_space<semaphore_mem>>
    %dma_start3A_23 = tpu.memref_squeeze %dma_start3A_22 : memref<1x!tpu.dma_semaphore, #tpu.memory_space<semaphore_mem>> -> memref<!tpu.dma_semaphore, #tpu.memory_space<semaphore_mem>>
    %dma_start3A_24 = arith.constant 0 : i32
    %dma_start3A_25 = tpu.memref_slice %arg3[%dma_start3A_16, %dma_start3A_24] : memref<2x320000xi32, #tpu.memory_space<hbm>> -> memref<1x320000xi32, #tpu.memory_space<hbm>>
    %dma_start3A_26 = tpu.memref_squeeze %dma_start3A_25 : memref<1x320000xi32, #tpu.memory_space<hbm>> -> memref<320000xi32, #tpu.memory_space<hbm>>
    %dma_start3A_27 = tpu.memref_slice %dma_start3A_26[%mul3A_15] : memref<320000xi32, #tpu.memory_space<hbm>> -> memref<10000xi32, #tpu.memory_space<hbm>>
    tpu.enqueue_dma source(%dma_start3A_27 : memref<10000xi32, #tpu.memory_space<hbm>>) target(%arg6 : memref<10000xi32, #tpu.memory_space<vmem>>) target_semaphore(%dma_start3A_23 : memref<!tpu.dma_semaphore, #tpu.memory_space<semaphore_mem>>)
    %mul3A_28 = arith.constant 640 : i32
    %mul3A_29 = arith.muli %arg1, %mul3A_28 : i32
    %mul3A_30 = arith.constant 640 : i32
    %mul3A_31 = arith.muli %arg1, %mul3A_30 : i32
    %dma_start3A_32 = arith.constant 0 : i32
    %dma_start3A_33 = tpu.memref_slice %arg10[%mul3A_31, %dma_start3A_32] : memref<10240x16xf32, #tpu.memory_space<vmem_shared>> -> memref<640x16xf32, #tpu.memory_space<vmem_shared>>
    %dma_start3A_34 = arith.constant 0 : i32
    %dma_start3A_35 = tpu.memref_slice %arg2[%mul3A_29, %dma_start3A_34] : memref<10240x16xf32, #tpu.memory_space<hbm>> -> memref<640x16xf32, #tpu.memory_space<hbm>>
    tpu.enqueue_dma source(%dma_start3A_35 : memref<640x16xf32, #tpu.memory_space<hbm>>) target(%dma_start3A_33 : memref<640x16xf32, #tpu.memory_space<vmem_shared>>) target_semaphore(%arg13 : memref<!tpu.dma_semaphore, #tpu.memory_space<semaphore_mem>>)
    %broadcast_in_dim3A = arith.constant 0.000000e+00 : f32
    %broadcast_in_dim3A_36 = vector.broadcast %broadcast_in_dim3A : f32 to vector<16xf32>
    %scan3A = arith.constant 0 : i32
    %scan3A_37 = arith.constant 16 : i32
    %scan3A_38 = arith.addi %scan3A, %scan3A_37 : i32
    %scan3A_39 = arith.constant 1 : i32
    scf.for %scan3A_343 = %scan3A to %scan3A_38 step %scan3A_39  : i32 {
      %mul3A_344 = arith.constant 1 : i32
      %mul3A_345 = arith.muli %scan3A_343, %mul3A_344 : i32
      %add3A_346 = arith.constant 0 : i32
      %add3A_347 = arith.addi %add3A_346, %mul3A_345 : i32
      %swap3A = arith.index_cast %add3A_347 : i32 to index
      %swap3A_348 = arith.constant 0 : index
      %swap3A_349 = tpu.vector_load %arg8[%swap3A, %swap3A_348] {strides = array<i32>} : memref<16x16xf32, #tpu.memory_space<vmem>>, vector<16xf32>,
      tpu.vector_store %arg8[%swap3A, %swap3A_348], %broadcast_in_dim3A_36 {strides = array<i32>} : memref<16x16xf32, #tpu.memory_space<vmem>>, vector<16xf32>,
    }
    %scan3A_40 = arith.constant 16 : i32
    %scan3A_41 = arith.constant 0 : i32
    %scan3A_42 = arith.constant 40 : i32
    %scan3A_43 = arith.addi %scan3A_41, %scan3A_42 : i32
    %scan3A_44 = arith.constant 1 : i32
    scf.for %scan3A_343 = %scan3A_41 to %scan3A_43 step %scan3A_44  : i32 {
      %mul3A_344 = arith.constant 1 : i32
      %mul3A_345 = arith.muli %scan3A_343, %mul3A_344 : i32
      %add3A_346 = arith.constant 0 : i32
      %add3A_347 = arith.addi %add3A_346, %mul3A_345 : i32
      %mul3A_348 = arith.constant 640 : i32
      %mul3A_349 = arith.muli %arg1, %mul3A_348 : i32
      %mul3A_350 = arith.constant 16 : i32
      %mul3A_351 = arith.muli %add3A_347, %mul3A_350 : i32
      %add3A_352 = arith.addi %mul3A_349, %mul3A_351 : i32
      "tpu.region"() ({
        %run_scoped3A = tpu.sem_alloc : memref<!tpu.dma_semaphore, #tpu.memory_space<semaphore_mem>>
        %dma_start3A_353 = arith.constant 0 : i32
        %dma_start3A_354 = tpu.memref_slice %arg9[%add3A_352, %dma_start3A_353] : memref<10240x16xf32, #tpu.memory_space<vmem_shared>> -> memref<16x16xf32, #tpu.memory_space<vmem_shared>>
        %dma_start3A_355 = arith.constant 0 : i32
        %dma_start3A_356 = tpu.memref_slice %arg9[%add3A_352, %dma_start3A_355] : memref<10240x16xf32, #tpu.memory_space<vmem_shared>> -> memref<16x16xf32, #tpu.memory_space<vmem_shared>>
        tpu.enqueue_dma source(%arg8 : memref<16x16xf32, #tpu.memory_space<vmem>>) target(%dma_start3A_356 : memref<16x16xf32, #tpu.memory_space<vmem_shared>>) target_semaphore(%run_scoped3A : memref<!tpu.dma_semaphore, #tpu.memory_space<semaphore_mem>>)
        %dma_wait3A_357 = arith.constant 0 : i32
        %dma_wait3A_358 = tpu.memref_slice %arg9[%add3A_352, %dma_wait3A_357] : memref<10240x16xf32, #tpu.memory_space<vmem_shared>> -> memref<16x16xf32, #tpu.memory_space<vmem_shared>>
        %dma_wait3A_359 = arith.constant 0 : i32
        %dma_wait3A_360 = tpu.memref_slice %arg9[%add3A_352, %dma_wait3A_359] : memref<10240x16xf32, #tpu.memory_space<vmem_shared>> -> memref<16x16xf32, #tpu.memory_space<vmem_shared>>
        tpu.wait_dma2 semaphore(%run_scoped3A : memref<!tpu.dma_semaphore, #tpu.memory_space<semaphore_mem>>) src(%arg8 : memref<16x16xf32, #tpu.memory_space<vmem>>) dst(%dma_wait3A_360 : memref<16x16xf32, #tpu.memory_space<vmem_shared>>)
        tpu.yield
      }) : () -> ()
    }
    %scan3A_45 = arith.constant 40 : i32
    %dma_wait3A = arith.constant 0 : i32
    %dma_wait3A_46 = arith.constant 0 : i32
    %dma_wait3A_47 = arith.constant 0 : i32
    %dma_wait3A_48 = tpu.memref_slice %arg3[%dma_wait3A, %dma_wait3A_47] : memref<2x320000xi32, #tpu.memory_space<hbm>> -> memref<1x320000xi32, #tpu.memory_space<hbm>>
    %dma_wait3A_49 = tpu.memref_squeeze %dma_wait3A_48 : memref<1x320000xi32, #tpu.memory_space<hbm>> -> memref<320000xi32, #tpu.memory_space<hbm>>
    %dma_wait3A_50 = tpu.memref_slice %dma_wait3A_49[%mul3A_2] : memref<320000xi32, #tpu.memory_space<hbm>> -> memref<10000xi32, #tpu.memory_space<hbm>>
    %dma_wait3A_51 = tpu.memref_slice %arg11[%dma_wait3A_46] : memref<5x!tpu.dma_semaphore, #tpu.memory_space<semaphore_mem>> -> memref<1x!tpu.dma_semaphore, #tpu.memory_space<semaphore_mem>>
    %dma_wait3A_52 = tpu.memref_squeeze %dma_wait3A_51 : memref<1x!tpu.dma_semaphore, #tpu.memory_space<semaphore_mem>> -> memref<!tpu.dma_semaphore, #tpu.memory_space<semaphore_mem>>
    %dma_wait3A_53 = arith.constant 0 : i32
    %dma_wait3A_54 = tpu.memref_slice %arg3[%dma_wait3A, %dma_wait3A_53] : memref<2x320000xi32, #tpu.memory_space<hbm>> -> memref<1x320000xi32, #tpu.memory_space<hbm>>
    %dma_wait3A_55 = tpu.memref_squeeze %dma_wait3A_54 : memref<1x320000xi32, #tpu.memory_space<hbm>> -> memref<320000xi32, #tpu.memory_space<hbm>>
    %dma_wait3A_56 = tpu.memref_slice %dma_wait3A_55[%mul3A_2] : memref<320000xi32, #tpu.memory_space<hbm>> -> memref<10000xi32, #tpu.memory_space<hbm>>
    tpu.wait_dma2 semaphore(%dma_wait3A_52 : memref<!tpu.dma_semaphore, #tpu.memory_space<semaphore_mem>>) src(%dma_wait3A_56 : memref<10000xi32, #tpu.memory_space<hbm>>) dst(%arg5 : memref<10000xi32, #tpu.memory_space<vmem>>)
    %dma_wait3A_57 = arith.constant 1 : i32
    %dma_wait3A_58 = arith.constant 1 : i32
    %dma_wait3A_59 = arith.constant 0 : i32
    %dma_wait3A_60 = tpu.memref_slice %arg3[%dma_wait3A_57, %dma_wait3A_59] : memref<2x320000xi32, #tpu.memory_space<hbm>> -> memref<1x320000xi32, #tpu.memory_space<hbm>>
    %dma_wait3A_61 = tpu.memref_squeeze %dma_wait3A_60 : memref<1x320000xi32, #tpu.memory_space<hbm>> -> memref<320000xi32, #tpu.memory_space<hbm>>
    %dma_wait3A_62 = tpu.memref_slice %dma_wait3A_61[%mul3A_15] : memref<320000xi32, #tpu.memory_space<hbm>> -> memref<10000xi32, #tpu.memory_space<hbm>>
    %dma_wait3A_63 = tpu.memref_slice %arg11[%dma_wait3A_58] : memref<5x!tpu.dma_semaphore, #tpu.memory_space<semaphore_mem>> -> memref<1x!tpu.dma_semaphore, #tpu.memory_space<semaphore_mem>>
    %dma_wait3A_64 = tpu.memref_squeeze %dma_wait3A_63 : memref<1x!tpu.dma_semaphore, #tpu.memory_space<semaphore_mem>> -> memref<!tpu.dma_semaphore, #tpu.memory_space<semaphore_mem>>
    %dma_wait3A_65 = arith.constant 0 : i32
    %dma_wait3A_66 = tpu.memref_slice %arg3[%dma_wait3A_57, %dma_wait3A_65] : memref<2x320000xi32, #tpu.memory_space<hbm>> -> memref<1x320000xi32, #tpu.memory_space<hbm>>
    %dma_wait3A_67 = tpu.memref_squeeze %dma_wait3A_66 : memref<1x320000xi32, #tpu.memory_space<hbm>> -> memref<320000xi32, #tpu.memory_space<hbm>>
    %dma_wait3A_68 = tpu.memref_slice %dma_wait3A_67[%mul3A_15] : memref<320000xi32, #tpu.memory_space<hbm>> -> memref<10000xi32, #tpu.memory_space<hbm>>
    tpu.wait_dma2 semaphore(%dma_wait3A_64 : memref<!tpu.dma_semaphore, #tpu.memory_space<semaphore_mem>>) src(%dma_wait3A_68 : memref<10000xi32, #tpu.memory_space<hbm>>) dst(%arg6 : memref<10000xi32, #tpu.memory_space<vmem>>)
    %dma_wait3A_69 = arith.constant 0 : i32
    %dma_wait3A_70 = tpu.memref_slice %arg10[%mul3A_31, %dma_wait3A_69] : memref<10240x16xf32, #tpu.memory_space<vmem_shared>> -> memref<640x16xf32, #tpu.memory_space<vmem_shared>>
    %dma_wait3A_71 = arith.constant 0 : i32
    %dma_wait3A_72 = tpu.memref_slice %arg2[%mul3A_29, %dma_wait3A_71] : memref<10240x16xf32, #tpu.memory_space<hbm>> -> memref<640x16xf32, #tpu.memory_space<hbm>>
    tpu.wait_dma2 semaphore(%arg13 : memref<!tpu.dma_semaphore, #tpu.memory_space<semaphore_mem>>) src(%dma_wait3A_72 : memref<640x16xf32, #tpu.memory_space<hbm>>) dst(%dma_wait3A_70 : memref<640x16xf32, #tpu.memory_space<vmem_shared>>)
    %barrier3A = arith.constant 0 : index
    tpu.barrier barrier_id(%barrier3A)
    %dma_start3A_73 = arith.constant 0 : i32
    %dma_start3A_74 = arith.constant 0 : i32
    %dma_start3A_75 = arith.constant 0 : i32
    %dma_start3A_76 = arith.constant 0 : i32
    %dma_start3A_77 = tpu.memref_slice %arg7[%dma_start3A_73, %dma_start3A_75, %dma_start3A_76] : memref<5x80x16xf32, #tpu.memory_space<vmem>> -> memref<1x80x16xf32, #tpu.memory_space<vmem>>
    %dma_start3A_78 = tpu.memref_squeeze %dma_start3A_77 : memref<1x80x16xf32, #tpu.memory_space<vmem>> -> memref<80x16xf32, #tpu.memory_space<vmem>>
    %dma_start3A_79 = arith.constant 0 : i32
    %dma_start3A_80 = tpu.memref_slice %arg5[%dma_start3A_79] : memref<10000xi32, #tpu.memory_space<vmem>> -> memref<80xi32, #tpu.memory_space<vmem>>
    %dma_start3A_81 = arith.constant 0 : i32
    %dma_start3A_82 = arith.constant 0 : i32
    %dma_start3A_83 = tpu.memref_slice %arg10[%dma_start3A_81, %dma_start3A_82] : memref<10240x16xf32, #tpu.memory_space<vmem_shared>> -> memref<10240x16xf32, #tpu.memory_space<vmem_shared>>
    %dma_start3A_84 = tpu.memref_slice %arg11[%dma_start3A_74] : memref<5x!tpu.dma_semaphore, #tpu.memory_space<semaphore_mem>> -> memref<1x!tpu.dma_semaphore, #tpu.memory_space<semaphore_mem>>
    %dma_start3A_85 = tpu.memref_squeeze %dma_start3A_84 : memref<1x!tpu.dma_semaphore, #tpu.memory_space<semaphore_mem>> -> memref<!tpu.dma_semaphore, #tpu.memory_space<semaphore_mem>>
    tpu.enqueue_indirect_dma source(%dma_start3A_83 : memref<10240x16xf32, #tpu.memory_space<vmem_shared>>) target(%dma_start3A_78 : memref<80x16xf32, #tpu.memory_space<vmem>>) offsets(%dma_start3A_80 : memref<80xi32, #tpu.memory_space<vmem>>) semaphore(%dma_start3A_85 : memref<!tpu.dma_semaphore, #tpu.memory_space<semaphore_mem>>)
    %dma_start3A_86 = arith.constant 1 : i32
    %dma_start3A_87 = arith.constant 1 : i32
    %dma_start3A_88 = arith.constant 0 : i32
    %dma_start3A_89 = arith.constant 0 : i32
    %dma_start3A_90 = tpu.memref_slice %arg7[%dma_start3A_86, %dma_start3A_88, %dma_start3A_89] : memref<5x80x16xf32, #tpu.memory_space<vmem>> -> memref<1x80x16xf32, #tpu.memory_space<vmem>>
    %dma_start3A_91 = tpu.memref_squeeze %dma_start3A_90 : memref<1x80x16xf32, #tpu.memory_space<vmem>> -> memref<80x16xf32, #tpu.memory_space<vmem>>
    %dma_start3A_92 = arith.constant 80 : i32
    %dma_start3A_93 = tpu.memref_slice %arg5[%dma_start3A_92] : memref<10000xi32, #tpu.memory_space<vmem>> -> memref<80xi32, #tpu.memory_space<vmem>>
    %dma_start3A_94 = arith.constant 0 : i32
    %dma_start3A_95 = arith.constant 0 : i32
    %dma_start3A_96 = tpu.memref_slice %arg10[%dma_start3A_94, %dma_start3A_95] : memref<10240x16xf32, #tpu.memory_space<vmem_shared>> -> memref<10240x16xf32, #tpu.memory_space<vmem_shared>>
    %dma_start3A_97 = tpu.memref_slice %arg11[%dma_start3A_87] : memref<5x!tpu.dma_semaphore, #tpu.memory_space<semaphore_mem>> -> memref<1x!tpu.dma_semaphore, #tpu.memory_space<semaphore_mem>>
    %dma_start3A_98 = tpu.memref_squeeze %dma_start3A_97 : memref<1x!tpu.dma_semaphore, #tpu.memory_space<semaphore_mem>> -> memref<!tpu.dma_semaphore, #tpu.memory_space<semaphore_mem>>
    tpu.enqueue_indirect_dma source(%dma_start3A_96 : memref<10240x16xf32, #tpu.memory_space<vmem_shared>>) target(%dma_start3A_91 : memref<80x16xf32, #tpu.memory_space<vmem>>) offsets(%dma_start3A_93 : memref<80xi32, #tpu.memory_space<vmem>>) semaphore(%dma_start3A_98 : memref<!tpu.dma_semaphore, #tpu.memory_space<semaphore_mem>>)
    %dma_start3A_99 = arith.constant 2 : i32
    %dma_start3A_100 = arith.constant 2 : i32
    %dma_start3A_101 = arith.constant 0 : i32
    %dma_start3A_102 = arith.constant 0 : i32
    %dma_start3A_103 = tpu.memref_slice %arg7[%dma_start3A_99, %dma_start3A_101, %dma_start3A_102] : memref<5x80x16xf32, #tpu.memory_space<vmem>> -> memref<1x80x16xf32, #tpu.memory_space<vmem>>
    %dma_start3A_104 = tpu.memref_squeeze %dma_start3A_103 : memref<1x80x16xf32, #tpu.memory_space<vmem>> -> memref<80x16xf32, #tpu.memory_space<vmem>>
    %dma_start3A_105 = arith.constant 160 : i32
    %dma_start3A_106 = tpu.memref_slice %arg5[%dma_start3A_105] : memref<10000xi32, #tpu.memory_space<vmem>> -> memref<80xi32, #tpu.memory_space<vmem>>
    %dma_start3A_107 = arith.constant 0 : i32
    %dma_start3A_108 = arith.constant 0 : i32
    %dma_start3A_109 = tpu.memref_slice %arg10[%dma_start3A_107, %dma_start3A_108] : memref<10240x16xf32, #tpu.memory_space<vmem_shared>> -> memref<10240x16xf32, #tpu.memory_space<vmem_shared>>
    %dma_start3A_110 = tpu.memref_slice %arg11[%dma_start3A_100] : memref<5x!tpu.dma_semaphore, #tpu.memory_space<semaphore_mem>> -> memref<1x!tpu.dma_semaphore, #tpu.memory_space<semaphore_mem>>
    %dma_start3A_111 = tpu.memref_squeeze %dma_start3A_110 : memref<1x!tpu.dma_semaphore, #tpu.memory_space<semaphore_mem>> -> memref<!tpu.dma_semaphore, #tpu.memory_space<semaphore_mem>>
    tpu.enqueue_indirect_dma source(%dma_start3A_109 : memref<10240x16xf32, #tpu.memory_space<vmem_shared>>) target(%dma_start3A_104 : memref<80x16xf32, #tpu.memory_space<vmem>>) offsets(%dma_start3A_106 : memref<80xi32, #tpu.memory_space<vmem>>) semaphore(%dma_start3A_111 : memref<!tpu.dma_semaphore, #tpu.memory_space<semaphore_mem>>)
    %dma_start3A_112 = arith.constant 3 : i32
    %dma_start3A_113 = arith.constant 3 : i32
    %dma_start3A_114 = arith.constant 0 : i32
    %dma_start3A_115 = arith.constant 0 : i32
    %dma_start3A_116 = tpu.memref_slice %arg7[%dma_start3A_112, %dma_start3A_114, %dma_start3A_115] : memref<5x80x16xf32, #tpu.memory_space<vmem>> -> memref<1x80x16xf32, #tpu.memory_space<vmem>>
    %dma_start3A_117 = tpu.memref_squeeze %dma_start3A_116 : memref<1x80x16xf32, #tpu.memory_space<vmem>> -> memref<80x16xf32, #tpu.memory_space<vmem>>
    %dma_start3A_118 = arith.constant 240 : i32
    %dma_start3A_119 = tpu.memref_slice %arg5[%dma_start3A_118] : memref<10000xi32, #tpu.memory_space<vmem>> -> memref<80xi32, #tpu.memory_space<vmem>>
    %dma_start3A_120 = arith.constant 0 : i32
    %dma_start3A_121 = arith.constant 0 : i32
    %dma_start3A_122 = tpu.memref_slice %arg10[%dma_start3A_120, %dma_start3A_121] : memref<10240x16xf32, #tpu.memory_space<vmem_shared>> -> memref<10240x16xf32, #tpu.memory_space<vmem_shared>>
    %dma_start3A_123 = tpu.memref_slice %arg11[%dma_start3A_113] : memref<5x!tpu.dma_semaphore, #tpu.memory_space<semaphore_mem>> -> memref<1x!tpu.dma_semaphore, #tpu.memory_space<semaphore_mem>>
    %dma_start3A_124 = tpu.memref_squeeze %dma_start3A_123 : memref<1x!tpu.dma_semaphore, #tpu.memory_space<semaphore_mem>> -> memref<!tpu.dma_semaphore, #tpu.memory_space<semaphore_mem>>
    tpu.enqueue_indirect_dma source(%dma_start3A_122 : memref<10240x16xf32, #tpu.memory_space<vmem_shared>>) target(%dma_start3A_117 : memref<80x16xf32, #tpu.memory_space<vmem>>) offsets(%dma_start3A_119 : memref<80xi32, #tpu.memory_space<vmem>>) semaphore(%dma_start3A_124 : memref<!tpu.dma_semaphore, #tpu.memory_space<semaphore_mem>>)
    %dma_wait3A_125 = arith.constant 0 : i32
    %dma_wait3A_126 = arith.constant 0 : i32
    %dma_wait3A_127 = arith.constant 0 : i32
    %dma_wait3A_128 = arith.constant 0 : i32
    %dma_wait3A_129 = tpu.memref_slice %arg7[%dma_wait3A_125, %dma_wait3A_127, %dma_wait3A_128] : memref<5x80x16xf32, #tpu.memory_space<vmem>> -> memref<1x80x16xf32, #tpu.memory_space<vmem>>
    %dma_wait3A_130 = tpu.memref_squeeze %dma_wait3A_129 : memref<1x80x16xf32, #tpu.memory_space<vmem>> -> memref<80x16xf32, #tpu.memory_space<vmem>>
    %dma_wait3A_131 = arith.constant 0 : i32
    %dma_wait3A_132 = tpu.memref_slice %arg5[%dma_wait3A_131] : memref<10000xi32, #tpu.memory_space<vmem>> -> memref<80xi32, #tpu.memory_space<vmem>>
    %dma_wait3A_133 = arith.constant 0 : i32
    %dma_wait3A_134 = arith.constant 0 : i32
    %dma_wait3A_135 = tpu.memref_slice %arg10[%dma_wait3A_133, %dma_wait3A_134] : memref<10240x16xf32, #tpu.memory_space<vmem_shared>> -> memref<10240x16xf32, #tpu.memory_space<vmem_shared>>
    %dma_wait3A_136 = tpu.memref_slice %arg11[%dma_wait3A_126] : memref<5x!tpu.dma_semaphore, #tpu.memory_space<semaphore_mem>> -> memref<1x!tpu.dma_semaphore, #tpu.memory_space<semaphore_mem>>
    %dma_wait3A_137 = tpu.memref_squeeze %dma_wait3A_136 : memref<1x!tpu.dma_semaphore, #tpu.memory_space<semaphore_mem>> -> memref<!tpu.dma_semaphore, #tpu.memory_space<semaphore_mem>>
    tpu.wait_indirect_dma semaphore(%dma_wait3A_137 : memref<!tpu.dma_semaphore, #tpu.memory_space<semaphore_mem>>) src(%dma_wait3A_135 : memref<10240x16xf32, #tpu.memory_space<vmem_shared>>) dst(%dma_wait3A_130 : memref<80x16xf32, #tpu.memory_space<vmem>>)
    %dma_start3A_138 = arith.constant 0 : i32
    %dma_start3A_139 = arith.constant 0 : i32
    %dma_start3A_140 = arith.constant 0 : i32
    %dma_start3A_141 = arith.constant 0 : i32
    %dma_start3A_142 = tpu.memref_slice %arg7[%dma_start3A_138, %dma_start3A_140, %dma_start3A_141] : memref<5x80x16xf32, #tpu.memory_space<vmem>> -> memref<1x80x16xf32, #tpu.memory_space<vmem>>
    %dma_start3A_143 = tpu.memref_squeeze %dma_start3A_142 : memref<1x80x16xf32, #tpu.memory_space<vmem>> -> memref<80x16xf32, #tpu.memory_space<vmem>>
    %dma_start3A_144 = arith.constant 0 : i32
    %dma_start3A_145 = tpu.memref_slice %arg6[%dma_start3A_144] : memref<10000xi32, #tpu.memory_space<vmem>> -> memref<80xi32, #tpu.memory_space<vmem>>
    %dma_start3A_146 = arith.constant 0 : i32
    %dma_start3A_147 = arith.constant 0 : i32
    %dma_start3A_148 = tpu.memref_slice %arg9[%dma_start3A_146, %dma_start3A_147] : memref<10240x16xf32, #tpu.memory_space<vmem_shared>> -> memref<10240x16xf32, #tpu.memory_space<vmem_shared>>
    %dma_start3A_149 = tpu.memref_slice %arg12[%dma_start3A_139] : memref<5x!tpu.dma_semaphore, #tpu.memory_space<semaphore_mem>> -> memref<1x!tpu.dma_semaphore, #tpu.memory_space<semaphore_mem>>
    %dma_start3A_150 = tpu.memref_squeeze %dma_start3A_149 : memref<1x!tpu.dma_semaphore, #tpu.memory_space<semaphore_mem>> -> memref<!tpu.dma_semaphore, #tpu.memory_space<semaphore_mem>>
    tpu.enqueue_indirect_dma source(%dma_start3A_143 : memref<80x16xf32, #tpu.memory_space<vmem>>) target(%dma_start3A_148 : memref<10240x16xf32, #tpu.memory_space<vmem_shared>>) offsets(%dma_start3A_145 : memref<80xi32, #tpu.memory_space<vmem>>) semaphore(%dma_start3A_150 : memref<!tpu.dma_semaphore, #tpu.memory_space<semaphore_mem>>) {add = true}
    %dma_start3A_151 = arith.constant 4 : i32
    %dma_start3A_152 = arith.constant 4 : i32
    %dma_start3A_153 = arith.constant 0 : i32
    %dma_start3A_154 = arith.constant 0 : i32
    %dma_start3A_155 = tpu.memref_slice %arg7[%dma_start3A_151, %dma_start3A_153, %dma_start3A_154] : memref<5x80x16xf32, #tpu.memory_space<vmem>> -> memref<1x80x16xf32, #tpu.memory_space<vmem>>
    %dma_start3A_156 = tpu.memref_squeeze %dma_start3A_155 : memref<1x80x16xf32, #tpu.memory_space<vmem>> -> memref<80x16xf32, #tpu.memory_space<vmem>>
    %dma_start3A_157 = arith.constant 320 : i32
    %dma_start3A_158 = tpu.memref_slice %arg5[%dma_start3A_157] : memref<10000xi32, #tpu.memory_space<vmem>> -> memref<80xi32, #tpu.memory_space<vmem>>
    %dma_start3A_159 = arith.constant 0 : i32
    %dma_start3A_160 = arith.constant 0 : i32
    %dma_start3A_161 = tpu.memref_slice %arg10[%dma_start3A_159, %dma_start3A_160] : memref<10240x16xf32, #tpu.memory_space<vmem_shared>> -> memref<10240x16xf32, #tpu.memory_space<vmem_shared>>
    %dma_start3A_162 = tpu.memref_slice %arg11[%dma_start3A_152] : memref<5x!tpu.dma_semaphore, #tpu.memory_space<semaphore_mem>> -> memref<1x!tpu.dma_semaphore, #tpu.memory_space<semaphore_mem>>
    %dma_start3A_163 = tpu.memref_squeeze %dma_start3A_162 : memref<1x!tpu.dma_semaphore, #tpu.memory_space<semaphore_mem>> -> memref<!tpu.dma_semaphore, #tpu.memory_space<semaphore_mem>>
    tpu.enqueue_indirect_dma source(%dma_start3A_161 : memref<10240x16xf32, #tpu.memory_space<vmem_shared>>) target(%dma_start3A_156 : memref<80x16xf32, #tpu.memory_space<vmem>>) offsets(%dma_start3A_158 : memref<80xi32, #tpu.memory_space<vmem>>) semaphore(%dma_start3A_163 : memref<!tpu.dma_semaphore, #tpu.memory_space<semaphore_mem>>)
    %dma_wait3A_164 = arith.constant 1 : i32
    %dma_wait3A_165 = arith.constant 1 : i32
    %dma_wait3A_166 = arith.constant 0 : i32
    %dma_wait3A_167 = arith.constant 0 : i32
    %dma_wait3A_168 = tpu.memref_slice %arg7[%dma_wait3A_164, %dma_wait3A_166, %dma_wait3A_167] : memref<5x80x16xf32, #tpu.memory_space<vmem>> -> memref<1x80x16xf32, #tpu.memory_space<vmem>>
    %dma_wait3A_169 = tpu.memref_squeeze %dma_wait3A_168 : memref<1x80x16xf32, #tpu.memory_space<vmem>> -> memref<80x16xf32, #tpu.memory_space<vmem>>
    %dma_wait3A_170 = arith.constant 80 : i32
    %dma_wait3A_171 = tpu.memref_slice %arg5[%dma_wait3A_170] : memref<10000xi32, #tpu.memory_space<vmem>> -> memref<80xi32, #tpu.memory_space<vmem>>
    %dma_wait3A_172 = arith.constant 0 : i32
    %dma_wait3A_173 = arith.constant 0 : i32
    %dma_wait3A_174 = tpu.memref_slice %arg10[%dma_wait3A_172, %dma_wait3A_173] : memref<10240x16xf32, #tpu.memory_space<vmem_shared>> -> memref<10240x16xf32, #tpu.memory_space<vmem_shared>>
    %dma_wait3A_175 = tpu.memref_slice %arg11[%dma_wait3A_165] : memref<5x!tpu.dma_semaphore, #tpu.memory_space<semaphore_mem>> -> memref<1x!tpu.dma_semaphore, #tpu.memory_space<semaphore_mem>>
    %dma_wait3A_176 = tpu.memref_squeeze %dma_wait3A_175 : memref<1x!tpu.dma_semaphore, #tpu.memory_space<semaphore_mem>> -> memref<!tpu.dma_semaphore, #tpu.memory_space<semaphore_mem>>
    tpu.wait_indirect_dma semaphore(%dma_wait3A_176 : memref<!tpu.dma_semaphore, #tpu.memory_space<semaphore_mem>>) src(%dma_wait3A_174 : memref<10240x16xf32, #tpu.memory_space<vmem_shared>>) dst(%dma_wait3A_169 : memref<80x16xf32, #tpu.memory_space<vmem>>)
    %dma_start3A_177 = arith.constant 1 : i32
    %dma_start3A_178 = arith.constant 1 : i32
    %dma_start3A_179 = arith.constant 0 : i32
    %dma_start3A_180 = arith.constant 0 : i32
    %dma_start3A_181 = tpu.memref_slice %arg7[%dma_start3A_177, %dma_start3A_179, %dma_start3A_180] : memref<5x80x16xf32, #tpu.memory_space<vmem>> -> memref<1x80x16xf32, #tpu.memory_space<vmem>>
    %dma_start3A_182 = tpu.memref_squeeze %dma_start3A_181 : memref<1x80x16xf32, #tpu.memory_space<vmem>> -> memref<80x16xf32, #tpu.memory_space<vmem>>
    %dma_start3A_183 = arith.constant 80 : i32
    %dma_start3A_184 = tpu.memref_slice %arg6[%dma_start3A_183] : memref<10000xi32, #tpu.memory_space<vmem>> -> memref<80xi32, #tpu.memory_space<vmem>>
    %dma_start3A_185 = arith.constant 0 : i32
    %dma_start3A_186 = arith.constant 0 : i32
    %dma_start3A_187 = tpu.memref_slice %arg9[%dma_start3A_185, %dma_start3A_186] : memref<10240x16xf32, #tpu.memory_space<vmem_shared>> -> memref<10240x16xf32, #tpu.memory_space<vmem_shared>>
    %dma_start3A_188 = tpu.memref_slice %arg12[%dma_start3A_178] : memref<5x!tpu.dma_semaphore, #tpu.memory_space<semaphore_mem>> -> memref<1x!tpu.dma_semaphore, #tpu.memory_space<semaphore_mem>>
    %dma_start3A_189 = tpu.memref_squeeze %dma_start3A_188 : memref<1x!tpu.dma_semaphore, #tpu.memory_space<semaphore_mem>> -> memref<!tpu.dma_semaphore, #tpu.memory_space<semaphore_mem>>
    tpu.enqueue_indirect_dma source(%dma_start3A_182 : memref<80x16xf32, #tpu.memory_space<vmem>>) target(%dma_start3A_187 : memref<10240x16xf32, #tpu.memory_space<vmem_shared>>) offsets(%dma_start3A_184 : memref<80xi32, #tpu.memory_space<vmem>>) semaphore(%dma_start3A_189 : memref<!tpu.dma_semaphore, #tpu.memory_space<semaphore_mem>>) {add = true}
    %scan3A_190 = arith.constant 0 : i32
    %scan3A_191 = arith.constant 24 : i32
    %scan3A_192 = arith.addi %scan3A_190, %scan3A_191 : i32
    %scan3A_193 = arith.constant 1 : i32
    scf.for %scan3A_343 = %scan3A_190 to %scan3A_192 step %scan3A_193  : i32 {
      %mul3A_344 = arith.constant 5 : i32
      %mul3A_345 = arith.muli %scan3A_343, %mul3A_344 : i32
      %add3A_346 = arith.constant 2 : i32
      %add3A_347 = arith.addi %add3A_346, %mul3A_345 : i32
      %add3A_348 = arith.constant 0 : i32
      %add3A_349 = arith.addi %add3A_347, %add3A_348 : i32
      %sub3A = arith.constant 2 : i32
      %sub3A_350 = arith.subi %add3A_349, %sub3A : i32
      %mul3A_351 = arith.constant 80 : i32
      %mul3A_352 = arith.muli %sub3A_350, %mul3A_351 : i32
      %dma_wait3A_353 = arith.constant 0 : i32
      %dma_wait3A_354 = arith.constant 0 : i32
      %dma_wait3A_355 = arith.constant 0 : i32
      %dma_wait3A_356 = arith.constant 0 : i32
      %dma_wait3A_357 = tpu.memref_slice %arg7[%dma_wait3A_353, %dma_wait3A_355, %dma_wait3A_356] : memref<5x80x16xf32, #tpu.memory_space<vmem>> -> memref<1x80x16xf32, #tpu.memory_space<vmem>>
      %dma_wait3A_358 = tpu.memref_squeeze %dma_wait3A_357 : memref<1x80x16xf32, #tpu.memory_space<vmem>> -> memref<80x16xf32, #tpu.memory_space<vmem>>
      %dma_wait3A_359 = tpu.memref_slice %arg6[%mul3A_352] : memref<10000xi32, #tpu.memory_space<vmem>> -> memref<80xi32, #tpu.memory_space<vmem>>
      %dma_wait3A_360 = arith.constant 0 : i32
      %dma_wait3A_361 = arith.constant 0 : i32
      %dma_wait3A_362 = tpu.memref_slice %arg9[%dma_wait3A_360, %dma_wait3A_361] : memref<10240x16xf32, #tpu.memory_space<vmem_shared>> -> memref<10240x16xf32, #tpu.memory_space<vmem_shared>>
      %dma_wait3A_363 = tpu.memref_slice %arg12[%dma_wait3A_354] : memref<5x!tpu.dma_semaphore, #tpu.memory_space<semaphore_mem>> -> memref<1x!tpu.dma_semaphore, #tpu.memory_space<semaphore_mem>>
      %dma_wait3A_364 = tpu.memref_squeeze %dma_wait3A_363 : memref<1x!tpu.dma_semaphore, #tpu.memory_space<semaphore_mem>> -> memref<!tpu.dma_semaphore, #tpu.memory_space<semaphore_mem>>
      tpu.wait_indirect_dma semaphore(%dma_wait3A_364 : memref<!tpu.dma_semaphore, #tpu.memory_space<semaphore_mem>>) src(%dma_wait3A_358 : memref<80x16xf32, #tpu.memory_space<vmem>>) dst(%dma_wait3A_362 : memref<10240x16xf32, #tpu.memory_space<vmem_shared>>)
      %add3A_365 = arith.constant 3 : i32
      %add3A_366 = arith.addi %add3A_349, %add3A_365 : i32
      %mul3A_367 = arith.constant 80 : i32
      %mul3A_368 = arith.muli %add3A_366, %mul3A_367 : i32
      %dma_start3A_369 = arith.constant 0 : i32
      %dma_start3A_370 = arith.constant 0 : i32
      %dma_start3A_371 = arith.constant 0 : i32
      %dma_start3A_372 = arith.constant 0 : i32
      %dma_start3A_373 = tpu.memref_slice %arg7[%dma_start3A_369, %dma_start3A_371, %dma_start3A_372] : memref<5x80x16xf32, #tpu.memory_space<vmem>> -> memref<1x80x16xf32, #tpu.memory_space<vmem>>
      %dma_start3A_374 = tpu.memref_squeeze %dma_start3A_373 : memref<1x80x16xf32, #tpu.memory_space<vmem>> -> memref<80x16xf32, #tpu.memory_space<vmem>>
      %dma_start3A_375 = tpu.memref_slice %arg5[%mul3A_368] : memref<10000xi32, #tpu.memory_space<vmem>> -> memref<80xi32, #tpu.memory_space<vmem>>
      %dma_start3A_376 = arith.constant 0 : i32
      %dma_start3A_377 = arith.constant 0 : i32
      %dma_start3A_378 = tpu.memref_slice %arg10[%dma_start3A_376, %dma_start3A_377] : memref<10240x16xf32, #tpu.memory_space<vmem_shared>> -> memref<10240x16xf32, #tpu.memory_space<vmem_shared>>
      %dma_start3A_379 = tpu.memref_slice %arg11[%dma_start3A_370] : memref<5x!tpu.dma_semaphore, #tpu.memory_space<semaphore_mem>> -> memref<1x!tpu.dma_semaphore, #tpu.memory_space<semaphore_mem>>
      %dma_start3A_380 = tpu.memref_squeeze %dma_start3A_379 : memref<1x!tpu.dma_semaphore, #tpu.memory_space<semaphore_mem>> -> memref<!tpu.dma_semaphore, #tpu.memory_space<semaphore_mem>>
      tpu.enqueue_indirect_dma source(%dma_start3A_378 : memref<10240x16xf32, #tpu.memory_space<vmem_shared>>) target(%dma_start3A_374 : memref<80x16xf32, #tpu.memory_space<vmem>>) offsets(%dma_start3A_375 : memref<80xi32, #tpu.memory_space<vmem>>) semaphore(%dma_start3A_380 : memref<!tpu.dma_semaphore, #tpu.memory_space<semaphore_mem>>)
      %mul3A_381 = arith.constant 80 : i32
      %mul3A_382 = arith.muli %add3A_349, %mul3A_381 : i32
      %dma_wait3A_383 = arith.constant 2 : i32
      %dma_wait3A_384 = arith.constant 2 : i32
      %dma_wait3A_385 = arith.constant 0 : i32
      %dma_wait3A_386 = arith.constant 0 : i32
      %dma_wait3A_387 = tpu.memref_slice %arg7[%dma_wait3A_383, %dma_wait3A_385, %dma_wait3A_386] : memref<5x80x16xf32, #tpu.memory_space<vmem>> -> memref<1x80x16xf32, #tpu.memory_space<vmem>>
      %dma_wait3A_388 = tpu.memref_squeeze %dma_wait3A_387 : memref<1x80x16xf32, #tpu.memory_space<vmem>> -> memref<80x16xf32, #tpu.memory_space<vmem>>
      %dma_wait3A_389 = tpu.memref_slice %arg5[%mul3A_382] : memref<10000xi32, #tpu.memory_space<vmem>> -> memref<80xi32, #tpu.memory_space<vmem>>
      %dma_wait3A_390 = arith.constant 0 : i32
      %dma_wait3A_391 = arith.constant 0 : i32
      %dma_wait3A_392 = tpu.memref_slice %arg10[%dma_wait3A_390, %dma_wait3A_391] : memref<10240x16xf32, #tpu.memory_space<vmem_shared>> -> memref<10240x16xf32, #tpu.memory_space<vmem_shared>>
      %dma_wait3A_393 = tpu.memref_slice %arg11[%dma_wait3A_384] : memref<5x!tpu.dma_semaphore, #tpu.memory_space<semaphore_mem>> -> memref<1x!tpu.dma_semaphore, #tpu.memory_space<semaphore_mem>>
      %dma_wait3A_394 = tpu.memref_squeeze %dma_wait3A_393 : memref<1x!tpu.dma_semaphore, #tpu.memory_space<semaphore_mem>> -> memref<!tpu.dma_semaphore, #tpu.memory_space<semaphore_mem>>
      tpu.wait_indirect_dma semaphore(%dma_wait3A_394 : memref<!tpu.dma_semaphore, #tpu.memory_space<semaphore_mem>>) src(%dma_wait3A_392 : memref<10240x16xf32, #tpu.memory_space<vmem_shared>>) dst(%dma_wait3A_388 : memref<80x16xf32, #tpu.memory_space<vmem>>)
      %mul3A_395 = arith.constant 80 : i32
      %mul3A_396 = arith.muli %add3A_349, %mul3A_395 : i32
      %dma_start3A_397 = arith.constant 2 : i32
      %dma_start3A_398 = arith.constant 2 : i32
      %dma_start3A_399 = arith.constant 0 : i32
      %dma_start3A_400 = arith.constant 0 : i32
      %dma_start3A_401 = tpu.memref_slice %arg7[%dma_start3A_397, %dma_start3A_399, %dma_start3A_400] : memref<5x80x16xf32, #tpu.memory_space<vmem>> -> memref<1x80x16xf32, #tpu.memory_space<vmem>>
      %dma_start3A_402 = tpu.memref_squeeze %dma_start3A_401 : memref<1x80x16xf32, #tpu.memory_space<vmem>> -> memref<80x16xf32, #tpu.memory_space<vmem>>
      %dma_start3A_403 = tpu.memref_slice %arg6[%mul3A_396] : memref<10000xi32, #tpu.memory_space<vmem>> -> memref<80xi32, #tpu.memory_space<vmem>>
      %dma_start3A_404 = arith.constant 0 : i32
      %dma_start3A_405 = arith.constant 0 : i32
      %dma_start3A_406 = tpu.memref_slice %arg9[%dma_start3A_404, %dma_start3A_405] : memref<10240x16xf32, #tpu.memory_space<vmem_shared>> -> memref<10240x16xf32, #tpu.memory_space<vmem_shared>>
      %dma_start3A_407 = tpu.memref_slice %arg12[%dma_start3A_398] : memref<5x!tpu.dma_semaphore, #tpu.memory_space<semaphore_mem>> -> memref<1x!tpu.dma_semaphore, #tpu.memory_space<semaphore_mem>>
      %dma_start3A_408 = tpu.memref_squeeze %dma_start3A_407 : memref<1x!tpu.dma_semaphore, #tpu.memory_space<semaphore_mem>> -> memref<!tpu.dma_semaphore, #tpu.memory_space<semaphore_mem>>
      tpu.enqueue_indirect_dma source(%dma_start3A_402 : memref<80x16xf32, #tpu.memory_space<vmem>>) target(%dma_start3A_406 : memref<10240x16xf32, #tpu.memory_space<vmem_shared>>) offsets(%dma_start3A_403 : memref<80xi32, #tpu.memory_space<vmem>>) semaphore(%dma_start3A_408 : memref<!tpu.dma_semaphore, #tpu.memory_space<semaphore_mem>>) {add = true}
      %add3A_409 = arith.constant 1 : i32
      %add3A_410 = arith.addi %add3A_347, %add3A_409 : i32
      %sub3A_411 = arith.constant 2 : i32
      %sub3A_412 = arith.subi %add3A_410, %sub3A_411 : i32
      %mul3A_413 = arith.constant 80 : i32
      %mul3A_414 = arith.muli %sub3A_412, %mul3A_413 : i32
      %dma_wait3A_415 = arith.constant 1 : i32
      %dma_wait3A_416 = arith.constant 1 : i32
      %dma_wait3A_417 = arith.constant 0 : i32
      %dma_wait3A_418 = arith.constant 0 : i32
      %dma_wait3A_419 = tpu.memref_slice %arg7[%dma_wait3A_415, %dma_wait3A_417, %dma_wait3A_418] : memref<5x80x16xf32, #tpu.memory_space<vmem>> -> memref<1x80x16xf32, #tpu.memory_space<vmem>>
      %dma_wait3A_420 = tpu.memref_squeeze %dma_wait3A_419 : memref<1x80x16xf32, #tpu.memory_space<vmem>> -> memref<80x16xf32, #tpu.memory_space<vmem>>
      %dma_wait3A_421 = tpu.memref_slice %arg6[%mul3A_414] : memref<10000xi32, #tpu.memory_space<vmem>> -> memref<80xi32, #tpu.memory_space<vmem>>
      %dma_wait3A_422 = arith.constant 0 : i32
      %dma_wait3A_423 = arith.constant 0 : i32
      %dma_wait3A_424 = tpu.memref_slice %arg9[%dma_wait3A_422, %dma_wait3A_423] : memref<10240x16xf32, #tpu.memory_space<vmem_shared>> -> memref<10240x16xf32, #tpu.memory_space<vmem_shared>>
      %dma_wait3A_425 = tpu.memref_slice %arg12[%dma_wait3A_416] : memref<5x!tpu.dma_semaphore, #tpu.memory_space<semaphore_mem>> -> memref<1x!tpu.dma_semaphore, #tpu.memory_space<semaphore_mem>>
      %dma_wait3A_426 = tpu.memref_squeeze %dma_wait3A_425 : memref<1x!tpu.dma_semaphore, #tpu.memory_space<semaphore_mem>> -> memref<!tpu.dma_semaphore, #tpu.memory_space<semaphore_mem>>
      tpu.wait_indirect_dma semaphore(%dma_wait3A_426 : memref<!tpu.dma_semaphore, #tpu.memory_space<semaphore_mem>>) src(%dma_wait3A_420 : memref<80x16xf32, #tpu.memory_space<vmem>>) dst(%dma_wait3A_424 : memref<10240x16xf32, #tpu.memory_space<vmem_shared>>)
      %add3A_427 = arith.constant 3 : i32
      %add3A_428 = arith.addi %add3A_410, %add3A_427 : i32
      %mul3A_429 = arith.constant 80 : i32
      %mul3A_430 = arith.muli %add3A_428, %mul3A_429 : i32
      %dma_start3A_431 = arith.constant 1 : i32
      %dma_start3A_432 = arith.constant 1 : i32
      %dma_start3A_433 = arith.constant 0 : i32
      %dma_start3A_434 = arith.constant 0 : i32
      %dma_start3A_435 = tpu.memref_slice %arg7[%dma_start3A_431, %dma_start3A_433, %dma_start3A_434] : memref<5x80x16xf32, #tpu.memory_space<vmem>> -> memref<1x80x16xf32, #tpu.memory_space<vmem>>
      %dma_start3A_436 = tpu.memref_squeeze %dma_start3A_435 : memref<1x80x16xf32, #tpu.memory_space<vmem>> -> memref<80x16xf32, #tpu.memory_space<vmem>>
      %dma_start3A_437 = tpu.memref_slice %arg5[%mul3A_430] : memref<10000xi32, #tpu.memory_space<vmem>> -> memref<80xi32, #tpu.memory_space<vmem>>
      %dma_start3A_438 = arith.constant 0 : i32
      %dma_start3A_439 = arith.constant 0 : i32
      %dma_start3A_440 = tpu.memref_slice %arg10[%dma_start3A_438, %dma_start3A_439] : memref<10240x16xf32, #tpu.memory_space<vmem_shared>> -> memref<10240x16xf32, #tpu.memory_space<vmem_shared>>
      %dma_start3A_441 = tpu.memref_slice %arg11[%dma_start3A_432] : memref<5x!tpu.dma_semaphore, #tpu.memory_space<semaphore_mem>> -> memref<1x!tpu.dma_semaphore, #tpu.memory_space<semaphore_mem>>
      %dma_start3A_442 = tpu.memref_squeeze %dma_start3A_441 : memref<1x!tpu.dma_semaphore, #tpu.memory_space<semaphore_mem>> -> memref<!tpu.dma_semaphore, #tpu.memory_space<semaphore_mem>>
      tpu.enqueue_indirect_dma source(%dma_start3A_440 : memref<10240x16xf32, #tpu.memory_space<vmem_shared>>) target(%dma_start3A_436 : memref<80x16xf32, #tpu.memory_space<vmem>>) offsets(%dma_start3A_437 : memref<80xi32, #tpu.memory_space<vmem>>) semaphore(%dma_start3A_442 : memref<!tpu.dma_semaphore, #tpu.memory_space<semaphore_mem>>)
      %mul3A_443 = arith.constant 80 : i32
      %mul3A_444 = arith.muli %add3A_410, %mul3A_443 : i32
      %dma_wait3A_445 = arith.constant 3 : i32
      %dma_wait3A_446 = arith.constant 3 : i32
      %dma_wait3A_447 = arith.constant 0 : i32
      %dma_wait3A_448 = arith.constant 0 : i32
      %dma_wait3A_449 = tpu.memref_slice %arg7[%dma_wait3A_445, %dma_wait3A_447, %dma_wait3A_448] : memref<5x80x16xf32, #tpu.memory_space<vmem>> -> memref<1x80x16xf32, #tpu.memory_space<vmem>>
      %dma_wait3A_450 = tpu.memref_squeeze %dma_wait3A_449 : memref<1x80x16xf32, #tpu.memory_space<vmem>> -> memref<80x16xf32, #tpu.memory_space<vmem>>
      %dma_wait3A_451 = tpu.memref_slice %arg5[%mul3A_444] : memref<10000xi32, #tpu.memory_space<vmem>> -> memref<80xi32, #tpu.memory_space<vmem>>
      %dma_wait3A_452 = arith.constant 0 : i32
      %dma_wait3A_453 = arith.constant 0 : i32
      %dma_wait3A_454 = tpu.memref_slice %arg10[%dma_wait3A_452, %dma_wait3A_453] : memref<10240x16xf32, #tpu.memory_space<vmem_shared>> -> memref<10240x16xf32, #tpu.memory_space<vmem_shared>>
      %dma_wait3A_455 = tpu.memref_slice %arg11[%dma_wait3A_446] : memref<5x!tpu.dma_semaphore, #tpu.memory_space<semaphore_mem>> -> memref<1x!tpu.dma_semaphore, #tpu.memory_space<semaphore_mem>>
      %dma_wait3A_456 = tpu.memref_squeeze %dma_wait3A_455 : memref<1x!tpu.dma_semaphore, #tpu.memory_space<semaphore_mem>> -> memref<!tpu.dma_semaphore, #tpu.memory_space<semaphore_mem>>
      tpu.wait_indirect_dma semaphore(%dma_wait3A_456 : memref<!tpu.dma_semaphore, #tpu.memory_space<semaphore_mem>>) src(%dma_wait3A_454 : memref<10240x16xf32, #tpu.memory_space<vmem_shared>>) dst(%dma_wait3A_450 : memref<80x16xf32, #tpu.memory_space<vmem>>)
      %mul3A_457 = arith.constant 80 : i32
      %mul3A_458 = arith.muli %add3A_410, %mul3A_457 : i32
      %dma_start3A_459 = arith.constant 3 : i32
      %dma_start3A_460 = arith.constant 3 : i32
      %dma_start3A_461 = arith.constant 0 : i32
      %dma_start3A_462 = arith.constant 0 : i32
      %dma_start3A_463 = tpu.memref_slice %arg7[%dma_start3A_459, %dma_start3A_461, %dma_start3A_462] : memref<5x80x16xf32, #tpu.memory_space<vmem>> -> memref<1x80x16xf32, #tpu.memory_space<vmem>>
      %dma_start3A_464 = tpu.memref_squeeze %dma_start3A_463 : memref<1x80x16xf32, #tpu.memory_space<vmem>> -> memref<80x16xf32, #tpu.memory_space<vmem>>
      %dma_start3A_465 = tpu.memref_slice %arg6[%mul3A_458] : memref<10000xi32, #tpu.memory_space<vmem>> -> memref<80xi32, #tpu.memory_space<vmem>>
      %dma_start3A_466 = arith.constant 0 : i32
      %dma_start3A_467 = arith.constant 0 : i32
      %dma_start3A_468 = tpu.memref_slice %arg9[%dma_start3A_466, %dma_start3A_467] : memref<10240x16xf32, #tpu.memory_space<vmem_shared>> -> memref<10240x16xf32, #tpu.memory_space<vmem_shared>>
      %dma_start3A_469 = tpu.memref_slice %arg12[%dma_start3A_460] : memref<5x!tpu.dma_semaphore, #tpu.memory_space<semaphore_mem>> -> memref<1x!tpu.dma_semaphore, #tpu.memory_space<semaphore_mem>>
      %dma_start3A_470 = tpu.memref_squeeze %dma_start3A_469 : memref<1x!tpu.dma_semaphore, #tpu.memory_space<semaphore_mem>> -> memref<!tpu.dma_semaphore, #tpu.memory_space<semaphore_mem>>
      tpu.enqueue_indirect_dma source(%dma_start3A_464 : memref<80x16xf32, #tpu.memory_space<vmem>>) target(%dma_start3A_468 : memref<10240x16xf32, #tpu.memory_space<vmem_shared>>) offsets(%dma_start3A_465 : memref<80xi32, #tpu.memory_space<vmem>>) semaphore(%dma_start3A_470 : memref<!tpu.dma_semaphore, #tpu.memory_space<semaphore_mem>>) {add = true}
      %add3A_471 = arith.constant 2 : i32
      %add3A_472 = arith.addi %add3A_347, %add3A_471 : i32
      %sub3A_473 = arith.constant 2 : i32
      %sub3A_474 = arith.subi %add3A_472, %sub3A_473 : i32
      %mul3A_475 = arith.constant 80 : i32
      %mul3A_476 = arith.muli %sub3A_474, %mul3A_475 : i32
      %dma_wait3A_477 = arith.constant 2 : i32
      %dma_wait3A_478 = arith.constant 2 : i32
      %dma_wait3A_479 = arith.constant 0 : i32
      %dma_wait3A_480 = arith.constant 0 : i32
      %dma_wait3A_481 = tpu.memref_slice %arg7[%dma_wait3A_477, %dma_wait3A_479, %dma_wait3A_480] : memref<5x80x16xf32, #tpu.memory_space<vmem>> -> memref<1x80x16xf32, #tpu.memory_space<vmem>>
      %dma_wait3A_482 = tpu.memref_squeeze %dma_wait3A_481 : memref<1x80x16xf32, #tpu.memory_space<vmem>> -> memref<80x16xf32, #tpu.memory_space<vmem>>
      %dma_wait3A_483 = tpu.memref_slice %arg6[%mul3A_476] : memref<10000xi32, #tpu.memory_space<vmem>> -> memref<80xi32, #tpu.memory_space<vmem>>
      %dma_wait3A_484 = arith.constant 0 : i32
      %dma_wait3A_485 = arith.constant 0 : i32
      %dma_wait3A_486 = tpu.memref_slice %arg9[%dma_wait3A_484, %dma_wait3A_485] : memref<10240x16xf32, #tpu.memory_space<vmem_shared>> -> memref<10240x16xf32, #tpu.memory_space<vmem_shared>>
      %dma_wait3A_487 = tpu.memref_slice %arg12[%dma_wait3A_478] : memref<5x!tpu.dma_semaphore, #tpu.memory_space<semaphore_mem>> -> memref<1x!tpu.dma_semaphore, #tpu.memory_space<semaphore_mem>>
      %dma_wait3A_488 = tpu.memref_squeeze %dma_wait3A_487 : memref<1x!tpu.dma_semaphore, #tpu.memory_space<semaphore_mem>> -> memref<!tpu.dma_semaphore, #tpu.memory_space<semaphore_mem>>
      tpu.wait_indirect_dma semaphore(%dma_wait3A_488 : memref<!tpu.dma_semaphore, #tpu.memory_space<semaphore_mem>>) src(%dma_wait3A_482 : memref<80x16xf32, #tpu.memory_space<vmem>>) dst(%dma_wait3A_486 : memref<10240x16xf32, #tpu.memory_space<vmem_shared>>)
      %add3A_489 = arith.constant 3 : i32
      %add3A_490 = arith.addi %add3A_472, %add3A_489 : i32
      %mul3A_491 = arith.constant 80 : i32
      %mul3A_492 = arith.muli %add3A_490, %mul3A_491 : i32
      %dma_start3A_493 = arith.constant 2 : i32
      %dma_start3A_494 = arith.constant 2 : i32
      %dma_start3A_495 = arith.constant 0 : i32
      %dma_start3A_496 = arith.constant 0 : i32
      %dma_start3A_497 = tpu.memref_slice %arg7[%dma_start3A_493, %dma_start3A_495, %dma_start3A_496] : memref<5x80x16xf32, #tpu.memory_space<vmem>> -> memref<1x80x16xf32, #tpu.memory_space<vmem>>
      %dma_start3A_498 = tpu.memref_squeeze %dma_start3A_497 : memref<1x80x16xf32, #tpu.memory_space<vmem>> -> memref<80x16xf32, #tpu.memory_space<vmem>>
      %dma_start3A_499 = tpu.memref_slice %arg5[%mul3A_492] : memref<10000xi32, #tpu.memory_space<vmem>> -> memref<80xi32, #tpu.memory_space<vmem>>
      %dma_start3A_500 = arith.constant 0 : i32
      %dma_start3A_501 = arith.constant 0 : i32
      %dma_start3A_502 = tpu.memref_slice %arg10[%dma_start3A_500, %dma_start3A_501] : memref<10240x16xf32, #tpu.memory_space<vmem_shared>> -> memref<10240x16xf32, #tpu.memory_space<vmem_shared>>
      %dma_start3A_503 = tpu.memref_slice %arg11[%dma_start3A_494] : memref<5x!tpu.dma_semaphore, #tpu.memory_space<semaphore_mem>> -> memref<1x!tpu.dma_semaphore, #tpu.memory_space<semaphore_mem>>
      %dma_start3A_504 = tpu.memref_squeeze %dma_start3A_503 : memref<1x!tpu.dma_semaphore, #tpu.memory_space<semaphore_mem>> -> memref<!tpu.dma_semaphore, #tpu.memory_space<semaphore_mem>>
      tpu.enqueue_indirect_dma source(%dma_start3A_502 : memref<10240x16xf32, #tpu.memory_space<vmem_shared>>) target(%dma_start3A_498 : memref<80x16xf32, #tpu.memory_space<vmem>>) offsets(%dma_start3A_499 : memref<80xi32, #tpu.memory_space<vmem>>) semaphore(%dma_start3A_504 : memref<!tpu.dma_semaphore, #tpu.memory_space<semaphore_mem>>)
      %mul3A_505 = arith.constant 80 : i32
      %mul3A_506 = arith.muli %add3A_472, %mul3A_505 : i32
      %dma_wait3A_507 = arith.constant 4 : i32
      %dma_wait3A_508 = arith.constant 4 : i32
      %dma_wait3A_509 = arith.constant 0 : i32
      %dma_wait3A_510 = arith.constant 0 : i32
      %dma_wait3A_511 = tpu.memref_slice %arg7[%dma_wait3A_507, %dma_wait3A_509, %dma_wait3A_510] : memref<5x80x16xf32, #tpu.memory_space<vmem>> -> memref<1x80x16xf32, #tpu.memory_space<vmem>>
      %dma_wait3A_512 = tpu.memref_squeeze %dma_wait3A_511 : memref<1x80x16xf32, #tpu.memory_space<vmem>> -> memref<80x16xf32, #tpu.memory_space<vmem>>
      %dma_wait3A_513 = tpu.memref_slice %arg5[%mul3A_506] : memref<10000xi32, #tpu.memory_space<vmem>> -> memref<80xi32, #tpu.memory_space<vmem>>
      %dma_wait3A_514 = arith.constant 0 : i32
      %dma_wait3A_515 = arith.constant 0 : i32
      %dma_wait3A_516 = tpu.memref_slice %arg10[%dma_wait3A_514, %dma_wait3A_515] : memref<10240x16xf32, #tpu.memory_space<vmem_shared>> -> memref<10240x16xf32, #tpu.memory_space<vmem_shared>>
      %dma_wait3A_517 = tpu.memref_slice %arg11[%dma_wait3A_508] : memref<5x!tpu.dma_semaphore, #tpu.memory_space<semaphore_mem>> -> memref<1x!tpu.dma_semaphore, #tpu.memory_space<semaphore_mem>>
      %dma_wait3A_518 = tpu.memref_squeeze %dma_wait3A_517 : memref<1x!tpu.dma_semaphore, #tpu.memory_space<semaphore_mem>> -> memref<!tpu.dma_semaphore, #tpu.memory_space<semaphore_mem>>
      tpu.wait_indirect_dma semaphore(%dma_wait3A_518 : memref<!tpu.dma_semaphore, #tpu.memory_space<semaphore_mem>>) src(%dma_wait3A_516 : memref<10240x16xf32, #tpu.memory_space<vmem_shared>>) dst(%dma_wait3A_512 : memref<80x16xf32, #tpu.memory_space<vmem>>)
      %mul3A_519 = arith.constant 80 : i32
      %mul3A_520 = arith.muli %add3A_472, %mul3A_519 : i32
      %dma_start3A_521 = arith.constant 4 : i32
      %dma_start3A_522 = arith.constant 4 : i32
      %dma_start3A_523 = arith.constant 0 : i32
      %dma_start3A_524 = arith.constant 0 : i32
      %dma_start3A_525 = tpu.memref_slice %arg7[%dma_start3A_521, %dma_start3A_523, %dma_start3A_524] : memref<5x80x16xf32, #tpu.memory_space<vmem>> -> memref<1x80x16xf32, #tpu.memory_space<vmem>>
      %dma_start3A_526 = tpu.memref_squeeze %dma_start3A_525 : memref<1x80x16xf32, #tpu.memory_space<vmem>> -> memref<80x16xf32, #tpu.memory_space<vmem>>
      %dma_start3A_527 = tpu.memref_slice %arg6[%mul3A_520] : memref<10000xi32, #tpu.memory_space<vmem>> -> memref<80xi32, #tpu.memory_space<vmem>>
      %dma_start3A_528 = arith.constant 0 : i32
      %dma_start3A_529 = arith.constant 0 : i32
      %dma_start3A_530 = tpu.memref_slice %arg9[%dma_start3A_528, %dma_start3A_529] : memref<10240x16xf32, #tpu.memory_space<vmem_shared>> -> memref<10240x16xf32, #tpu.memory_space<vmem_shared>>
      %dma_start3A_531 = tpu.memref_slice %arg12[%dma_start3A_522] : memref<5x!tpu.dma_semaphore, #tpu.memory_space<semaphore_mem>> -> memref<1x!tpu.dma_semaphore, #tpu.memory_space<semaphore_mem>>
      %dma_start3A_532 = tpu.memref_squeeze %dma_start3A_531 : memref<1x!tpu.dma_semaphore, #tpu.memory_space<semaphore_mem>> -> memref<!tpu.dma_semaphore, #tpu.memory_space<semaphore_mem>>
      tpu.enqueue_indirect_dma source(%dma_start3A_526 : memref<80x16xf32, #tpu.memory_space<vmem>>) target(%dma_start3A_530 : memref<10240x16xf32, #tpu.memory_space<vmem_shared>>) offsets(%dma_start3A_527 : memref<80xi32, #tpu.memory_space<vmem>>) semaphore(%dma_start3A_532 : memref<!tpu.dma_semaphore, #tpu.memory_space<semaphore_mem>>) {add = true}
      %add3A_533 = arith.constant 3 : i32
      %add3A_534 = arith.addi %add3A_347, %add3A_533 : i32
      %sub3A_535 = arith.constant 2 : i32
      %sub3A_536 = arith.subi %add3A_534, %sub3A_535 : i32
      %mul3A_537 = arith.constant 80 : i32
      %mul3A_538 = arith.muli %sub3A_536, %mul3A_537 : i32
      %dma_wait3A_539 = arith.constant 3 : i32
      %dma_wait3A_540 = arith.constant 3 : i32
      %dma_wait3A_541 = arith.constant 0 : i32
      %dma_wait3A_542 = arith.constant 0 : i32
      %dma_wait3A_543 = tpu.memref_slice %arg7[%dma_wait3A_539, %dma_wait3A_541, %dma_wait3A_542] : memref<5x80x16xf32, #tpu.memory_space<vmem>> -> memref<1x80x16xf32, #tpu.memory_space<vmem>>
      %dma_wait3A_544 = tpu.memref_squeeze %dma_wait3A_543 : memref<1x80x16xf32, #tpu.memory_space<vmem>> -> memref<80x16xf32, #tpu.memory_space<vmem>>
      %dma_wait3A_545 = tpu.memref_slice %arg6[%mul3A_538] : memref<10000xi32, #tpu.memory_space<vmem>> -> memref<80xi32, #tpu.memory_space<vmem>>
      %dma_wait3A_546 = arith.constant 0 : i32
      %dma_wait3A_547 = arith.constant 0 : i32
      %dma_wait3A_548 = tpu.memref_slice %arg9[%dma_wait3A_546, %dma_wait3A_547] : memref<10240x16xf32, #tpu.memory_space<vmem_shared>> -> memref<10240x16xf32, #tpu.memory_space<vmem_shared>>
      %dma_wait3A_549 = tpu.memref_slice %arg12[%dma_wait3A_540] : memref<5x!tpu.dma_semaphore, #tpu.memory_space<semaphore_mem>> -> memref<1x!tpu.dma_semaphore, #tpu.memory_space<semaphore_mem>>
      %dma_wait3A_550 = tpu.memref_squeeze %dma_wait3A_549 : memref<1x!tpu.dma_semaphore, #tpu.memory_space<semaphore_mem>> -> memref<!tpu.dma_semaphore, #tpu.memory_space<semaphore_mem>>
      tpu.wait_indirect_dma semaphore(%dma_wait3A_550 : memref<!tpu.dma_semaphore, #tpu.memory_space<semaphore_mem>>) src(%dma_wait3A_544 : memref<80x16xf32, #tpu.memory_space<vmem>>) dst(%dma_wait3A_548 : memref<10240x16xf32, #tpu.memory_space<vmem_shared>>)
      %add3A_551 = arith.constant 3 : i32
      %add3A_552 = arith.addi %add3A_534, %add3A_551 : i32
      %mul3A_553 = arith.constant 80 : i32
      %mul3A_554 = arith.muli %add3A_552, %mul3A_553 : i32
      %dma_start3A_555 = arith.constant 3 : i32
      %dma_start3A_556 = arith.constant 3 : i32
      %dma_start3A_557 = arith.constant 0 : i32
      %dma_start3A_558 = arith.constant 0 : i32
      %dma_start3A_559 = tpu.memref_slice %arg7[%dma_start3A_555, %dma_start3A_557, %dma_start3A_558] : memref<5x80x16xf32, #tpu.memory_space<vmem>> -> memref<1x80x16xf32, #tpu.memory_space<vmem>>
      %dma_start3A_560 = tpu.memref_squeeze %dma_start3A_559 : memref<1x80x16xf32, #tpu.memory_space<vmem>> -> memref<80x16xf32, #tpu.memory_space<vmem>>
      %dma_start3A_561 = tpu.memref_slice %arg5[%mul3A_554] : memref<10000xi32, #tpu.memory_space<vmem>> -> memref<80xi32, #tpu.memory_space<vmem>>
      %dma_start3A_562 = arith.constant 0 : i32
      %dma_start3A_563 = arith.constant 0 : i32
      %dma_start3A_564 = tpu.memref_slice %arg10[%dma_start3A_562, %dma_start3A_563] : memref<10240x16xf32, #tpu.memory_space<vmem_shared>> -> memref<10240x16xf32, #tpu.memory_space<vmem_shared>>
      %dma_start3A_565 = tpu.memref_slice %arg11[%dma_start3A_556] : memref<5x!tpu.dma_semaphore, #tpu.memory_space<semaphore_mem>> -> memref<1x!tpu.dma_semaphore, #tpu.memory_space<semaphore_mem>>
      %dma_start3A_566 = tpu.memref_squeeze %dma_start3A_565 : memref<1x!tpu.dma_semaphore, #tpu.memory_space<semaphore_mem>> -> memref<!tpu.dma_semaphore, #tpu.memory_space<semaphore_mem>>
      tpu.enqueue_indirect_dma source(%dma_start3A_564 : memref<10240x16xf32, #tpu.memory_space<vmem_shared>>) target(%dma_start3A_560 : memref<80x16xf32, #tpu.memory_space<vmem>>) offsets(%dma_start3A_561 : memref<80xi32, #tpu.memory_space<vmem>>) semaphore(%dma_start3A_566 : memref<!tpu.dma_semaphore, #tpu.memory_space<semaphore_mem>>)
      %mul3A_567 = arith.constant 80 : i32
      %mul3A_568 = arith.muli %add3A_534, %mul3A_567 : i32
      %dma_wait3A_569 = arith.constant 0 : i32
      %dma_wait3A_570 = arith.constant 0 : i32
      %dma_wait3A_571 = arith.constant 0 : i32
      %dma_wait3A_572 = arith.constant 0 : i32
      %dma_wait3A_573 = tpu.memref_slice %arg7[%dma_wait3A_569, %dma_wait3A_571, %dma_wait3A_572] : memref<5x80x16xf32, #tpu.memory_space<vmem>> -> memref<1x80x16xf32, #tpu.memory_space<vmem>>
      %dma_wait3A_574 = tpu.memref_squeeze %dma_wait3A_573 : memref<1x80x16xf32, #tpu.memory_space<vmem>> -> memref<80x16xf32, #tpu.memory_space<vmem>>
      %dma_wait3A_575 = tpu.memref_slice %arg5[%mul3A_568] : memref<10000xi32, #tpu.memory_space<vmem>> -> memref<80xi32, #tpu.memory_space<vmem>>
      %dma_wait3A_576 = arith.constant 0 : i32
      %dma_wait3A_577 = arith.constant 0 : i32
      %dma_wait3A_578 = tpu.memref_slice %arg10[%dma_wait3A_576, %dma_wait3A_577] : memref<10240x16xf32, #tpu.memory_space<vmem_shared>> -> memref<10240x16xf32, #tpu.memory_space<vmem_shared>>
      %dma_wait3A_579 = tpu.memref_slice %arg11[%dma_wait3A_570] : memref<5x!tpu.dma_semaphore, #tpu.memory_space<semaphore_mem>> -> memref<1x!tpu.dma_semaphore, #tpu.memory_space<semaphore_mem>>
      %dma_wait3A_580 = tpu.memref_squeeze %dma_wait3A_579 : memref<1x!tpu.dma_semaphore, #tpu.memory_space<semaphore_mem>> -> memref<!tpu.dma_semaphore, #tpu.memory_space<semaphore_mem>>
      tpu.wait_indirect_dma semaphore(%dma_wait3A_580 : memref<!tpu.dma_semaphore, #tpu.memory_space<semaphore_mem>>) src(%dma_wait3A_578 : memref<10240x16xf32, #tpu.memory_space<vmem_shared>>) dst(%dma_wait3A_574 : memref<80x16xf32, #tpu.memory_space<vmem>>)
      %mul3A_581 = arith.constant 80 : i32
      %mul3A_582 = arith.muli %add3A_534, %mul3A_581 : i32
      %dma_start3A_583 = arith.constant 0 : i32
      %dma_start3A_584 = arith.constant 0 : i32
      %dma_start3A_585 = arith.constant 0 : i32
      %dma_start3A_586 = arith.constant 0 : i32
      %dma_start3A_587 = tpu.memref_slice %arg7[%dma_start3A_583, %dma_start3A_585, %dma_start3A_586] : memref<5x80x16xf32, #tpu.memory_space<vmem>> -> memref<1x80x16xf32, #tpu.memory_space<vmem>>
      %dma_start3A_588 = tpu.memref_squeeze %dma_start3A_587 : memref<1x80x16xf32, #tpu.memory_space<vmem>> -> memref<80x16xf32, #tpu.memory_space<vmem>>
      %dma_start3A_589 = tpu.memref_slice %arg6[%mul3A_582] : memref<10000xi32, #tpu.memory_space<vmem>> -> memref<80xi32, #tpu.memory_space<vmem>>
      %dma_start3A_590 = arith.constant 0 : i32
      %dma_start3A_591 = arith.constant 0 : i32
      %dma_start3A_592 = tpu.memref_slice %arg9[%dma_start3A_590, %dma_start3A_591] : memref<10240x16xf32, #tpu.memory_space<vmem_shared>> -> memref<10240x16xf32, #tpu.memory_space<vmem_shared>>
      %dma_start3A_593 = tpu.memref_slice %arg12[%dma_start3A_584] : memref<5x!tpu.dma_semaphore, #tpu.memory_space<semaphore_mem>> -> memref<1x!tpu.dma_semaphore, #tpu.memory_space<semaphore_mem>>
      %dma_start3A_594 = tpu.memref_squeeze %dma_start3A_593 : memref<1x!tpu.dma_semaphore, #tpu.memory_space<semaphore_mem>> -> memref<!tpu.dma_semaphore, #tpu.memory_space<semaphore_mem>>
      tpu.enqueue_indirect_dma source(%dma_start3A_588 : memref<80x16xf32, #tpu.memory_space<vmem>>) target(%dma_start3A_592 : memref<10240x16xf32, #tpu.memory_space<vmem_shared>>) offsets(%dma_start3A_589 : memref<80xi32, #tpu.memory_space<vmem>>) semaphore(%dma_start3A_594 : memref<!tpu.dma_semaphore, #tpu.memory_space<semaphore_mem>>) {add = true}
      %add3A_595 = arith.constant 4 : i32
      %add3A_596 = arith.addi %add3A_347, %add3A_595 : i32
      %sub3A_597 = arith.constant 2 : i32
      %sub3A_598 = arith.subi %add3A_596, %sub3A_597 : i32
      %mul3A_599 = arith.constant 80 : i32
      %mul3A_600 = arith.muli %sub3A_598, %mul3A_599 : i32
      %dma_wait3A_601 = arith.constant 4 : i32
      %dma_wait3A_602 = arith.constant 4 : i32
      %dma_wait3A_603 = arith.constant 0 : i32
      %dma_wait3A_604 = arith.constant 0 : i32
      %dma_wait3A_605 = tpu.memref_slice %arg7[%dma_wait3A_601, %dma_wait3A_603, %dma_wait3A_604] : memref<5x80x16xf32, #tpu.memory_space<vmem>> -> memref<1x80x16xf32, #tpu.memory_space<vmem>>
      %dma_wait3A_606 = tpu.memref_squeeze %dma_wait3A_605 : memref<1x80x16xf32, #tpu.memory_space<vmem>> -> memref<80x16xf32, #tpu.memory_space<vmem>>
      %dma_wait3A_607 = tpu.memref_slice %arg6[%mul3A_600] : memref<10000xi32, #tpu.memory_space<vmem>> -> memref<80xi32, #tpu.memory_space<vmem>>
      %dma_wait3A_608 = arith.constant 0 : i32
      %dma_wait3A_609 = arith.constant 0 : i32
      %dma_wait3A_610 = tpu.memref_slice %arg9[%dma_wait3A_608, %dma_wait3A_609] : memref<10240x16xf32, #tpu.memory_space<vmem_shared>> -> memref<10240x16xf32, #tpu.memory_space<vmem_shared>>
      %dma_wait3A_611 = tpu.memref_slice %arg12[%dma_wait3A_602] : memref<5x!tpu.dma_semaphore, #tpu.memory_space<semaphore_mem>> -> memref<1x!tpu.dma_semaphore, #tpu.memory_space<semaphore_mem>>
      %dma_wait3A_612 = tpu.memref_squeeze %dma_wait3A_611 : memref<1x!tpu.dma_semaphore, #tpu.memory_space<semaphore_mem>> -> memref<!tpu.dma_semaphore, #tpu.memory_space<semaphore_mem>>
      tpu.wait_indirect_dma semaphore(%dma_wait3A_612 : memref<!tpu.dma_semaphore, #tpu.memory_space<semaphore_mem>>) src(%dma_wait3A_606 : memref<80x16xf32, #tpu.memory_space<vmem>>) dst(%dma_wait3A_610 : memref<10240x16xf32, #tpu.memory_space<vmem_shared>>)
      %add3A_613 = arith.constant 3 : i32
      %add3A_614 = arith.addi %add3A_596, %add3A_613 : i32
      %mul3A_615 = arith.constant 80 : i32
      %mul3A_616 = arith.muli %add3A_614, %mul3A_615 : i32
      %dma_start3A_617 = arith.constant 4 : i32
      %dma_start3A_618 = arith.constant 4 : i32
      %dma_start3A_619 = arith.constant 0 : i32
      %dma_start3A_620 = arith.constant 0 : i32
      %dma_start3A_621 = tpu.memref_slice %arg7[%dma_start3A_617, %dma_start3A_619, %dma_start3A_620] : memref<5x80x16xf32, #tpu.memory_space<vmem>> -> memref<1x80x16xf32, #tpu.memory_space<vmem>>
      %dma_start3A_622 = tpu.memref_squeeze %dma_start3A_621 : memref<1x80x16xf32, #tpu.memory_space<vmem>> -> memref<80x16xf32, #tpu.memory_space<vmem>>
      %dma_start3A_623 = tpu.memref_slice %arg5[%mul3A_616] : memref<10000xi32, #tpu.memory_space<vmem>> -> memref<80xi32, #tpu.memory_space<vmem>>
      %dma_start3A_624 = arith.constant 0 : i32
      %dma_start3A_625 = arith.constant 0 : i32
      %dma_start3A_626 = tpu.memref_slice %arg10[%dma_start3A_624, %dma_start3A_625] : memref<10240x16xf32, #tpu.memory_space<vmem_shared>> -> memref<10240x16xf32, #tpu.memory_space<vmem_shared>>
      %dma_start3A_627 = tpu.memref_slice %arg11[%dma_start3A_618] : memref<5x!tpu.dma_semaphore, #tpu.memory_space<semaphore_mem>> -> memref<1x!tpu.dma_semaphore, #tpu.memory_space<semaphore_mem>>
      %dma_start3A_628 = tpu.memref_squeeze %dma_start3A_627 : memref<1x!tpu.dma_semaphore, #tpu.memory_space<semaphore_mem>> -> memref<!tpu.dma_semaphore, #tpu.memory_space<semaphore_mem>>
      tpu.enqueue_indirect_dma source(%dma_start3A_626 : memref<10240x16xf32, #tpu.memory_space<vmem_shared>>) target(%dma_start3A_622 : memref<80x16xf32, #tpu.memory_space<vmem>>) offsets(%dma_start3A_623 : memref<80xi32, #tpu.memory_space<vmem>>) semaphore(%dma_start3A_628 : memref<!tpu.dma_semaphore, #tpu.memory_space<semaphore_mem>>)
      %mul3A_629 = arith.constant 80 : i32
      %mul3A_630 = arith.muli %add3A_596, %mul3A_629 : i32
      %dma_wait3A_631 = arith.constant 1 : i32
      %dma_wait3A_632 = arith.constant 1 : i32
      %dma_wait3A_633 = arith.constant 0 : i32
      %dma_wait3A_634 = arith.constant 0 : i32
      %dma_wait3A_635 = tpu.memref_slice %arg7[%dma_wait3A_631, %dma_wait3A_633, %dma_wait3A_634] : memref<5x80x16xf32, #tpu.memory_space<vmem>> -> memref<1x80x16xf32, #tpu.memory_space<vmem>>
      %dma_wait3A_636 = tpu.memref_squeeze %dma_wait3A_635 : memref<1x80x16xf32, #tpu.memory_space<vmem>> -> memref<80x16xf32, #tpu.memory_space<vmem>>
      %dma_wait3A_637 = tpu.memref_slice %arg5[%mul3A_630] : memref<10000xi32, #tpu.memory_space<vmem>> -> memref<80xi32, #tpu.memory_space<vmem>>
      %dma_wait3A_638 = arith.constant 0 : i32
      %dma_wait3A_639 = arith.constant 0 : i32
      %dma_wait3A_640 = tpu.memref_slice %arg10[%dma_wait3A_638, %dma_wait3A_639] : memref<10240x16xf32, #tpu.memory_space<vmem_shared>> -> memref<10240x16xf32, #tpu.memory_space<vmem_shared>>
      %dma_wait3A_641 = tpu.memref_slice %arg11[%dma_wait3A_632] : memref<5x!tpu.dma_semaphore, #tpu.memory_space<semaphore_mem>> -> memref<1x!tpu.dma_semaphore, #tpu.memory_space<semaphore_mem>>
      %dma_wait3A_642 = tpu.memref_squeeze %dma_wait3A_641 : memref<1x!tpu.dma_semaphore, #tpu.memory_space<semaphore_mem>> -> memref<!tpu.dma_semaphore, #tpu.memory_space<semaphore_mem>>
      tpu.wait_indirect_dma semaphore(%dma_wait3A_642 : memref<!tpu.dma_semaphore, #tpu.memory_space<semaphore_mem>>) src(%dma_wait3A_640 : memref<10240x16xf32, #tpu.memory_space<vmem_shared>>) dst(%dma_wait3A_636 : memref<80x16xf32, #tpu.memory_space<vmem>>)
      %mul3A_643 = arith.constant 80 : i32
      %mul3A_644 = arith.muli %add3A_596, %mul3A_643 : i32
      %dma_start3A_645 = arith.constant 1 : i32
      %dma_start3A_646 = arith.constant 1 : i32
      %dma_start3A_647 = arith.constant 0 : i32
      %dma_start3A_648 = arith.constant 0 : i32
      %dma_start3A_649 = tpu.memref_slice %arg7[%dma_start3A_645, %dma_start3A_647, %dma_start3A_648] : memref<5x80x16xf32, #tpu.memory_space<vmem>> -> memref<1x80x16xf32, #tpu.memory_space<vmem>>
      %dma_start3A_650 = tpu.memref_squeeze %dma_start3A_649 : memref<1x80x16xf32, #tpu.memory_space<vmem>> -> memref<80x16xf32, #tpu.memory_space<vmem>>
      %dma_start3A_651 = tpu.memref_slice %arg6[%mul3A_644] : memref<10000xi32, #tpu.memory_space<vmem>> -> memref<80xi32, #tpu.memory_space<vmem>>
      %dma_start3A_652 = arith.constant 0 : i32
      %dma_start3A_653 = arith.constant 0 : i32
      %dma_start3A_654 = tpu.memref_slice %arg9[%dma_start3A_652, %dma_start3A_653] : memref<10240x16xf32, #tpu.memory_space<vmem_shared>> -> memref<10240x16xf32, #tpu.memory_space<vmem_shared>>
      %dma_start3A_655 = tpu.memref_slice %arg12[%dma_start3A_646] : memref<5x!tpu.dma_semaphore, #tpu.memory_space<semaphore_mem>> -> memref<1x!tpu.dma_semaphore, #tpu.memory_space<semaphore_mem>>
      %dma_start3A_656 = tpu.memref_squeeze %dma_start3A_655 : memref<1x!tpu.dma_semaphore, #tpu.memory_space<semaphore_mem>> -> memref<!tpu.dma_semaphore, #tpu.memory_space<semaphore_mem>>
      tpu.enqueue_indirect_dma source(%dma_start3A_650 : memref<80x16xf32, #tpu.memory_space<vmem>>) target(%dma_start3A_654 : memref<10240x16xf32, #tpu.memory_space<vmem_shared>>) offsets(%dma_start3A_651 : memref<80xi32, #tpu.memory_space<vmem>>) semaphore(%dma_start3A_656 : memref<!tpu.dma_semaphore, #tpu.memory_space<semaphore_mem>>) {add = true}
    }
    %scan3A_194 = arith.constant 24 : i32
    %dma_wait3A_195 = arith.constant 2 : i32
    %dma_wait3A_196 = arith.constant 2 : i32
    %dma_wait3A_197 = arith.constant 0 : i32
    %dma_wait3A_198 = arith.constant 0 : i32
    %dma_wait3A_199 = tpu.memref_slice %arg7[%dma_wait3A_195, %dma_wait3A_197, %dma_wait3A_198] : memref<5x80x16xf32, #tpu.memory_space<vmem>> -> memref<1x80x16xf32, #tpu.memory_space<vmem>>
    %dma_wait3A_200 = tpu.memref_squeeze %dma_wait3A_199 : memref<1x80x16xf32, #tpu.memory_space<vmem>> -> memref<80x16xf32, #tpu.memory_space<vmem>>
    %dma_wait3A_201 = arith.constant 9760 : i32
    %dma_wait3A_202 = tpu.memref_slice %arg5[%dma_wait3A_201] : memref<10000xi32, #tpu.memory_space<vmem>> -> memref<80xi32, #tpu.memory_space<vmem>>
    %dma_wait3A_203 = arith.constant 0 : i32
    %dma_wait3A_204 = arith.constant 0 : i32
    %dma_wait3A_205 = tpu.memref_slice %arg10[%dma_wait3A_203, %dma_wait3A_204] : memref<10240x16xf32, #tpu.memory_space<vmem_shared>> -> memref<10240x16xf32, #tpu.memory_space<vmem_shared>>
    %dma_wait3A_206 = tpu.memref_slice %arg11[%dma_wait3A_196] : memref<5x!tpu.dma_semaphore, #tpu.memory_space<semaphore_mem>> -> memref<1x!tpu.dma_semaphore, #tpu.memory_space<semaphore_mem>>
    %dma_wait3A_207 = tpu.memref_squeeze %dma_wait3A_206 : memref<1x!tpu.dma_semaphore, #tpu.memory_space<semaphore_mem>> -> memref<!tpu.dma_semaphore, #tpu.memory_space<semaphore_mem>>
    tpu.wait_indirect_dma semaphore(%dma_wait3A_207 : memref<!tpu.dma_semaphore, #tpu.memory_space<semaphore_mem>>) src(%dma_wait3A_205 : memref<10240x16xf32, #tpu.memory_space<vmem_shared>>) dst(%dma_wait3A_200 : memref<80x16xf32, #tpu.memory_space<vmem>>)
    %dma_start3A_208 = arith.constant 2 : i32
    %dma_start3A_209 = arith.constant 2 : i32
    %dma_start3A_210 = arith.constant 0 : i32
    %dma_start3A_211 = arith.constant 0 : i32
    %dma_start3A_212 = tpu.memref_slice %arg7[%dma_start3A_208, %dma_start3A_210, %dma_start3A_211] : memref<5x80x16xf32, #tpu.memory_space<vmem>> -> memref<1x80x16xf32, #tpu.memory_space<vmem>>
    %dma_start3A_213 = tpu.memref_squeeze %dma_start3A_212 : memref<1x80x16xf32, #tpu.memory_space<vmem>> -> memref<80x16xf32, #tpu.memory_space<vmem>>
    %dma_start3A_214 = arith.constant 9760 : i32
    %dma_start3A_215 = tpu.memref_slice %arg6[%dma_start3A_214] : memref<10000xi32, #tpu.memory_space<vmem>> -> memref<80xi32, #tpu.memory_space<vmem>>
    %dma_start3A_216 = arith.constant 0 : i32
    %dma_start3A_217 = arith.constant 0 : i32
    %dma_start3A_218 = tpu.memref_slice %arg9[%dma_start3A_216, %dma_start3A_217] : memref<10240x16xf32, #tpu.memory_space<vmem_shared>> -> memref<10240x16xf32, #tpu.memory_space<vmem_shared>>
    %dma_start3A_219 = tpu.memref_slice %arg12[%dma_start3A_209] : memref<5x!tpu.dma_semaphore, #tpu.memory_space<semaphore_mem>> -> memref<1x!tpu.dma_semaphore, #tpu.memory_space<semaphore_mem>>
    %dma_start3A_220 = tpu.memref_squeeze %dma_start3A_219 : memref<1x!tpu.dma_semaphore, #tpu.memory_space<semaphore_mem>> -> memref<!tpu.dma_semaphore, #tpu.memory_space<semaphore_mem>>
    tpu.enqueue_indirect_dma source(%dma_start3A_213 : memref<80x16xf32, #tpu.memory_space<vmem>>) target(%dma_start3A_218 : memref<10240x16xf32, #tpu.memory_space<vmem_shared>>) offsets(%dma_start3A_215 : memref<80xi32, #tpu.memory_space<vmem>>) semaphore(%dma_start3A_220 : memref<!tpu.dma_semaphore, #tpu.memory_space<semaphore_mem>>) {add = true}
    %dma_wait3A_221 = arith.constant 3 : i32
    %dma_wait3A_222 = arith.constant 3 : i32
    %dma_wait3A_223 = arith.constant 0 : i32
    %dma_wait3A_224 = arith.constant 0 : i32
    %dma_wait3A_225 = tpu.memref_slice %arg7[%dma_wait3A_221, %dma_wait3A_223, %dma_wait3A_224] : memref<5x80x16xf32, #tpu.memory_space<vmem>> -> memref<1x80x16xf32, #tpu.memory_space<vmem>>
    %dma_wait3A_226 = tpu.memref_squeeze %dma_wait3A_225 : memref<1x80x16xf32, #tpu.memory_space<vmem>> -> memref<80x16xf32, #tpu.memory_space<vmem>>
    %dma_wait3A_227 = arith.constant 9840 : i32
    %dma_wait3A_228 = tpu.memref_slice %arg5[%dma_wait3A_227] : memref<10000xi32, #tpu.memory_space<vmem>> -> memref<80xi32, #tpu.memory_space<vmem>>
    %dma_wait3A_229 = arith.constant 0 : i32
    %dma_wait3A_230 = arith.constant 0 : i32
    %dma_wait3A_231 = tpu.memref_slice %arg10[%dma_wait3A_229, %dma_wait3A_230] : memref<10240x16xf32, #tpu.memory_space<vmem_shared>> -> memref<10240x16xf32, #tpu.memory_space<vmem_shared>>
    %dma_wait3A_232 = tpu.memref_slice %arg11[%dma_wait3A_222] : memref<5x!tpu.dma_semaphore, #tpu.memory_space<semaphore_mem>> -> memref<1x!tpu.dma_semaphore, #tpu.memory_space<semaphore_mem>>
    %dma_wait3A_233 = tpu.memref_squeeze %dma_wait3A_232 : memref<1x!tpu.dma_semaphore, #tpu.memory_space<semaphore_mem>> -> memref<!tpu.dma_semaphore, #tpu.memory_space<semaphore_mem>>
    tpu.wait_indirect_dma semaphore(%dma_wait3A_233 : memref<!tpu.dma_semaphore, #tpu.memory_space<semaphore_mem>>) src(%dma_wait3A_231 : memref<10240x16xf32, #tpu.memory_space<vmem_shared>>) dst(%dma_wait3A_226 : memref<80x16xf32, #tpu.memory_space<vmem>>)
    %dma_start3A_234 = arith.constant 3 : i32
    %dma_start3A_235 = arith.constant 3 : i32
    %dma_start3A_236 = arith.constant 0 : i32
    %dma_start3A_237 = arith.constant 0 : i32
    %dma_start3A_238 = tpu.memref_slice %arg7[%dma_start3A_234, %dma_start3A_236, %dma_start3A_237] : memref<5x80x16xf32, #tpu.memory_space<vmem>> -> memref<1x80x16xf32, #tpu.memory_space<vmem>>
    %dma_start3A_239 = tpu.memref_squeeze %dma_start3A_238 : memref<1x80x16xf32, #tpu.memory_space<vmem>> -> memref<80x16xf32, #tpu.memory_space<vmem>>
    %dma_start3A_240 = arith.constant 9840 : i32
    %dma_start3A_241 = tpu.memref_slice %arg6[%dma_start3A_240] : memref<10000xi32, #tpu.memory_space<vmem>> -> memref<80xi32, #tpu.memory_space<vmem>>
    %dma_start3A_242 = arith.constant 0 : i32
    %dma_start3A_243 = arith.constant 0 : i32
    %dma_start3A_244 = tpu.memref_slice %arg9[%dma_start3A_242, %dma_start3A_243] : memref<10240x16xf32, #tpu.memory_space<vmem_shared>> -> memref<10240x16xf32, #tpu.memory_space<vmem_shared>>
    %dma_start3A_245 = tpu.memref_slice %arg12[%dma_start3A_235] : memref<5x!tpu.dma_semaphore, #tpu.memory_space<semaphore_mem>> -> memref<1x!tpu.dma_semaphore, #tpu.memory_space<semaphore_mem>>
    %dma_start3A_246 = tpu.memref_squeeze %dma_start3A_245 : memref<1x!tpu.dma_semaphore, #tpu.memory_space<semaphore_mem>> -> memref<!tpu.dma_semaphore, #tpu.memory_space<semaphore_mem>>
    tpu.enqueue_indirect_dma source(%dma_start3A_239 : memref<80x16xf32, #tpu.memory_space<vmem>>) target(%dma_start3A_244 : memref<10240x16xf32, #tpu.memory_space<vmem_shared>>) offsets(%dma_start3A_241 : memref<80xi32, #tpu.memory_space<vmem>>) semaphore(%dma_start3A_246 : memref<!tpu.dma_semaphore, #tpu.memory_space<semaphore_mem>>) {add = true}
    %dma_wait3A_247 = arith.constant 4 : i32
    %dma_wait3A_248 = arith.constant 4 : i32
    %dma_wait3A_249 = arith.constant 0 : i32
    %dma_wait3A_250 = arith.constant 0 : i32
    %dma_wait3A_251 = tpu.memref_slice %arg7[%dma_wait3A_247, %dma_wait3A_249, %dma_wait3A_250] : memref<5x80x16xf32, #tpu.memory_space<vmem>> -> memref<1x80x16xf32, #tpu.memory_space<vmem>>
    %dma_wait3A_252 = tpu.memref_squeeze %dma_wait3A_251 : memref<1x80x16xf32, #tpu.memory_space<vmem>> -> memref<80x16xf32, #tpu.memory_space<vmem>>
    %dma_wait3A_253 = arith.constant 9920 : i32
    %dma_wait3A_254 = tpu.memref_slice %arg5[%dma_wait3A_253] : memref<10000xi32, #tpu.memory_space<vmem>> -> memref<80xi32, #tpu.memory_space<vmem>>
    %dma_wait3A_255 = arith.constant 0 : i32
    %dma_wait3A_256 = arith.constant 0 : i32
    %dma_wait3A_257 = tpu.memref_slice %arg10[%dma_wait3A_255, %dma_wait3A_256] : memref<10240x16xf32, #tpu.memory_space<vmem_shared>> -> memref<10240x16xf32, #tpu.memory_space<vmem_shared>>
    %dma_wait3A_258 = tpu.memref_slice %arg11[%dma_wait3A_248] : memref<5x!tpu.dma_semaphore, #tpu.memory_space<semaphore_mem>> -> memref<1x!tpu.dma_semaphore, #tpu.memory_space<semaphore_mem>>
    %dma_wait3A_259 = tpu.memref_squeeze %dma_wait3A_258 : memref<1x!tpu.dma_semaphore, #tpu.memory_space<semaphore_mem>> -> memref<!tpu.dma_semaphore, #tpu.memory_space<semaphore_mem>>
    tpu.wait_indirect_dma semaphore(%dma_wait3A_259 : memref<!tpu.dma_semaphore, #tpu.memory_space<semaphore_mem>>) src(%dma_wait3A_257 : memref<10240x16xf32, #tpu.memory_space<vmem_shared>>) dst(%dma_wait3A_252 : memref<80x16xf32, #tpu.memory_space<vmem>>)
    %dma_start3A_260 = arith.constant 4 : i32
    %dma_start3A_261 = arith.constant 4 : i32
    %dma_start3A_262 = arith.constant 0 : i32
    %dma_start3A_263 = arith.constant 0 : i32
    %dma_start3A_264 = tpu.memref_slice %arg7[%dma_start3A_260, %dma_start3A_262, %dma_start3A_263] : memref<5x80x16xf32, #tpu.memory_space<vmem>> -> memref<1x80x16xf32, #tpu.memory_space<vmem>>
    %dma_start3A_265 = tpu.memref_squeeze %dma_start3A_264 : memref<1x80x16xf32, #tpu.memory_space<vmem>> -> memref<80x16xf32, #tpu.memory_space<vmem>>
    %dma_start3A_266 = arith.constant 9920 : i32
    %dma_start3A_267 = tpu.memref_slice %arg6[%dma_start3A_266] : memref<10000xi32, #tpu.memory_space<vmem>> -> memref<80xi32, #tpu.memory_space<vmem>>
    %dma_start3A_268 = arith.constant 0 : i32
    %dma_start3A_269 = arith.constant 0 : i32
    %dma_start3A_270 = tpu.memref_slice %arg9[%dma_start3A_268, %dma_start3A_269] : memref<10240x16xf32, #tpu.memory_space<vmem_shared>> -> memref<10240x16xf32, #tpu.memory_space<vmem_shared>>
    %dma_start3A_271 = tpu.memref_slice %arg12[%dma_start3A_261] : memref<5x!tpu.dma_semaphore, #tpu.memory_space<semaphore_mem>> -> memref<1x!tpu.dma_semaphore, #tpu.memory_space<semaphore_mem>>
    %dma_start3A_272 = tpu.memref_squeeze %dma_start3A_271 : memref<1x!tpu.dma_semaphore, #tpu.memory_space<semaphore_mem>> -> memref<!tpu.dma_semaphore, #tpu.memory_space<semaphore_mem>>
    tpu.enqueue_indirect_dma source(%dma_start3A_265 : memref<80x16xf32, #tpu.memory_space<vmem>>) target(%dma_start3A_270 : memref<10240x16xf32, #tpu.memory_space<vmem_shared>>) offsets(%dma_start3A_267 : memref<80xi32, #tpu.memory_space<vmem>>) semaphore(%dma_start3A_272 : memref<!tpu.dma_semaphore, #tpu.memory_space<semaphore_mem>>) {add = true}
    %dma_wait3A_273 = arith.constant 0 : i32
    %dma_wait3A_274 = arith.constant 0 : i32
    %dma_wait3A_275 = arith.constant 0 : i32
    %dma_wait3A_276 = arith.constant 0 : i32
    %dma_wait3A_277 = tpu.memref_slice %arg7[%dma_wait3A_273, %dma_wait3A_275, %dma_wait3A_276] : memref<5x80x16xf32, #tpu.memory_space<vmem>> -> memref<1x80x16xf32, #tpu.memory_space<vmem>>
    %dma_wait3A_278 = tpu.memref_squeeze %dma_wait3A_277 : memref<1x80x16xf32, #tpu.memory_space<vmem>> -> memref<80x16xf32, #tpu.memory_space<vmem>>
    %dma_wait3A_279 = arith.constant 9600 : i32
    %dma_wait3A_280 = tpu.memref_slice %arg6[%dma_wait3A_279] : memref<10000xi32, #tpu.memory_space<vmem>> -> memref<80xi32, #tpu.memory_space<vmem>>
    %dma_wait3A_281 = arith.constant 0 : i32
    %dma_wait3A_282 = arith.constant 0 : i32
    %dma_wait3A_283 = tpu.memref_slice %arg9[%dma_wait3A_281, %dma_wait3A_282] : memref<10240x16xf32, #tpu.memory_space<vmem_shared>> -> memref<10240x16xf32, #tpu.memory_space<vmem_shared>>
    %dma_wait3A_284 = tpu.memref_slice %arg12[%dma_wait3A_274] : memref<5x!tpu.dma_semaphore, #tpu.memory_space<semaphore_mem>> -> memref<1x!tpu.dma_semaphore, #tpu.memory_space<semaphore_mem>>
    %dma_wait3A_285 = tpu.memref_squeeze %dma_wait3A_284 : memref<1x!tpu.dma_semaphore, #tpu.memory_space<semaphore_mem>> -> memref<!tpu.dma_semaphore, #tpu.memory_space<semaphore_mem>>
    tpu.wait_indirect_dma semaphore(%dma_wait3A_285 : memref<!tpu.dma_semaphore, #tpu.memory_space<semaphore_mem>>) src(%dma_wait3A_278 : memref<80x16xf32, #tpu.memory_space<vmem>>) dst(%dma_wait3A_283 : memref<10240x16xf32, #tpu.memory_space<vmem_shared>>)
    %dma_wait3A_286 = arith.constant 1 : i32
    %dma_wait3A_287 = arith.constant 1 : i32
    %dma_wait3A_288 = arith.constant 0 : i32
    %dma_wait3A_289 = arith.constant 0 : i32
    %dma_wait3A_290 = tpu.memref_slice %arg7[%dma_wait3A_286, %dma_wait3A_288, %dma_wait3A_289] : memref<5x80x16xf32, #tpu.memory_space<vmem>> -> memref<1x80x16xf32, #tpu.memory_space<vmem>>
    %dma_wait3A_291 = tpu.memref_squeeze %dma_wait3A_290 : memref<1x80x16xf32, #tpu.memory_space<vmem>> -> memref<80x16xf32, #tpu.memory_space<vmem>>
    %dma_wait3A_292 = arith.constant 9680 : i32
    %dma_wait3A_293 = tpu.memref_slice %arg6[%dma_wait3A_292] : memref<10000xi32, #tpu.memory_space<vmem>> -> memref<80xi32, #tpu.memory_space<vmem>>
    %dma_wait3A_294 = arith.constant 0 : i32
    %dma_wait3A_295 = arith.constant 0 : i32
    %dma_wait3A_296 = tpu.memref_slice %arg9[%dma_wait3A_294, %dma_wait3A_295] : memref<10240x16xf32, #tpu.memory_space<vmem_shared>> -> memref<10240x16xf32, #tpu.memory_space<vmem_shared>>
    %dma_wait3A_297 = tpu.memref_slice %arg12[%dma_wait3A_287] : memref<5x!tpu.dma_semaphore, #tpu.memory_space<semaphore_mem>> -> memref<1x!tpu.dma_semaphore, #tpu.memory_space<semaphore_mem>>
    %dma_wait3A_298 = tpu.memref_squeeze %dma_wait3A_297 : memref<1x!tpu.dma_semaphore, #tpu.memory_space<semaphore_mem>> -> memref<!tpu.dma_semaphore, #tpu.memory_space<semaphore_mem>>
    tpu.wait_indirect_dma semaphore(%dma_wait3A_298 : memref<!tpu.dma_semaphore, #tpu.memory_space<semaphore_mem>>) src(%dma_wait3A_291 : memref<80x16xf32, #tpu.memory_space<vmem>>) dst(%dma_wait3A_296 : memref<10240x16xf32, #tpu.memory_space<vmem_shared>>)
    %dma_wait3A_299 = arith.constant 2 : i32
    %dma_wait3A_300 = arith.constant 2 : i32
    %dma_wait3A_301 = arith.constant 0 : i32
    %dma_wait3A_302 = arith.constant 0 : i32
    %dma_wait3A_303 = tpu.memref_slice %arg7[%dma_wait3A_299, %dma_wait3A_301, %dma_wait3A_302] : memref<5x80x16xf32, #tpu.memory_space<vmem>> -> memref<1x80x16xf32, #tpu.memory_space<vmem>>
    %dma_wait3A_304 = tpu.memref_squeeze %dma_wait3A_303 : memref<1x80x16xf32, #tpu.memory_space<vmem>> -> memref<80x16xf32, #tpu.memory_space<vmem>>
    %dma_wait3A_305 = arith.constant 9760 : i32
    %dma_wait3A_306 = tpu.memref_slice %arg6[%dma_wait3A_305] : memref<10000xi32, #tpu.memory_space<vmem>> -> memref<80xi32, #tpu.memory_space<vmem>>
    %dma_wait3A_307 = arith.constant 0 : i32
    %dma_wait3A_308 = arith.constant 0 : i32
    %dma_wait3A_309 = tpu.memref_slice %arg9[%dma_wait3A_307, %dma_wait3A_308] : memref<10240x16xf32, #tpu.memory_space<vmem_shared>> -> memref<10240x16xf32, #tpu.memory_space<vmem_shared>>
    %dma_wait3A_310 = tpu.memref_slice %arg12[%dma_wait3A_300] : memref<5x!tpu.dma_semaphore, #tpu.memory_space<semaphore_mem>> -> memref<1x!tpu.dma_semaphore, #tpu.memory_space<semaphore_mem>>
    %dma_wait3A_311 = tpu.memref_squeeze %dma_wait3A_310 : memref<1x!tpu.dma_semaphore, #tpu.memory_space<semaphore_mem>> -> memref<!tpu.dma_semaphore, #tpu.memory_space<semaphore_mem>>
    tpu.wait_indirect_dma semaphore(%dma_wait3A_311 : memref<!tpu.dma_semaphore, #tpu.memory_space<semaphore_mem>>) src(%dma_wait3A_304 : memref<80x16xf32, #tpu.memory_space<vmem>>) dst(%dma_wait3A_309 : memref<10240x16xf32, #tpu.memory_space<vmem_shared>>)
    %dma_wait3A_312 = arith.constant 3 : i32
    %dma_wait3A_313 = arith.constant 3 : i32
    %dma_wait3A_314 = arith.constant 0 : i32
    %dma_wait3A_315 = arith.constant 0 : i32
    %dma_wait3A_316 = tpu.memref_slice %arg7[%dma_wait3A_312, %dma_wait3A_314, %dma_wait3A_315] : memref<5x80x16xf32, #tpu.memory_space<vmem>> -> memref<1x80x16xf32, #tpu.memory_space<vmem>>
    %dma_wait3A_317 = tpu.memref_squeeze %dma_wait3A_316 : memref<1x80x16xf32, #tpu.memory_space<vmem>> -> memref<80x16xf32, #tpu.memory_space<vmem>>
    %dma_wait3A_318 = arith.constant 9840 : i32
    %dma_wait3A_319 = tpu.memref_slice %arg6[%dma_wait3A_318] : memref<10000xi32, #tpu.memory_space<vmem>> -> memref<80xi32, #tpu.memory_space<vmem>>
    %dma_wait3A_320 = arith.constant 0 : i32
    %dma_wait3A_321 = arith.constant 0 : i32
    %dma_wait3A_322 = tpu.memref_slice %arg9[%dma_wait3A_320, %dma_wait3A_321] : memref<10240x16xf32, #tpu.memory_space<vmem_shared>> -> memref<10240x16xf32, #tpu.memory_space<vmem_shared>>
    %dma_wait3A_323 = tpu.memref_slice %arg12[%dma_wait3A_313] : memref<5x!tpu.dma_semaphore, #tpu.memory_space<semaphore_mem>> -> memref<1x!tpu.dma_semaphore, #tpu.memory_space<semaphore_mem>>
    %dma_wait3A_324 = tpu.memref_squeeze %dma_wait3A_323 : memref<1x!tpu.dma_semaphore, #tpu.memory_space<semaphore_mem>> -> memref<!tpu.dma_semaphore, #tpu.memory_space<semaphore_mem>>
    tpu.wait_indirect_dma semaphore(%dma_wait3A_324 : memref<!tpu.dma_semaphore, #tpu.memory_space<semaphore_mem>>) src(%dma_wait3A_317 : memref<80x16xf32, #tpu.memory_space<vmem>>) dst(%dma_wait3A_322 : memref<10240x16xf32, #tpu.memory_space<vmem_shared>>)
    %dma_wait3A_325 = arith.constant 4 : i32
    %dma_wait3A_326 = arith.constant 4 : i32
    %dma_wait3A_327 = arith.constant 0 : i32
    %dma_wait3A_328 = arith.constant 0 : i32
    %dma_wait3A_329 = tpu.memref_slice %arg7[%dma_wait3A_325, %dma_wait3A_327, %dma_wait3A_328] : memref<5x80x16xf32, #tpu.memory_space<vmem>> -> memref<1x80x16xf32, #tpu.memory_space<vmem>>
    %dma_wait3A_330 = tpu.memref_squeeze %dma_wait3A_329 : memref<1x80x16xf32, #tpu.memory_space<vmem>> -> memref<80x16xf32, #tpu.memory_space<vmem>>
    %dma_wait3A_331 = arith.constant 9920 : i32
    %dma_wait3A_332 = tpu.memref_slice %arg6[%dma_wait3A_331] : memref<10000xi32, #tpu.memory_space<vmem>> -> memref<80xi32, #tpu.memory_space<vmem>>
    %dma_wait3A_333 = arith.constant 0 : i32
    %dma_wait3A_334 = arith.constant 0 : i32
    %dma_wait3A_335 = tpu.memref_slice %arg9[%dma_wait3A_333, %dma_wait3A_334] : memref<10240x16xf32, #tpu.memory_space<vmem_shared>> -> memref<10240x16xf32, #tpu.memory_space<vmem_shared>>
    %dma_wait3A_336 = tpu.memref_slice %arg12[%dma_wait3A_326] : memref<5x!tpu.dma_semaphore, #tpu.memory_space<semaphore_mem>> -> memref<1x!tpu.dma_semaphore, #tpu.memory_space<semaphore_mem>>
    %dma_wait3A_337 = tpu.memref_squeeze %dma_wait3A_336 : memref<1x!tpu.dma_semaphore, #tpu.memory_space<semaphore_mem>> -> memref<!tpu.dma_semaphore, #tpu.memory_space<semaphore_mem>>
    tpu.wait_indirect_dma semaphore(%dma_wait3A_337 : memref<!tpu.dma_semaphore, #tpu.memory_space<semaphore_mem>>) src(%dma_wait3A_330 : memref<80x16xf32, #tpu.memory_space<vmem>>) dst(%dma_wait3A_335 : memref<10240x16xf32, #tpu.memory_space<vmem_shared>>)
    %barrier3A_338 = arith.constant 0 : index
    tpu.barrier barrier_id(%barrier3A_338)
    %mul3A_339 = arith.constant 640 : i32
    %mul3A_340 = arith.muli %arg1, %mul3A_339 : i32
    %mul3A_341 = arith.constant 640 : i32
    %mul3A_342 = arith.muli %arg1, %mul3A_341 : i32
    "tpu.region"() ({
      %run_scoped3A = tpu.sem_alloc : memref<!tpu.dma_semaphore, #tpu.memory_space<semaphore_mem>>
      %dma_start3A_343 = arith.constant 0 : i32
      %dma_start3A_344 = arith.constant 0 : i32
      %dma_start3A_345 = tpu.memref_slice %arg4[%arg0, %dma_start3A_343, %dma_start3A_344] : memref<2x10240x16xf32, #tpu.memory_space<hbm>> -> memref<1x10240x16xf32, #tpu.memory_space<hbm>>
      %dma_start3A_346 = tpu.memref_squeeze %dma_start3A_345 : memref<1x10240x16xf32, #tpu.memory_space<hbm>> -> memref<10240x16xf32, #tpu.memory_space<hbm>>
      %dma_start3A_347 = arith.constant 0 : i32
      %dma_start3A_348 = tpu.memref_slice %dma_start3A_346[%mul3A_342, %dma_start3A_347] : memref<10240x16xf32, #tpu.memory_space<hbm>> -> memref<640x16xf32, #tpu.memory_space<hbm>>
      %dma_start3A_349 = arith.constant 0 : i32
      %dma_start3A_350 = tpu.memref_slice %arg9[%mul3A_340, %dma_start3A_349] : memref<10240x16xf32, #tpu.memory_space<vmem_shared>> -> memref<640x16xf32, #tpu.memory_space<vmem_shared>>
      tpu.enqueue_dma source(%dma_start3A_350 : memref<640x16xf32, #tpu.memory_space<vmem_shared>>) target(%dma_start3A_348 : memref<640x16xf32, #tpu.memory_space<hbm>>) target_semaphore(%run_scoped3A : memref<!tpu.dma_semaphore, #tpu.memory_space<semaphore_mem>>)
      %dma_wait3A_351 = arith.constant 0 : i32
      %dma_wait3A_352 = arith.constant 0 : i32
      %dma_wait3A_353 = tpu.memref_slice %arg4[%arg0, %dma_wait3A_351, %dma_wait3A_352] : memref<2x10240x16xf32, #tpu.memory_space<hbm>> -> memref<1x10240x16xf32, #tpu.memory_space<hbm>>
      %dma_wait3A_354 = tpu.memref_squeeze %dma_wait3A_353 : memref<1x10240x16xf32, #tpu.memory_space<hbm>> -> memref<10240x16xf32, #tpu.memory_space<hbm>>
      %dma_wait3A_355 = arith.constant 0 : i32
      %dma_wait3A_356 = tpu.memref_slice %dma_wait3A_354[%mul3A_342, %dma_wait3A_355] : memref<10240x16xf32, #tpu.memory_space<hbm>> -> memref<640x16xf32, #tpu.memory_space<hbm>>
      %dma_wait3A_357 = arith.constant 0 : i32
      %dma_wait3A_358 = tpu.memref_slice %arg9[%mul3A_340, %dma_wait3A_357] : memref<10240x16xf32, #tpu.memory_space<vmem_shared>> -> memref<640x16xf32, #tpu.memory_space<vmem_shared>>
      tpu.wait_dma2 semaphore(%run_scoped3A : memref<!tpu.dma_semaphore, #tpu.memory_space<semaphore_mem>>) src(%dma_wait3A_358 : memref<640x16xf32, #tpu.memory_space<vmem_shared>>) dst(%dma_wait3A_356 : memref<640x16xf32, #tpu.memory_space<hbm>>)
      tpu.yield
    }) : () -> ()
    return
  }
}

#map = affine_map<(d0, d1) -> (0, 0)>
#map1 = affine_map<(d0, d1) -> (0, 0, 0)>
module attributes {stable_mosaic.version = 14 : i64} {
  func.func @agg_kernel(%arg0: i32, %arg1: i32, %arg2: memref<10240x64xf32, #tpu.memory_space<hbm>>, %arg3: memref<2x320000xi32, #tpu.memory_space<hbm>>, %arg4: memref<2x10240x64xf32, #tpu.memory_space<hbm>>, %arg5: memref<10000xi32, #tpu.memory_space<vmem>>, %arg6: memref<10000xi32, #tpu.memory_space<vmem>>, %arg7: memref<5x80x64xf32, #tpu.memory_space<vmem>>, %arg8: memref<16x64xf32, #tpu.memory_space<vmem>>, %arg9: memref<10240x64xf32, #tpu.memory_space<vmem_shared>>, %arg10: memref<10240x64xf32, #tpu.memory_space<vmem_shared>>, %arg11: memref<5x!tpu.dma_semaphore, #tpu.memory_space<semaphore_mem>>, %arg12: memref<5x!tpu.dma_semaphore, #tpu.memory_space<semaphore_mem>>, %arg13: memref<!tpu.dma_semaphore, #tpu.memory_space<semaphore_mem>>) attributes {dimension_semantics = [#tpu.dimension_semantics<core_parallel>, #tpu.dimension_semantics<subcore_parallel>], iteration_bounds = array<i64: 2, 16>, scalar_prefetch = 0 : i64, scratch_operands = 9 : i64, tpu.core_type = #tpu.core_type<sc_vector_subcore>, window_params = [{transform_indices = #map}, {transform_indices = #map}, {transform_indices = #map1}]} {
    %mul3A = arith.constant 16 : i32
    %mul3A_0 = arith.muli %arg0, %mul3A : i32
    %add3A = arith.addi %mul3A_0, %arg1 : i32
    %mul3A_1 = arith.constant 10000 : i32
    %mul3A_2 = arith.muli %add3A, %mul3A_1 : i32
    %dma_start3A = arith.constant 0 : i32
    %dma_start3A_3 = arith.constant 0 : i32
    %dma_start3A_4 = arith.constant 0 : i32
    %dma_start3A_5 = tpu.memref_slice %arg3[%dma_start3A, %dma_start3A_4] : memref<2x320000xi32, #tpu.memory_space<hbm>> -> memref<1x320000xi32, #tpu.memory_space<hbm>>
    %dma_start3A_6 = tpu.memref_squeeze %dma_start3A_5 : memref<1x320000xi32, #tpu.memory_space<hbm>> -> memref<320000xi32, #tpu.memory_space<hbm>>
    %dma_start3A_7 = tpu.memref_slice %dma_start3A_6[%mul3A_2] : memref<320000xi32, #tpu.memory_space<hbm>> -> memref<10000xi32, #tpu.memory_space<hbm>>
    %dma_start3A_8 = tpu.memref_slice %arg11[%dma_start3A_3] : memref<5x!tpu.dma_semaphore, #tpu.memory_space<semaphore_mem>> -> memref<1x!tpu.dma_semaphore, #tpu.memory_space<semaphore_mem>>
    %dma_start3A_9 = tpu.memref_squeeze %dma_start3A_8 : memref<1x!tpu.dma_semaphore, #tpu.memory_space<semaphore_mem>> -> memref<!tpu.dma_semaphore, #tpu.memory_space<semaphore_mem>>
    %dma_start3A_10 = arith.constant 0 : i32
    %dma_start3A_11 = tpu.memref_slice %arg3[%dma_start3A, %dma_start3A_10] : memref<2x320000xi32, #tpu.memory_space<hbm>> -> memref<1x320000xi32, #tpu.memory_space<hbm>>
    %dma_start3A_12 = tpu.memref_squeeze %dma_start3A_11 : memref<1x320000xi32, #tpu.memory_space<hbm>> -> memref<320000xi32, #tpu.memory_space<hbm>>
    %dma_start3A_13 = tpu.memref_slice %dma_start3A_12[%mul3A_2] : memref<320000xi32, #tpu.memory_space<hbm>> -> memref<10000xi32, #tpu.memory_space<hbm>>
    tpu.enqueue_dma source(%dma_start3A_13 : memref<10000xi32, #tpu.memory_space<hbm>>) target(%arg5 : memref<10000xi32, #tpu.memory_space<vmem>>) target_semaphore(%dma_start3A_9 : memref<!tpu.dma_semaphore, #tpu.memory_space<semaphore_mem>>)
    %mul3A_14 = arith.constant 10000 : i32
    %mul3A_15 = arith.muli %add3A, %mul3A_14 : i32
    %dma_start3A_16 = arith.constant 1 : i32
    %dma_start3A_17 = arith.constant 1 : i32
    %dma_start3A_18 = arith.constant 0 : i32
    %dma_start3A_19 = tpu.memref_slice %arg3[%dma_start3A_16, %dma_start3A_18] : memref<2x320000xi32, #tpu.memory_space<hbm>> -> memref<1x320000xi32, #tpu.memory_space<hbm>>
    %dma_start3A_20 = tpu.memref_squeeze %dma_start3A_19 : memref<1x320000xi32, #tpu.memory_space<hbm>> -> memref<320000xi32, #tpu.memory_space<hbm>>
    %dma_start3A_21 = tpu.memref_slice %dma_start3A_20[%mul3A_15] : memref<320000xi32, #tpu.memory_space<hbm>> -> memref<10000xi32, #tpu.memory_space<hbm>>
    %dma_start3A_22 = tpu.memref_slice %arg11[%dma_start3A_17] : memref<5x!tpu.dma_semaphore, #tpu.memory_space<semaphore_mem>> -> memref<1x!tpu.dma_semaphore, #tpu.memory_space<semaphore_mem>>
    %dma_start3A_23 = tpu.memref_squeeze %dma_start3A_22 : memref<1x!tpu.dma_semaphore, #tpu.memory_space<semaphore_mem>> -> memref<!tpu.dma_semaphore, #tpu.memory_space<semaphore_mem>>
    %dma_start3A_24 = arith.constant 0 : i32
    %dma_start3A_25 = tpu.memref_slice %arg3[%dma_start3A_16, %dma_start3A_24] : memref<2x320000xi32, #tpu.memory_space<hbm>> -> memref<1x320000xi32, #tpu.memory_space<hbm>>
    %dma_start3A_26 = tpu.memref_squeeze %dma_start3A_25 : memref<1x320000xi32, #tpu.memory_space<hbm>> -> memref<320000xi32, #tpu.memory_space<hbm>>
    %dma_start3A_27 = tpu.memref_slice %dma_start3A_26[%mul3A_15] : memref<320000xi32, #tpu.memory_space<hbm>> -> memref<10000xi32, #tpu.memory_space<hbm>>
    tpu.enqueue_dma source(%dma_start3A_27 : memref<10000xi32, #tpu.memory_space<hbm>>) target(%arg6 : memref<10000xi32, #tpu.memory_space<vmem>>) target_semaphore(%dma_start3A_23 : memref<!tpu.dma_semaphore, #tpu.memory_space<semaphore_mem>>)
    %mul3A_28 = arith.constant 640 : i32
    %mul3A_29 = arith.muli %arg1, %mul3A_28 : i32
    %mul3A_30 = arith.constant 640 : i32
    %mul3A_31 = arith.muli %arg1, %mul3A_30 : i32
    %dma_start3A_32 = arith.constant 0 : i32
    %dma_start3A_33 = tpu.memref_slice %arg10[%mul3A_31, %dma_start3A_32] : memref<10240x64xf32, #tpu.memory_space<vmem_shared>> -> memref<640x64xf32, #tpu.memory_space<vmem_shared>>
    %dma_start3A_34 = arith.constant 0 : i32
    %dma_start3A_35 = tpu.memref_slice %arg2[%mul3A_29, %dma_start3A_34] : memref<10240x64xf32, #tpu.memory_space<hbm>> -> memref<640x64xf32, #tpu.memory_space<hbm>>
    tpu.enqueue_dma source(%dma_start3A_35 : memref<640x64xf32, #tpu.memory_space<hbm>>) target(%dma_start3A_33 : memref<640x64xf32, #tpu.memory_space<vmem_shared>>) target_semaphore(%arg13 : memref<!tpu.dma_semaphore, #tpu.memory_space<semaphore_mem>>)
    %broadcast_in_dim3A = arith.constant 0.000000e+00 : f32
    %broadcast_in_dim3A_36 = vector.broadcast %broadcast_in_dim3A : f32 to vector<16xf32>
    %scan3A = arith.constant 0 : i32
    %scan3A_37 = arith.constant 16 : i32
    %scan3A_38 = arith.addi %scan3A, %scan3A_37 : i32
    %scan3A_39 = arith.constant 1 : i32
    scf.for %scan3A_343 = %scan3A to %scan3A_38 step %scan3A_39  : i32 {
      %mul3A_344 = arith.constant 1 : i32
      %mul3A_345 = arith.muli %scan3A_343, %mul3A_344 : i32
      %add3A_346 = arith.constant 0 : i32
      %add3A_347 = arith.addi %add3A_346, %mul3A_345 : i32
      %swap3A = arith.index_cast %add3A_347 : i32 to index
      %swap3A_348 = arith.constant 0 : index
      %swap3A_349 = tpu.vector_load %arg8[%swap3A, %swap3A_348] {strides = array<i32>} : memref<16x64xf32, #tpu.memory_space<vmem>>, vector<16xf32>,
      tpu.vector_store %arg8[%swap3A, %swap3A_348], %broadcast_in_dim3A_36 {strides = array<i32>} : memref<16x64xf32, #tpu.memory_space<vmem>>, vector<16xf32>,
      %swap3A_350 = arith.index_cast %add3A_347 : i32 to index
      %swap3A_351 = arith.constant 16 : index
      %swap3A_352 = tpu.vector_load %arg8[%swap3A_350, %swap3A_351] {strides = array<i32>} : memref<16x64xf32, #tpu.memory_space<vmem>>, vector<16xf32>,
      tpu.vector_store %arg8[%swap3A_350, %swap3A_351], %broadcast_in_dim3A_36 {strides = array<i32>} : memref<16x64xf32, #tpu.memory_space<vmem>>, vector<16xf32>,
      %swap3A_353 = arith.index_cast %add3A_347 : i32 to index
      %swap3A_354 = arith.constant 32 : index
      %swap3A_355 = tpu.vector_load %arg8[%swap3A_353, %swap3A_354] {strides = array<i32>} : memref<16x64xf32, #tpu.memory_space<vmem>>, vector<16xf32>,
      tpu.vector_store %arg8[%swap3A_353, %swap3A_354], %broadcast_in_dim3A_36 {strides = array<i32>} : memref<16x64xf32, #tpu.memory_space<vmem>>, vector<16xf32>,
      %swap3A_356 = arith.index_cast %add3A_347 : i32 to index
      %swap3A_357 = arith.constant 48 : index
      %swap3A_358 = tpu.vector_load %arg8[%swap3A_356, %swap3A_357] {strides = array<i32>} : memref<16x64xf32, #tpu.memory_space<vmem>>, vector<16xf32>,
      tpu.vector_store %arg8[%swap3A_356, %swap3A_357], %broadcast_in_dim3A_36 {strides = array<i32>} : memref<16x64xf32, #tpu.memory_space<vmem>>, vector<16xf32>,
    }
    %scan3A_40 = arith.constant 16 : i32
    %scan3A_41 = arith.constant 0 : i32
    %scan3A_42 = arith.constant 40 : i32
    %scan3A_43 = arith.addi %scan3A_41, %scan3A_42 : i32
    %scan3A_44 = arith.constant 1 : i32
    scf.for %scan3A_343 = %scan3A_41 to %scan3A_43 step %scan3A_44  : i32 {
      %mul3A_344 = arith.constant 1 : i32
      %mul3A_345 = arith.muli %scan3A_343, %mul3A_344 : i32
      %add3A_346 = arith.constant 0 : i32
      %add3A_347 = arith.addi %add3A_346, %mul3A_345 : i32
      %mul3A_348 = arith.constant 640 : i32
      %mul3A_349 = arith.muli %arg1, %mul3A_348 : i32
      %mul3A_350 = arith.constant 16 : i32
      %mul3A_351 = arith.muli %add3A_347, %mul3A_350 : i32
      %add3A_352 = arith.addi %mul3A_349, %mul3A_351 : i32
      "tpu.region"() ({
        %run_scoped3A = tpu.sem_alloc : memref<!tpu.dma_semaphore, #tpu.memory_space<semaphore_mem>>
        %dma_start3A_353 = arith.constant 0 : i32
        %dma_start3A_354 = tpu.memref_slice %arg9[%add3A_352, %dma_start3A_353] : memref<10240x64xf32, #tpu.memory_space<vmem_shared>> -> memref<16x64xf32, #tpu.memory_space<vmem_shared>>
        %dma_start3A_355 = arith.constant 0 : i32
        %dma_start3A_356 = tpu.memref_slice %arg9[%add3A_352, %dma_start3A_355] : memref<10240x64xf32, #tpu.memory_space<vmem_shared>> -> memref<16x64xf32, #tpu.memory_space<vmem_shared>>
        tpu.enqueue_dma source(%arg8 : memref<16x64xf32, #tpu.memory_space<vmem>>) target(%dma_start3A_356 : memref<16x64xf32, #tpu.memory_space<vmem_shared>>) target_semaphore(%run_scoped3A : memref<!tpu.dma_semaphore, #tpu.memory_space<semaphore_mem>>)
        %dma_wait3A_357 = arith.constant 0 : i32
        %dma_wait3A_358 = tpu.memref_slice %arg9[%add3A_352, %dma_wait3A_357] : memref<10240x64xf32, #tpu.memory_space<vmem_shared>> -> memref<16x64xf32, #tpu.memory_space<vmem_shared>>
        %dma_wait3A_359 = arith.constant 0 : i32
        %dma_wait3A_360 = tpu.memref_slice %arg9[%add3A_352, %dma_wait3A_359] : memref<10240x64xf32, #tpu.memory_space<vmem_shared>> -> memref<16x64xf32, #tpu.memory_space<vmem_shared>>
        tpu.wait_dma2 semaphore(%run_scoped3A : memref<!tpu.dma_semaphore, #tpu.memory_space<semaphore_mem>>) src(%arg8 : memref<16x64xf32, #tpu.memory_space<vmem>>) dst(%dma_wait3A_360 : memref<16x64xf32, #tpu.memory_space<vmem_shared>>)
        tpu.yield
      }) : () -> ()
    }
    %scan3A_45 = arith.constant 40 : i32
    %dma_wait3A = arith.constant 0 : i32
    %dma_wait3A_46 = arith.constant 0 : i32
    %dma_wait3A_47 = arith.constant 0 : i32
    %dma_wait3A_48 = tpu.memref_slice %arg3[%dma_wait3A, %dma_wait3A_47] : memref<2x320000xi32, #tpu.memory_space<hbm>> -> memref<1x320000xi32, #tpu.memory_space<hbm>>
    %dma_wait3A_49 = tpu.memref_squeeze %dma_wait3A_48 : memref<1x320000xi32, #tpu.memory_space<hbm>> -> memref<320000xi32, #tpu.memory_space<hbm>>
    %dma_wait3A_50 = tpu.memref_slice %dma_wait3A_49[%mul3A_2] : memref<320000xi32, #tpu.memory_space<hbm>> -> memref<10000xi32, #tpu.memory_space<hbm>>
    %dma_wait3A_51 = tpu.memref_slice %arg11[%dma_wait3A_46] : memref<5x!tpu.dma_semaphore, #tpu.memory_space<semaphore_mem>> -> memref<1x!tpu.dma_semaphore, #tpu.memory_space<semaphore_mem>>
    %dma_wait3A_52 = tpu.memref_squeeze %dma_wait3A_51 : memref<1x!tpu.dma_semaphore, #tpu.memory_space<semaphore_mem>> -> memref<!tpu.dma_semaphore, #tpu.memory_space<semaphore_mem>>
    %dma_wait3A_53 = arith.constant 0 : i32
    %dma_wait3A_54 = tpu.memref_slice %arg3[%dma_wait3A, %dma_wait3A_53] : memref<2x320000xi32, #tpu.memory_space<hbm>> -> memref<1x320000xi32, #tpu.memory_space<hbm>>
    %dma_wait3A_55 = tpu.memref_squeeze %dma_wait3A_54 : memref<1x320000xi32, #tpu.memory_space<hbm>> -> memref<320000xi32, #tpu.memory_space<hbm>>
    %dma_wait3A_56 = tpu.memref_slice %dma_wait3A_55[%mul3A_2] : memref<320000xi32, #tpu.memory_space<hbm>> -> memref<10000xi32, #tpu.memory_space<hbm>>
    tpu.wait_dma2 semaphore(%dma_wait3A_52 : memref<!tpu.dma_semaphore, #tpu.memory_space<semaphore_mem>>) src(%dma_wait3A_56 : memref<10000xi32, #tpu.memory_space<hbm>>) dst(%arg5 : memref<10000xi32, #tpu.memory_space<vmem>>)
    %dma_wait3A_57 = arith.constant 1 : i32
    %dma_wait3A_58 = arith.constant 1 : i32
    %dma_wait3A_59 = arith.constant 0 : i32
    %dma_wait3A_60 = tpu.memref_slice %arg3[%dma_wait3A_57, %dma_wait3A_59] : memref<2x320000xi32, #tpu.memory_space<hbm>> -> memref<1x320000xi32, #tpu.memory_space<hbm>>
    %dma_wait3A_61 = tpu.memref_squeeze %dma_wait3A_60 : memref<1x320000xi32, #tpu.memory_space<hbm>> -> memref<320000xi32, #tpu.memory_space<hbm>>
    %dma_wait3A_62 = tpu.memref_slice %dma_wait3A_61[%mul3A_15] : memref<320000xi32, #tpu.memory_space<hbm>> -> memref<10000xi32, #tpu.memory_space<hbm>>
    %dma_wait3A_63 = tpu.memref_slice %arg11[%dma_wait3A_58] : memref<5x!tpu.dma_semaphore, #tpu.memory_space<semaphore_mem>> -> memref<1x!tpu.dma_semaphore, #tpu.memory_space<semaphore_mem>>
    %dma_wait3A_64 = tpu.memref_squeeze %dma_wait3A_63 : memref<1x!tpu.dma_semaphore, #tpu.memory_space<semaphore_mem>> -> memref<!tpu.dma_semaphore, #tpu.memory_space<semaphore_mem>>
    %dma_wait3A_65 = arith.constant 0 : i32
    %dma_wait3A_66 = tpu.memref_slice %arg3[%dma_wait3A_57, %dma_wait3A_65] : memref<2x320000xi32, #tpu.memory_space<hbm>> -> memref<1x320000xi32, #tpu.memory_space<hbm>>
    %dma_wait3A_67 = tpu.memref_squeeze %dma_wait3A_66 : memref<1x320000xi32, #tpu.memory_space<hbm>> -> memref<320000xi32, #tpu.memory_space<hbm>>
    %dma_wait3A_68 = tpu.memref_slice %dma_wait3A_67[%mul3A_15] : memref<320000xi32, #tpu.memory_space<hbm>> -> memref<10000xi32, #tpu.memory_space<hbm>>
    tpu.wait_dma2 semaphore(%dma_wait3A_64 : memref<!tpu.dma_semaphore, #tpu.memory_space<semaphore_mem>>) src(%dma_wait3A_68 : memref<10000xi32, #tpu.memory_space<hbm>>) dst(%arg6 : memref<10000xi32, #tpu.memory_space<vmem>>)
    %dma_wait3A_69 = arith.constant 0 : i32
    %dma_wait3A_70 = tpu.memref_slice %arg10[%mul3A_31, %dma_wait3A_69] : memref<10240x64xf32, #tpu.memory_space<vmem_shared>> -> memref<640x64xf32, #tpu.memory_space<vmem_shared>>
    %dma_wait3A_71 = arith.constant 0 : i32
    %dma_wait3A_72 = tpu.memref_slice %arg2[%mul3A_29, %dma_wait3A_71] : memref<10240x64xf32, #tpu.memory_space<hbm>> -> memref<640x64xf32, #tpu.memory_space<hbm>>
    tpu.wait_dma2 semaphore(%arg13 : memref<!tpu.dma_semaphore, #tpu.memory_space<semaphore_mem>>) src(%dma_wait3A_72 : memref<640x64xf32, #tpu.memory_space<hbm>>) dst(%dma_wait3A_70 : memref<640x64xf32, #tpu.memory_space<vmem_shared>>)
    %barrier3A = arith.constant 0 : index
    tpu.barrier barrier_id(%barrier3A)
    %dma_start3A_73 = arith.constant 0 : i32
    %dma_start3A_74 = arith.constant 0 : i32
    %dma_start3A_75 = arith.constant 0 : i32
    %dma_start3A_76 = arith.constant 0 : i32
    %dma_start3A_77 = tpu.memref_slice %arg7[%dma_start3A_73, %dma_start3A_75, %dma_start3A_76] : memref<5x80x64xf32, #tpu.memory_space<vmem>> -> memref<1x80x64xf32, #tpu.memory_space<vmem>>
    %dma_start3A_78 = tpu.memref_squeeze %dma_start3A_77 : memref<1x80x64xf32, #tpu.memory_space<vmem>> -> memref<80x64xf32, #tpu.memory_space<vmem>>
    %dma_start3A_79 = arith.constant 0 : i32
    %dma_start3A_80 = tpu.memref_slice %arg5[%dma_start3A_79] : memref<10000xi32, #tpu.memory_space<vmem>> -> memref<80xi32, #tpu.memory_space<vmem>>
    %dma_start3A_81 = arith.constant 0 : i32
    %dma_start3A_82 = arith.constant 0 : i32
    %dma_start3A_83 = tpu.memref_slice %arg10[%dma_start3A_81, %dma_start3A_82] : memref<10240x64xf32, #tpu.memory_space<vmem_shared>> -> memref<10240x64xf32, #tpu.memory_space<vmem_shared>>
    %dma_start3A_84 = tpu.memref_slice %arg11[%dma_start3A_74] : memref<5x!tpu.dma_semaphore, #tpu.memory_space<semaphore_mem>> -> memref<1x!tpu.dma_semaphore, #tpu.memory_space<semaphore_mem>>
    %dma_start3A_85 = tpu.memref_squeeze %dma_start3A_84 : memref<1x!tpu.dma_semaphore, #tpu.memory_space<semaphore_mem>> -> memref<!tpu.dma_semaphore, #tpu.memory_space<semaphore_mem>>
    tpu.enqueue_indirect_dma source(%dma_start3A_83 : memref<10240x64xf32, #tpu.memory_space<vmem_shared>>) target(%dma_start3A_78 : memref<80x64xf32, #tpu.memory_space<vmem>>) offsets(%dma_start3A_80 : memref<80xi32, #tpu.memory_space<vmem>>) semaphore(%dma_start3A_85 : memref<!tpu.dma_semaphore, #tpu.memory_space<semaphore_mem>>)
    %dma_start3A_86 = arith.constant 1 : i32
    %dma_start3A_87 = arith.constant 1 : i32
    %dma_start3A_88 = arith.constant 0 : i32
    %dma_start3A_89 = arith.constant 0 : i32
    %dma_start3A_90 = tpu.memref_slice %arg7[%dma_start3A_86, %dma_start3A_88, %dma_start3A_89] : memref<5x80x64xf32, #tpu.memory_space<vmem>> -> memref<1x80x64xf32, #tpu.memory_space<vmem>>
    %dma_start3A_91 = tpu.memref_squeeze %dma_start3A_90 : memref<1x80x64xf32, #tpu.memory_space<vmem>> -> memref<80x64xf32, #tpu.memory_space<vmem>>
    %dma_start3A_92 = arith.constant 80 : i32
    %dma_start3A_93 = tpu.memref_slice %arg5[%dma_start3A_92] : memref<10000xi32, #tpu.memory_space<vmem>> -> memref<80xi32, #tpu.memory_space<vmem>>
    %dma_start3A_94 = arith.constant 0 : i32
    %dma_start3A_95 = arith.constant 0 : i32
    %dma_start3A_96 = tpu.memref_slice %arg10[%dma_start3A_94, %dma_start3A_95] : memref<10240x64xf32, #tpu.memory_space<vmem_shared>> -> memref<10240x64xf32, #tpu.memory_space<vmem_shared>>
    %dma_start3A_97 = tpu.memref_slice %arg11[%dma_start3A_87] : memref<5x!tpu.dma_semaphore, #tpu.memory_space<semaphore_mem>> -> memref<1x!tpu.dma_semaphore, #tpu.memory_space<semaphore_mem>>
    %dma_start3A_98 = tpu.memref_squeeze %dma_start3A_97 : memref<1x!tpu.dma_semaphore, #tpu.memory_space<semaphore_mem>> -> memref<!tpu.dma_semaphore, #tpu.memory_space<semaphore_mem>>
    tpu.enqueue_indirect_dma source(%dma_start3A_96 : memref<10240x64xf32, #tpu.memory_space<vmem_shared>>) target(%dma_start3A_91 : memref<80x64xf32, #tpu.memory_space<vmem>>) offsets(%dma_start3A_93 : memref<80xi32, #tpu.memory_space<vmem>>) semaphore(%dma_start3A_98 : memref<!tpu.dma_semaphore, #tpu.memory_space<semaphore_mem>>)
    %dma_start3A_99 = arith.constant 2 : i32
    %dma_start3A_100 = arith.constant 2 : i32
    %dma_start3A_101 = arith.constant 0 : i32
    %dma_start3A_102 = arith.constant 0 : i32
    %dma_start3A_103 = tpu.memref_slice %arg7[%dma_start3A_99, %dma_start3A_101, %dma_start3A_102] : memref<5x80x64xf32, #tpu.memory_space<vmem>> -> memref<1x80x64xf32, #tpu.memory_space<vmem>>
    %dma_start3A_104 = tpu.memref_squeeze %dma_start3A_103 : memref<1x80x64xf32, #tpu.memory_space<vmem>> -> memref<80x64xf32, #tpu.memory_space<vmem>>
    %dma_start3A_105 = arith.constant 160 : i32
    %dma_start3A_106 = tpu.memref_slice %arg5[%dma_start3A_105] : memref<10000xi32, #tpu.memory_space<vmem>> -> memref<80xi32, #tpu.memory_space<vmem>>
    %dma_start3A_107 = arith.constant 0 : i32
    %dma_start3A_108 = arith.constant 0 : i32
    %dma_start3A_109 = tpu.memref_slice %arg10[%dma_start3A_107, %dma_start3A_108] : memref<10240x64xf32, #tpu.memory_space<vmem_shared>> -> memref<10240x64xf32, #tpu.memory_space<vmem_shared>>
    %dma_start3A_110 = tpu.memref_slice %arg11[%dma_start3A_100] : memref<5x!tpu.dma_semaphore, #tpu.memory_space<semaphore_mem>> -> memref<1x!tpu.dma_semaphore, #tpu.memory_space<semaphore_mem>>
    %dma_start3A_111 = tpu.memref_squeeze %dma_start3A_110 : memref<1x!tpu.dma_semaphore, #tpu.memory_space<semaphore_mem>> -> memref<!tpu.dma_semaphore, #tpu.memory_space<semaphore_mem>>
    tpu.enqueue_indirect_dma source(%dma_start3A_109 : memref<10240x64xf32, #tpu.memory_space<vmem_shared>>) target(%dma_start3A_104 : memref<80x64xf32, #tpu.memory_space<vmem>>) offsets(%dma_start3A_106 : memref<80xi32, #tpu.memory_space<vmem>>) semaphore(%dma_start3A_111 : memref<!tpu.dma_semaphore, #tpu.memory_space<semaphore_mem>>)
    %dma_start3A_112 = arith.constant 3 : i32
    %dma_start3A_113 = arith.constant 3 : i32
    %dma_start3A_114 = arith.constant 0 : i32
    %dma_start3A_115 = arith.constant 0 : i32
    %dma_start3A_116 = tpu.memref_slice %arg7[%dma_start3A_112, %dma_start3A_114, %dma_start3A_115] : memref<5x80x64xf32, #tpu.memory_space<vmem>> -> memref<1x80x64xf32, #tpu.memory_space<vmem>>
    %dma_start3A_117 = tpu.memref_squeeze %dma_start3A_116 : memref<1x80x64xf32, #tpu.memory_space<vmem>> -> memref<80x64xf32, #tpu.memory_space<vmem>>
    %dma_start3A_118 = arith.constant 240 : i32
    %dma_start3A_119 = tpu.memref_slice %arg5[%dma_start3A_118] : memref<10000xi32, #tpu.memory_space<vmem>> -> memref<80xi32, #tpu.memory_space<vmem>>
    %dma_start3A_120 = arith.constant 0 : i32
    %dma_start3A_121 = arith.constant 0 : i32
    %dma_start3A_122 = tpu.memref_slice %arg10[%dma_start3A_120, %dma_start3A_121] : memref<10240x64xf32, #tpu.memory_space<vmem_shared>> -> memref<10240x64xf32, #tpu.memory_space<vmem_shared>>
    %dma_start3A_123 = tpu.memref_slice %arg11[%dma_start3A_113] : memref<5x!tpu.dma_semaphore, #tpu.memory_space<semaphore_mem>> -> memref<1x!tpu.dma_semaphore, #tpu.memory_space<semaphore_mem>>
    %dma_start3A_124 = tpu.memref_squeeze %dma_start3A_123 : memref<1x!tpu.dma_semaphore, #tpu.memory_space<semaphore_mem>> -> memref<!tpu.dma_semaphore, #tpu.memory_space<semaphore_mem>>
    tpu.enqueue_indirect_dma source(%dma_start3A_122 : memref<10240x64xf32, #tpu.memory_space<vmem_shared>>) target(%dma_start3A_117 : memref<80x64xf32, #tpu.memory_space<vmem>>) offsets(%dma_start3A_119 : memref<80xi32, #tpu.memory_space<vmem>>) semaphore(%dma_start3A_124 : memref<!tpu.dma_semaphore, #tpu.memory_space<semaphore_mem>>)
    %dma_wait3A_125 = arith.constant 0 : i32
    %dma_wait3A_126 = arith.constant 0 : i32
    %dma_wait3A_127 = arith.constant 0 : i32
    %dma_wait3A_128 = arith.constant 0 : i32
    %dma_wait3A_129 = tpu.memref_slice %arg7[%dma_wait3A_125, %dma_wait3A_127, %dma_wait3A_128] : memref<5x80x64xf32, #tpu.memory_space<vmem>> -> memref<1x80x64xf32, #tpu.memory_space<vmem>>
    %dma_wait3A_130 = tpu.memref_squeeze %dma_wait3A_129 : memref<1x80x64xf32, #tpu.memory_space<vmem>> -> memref<80x64xf32, #tpu.memory_space<vmem>>
    %dma_wait3A_131 = arith.constant 0 : i32
    %dma_wait3A_132 = tpu.memref_slice %arg5[%dma_wait3A_131] : memref<10000xi32, #tpu.memory_space<vmem>> -> memref<80xi32, #tpu.memory_space<vmem>>
    %dma_wait3A_133 = arith.constant 0 : i32
    %dma_wait3A_134 = arith.constant 0 : i32
    %dma_wait3A_135 = tpu.memref_slice %arg10[%dma_wait3A_133, %dma_wait3A_134] : memref<10240x64xf32, #tpu.memory_space<vmem_shared>> -> memref<10240x64xf32, #tpu.memory_space<vmem_shared>>
    %dma_wait3A_136 = tpu.memref_slice %arg11[%dma_wait3A_126] : memref<5x!tpu.dma_semaphore, #tpu.memory_space<semaphore_mem>> -> memref<1x!tpu.dma_semaphore, #tpu.memory_space<semaphore_mem>>
    %dma_wait3A_137 = tpu.memref_squeeze %dma_wait3A_136 : memref<1x!tpu.dma_semaphore, #tpu.memory_space<semaphore_mem>> -> memref<!tpu.dma_semaphore, #tpu.memory_space<semaphore_mem>>
    tpu.wait_indirect_dma semaphore(%dma_wait3A_137 : memref<!tpu.dma_semaphore, #tpu.memory_space<semaphore_mem>>) src(%dma_wait3A_135 : memref<10240x64xf32, #tpu.memory_space<vmem_shared>>) dst(%dma_wait3A_130 : memref<80x64xf32, #tpu.memory_space<vmem>>)
    %dma_start3A_138 = arith.constant 0 : i32
    %dma_start3A_139 = arith.constant 0 : i32
    %dma_start3A_140 = arith.constant 0 : i32
    %dma_start3A_141 = arith.constant 0 : i32
    %dma_start3A_142 = tpu.memref_slice %arg7[%dma_start3A_138, %dma_start3A_140, %dma_start3A_141] : memref<5x80x64xf32, #tpu.memory_space<vmem>> -> memref<1x80x64xf32, #tpu.memory_space<vmem>>
    %dma_start3A_143 = tpu.memref_squeeze %dma_start3A_142 : memref<1x80x64xf32, #tpu.memory_space<vmem>> -> memref<80x64xf32, #tpu.memory_space<vmem>>
    %dma_start3A_144 = arith.constant 0 : i32
    %dma_start3A_145 = tpu.memref_slice %arg6[%dma_start3A_144] : memref<10000xi32, #tpu.memory_space<vmem>> -> memref<80xi32, #tpu.memory_space<vmem>>
    %dma_start3A_146 = arith.constant 0 : i32
    %dma_start3A_147 = arith.constant 0 : i32
    %dma_start3A_148 = tpu.memref_slice %arg9[%dma_start3A_146, %dma_start3A_147] : memref<10240x64xf32, #tpu.memory_space<vmem_shared>> -> memref<10240x64xf32, #tpu.memory_space<vmem_shared>>
    %dma_start3A_149 = tpu.memref_slice %arg12[%dma_start3A_139] : memref<5x!tpu.dma_semaphore, #tpu.memory_space<semaphore_mem>> -> memref<1x!tpu.dma_semaphore, #tpu.memory_space<semaphore_mem>>
    %dma_start3A_150 = tpu.memref_squeeze %dma_start3A_149 : memref<1x!tpu.dma_semaphore, #tpu.memory_space<semaphore_mem>> -> memref<!tpu.dma_semaphore, #tpu.memory_space<semaphore_mem>>
    tpu.enqueue_indirect_dma source(%dma_start3A_143 : memref<80x64xf32, #tpu.memory_space<vmem>>) target(%dma_start3A_148 : memref<10240x64xf32, #tpu.memory_space<vmem_shared>>) offsets(%dma_start3A_145 : memref<80xi32, #tpu.memory_space<vmem>>) semaphore(%dma_start3A_150 : memref<!tpu.dma_semaphore, #tpu.memory_space<semaphore_mem>>) {add = true}
    %dma_start3A_151 = arith.constant 4 : i32
    %dma_start3A_152 = arith.constant 4 : i32
    %dma_start3A_153 = arith.constant 0 : i32
    %dma_start3A_154 = arith.constant 0 : i32
    %dma_start3A_155 = tpu.memref_slice %arg7[%dma_start3A_151, %dma_start3A_153, %dma_start3A_154] : memref<5x80x64xf32, #tpu.memory_space<vmem>> -> memref<1x80x64xf32, #tpu.memory_space<vmem>>
    %dma_start3A_156 = tpu.memref_squeeze %dma_start3A_155 : memref<1x80x64xf32, #tpu.memory_space<vmem>> -> memref<80x64xf32, #tpu.memory_space<vmem>>
    %dma_start3A_157 = arith.constant 320 : i32
    %dma_start3A_158 = tpu.memref_slice %arg5[%dma_start3A_157] : memref<10000xi32, #tpu.memory_space<vmem>> -> memref<80xi32, #tpu.memory_space<vmem>>
    %dma_start3A_159 = arith.constant 0 : i32
    %dma_start3A_160 = arith.constant 0 : i32
    %dma_start3A_161 = tpu.memref_slice %arg10[%dma_start3A_159, %dma_start3A_160] : memref<10240x64xf32, #tpu.memory_space<vmem_shared>> -> memref<10240x64xf32, #tpu.memory_space<vmem_shared>>
    %dma_start3A_162 = tpu.memref_slice %arg11[%dma_start3A_152] : memref<5x!tpu.dma_semaphore, #tpu.memory_space<semaphore_mem>> -> memref<1x!tpu.dma_semaphore, #tpu.memory_space<semaphore_mem>>
    %dma_start3A_163 = tpu.memref_squeeze %dma_start3A_162 : memref<1x!tpu.dma_semaphore, #tpu.memory_space<semaphore_mem>> -> memref<!tpu.dma_semaphore, #tpu.memory_space<semaphore_mem>>
    tpu.enqueue_indirect_dma source(%dma_start3A_161 : memref<10240x64xf32, #tpu.memory_space<vmem_shared>>) target(%dma_start3A_156 : memref<80x64xf32, #tpu.memory_space<vmem>>) offsets(%dma_start3A_158 : memref<80xi32, #tpu.memory_space<vmem>>) semaphore(%dma_start3A_163 : memref<!tpu.dma_semaphore, #tpu.memory_space<semaphore_mem>>)
    %dma_wait3A_164 = arith.constant 1 : i32
    %dma_wait3A_165 = arith.constant 1 : i32
    %dma_wait3A_166 = arith.constant 0 : i32
    %dma_wait3A_167 = arith.constant 0 : i32
    %dma_wait3A_168 = tpu.memref_slice %arg7[%dma_wait3A_164, %dma_wait3A_166, %dma_wait3A_167] : memref<5x80x64xf32, #tpu.memory_space<vmem>> -> memref<1x80x64xf32, #tpu.memory_space<vmem>>
    %dma_wait3A_169 = tpu.memref_squeeze %dma_wait3A_168 : memref<1x80x64xf32, #tpu.memory_space<vmem>> -> memref<80x64xf32, #tpu.memory_space<vmem>>
    %dma_wait3A_170 = arith.constant 80 : i32
    %dma_wait3A_171 = tpu.memref_slice %arg5[%dma_wait3A_170] : memref<10000xi32, #tpu.memory_space<vmem>> -> memref<80xi32, #tpu.memory_space<vmem>>
    %dma_wait3A_172 = arith.constant 0 : i32
    %dma_wait3A_173 = arith.constant 0 : i32
    %dma_wait3A_174 = tpu.memref_slice %arg10[%dma_wait3A_172, %dma_wait3A_173] : memref<10240x64xf32, #tpu.memory_space<vmem_shared>> -> memref<10240x64xf32, #tpu.memory_space<vmem_shared>>
    %dma_wait3A_175 = tpu.memref_slice %arg11[%dma_wait3A_165] : memref<5x!tpu.dma_semaphore, #tpu.memory_space<semaphore_mem>> -> memref<1x!tpu.dma_semaphore, #tpu.memory_space<semaphore_mem>>
    %dma_wait3A_176 = tpu.memref_squeeze %dma_wait3A_175 : memref<1x!tpu.dma_semaphore, #tpu.memory_space<semaphore_mem>> -> memref<!tpu.dma_semaphore, #tpu.memory_space<semaphore_mem>>
    tpu.wait_indirect_dma semaphore(%dma_wait3A_176 : memref<!tpu.dma_semaphore, #tpu.memory_space<semaphore_mem>>) src(%dma_wait3A_174 : memref<10240x64xf32, #tpu.memory_space<vmem_shared>>) dst(%dma_wait3A_169 : memref<80x64xf32, #tpu.memory_space<vmem>>)
    %dma_start3A_177 = arith.constant 1 : i32
    %dma_start3A_178 = arith.constant 1 : i32
    %dma_start3A_179 = arith.constant 0 : i32
    %dma_start3A_180 = arith.constant 0 : i32
    %dma_start3A_181 = tpu.memref_slice %arg7[%dma_start3A_177, %dma_start3A_179, %dma_start3A_180] : memref<5x80x64xf32, #tpu.memory_space<vmem>> -> memref<1x80x64xf32, #tpu.memory_space<vmem>>
    %dma_start3A_182 = tpu.memref_squeeze %dma_start3A_181 : memref<1x80x64xf32, #tpu.memory_space<vmem>> -> memref<80x64xf32, #tpu.memory_space<vmem>>
    %dma_start3A_183 = arith.constant 80 : i32
    %dma_start3A_184 = tpu.memref_slice %arg6[%dma_start3A_183] : memref<10000xi32, #tpu.memory_space<vmem>> -> memref<80xi32, #tpu.memory_space<vmem>>
    %dma_start3A_185 = arith.constant 0 : i32
    %dma_start3A_186 = arith.constant 0 : i32
    %dma_start3A_187 = tpu.memref_slice %arg9[%dma_start3A_185, %dma_start3A_186] : memref<10240x64xf32, #tpu.memory_space<vmem_shared>> -> memref<10240x64xf32, #tpu.memory_space<vmem_shared>>
    %dma_start3A_188 = tpu.memref_slice %arg12[%dma_start3A_178] : memref<5x!tpu.dma_semaphore, #tpu.memory_space<semaphore_mem>> -> memref<1x!tpu.dma_semaphore, #tpu.memory_space<semaphore_mem>>
    %dma_start3A_189 = tpu.memref_squeeze %dma_start3A_188 : memref<1x!tpu.dma_semaphore, #tpu.memory_space<semaphore_mem>> -> memref<!tpu.dma_semaphore, #tpu.memory_space<semaphore_mem>>
    tpu.enqueue_indirect_dma source(%dma_start3A_182 : memref<80x64xf32, #tpu.memory_space<vmem>>) target(%dma_start3A_187 : memref<10240x64xf32, #tpu.memory_space<vmem_shared>>) offsets(%dma_start3A_184 : memref<80xi32, #tpu.memory_space<vmem>>) semaphore(%dma_start3A_189 : memref<!tpu.dma_semaphore, #tpu.memory_space<semaphore_mem>>) {add = true}
    %scan3A_190 = arith.constant 0 : i32
    %scan3A_191 = arith.constant 24 : i32
    %scan3A_192 = arith.addi %scan3A_190, %scan3A_191 : i32
    %scan3A_193 = arith.constant 1 : i32
    scf.for %scan3A_343 = %scan3A_190 to %scan3A_192 step %scan3A_193  : i32 {
      %mul3A_344 = arith.constant 5 : i32
      %mul3A_345 = arith.muli %scan3A_343, %mul3A_344 : i32
      %add3A_346 = arith.constant 2 : i32
      %add3A_347 = arith.addi %add3A_346, %mul3A_345 : i32
      %add3A_348 = arith.constant 0 : i32
      %add3A_349 = arith.addi %add3A_347, %add3A_348 : i32
      %sub3A = arith.constant 2 : i32
      %sub3A_350 = arith.subi %add3A_349, %sub3A : i32
      %mul3A_351 = arith.constant 80 : i32
      %mul3A_352 = arith.muli %sub3A_350, %mul3A_351 : i32
      %dma_wait3A_353 = arith.constant 0 : i32
      %dma_wait3A_354 = arith.constant 0 : i32
      %dma_wait3A_355 = arith.constant 0 : i32
      %dma_wait3A_356 = arith.constant 0 : i32
      %dma_wait3A_357 = tpu.memref_slice %arg7[%dma_wait3A_353, %dma_wait3A_355, %dma_wait3A_356] : memref<5x80x64xf32, #tpu.memory_space<vmem>> -> memref<1x80x64xf32, #tpu.memory_space<vmem>>
      %dma_wait3A_358 = tpu.memref_squeeze %dma_wait3A_357 : memref<1x80x64xf32, #tpu.memory_space<vmem>> -> memref<80x64xf32, #tpu.memory_space<vmem>>
      %dma_wait3A_359 = tpu.memref_slice %arg6[%mul3A_352] : memref<10000xi32, #tpu.memory_space<vmem>> -> memref<80xi32, #tpu.memory_space<vmem>>
      %dma_wait3A_360 = arith.constant 0 : i32
      %dma_wait3A_361 = arith.constant 0 : i32
      %dma_wait3A_362 = tpu.memref_slice %arg9[%dma_wait3A_360, %dma_wait3A_361] : memref<10240x64xf32, #tpu.memory_space<vmem_shared>> -> memref<10240x64xf32, #tpu.memory_space<vmem_shared>>
      %dma_wait3A_363 = tpu.memref_slice %arg12[%dma_wait3A_354] : memref<5x!tpu.dma_semaphore, #tpu.memory_space<semaphore_mem>> -> memref<1x!tpu.dma_semaphore, #tpu.memory_space<semaphore_mem>>
      %dma_wait3A_364 = tpu.memref_squeeze %dma_wait3A_363 : memref<1x!tpu.dma_semaphore, #tpu.memory_space<semaphore_mem>> -> memref<!tpu.dma_semaphore, #tpu.memory_space<semaphore_mem>>
      tpu.wait_indirect_dma semaphore(%dma_wait3A_364 : memref<!tpu.dma_semaphore, #tpu.memory_space<semaphore_mem>>) src(%dma_wait3A_358 : memref<80x64xf32, #tpu.memory_space<vmem>>) dst(%dma_wait3A_362 : memref<10240x64xf32, #tpu.memory_space<vmem_shared>>)
      %add3A_365 = arith.constant 3 : i32
      %add3A_366 = arith.addi %add3A_349, %add3A_365 : i32
      %mul3A_367 = arith.constant 80 : i32
      %mul3A_368 = arith.muli %add3A_366, %mul3A_367 : i32
      %dma_start3A_369 = arith.constant 0 : i32
      %dma_start3A_370 = arith.constant 0 : i32
      %dma_start3A_371 = arith.constant 0 : i32
      %dma_start3A_372 = arith.constant 0 : i32
      %dma_start3A_373 = tpu.memref_slice %arg7[%dma_start3A_369, %dma_start3A_371, %dma_start3A_372] : memref<5x80x64xf32, #tpu.memory_space<vmem>> -> memref<1x80x64xf32, #tpu.memory_space<vmem>>
      %dma_start3A_374 = tpu.memref_squeeze %dma_start3A_373 : memref<1x80x64xf32, #tpu.memory_space<vmem>> -> memref<80x64xf32, #tpu.memory_space<vmem>>
      %dma_start3A_375 = tpu.memref_slice %arg5[%mul3A_368] : memref<10000xi32, #tpu.memory_space<vmem>> -> memref<80xi32, #tpu.memory_space<vmem>>
      %dma_start3A_376 = arith.constant 0 : i32
      %dma_start3A_377 = arith.constant 0 : i32
      %dma_start3A_378 = tpu.memref_slice %arg10[%dma_start3A_376, %dma_start3A_377] : memref<10240x64xf32, #tpu.memory_space<vmem_shared>> -> memref<10240x64xf32, #tpu.memory_space<vmem_shared>>
      %dma_start3A_379 = tpu.memref_slice %arg11[%dma_start3A_370] : memref<5x!tpu.dma_semaphore, #tpu.memory_space<semaphore_mem>> -> memref<1x!tpu.dma_semaphore, #tpu.memory_space<semaphore_mem>>
      %dma_start3A_380 = tpu.memref_squeeze %dma_start3A_379 : memref<1x!tpu.dma_semaphore, #tpu.memory_space<semaphore_mem>> -> memref<!tpu.dma_semaphore, #tpu.memory_space<semaphore_mem>>
      tpu.enqueue_indirect_dma source(%dma_start3A_378 : memref<10240x64xf32, #tpu.memory_space<vmem_shared>>) target(%dma_start3A_374 : memref<80x64xf32, #tpu.memory_space<vmem>>) offsets(%dma_start3A_375 : memref<80xi32, #tpu.memory_space<vmem>>) semaphore(%dma_start3A_380 : memref<!tpu.dma_semaphore, #tpu.memory_space<semaphore_mem>>)
      %mul3A_381 = arith.constant 80 : i32
      %mul3A_382 = arith.muli %add3A_349, %mul3A_381 : i32
      %dma_wait3A_383 = arith.constant 2 : i32
      %dma_wait3A_384 = arith.constant 2 : i32
      %dma_wait3A_385 = arith.constant 0 : i32
      %dma_wait3A_386 = arith.constant 0 : i32
      %dma_wait3A_387 = tpu.memref_slice %arg7[%dma_wait3A_383, %dma_wait3A_385, %dma_wait3A_386] : memref<5x80x64xf32, #tpu.memory_space<vmem>> -> memref<1x80x64xf32, #tpu.memory_space<vmem>>
      %dma_wait3A_388 = tpu.memref_squeeze %dma_wait3A_387 : memref<1x80x64xf32, #tpu.memory_space<vmem>> -> memref<80x64xf32, #tpu.memory_space<vmem>>
      %dma_wait3A_389 = tpu.memref_slice %arg5[%mul3A_382] : memref<10000xi32, #tpu.memory_space<vmem>> -> memref<80xi32, #tpu.memory_space<vmem>>
      %dma_wait3A_390 = arith.constant 0 : i32
      %dma_wait3A_391 = arith.constant 0 : i32
      %dma_wait3A_392 = tpu.memref_slice %arg10[%dma_wait3A_390, %dma_wait3A_391] : memref<10240x64xf32, #tpu.memory_space<vmem_shared>> -> memref<10240x64xf32, #tpu.memory_space<vmem_shared>>
      %dma_wait3A_393 = tpu.memref_slice %arg11[%dma_wait3A_384] : memref<5x!tpu.dma_semaphore, #tpu.memory_space<semaphore_mem>> -> memref<1x!tpu.dma_semaphore, #tpu.memory_space<semaphore_mem>>
      %dma_wait3A_394 = tpu.memref_squeeze %dma_wait3A_393 : memref<1x!tpu.dma_semaphore, #tpu.memory_space<semaphore_mem>> -> memref<!tpu.dma_semaphore, #tpu.memory_space<semaphore_mem>>
      tpu.wait_indirect_dma semaphore(%dma_wait3A_394 : memref<!tpu.dma_semaphore, #tpu.memory_space<semaphore_mem>>) src(%dma_wait3A_392 : memref<10240x64xf32, #tpu.memory_space<vmem_shared>>) dst(%dma_wait3A_388 : memref<80x64xf32, #tpu.memory_space<vmem>>)
      %mul3A_395 = arith.constant 80 : i32
      %mul3A_396 = arith.muli %add3A_349, %mul3A_395 : i32
      %dma_start3A_397 = arith.constant 2 : i32
      %dma_start3A_398 = arith.constant 2 : i32
      %dma_start3A_399 = arith.constant 0 : i32
      %dma_start3A_400 = arith.constant 0 : i32
      %dma_start3A_401 = tpu.memref_slice %arg7[%dma_start3A_397, %dma_start3A_399, %dma_start3A_400] : memref<5x80x64xf32, #tpu.memory_space<vmem>> -> memref<1x80x64xf32, #tpu.memory_space<vmem>>
      %dma_start3A_402 = tpu.memref_squeeze %dma_start3A_401 : memref<1x80x64xf32, #tpu.memory_space<vmem>> -> memref<80x64xf32, #tpu.memory_space<vmem>>
      %dma_start3A_403 = tpu.memref_slice %arg6[%mul3A_396] : memref<10000xi32, #tpu.memory_space<vmem>> -> memref<80xi32, #tpu.memory_space<vmem>>
      %dma_start3A_404 = arith.constant 0 : i32
      %dma_start3A_405 = arith.constant 0 : i32
      %dma_start3A_406 = tpu.memref_slice %arg9[%dma_start3A_404, %dma_start3A_405] : memref<10240x64xf32, #tpu.memory_space<vmem_shared>> -> memref<10240x64xf32, #tpu.memory_space<vmem_shared>>
      %dma_start3A_407 = tpu.memref_slice %arg12[%dma_start3A_398] : memref<5x!tpu.dma_semaphore, #tpu.memory_space<semaphore_mem>> -> memref<1x!tpu.dma_semaphore, #tpu.memory_space<semaphore_mem>>
      %dma_start3A_408 = tpu.memref_squeeze %dma_start3A_407 : memref<1x!tpu.dma_semaphore, #tpu.memory_space<semaphore_mem>> -> memref<!tpu.dma_semaphore, #tpu.memory_space<semaphore_mem>>
      tpu.enqueue_indirect_dma source(%dma_start3A_402 : memref<80x64xf32, #tpu.memory_space<vmem>>) target(%dma_start3A_406 : memref<10240x64xf32, #tpu.memory_space<vmem_shared>>) offsets(%dma_start3A_403 : memref<80xi32, #tpu.memory_space<vmem>>) semaphore(%dma_start3A_408 : memref<!tpu.dma_semaphore, #tpu.memory_space<semaphore_mem>>) {add = true}
      %add3A_409 = arith.constant 1 : i32
      %add3A_410 = arith.addi %add3A_347, %add3A_409 : i32
      %sub3A_411 = arith.constant 2 : i32
      %sub3A_412 = arith.subi %add3A_410, %sub3A_411 : i32
      %mul3A_413 = arith.constant 80 : i32
      %mul3A_414 = arith.muli %sub3A_412, %mul3A_413 : i32
      %dma_wait3A_415 = arith.constant 1 : i32
      %dma_wait3A_416 = arith.constant 1 : i32
      %dma_wait3A_417 = arith.constant 0 : i32
      %dma_wait3A_418 = arith.constant 0 : i32
      %dma_wait3A_419 = tpu.memref_slice %arg7[%dma_wait3A_415, %dma_wait3A_417, %dma_wait3A_418] : memref<5x80x64xf32, #tpu.memory_space<vmem>> -> memref<1x80x64xf32, #tpu.memory_space<vmem>>
      %dma_wait3A_420 = tpu.memref_squeeze %dma_wait3A_419 : memref<1x80x64xf32, #tpu.memory_space<vmem>> -> memref<80x64xf32, #tpu.memory_space<vmem>>
      %dma_wait3A_421 = tpu.memref_slice %arg6[%mul3A_414] : memref<10000xi32, #tpu.memory_space<vmem>> -> memref<80xi32, #tpu.memory_space<vmem>>
      %dma_wait3A_422 = arith.constant 0 : i32
      %dma_wait3A_423 = arith.constant 0 : i32
      %dma_wait3A_424 = tpu.memref_slice %arg9[%dma_wait3A_422, %dma_wait3A_423] : memref<10240x64xf32, #tpu.memory_space<vmem_shared>> -> memref<10240x64xf32, #tpu.memory_space<vmem_shared>>
      %dma_wait3A_425 = tpu.memref_slice %arg12[%dma_wait3A_416] : memref<5x!tpu.dma_semaphore, #tpu.memory_space<semaphore_mem>> -> memref<1x!tpu.dma_semaphore, #tpu.memory_space<semaphore_mem>>
      %dma_wait3A_426 = tpu.memref_squeeze %dma_wait3A_425 : memref<1x!tpu.dma_semaphore, #tpu.memory_space<semaphore_mem>> -> memref<!tpu.dma_semaphore, #tpu.memory_space<semaphore_mem>>
      tpu.wait_indirect_dma semaphore(%dma_wait3A_426 : memref<!tpu.dma_semaphore, #tpu.memory_space<semaphore_mem>>) src(%dma_wait3A_420 : memref<80x64xf32, #tpu.memory_space<vmem>>) dst(%dma_wait3A_424 : memref<10240x64xf32, #tpu.memory_space<vmem_shared>>)
      %add3A_427 = arith.constant 3 : i32
      %add3A_428 = arith.addi %add3A_410, %add3A_427 : i32
      %mul3A_429 = arith.constant 80 : i32
      %mul3A_430 = arith.muli %add3A_428, %mul3A_429 : i32
      %dma_start3A_431 = arith.constant 1 : i32
      %dma_start3A_432 = arith.constant 1 : i32
      %dma_start3A_433 = arith.constant 0 : i32
      %dma_start3A_434 = arith.constant 0 : i32
      %dma_start3A_435 = tpu.memref_slice %arg7[%dma_start3A_431, %dma_start3A_433, %dma_start3A_434] : memref<5x80x64xf32, #tpu.memory_space<vmem>> -> memref<1x80x64xf32, #tpu.memory_space<vmem>>
      %dma_start3A_436 = tpu.memref_squeeze %dma_start3A_435 : memref<1x80x64xf32, #tpu.memory_space<vmem>> -> memref<80x64xf32, #tpu.memory_space<vmem>>
      %dma_start3A_437 = tpu.memref_slice %arg5[%mul3A_430] : memref<10000xi32, #tpu.memory_space<vmem>> -> memref<80xi32, #tpu.memory_space<vmem>>
      %dma_start3A_438 = arith.constant 0 : i32
      %dma_start3A_439 = arith.constant 0 : i32
      %dma_start3A_440 = tpu.memref_slice %arg10[%dma_start3A_438, %dma_start3A_439] : memref<10240x64xf32, #tpu.memory_space<vmem_shared>> -> memref<10240x64xf32, #tpu.memory_space<vmem_shared>>
      %dma_start3A_441 = tpu.memref_slice %arg11[%dma_start3A_432] : memref<5x!tpu.dma_semaphore, #tpu.memory_space<semaphore_mem>> -> memref<1x!tpu.dma_semaphore, #tpu.memory_space<semaphore_mem>>
      %dma_start3A_442 = tpu.memref_squeeze %dma_start3A_441 : memref<1x!tpu.dma_semaphore, #tpu.memory_space<semaphore_mem>> -> memref<!tpu.dma_semaphore, #tpu.memory_space<semaphore_mem>>
      tpu.enqueue_indirect_dma source(%dma_start3A_440 : memref<10240x64xf32, #tpu.memory_space<vmem_shared>>) target(%dma_start3A_436 : memref<80x64xf32, #tpu.memory_space<vmem>>) offsets(%dma_start3A_437 : memref<80xi32, #tpu.memory_space<vmem>>) semaphore(%dma_start3A_442 : memref<!tpu.dma_semaphore, #tpu.memory_space<semaphore_mem>>)
      %mul3A_443 = arith.constant 80 : i32
      %mul3A_444 = arith.muli %add3A_410, %mul3A_443 : i32
      %dma_wait3A_445 = arith.constant 3 : i32
      %dma_wait3A_446 = arith.constant 3 : i32
      %dma_wait3A_447 = arith.constant 0 : i32
      %dma_wait3A_448 = arith.constant 0 : i32
      %dma_wait3A_449 = tpu.memref_slice %arg7[%dma_wait3A_445, %dma_wait3A_447, %dma_wait3A_448] : memref<5x80x64xf32, #tpu.memory_space<vmem>> -> memref<1x80x64xf32, #tpu.memory_space<vmem>>
      %dma_wait3A_450 = tpu.memref_squeeze %dma_wait3A_449 : memref<1x80x64xf32, #tpu.memory_space<vmem>> -> memref<80x64xf32, #tpu.memory_space<vmem>>
      %dma_wait3A_451 = tpu.memref_slice %arg5[%mul3A_444] : memref<10000xi32, #tpu.memory_space<vmem>> -> memref<80xi32, #tpu.memory_space<vmem>>
      %dma_wait3A_452 = arith.constant 0 : i32
      %dma_wait3A_453 = arith.constant 0 : i32
      %dma_wait3A_454 = tpu.memref_slice %arg10[%dma_wait3A_452, %dma_wait3A_453] : memref<10240x64xf32, #tpu.memory_space<vmem_shared>> -> memref<10240x64xf32, #tpu.memory_space<vmem_shared>>
      %dma_wait3A_455 = tpu.memref_slice %arg11[%dma_wait3A_446] : memref<5x!tpu.dma_semaphore, #tpu.memory_space<semaphore_mem>> -> memref<1x!tpu.dma_semaphore, #tpu.memory_space<semaphore_mem>>
      %dma_wait3A_456 = tpu.memref_squeeze %dma_wait3A_455 : memref<1x!tpu.dma_semaphore, #tpu.memory_space<semaphore_mem>> -> memref<!tpu.dma_semaphore, #tpu.memory_space<semaphore_mem>>
      tpu.wait_indirect_dma semaphore(%dma_wait3A_456 : memref<!tpu.dma_semaphore, #tpu.memory_space<semaphore_mem>>) src(%dma_wait3A_454 : memref<10240x64xf32, #tpu.memory_space<vmem_shared>>) dst(%dma_wait3A_450 : memref<80x64xf32, #tpu.memory_space<vmem>>)
      %mul3A_457 = arith.constant 80 : i32
      %mul3A_458 = arith.muli %add3A_410, %mul3A_457 : i32
      %dma_start3A_459 = arith.constant 3 : i32
      %dma_start3A_460 = arith.constant 3 : i32
      %dma_start3A_461 = arith.constant 0 : i32
      %dma_start3A_462 = arith.constant 0 : i32
      %dma_start3A_463 = tpu.memref_slice %arg7[%dma_start3A_459, %dma_start3A_461, %dma_start3A_462] : memref<5x80x64xf32, #tpu.memory_space<vmem>> -> memref<1x80x64xf32, #tpu.memory_space<vmem>>
      %dma_start3A_464 = tpu.memref_squeeze %dma_start3A_463 : memref<1x80x64xf32, #tpu.memory_space<vmem>> -> memref<80x64xf32, #tpu.memory_space<vmem>>
      %dma_start3A_465 = tpu.memref_slice %arg6[%mul3A_458] : memref<10000xi32, #tpu.memory_space<vmem>> -> memref<80xi32, #tpu.memory_space<vmem>>
      %dma_start3A_466 = arith.constant 0 : i32
      %dma_start3A_467 = arith.constant 0 : i32
      %dma_start3A_468 = tpu.memref_slice %arg9[%dma_start3A_466, %dma_start3A_467] : memref<10240x64xf32, #tpu.memory_space<vmem_shared>> -> memref<10240x64xf32, #tpu.memory_space<vmem_shared>>
      %dma_start3A_469 = tpu.memref_slice %arg12[%dma_start3A_460] : memref<5x!tpu.dma_semaphore, #tpu.memory_space<semaphore_mem>> -> memref<1x!tpu.dma_semaphore, #tpu.memory_space<semaphore_mem>>
      %dma_start3A_470 = tpu.memref_squeeze %dma_start3A_469 : memref<1x!tpu.dma_semaphore, #tpu.memory_space<semaphore_mem>> -> memref<!tpu.dma_semaphore, #tpu.memory_space<semaphore_mem>>
      tpu.enqueue_indirect_dma source(%dma_start3A_464 : memref<80x64xf32, #tpu.memory_space<vmem>>) target(%dma_start3A_468 : memref<10240x64xf32, #tpu.memory_space<vmem_shared>>) offsets(%dma_start3A_465 : memref<80xi32, #tpu.memory_space<vmem>>) semaphore(%dma_start3A_470 : memref<!tpu.dma_semaphore, #tpu.memory_space<semaphore_mem>>) {add = true}
      %add3A_471 = arith.constant 2 : i32
      %add3A_472 = arith.addi %add3A_347, %add3A_471 : i32
      %sub3A_473 = arith.constant 2 : i32
      %sub3A_474 = arith.subi %add3A_472, %sub3A_473 : i32
      %mul3A_475 = arith.constant 80 : i32
      %mul3A_476 = arith.muli %sub3A_474, %mul3A_475 : i32
      %dma_wait3A_477 = arith.constant 2 : i32
      %dma_wait3A_478 = arith.constant 2 : i32
      %dma_wait3A_479 = arith.constant 0 : i32
      %dma_wait3A_480 = arith.constant 0 : i32
      %dma_wait3A_481 = tpu.memref_slice %arg7[%dma_wait3A_477, %dma_wait3A_479, %dma_wait3A_480] : memref<5x80x64xf32, #tpu.memory_space<vmem>> -> memref<1x80x64xf32, #tpu.memory_space<vmem>>
      %dma_wait3A_482 = tpu.memref_squeeze %dma_wait3A_481 : memref<1x80x64xf32, #tpu.memory_space<vmem>> -> memref<80x64xf32, #tpu.memory_space<vmem>>
      %dma_wait3A_483 = tpu.memref_slice %arg6[%mul3A_476] : memref<10000xi32, #tpu.memory_space<vmem>> -> memref<80xi32, #tpu.memory_space<vmem>>
      %dma_wait3A_484 = arith.constant 0 : i32
      %dma_wait3A_485 = arith.constant 0 : i32
      %dma_wait3A_486 = tpu.memref_slice %arg9[%dma_wait3A_484, %dma_wait3A_485] : memref<10240x64xf32, #tpu.memory_space<vmem_shared>> -> memref<10240x64xf32, #tpu.memory_space<vmem_shared>>
      %dma_wait3A_487 = tpu.memref_slice %arg12[%dma_wait3A_478] : memref<5x!tpu.dma_semaphore, #tpu.memory_space<semaphore_mem>> -> memref<1x!tpu.dma_semaphore, #tpu.memory_space<semaphore_mem>>
      %dma_wait3A_488 = tpu.memref_squeeze %dma_wait3A_487 : memref<1x!tpu.dma_semaphore, #tpu.memory_space<semaphore_mem>> -> memref<!tpu.dma_semaphore, #tpu.memory_space<semaphore_mem>>
      tpu.wait_indirect_dma semaphore(%dma_wait3A_488 : memref<!tpu.dma_semaphore, #tpu.memory_space<semaphore_mem>>) src(%dma_wait3A_482 : memref<80x64xf32, #tpu.memory_space<vmem>>) dst(%dma_wait3A_486 : memref<10240x64xf32, #tpu.memory_space<vmem_shared>>)
      %add3A_489 = arith.constant 3 : i32
      %add3A_490 = arith.addi %add3A_472, %add3A_489 : i32
      %mul3A_491 = arith.constant 80 : i32
      %mul3A_492 = arith.muli %add3A_490, %mul3A_491 : i32
      %dma_start3A_493 = arith.constant 2 : i32
      %dma_start3A_494 = arith.constant 2 : i32
      %dma_start3A_495 = arith.constant 0 : i32
      %dma_start3A_496 = arith.constant 0 : i32
      %dma_start3A_497 = tpu.memref_slice %arg7[%dma_start3A_493, %dma_start3A_495, %dma_start3A_496] : memref<5x80x64xf32, #tpu.memory_space<vmem>> -> memref<1x80x64xf32, #tpu.memory_space<vmem>>
      %dma_start3A_498 = tpu.memref_squeeze %dma_start3A_497 : memref<1x80x64xf32, #tpu.memory_space<vmem>> -> memref<80x64xf32, #tpu.memory_space<vmem>>
      %dma_start3A_499 = tpu.memref_slice %arg5[%mul3A_492] : memref<10000xi32, #tpu.memory_space<vmem>> -> memref<80xi32, #tpu.memory_space<vmem>>
      %dma_start3A_500 = arith.constant 0 : i32
      %dma_start3A_501 = arith.constant 0 : i32
      %dma_start3A_502 = tpu.memref_slice %arg10[%dma_start3A_500, %dma_start3A_501] : memref<10240x64xf32, #tpu.memory_space<vmem_shared>> -> memref<10240x64xf32, #tpu.memory_space<vmem_shared>>
      %dma_start3A_503 = tpu.memref_slice %arg11[%dma_start3A_494] : memref<5x!tpu.dma_semaphore, #tpu.memory_space<semaphore_mem>> -> memref<1x!tpu.dma_semaphore, #tpu.memory_space<semaphore_mem>>
      %dma_start3A_504 = tpu.memref_squeeze %dma_start3A_503 : memref<1x!tpu.dma_semaphore, #tpu.memory_space<semaphore_mem>> -> memref<!tpu.dma_semaphore, #tpu.memory_space<semaphore_mem>>
      tpu.enqueue_indirect_dma source(%dma_start3A_502 : memref<10240x64xf32, #tpu.memory_space<vmem_shared>>) target(%dma_start3A_498 : memref<80x64xf32, #tpu.memory_space<vmem>>) offsets(%dma_start3A_499 : memref<80xi32, #tpu.memory_space<vmem>>) semaphore(%dma_start3A_504 : memref<!tpu.dma_semaphore, #tpu.memory_space<semaphore_mem>>)
      %mul3A_505 = arith.constant 80 : i32
      %mul3A_506 = arith.muli %add3A_472, %mul3A_505 : i32
      %dma_wait3A_507 = arith.constant 4 : i32
      %dma_wait3A_508 = arith.constant 4 : i32
      %dma_wait3A_509 = arith.constant 0 : i32
      %dma_wait3A_510 = arith.constant 0 : i32
      %dma_wait3A_511 = tpu.memref_slice %arg7[%dma_wait3A_507, %dma_wait3A_509, %dma_wait3A_510] : memref<5x80x64xf32, #tpu.memory_space<vmem>> -> memref<1x80x64xf32, #tpu.memory_space<vmem>>
      %dma_wait3A_512 = tpu.memref_squeeze %dma_wait3A_511 : memref<1x80x64xf32, #tpu.memory_space<vmem>> -> memref<80x64xf32, #tpu.memory_space<vmem>>
      %dma_wait3A_513 = tpu.memref_slice %arg5[%mul3A_506] : memref<10000xi32, #tpu.memory_space<vmem>> -> memref<80xi32, #tpu.memory_space<vmem>>
      %dma_wait3A_514 = arith.constant 0 : i32
      %dma_wait3A_515 = arith.constant 0 : i32
      %dma_wait3A_516 = tpu.memref_slice %arg10[%dma_wait3A_514, %dma_wait3A_515] : memref<10240x64xf32, #tpu.memory_space<vmem_shared>> -> memref<10240x64xf32, #tpu.memory_space<vmem_shared>>
      %dma_wait3A_517 = tpu.memref_slice %arg11[%dma_wait3A_508] : memref<5x!tpu.dma_semaphore, #tpu.memory_space<semaphore_mem>> -> memref<1x!tpu.dma_semaphore, #tpu.memory_space<semaphore_mem>>
      %dma_wait3A_518 = tpu.memref_squeeze %dma_wait3A_517 : memref<1x!tpu.dma_semaphore, #tpu.memory_space<semaphore_mem>> -> memref<!tpu.dma_semaphore, #tpu.memory_space<semaphore_mem>>
      tpu.wait_indirect_dma semaphore(%dma_wait3A_518 : memref<!tpu.dma_semaphore, #tpu.memory_space<semaphore_mem>>) src(%dma_wait3A_516 : memref<10240x64xf32, #tpu.memory_space<vmem_shared>>) dst(%dma_wait3A_512 : memref<80x64xf32, #tpu.memory_space<vmem>>)
      %mul3A_519 = arith.constant 80 : i32
      %mul3A_520 = arith.muli %add3A_472, %mul3A_519 : i32
      %dma_start3A_521 = arith.constant 4 : i32
      %dma_start3A_522 = arith.constant 4 : i32
      %dma_start3A_523 = arith.constant 0 : i32
      %dma_start3A_524 = arith.constant 0 : i32
      %dma_start3A_525 = tpu.memref_slice %arg7[%dma_start3A_521, %dma_start3A_523, %dma_start3A_524] : memref<5x80x64xf32, #tpu.memory_space<vmem>> -> memref<1x80x64xf32, #tpu.memory_space<vmem>>
      %dma_start3A_526 = tpu.memref_squeeze %dma_start3A_525 : memref<1x80x64xf32, #tpu.memory_space<vmem>> -> memref<80x64xf32, #tpu.memory_space<vmem>>
      %dma_start3A_527 = tpu.memref_slice %arg6[%mul3A_520] : memref<10000xi32, #tpu.memory_space<vmem>> -> memref<80xi32, #tpu.memory_space<vmem>>
      %dma_start3A_528 = arith.constant 0 : i32
      %dma_start3A_529 = arith.constant 0 : i32
      %dma_start3A_530 = tpu.memref_slice %arg9[%dma_start3A_528, %dma_start3A_529] : memref<10240x64xf32, #tpu.memory_space<vmem_shared>> -> memref<10240x64xf32, #tpu.memory_space<vmem_shared>>
      %dma_start3A_531 = tpu.memref_slice %arg12[%dma_start3A_522] : memref<5x!tpu.dma_semaphore, #tpu.memory_space<semaphore_mem>> -> memref<1x!tpu.dma_semaphore, #tpu.memory_space<semaphore_mem>>
      %dma_start3A_532 = tpu.memref_squeeze %dma_start3A_531 : memref<1x!tpu.dma_semaphore, #tpu.memory_space<semaphore_mem>> -> memref<!tpu.dma_semaphore, #tpu.memory_space<semaphore_mem>>
      tpu.enqueue_indirect_dma source(%dma_start3A_526 : memref<80x64xf32, #tpu.memory_space<vmem>>) target(%dma_start3A_530 : memref<10240x64xf32, #tpu.memory_space<vmem_shared>>) offsets(%dma_start3A_527 : memref<80xi32, #tpu.memory_space<vmem>>) semaphore(%dma_start3A_532 : memref<!tpu.dma_semaphore, #tpu.memory_space<semaphore_mem>>) {add = true}
      %add3A_533 = arith.constant 3 : i32
      %add3A_534 = arith.addi %add3A_347, %add3A_533 : i32
      %sub3A_535 = arith.constant 2 : i32
      %sub3A_536 = arith.subi %add3A_534, %sub3A_535 : i32
      %mul3A_537 = arith.constant 80 : i32
      %mul3A_538 = arith.muli %sub3A_536, %mul3A_537 : i32
      %dma_wait3A_539 = arith.constant 3 : i32
      %dma_wait3A_540 = arith.constant 3 : i32
      %dma_wait3A_541 = arith.constant 0 : i32
      %dma_wait3A_542 = arith.constant 0 : i32
      %dma_wait3A_543 = tpu.memref_slice %arg7[%dma_wait3A_539, %dma_wait3A_541, %dma_wait3A_542] : memref<5x80x64xf32, #tpu.memory_space<vmem>> -> memref<1x80x64xf32, #tpu.memory_space<vmem>>
      %dma_wait3A_544 = tpu.memref_squeeze %dma_wait3A_543 : memref<1x80x64xf32, #tpu.memory_space<vmem>> -> memref<80x64xf32, #tpu.memory_space<vmem>>
      %dma_wait3A_545 = tpu.memref_slice %arg6[%mul3A_538] : memref<10000xi32, #tpu.memory_space<vmem>> -> memref<80xi32, #tpu.memory_space<vmem>>
      %dma_wait3A_546 = arith.constant 0 : i32
      %dma_wait3A_547 = arith.constant 0 : i32
      %dma_wait3A_548 = tpu.memref_slice %arg9[%dma_wait3A_546, %dma_wait3A_547] : memref<10240x64xf32, #tpu.memory_space<vmem_shared>> -> memref<10240x64xf32, #tpu.memory_space<vmem_shared>>
      %dma_wait3A_549 = tpu.memref_slice %arg12[%dma_wait3A_540] : memref<5x!tpu.dma_semaphore, #tpu.memory_space<semaphore_mem>> -> memref<1x!tpu.dma_semaphore, #tpu.memory_space<semaphore_mem>>
      %dma_wait3A_550 = tpu.memref_squeeze %dma_wait3A_549 : memref<1x!tpu.dma_semaphore, #tpu.memory_space<semaphore_mem>> -> memref<!tpu.dma_semaphore, #tpu.memory_space<semaphore_mem>>
      tpu.wait_indirect_dma semaphore(%dma_wait3A_550 : memref<!tpu.dma_semaphore, #tpu.memory_space<semaphore_mem>>) src(%dma_wait3A_544 : memref<80x64xf32, #tpu.memory_space<vmem>>) dst(%dma_wait3A_548 : memref<10240x64xf32, #tpu.memory_space<vmem_shared>>)
      %add3A_551 = arith.constant 3 : i32
      %add3A_552 = arith.addi %add3A_534, %add3A_551 : i32
      %mul3A_553 = arith.constant 80 : i32
      %mul3A_554 = arith.muli %add3A_552, %mul3A_553 : i32
      %dma_start3A_555 = arith.constant 3 : i32
      %dma_start3A_556 = arith.constant 3 : i32
      %dma_start3A_557 = arith.constant 0 : i32
      %dma_start3A_558 = arith.constant 0 : i32
      %dma_start3A_559 = tpu.memref_slice %arg7[%dma_start3A_555, %dma_start3A_557, %dma_start3A_558] : memref<5x80x64xf32, #tpu.memory_space<vmem>> -> memref<1x80x64xf32, #tpu.memory_space<vmem>>
      %dma_start3A_560 = tpu.memref_squeeze %dma_start3A_559 : memref<1x80x64xf32, #tpu.memory_space<vmem>> -> memref<80x64xf32, #tpu.memory_space<vmem>>
      %dma_start3A_561 = tpu.memref_slice %arg5[%mul3A_554] : memref<10000xi32, #tpu.memory_space<vmem>> -> memref<80xi32, #tpu.memory_space<vmem>>
      %dma_start3A_562 = arith.constant 0 : i32
      %dma_start3A_563 = arith.constant 0 : i32
      %dma_start3A_564 = tpu.memref_slice %arg10[%dma_start3A_562, %dma_start3A_563] : memref<10240x64xf32, #tpu.memory_space<vmem_shared>> -> memref<10240x64xf32, #tpu.memory_space<vmem_shared>>
      %dma_start3A_565 = tpu.memref_slice %arg11[%dma_start3A_556] : memref<5x!tpu.dma_semaphore, #tpu.memory_space<semaphore_mem>> -> memref<1x!tpu.dma_semaphore, #tpu.memory_space<semaphore_mem>>
      %dma_start3A_566 = tpu.memref_squeeze %dma_start3A_565 : memref<1x!tpu.dma_semaphore, #tpu.memory_space<semaphore_mem>> -> memref<!tpu.dma_semaphore, #tpu.memory_space<semaphore_mem>>
      tpu.enqueue_indirect_dma source(%dma_start3A_564 : memref<10240x64xf32, #tpu.memory_space<vmem_shared>>) target(%dma_start3A_560 : memref<80x64xf32, #tpu.memory_space<vmem>>) offsets(%dma_start3A_561 : memref<80xi32, #tpu.memory_space<vmem>>) semaphore(%dma_start3A_566 : memref<!tpu.dma_semaphore, #tpu.memory_space<semaphore_mem>>)
      %mul3A_567 = arith.constant 80 : i32
      %mul3A_568 = arith.muli %add3A_534, %mul3A_567 : i32
      %dma_wait3A_569 = arith.constant 0 : i32
      %dma_wait3A_570 = arith.constant 0 : i32
      %dma_wait3A_571 = arith.constant 0 : i32
      %dma_wait3A_572 = arith.constant 0 : i32
      %dma_wait3A_573 = tpu.memref_slice %arg7[%dma_wait3A_569, %dma_wait3A_571, %dma_wait3A_572] : memref<5x80x64xf32, #tpu.memory_space<vmem>> -> memref<1x80x64xf32, #tpu.memory_space<vmem>>
      %dma_wait3A_574 = tpu.memref_squeeze %dma_wait3A_573 : memref<1x80x64xf32, #tpu.memory_space<vmem>> -> memref<80x64xf32, #tpu.memory_space<vmem>>
      %dma_wait3A_575 = tpu.memref_slice %arg5[%mul3A_568] : memref<10000xi32, #tpu.memory_space<vmem>> -> memref<80xi32, #tpu.memory_space<vmem>>
      %dma_wait3A_576 = arith.constant 0 : i32
      %dma_wait3A_577 = arith.constant 0 : i32
      %dma_wait3A_578 = tpu.memref_slice %arg10[%dma_wait3A_576, %dma_wait3A_577] : memref<10240x64xf32, #tpu.memory_space<vmem_shared>> -> memref<10240x64xf32, #tpu.memory_space<vmem_shared>>
      %dma_wait3A_579 = tpu.memref_slice %arg11[%dma_wait3A_570] : memref<5x!tpu.dma_semaphore, #tpu.memory_space<semaphore_mem>> -> memref<1x!tpu.dma_semaphore, #tpu.memory_space<semaphore_mem>>
      %dma_wait3A_580 = tpu.memref_squeeze %dma_wait3A_579 : memref<1x!tpu.dma_semaphore, #tpu.memory_space<semaphore_mem>> -> memref<!tpu.dma_semaphore, #tpu.memory_space<semaphore_mem>>
      tpu.wait_indirect_dma semaphore(%dma_wait3A_580 : memref<!tpu.dma_semaphore, #tpu.memory_space<semaphore_mem>>) src(%dma_wait3A_578 : memref<10240x64xf32, #tpu.memory_space<vmem_shared>>) dst(%dma_wait3A_574 : memref<80x64xf32, #tpu.memory_space<vmem>>)
      %mul3A_581 = arith.constant 80 : i32
      %mul3A_582 = arith.muli %add3A_534, %mul3A_581 : i32
      %dma_start3A_583 = arith.constant 0 : i32
      %dma_start3A_584 = arith.constant 0 : i32
      %dma_start3A_585 = arith.constant 0 : i32
      %dma_start3A_586 = arith.constant 0 : i32
      %dma_start3A_587 = tpu.memref_slice %arg7[%dma_start3A_583, %dma_start3A_585, %dma_start3A_586] : memref<5x80x64xf32, #tpu.memory_space<vmem>> -> memref<1x80x64xf32, #tpu.memory_space<vmem>>
      %dma_start3A_588 = tpu.memref_squeeze %dma_start3A_587 : memref<1x80x64xf32, #tpu.memory_space<vmem>> -> memref<80x64xf32, #tpu.memory_space<vmem>>
      %dma_start3A_589 = tpu.memref_slice %arg6[%mul3A_582] : memref<10000xi32, #tpu.memory_space<vmem>> -> memref<80xi32, #tpu.memory_space<vmem>>
      %dma_start3A_590 = arith.constant 0 : i32
      %dma_start3A_591 = arith.constant 0 : i32
      %dma_start3A_592 = tpu.memref_slice %arg9[%dma_start3A_590, %dma_start3A_591] : memref<10240x64xf32, #tpu.memory_space<vmem_shared>> -> memref<10240x64xf32, #tpu.memory_space<vmem_shared>>
      %dma_start3A_593 = tpu.memref_slice %arg12[%dma_start3A_584] : memref<5x!tpu.dma_semaphore, #tpu.memory_space<semaphore_mem>> -> memref<1x!tpu.dma_semaphore, #tpu.memory_space<semaphore_mem>>
      %dma_start3A_594 = tpu.memref_squeeze %dma_start3A_593 : memref<1x!tpu.dma_semaphore, #tpu.memory_space<semaphore_mem>> -> memref<!tpu.dma_semaphore, #tpu.memory_space<semaphore_mem>>
      tpu.enqueue_indirect_dma source(%dma_start3A_588 : memref<80x64xf32, #tpu.memory_space<vmem>>) target(%dma_start3A_592 : memref<10240x64xf32, #tpu.memory_space<vmem_shared>>) offsets(%dma_start3A_589 : memref<80xi32, #tpu.memory_space<vmem>>) semaphore(%dma_start3A_594 : memref<!tpu.dma_semaphore, #tpu.memory_space<semaphore_mem>>) {add = true}
      %add3A_595 = arith.constant 4 : i32
      %add3A_596 = arith.addi %add3A_347, %add3A_595 : i32
      %sub3A_597 = arith.constant 2 : i32
      %sub3A_598 = arith.subi %add3A_596, %sub3A_597 : i32
      %mul3A_599 = arith.constant 80 : i32
      %mul3A_600 = arith.muli %sub3A_598, %mul3A_599 : i32
      %dma_wait3A_601 = arith.constant 4 : i32
      %dma_wait3A_602 = arith.constant 4 : i32
      %dma_wait3A_603 = arith.constant 0 : i32
      %dma_wait3A_604 = arith.constant 0 : i32
      %dma_wait3A_605 = tpu.memref_slice %arg7[%dma_wait3A_601, %dma_wait3A_603, %dma_wait3A_604] : memref<5x80x64xf32, #tpu.memory_space<vmem>> -> memref<1x80x64xf32, #tpu.memory_space<vmem>>
      %dma_wait3A_606 = tpu.memref_squeeze %dma_wait3A_605 : memref<1x80x64xf32, #tpu.memory_space<vmem>> -> memref<80x64xf32, #tpu.memory_space<vmem>>
      %dma_wait3A_607 = tpu.memref_slice %arg6[%mul3A_600] : memref<10000xi32, #tpu.memory_space<vmem>> -> memref<80xi32, #tpu.memory_space<vmem>>
      %dma_wait3A_608 = arith.constant 0 : i32
      %dma_wait3A_609 = arith.constant 0 : i32
      %dma_wait3A_610 = tpu.memref_slice %arg9[%dma_wait3A_608, %dma_wait3A_609] : memref<10240x64xf32, #tpu.memory_space<vmem_shared>> -> memref<10240x64xf32, #tpu.memory_space<vmem_shared>>
      %dma_wait3A_611 = tpu.memref_slice %arg12[%dma_wait3A_602] : memref<5x!tpu.dma_semaphore, #tpu.memory_space<semaphore_mem>> -> memref<1x!tpu.dma_semaphore, #tpu.memory_space<semaphore_mem>>
      %dma_wait3A_612 = tpu.memref_squeeze %dma_wait3A_611 : memref<1x!tpu.dma_semaphore, #tpu.memory_space<semaphore_mem>> -> memref<!tpu.dma_semaphore, #tpu.memory_space<semaphore_mem>>
      tpu.wait_indirect_dma semaphore(%dma_wait3A_612 : memref<!tpu.dma_semaphore, #tpu.memory_space<semaphore_mem>>) src(%dma_wait3A_606 : memref<80x64xf32, #tpu.memory_space<vmem>>) dst(%dma_wait3A_610 : memref<10240x64xf32, #tpu.memory_space<vmem_shared>>)
      %add3A_613 = arith.constant 3 : i32
      %add3A_614 = arith.addi %add3A_596, %add3A_613 : i32
      %mul3A_615 = arith.constant 80 : i32
      %mul3A_616 = arith.muli %add3A_614, %mul3A_615 : i32
      %dma_start3A_617 = arith.constant 4 : i32
      %dma_start3A_618 = arith.constant 4 : i32
      %dma_start3A_619 = arith.constant 0 : i32
      %dma_start3A_620 = arith.constant 0 : i32
      %dma_start3A_621 = tpu.memref_slice %arg7[%dma_start3A_617, %dma_start3A_619, %dma_start3A_620] : memref<5x80x64xf32, #tpu.memory_space<vmem>> -> memref<1x80x64xf32, #tpu.memory_space<vmem>>
      %dma_start3A_622 = tpu.memref_squeeze %dma_start3A_621 : memref<1x80x64xf32, #tpu.memory_space<vmem>> -> memref<80x64xf32, #tpu.memory_space<vmem>>
      %dma_start3A_623 = tpu.memref_slice %arg5[%mul3A_616] : memref<10000xi32, #tpu.memory_space<vmem>> -> memref<80xi32, #tpu.memory_space<vmem>>
      %dma_start3A_624 = arith.constant 0 : i32
      %dma_start3A_625 = arith.constant 0 : i32
      %dma_start3A_626 = tpu.memref_slice %arg10[%dma_start3A_624, %dma_start3A_625] : memref<10240x64xf32, #tpu.memory_space<vmem_shared>> -> memref<10240x64xf32, #tpu.memory_space<vmem_shared>>
      %dma_start3A_627 = tpu.memref_slice %arg11[%dma_start3A_618] : memref<5x!tpu.dma_semaphore, #tpu.memory_space<semaphore_mem>> -> memref<1x!tpu.dma_semaphore, #tpu.memory_space<semaphore_mem>>
      %dma_start3A_628 = tpu.memref_squeeze %dma_start3A_627 : memref<1x!tpu.dma_semaphore, #tpu.memory_space<semaphore_mem>> -> memref<!tpu.dma_semaphore, #tpu.memory_space<semaphore_mem>>
      tpu.enqueue_indirect_dma source(%dma_start3A_626 : memref<10240x64xf32, #tpu.memory_space<vmem_shared>>) target(%dma_start3A_622 : memref<80x64xf32, #tpu.memory_space<vmem>>) offsets(%dma_start3A_623 : memref<80xi32, #tpu.memory_space<vmem>>) semaphore(%dma_start3A_628 : memref<!tpu.dma_semaphore, #tpu.memory_space<semaphore_mem>>)
      %mul3A_629 = arith.constant 80 : i32
      %mul3A_630 = arith.muli %add3A_596, %mul3A_629 : i32
      %dma_wait3A_631 = arith.constant 1 : i32
      %dma_wait3A_632 = arith.constant 1 : i32
      %dma_wait3A_633 = arith.constant 0 : i32
      %dma_wait3A_634 = arith.constant 0 : i32
      %dma_wait3A_635 = tpu.memref_slice %arg7[%dma_wait3A_631, %dma_wait3A_633, %dma_wait3A_634] : memref<5x80x64xf32, #tpu.memory_space<vmem>> -> memref<1x80x64xf32, #tpu.memory_space<vmem>>
      %dma_wait3A_636 = tpu.memref_squeeze %dma_wait3A_635 : memref<1x80x64xf32, #tpu.memory_space<vmem>> -> memref<80x64xf32, #tpu.memory_space<vmem>>
      %dma_wait3A_637 = tpu.memref_slice %arg5[%mul3A_630] : memref<10000xi32, #tpu.memory_space<vmem>> -> memref<80xi32, #tpu.memory_space<vmem>>
      %dma_wait3A_638 = arith.constant 0 : i32
      %dma_wait3A_639 = arith.constant 0 : i32
      %dma_wait3A_640 = tpu.memref_slice %arg10[%dma_wait3A_638, %dma_wait3A_639] : memref<10240x64xf32, #tpu.memory_space<vmem_shared>> -> memref<10240x64xf32, #tpu.memory_space<vmem_shared>>
      %dma_wait3A_641 = tpu.memref_slice %arg11[%dma_wait3A_632] : memref<5x!tpu.dma_semaphore, #tpu.memory_space<semaphore_mem>> -> memref<1x!tpu.dma_semaphore, #tpu.memory_space<semaphore_mem>>
      %dma_wait3A_642 = tpu.memref_squeeze %dma_wait3A_641 : memref<1x!tpu.dma_semaphore, #tpu.memory_space<semaphore_mem>> -> memref<!tpu.dma_semaphore, #tpu.memory_space<semaphore_mem>>
      tpu.wait_indirect_dma semaphore(%dma_wait3A_642 : memref<!tpu.dma_semaphore, #tpu.memory_space<semaphore_mem>>) src(%dma_wait3A_640 : memref<10240x64xf32, #tpu.memory_space<vmem_shared>>) dst(%dma_wait3A_636 : memref<80x64xf32, #tpu.memory_space<vmem>>)
      %mul3A_643 = arith.constant 80 : i32
      %mul3A_644 = arith.muli %add3A_596, %mul3A_643 : i32
      %dma_start3A_645 = arith.constant 1 : i32
      %dma_start3A_646 = arith.constant 1 : i32
      %dma_start3A_647 = arith.constant 0 : i32
      %dma_start3A_648 = arith.constant 0 : i32
      %dma_start3A_649 = tpu.memref_slice %arg7[%dma_start3A_645, %dma_start3A_647, %dma_start3A_648] : memref<5x80x64xf32, #tpu.memory_space<vmem>> -> memref<1x80x64xf32, #tpu.memory_space<vmem>>
      %dma_start3A_650 = tpu.memref_squeeze %dma_start3A_649 : memref<1x80x64xf32, #tpu.memory_space<vmem>> -> memref<80x64xf32, #tpu.memory_space<vmem>>
      %dma_start3A_651 = tpu.memref_slice %arg6[%mul3A_644] : memref<10000xi32, #tpu.memory_space<vmem>> -> memref<80xi32, #tpu.memory_space<vmem>>
      %dma_start3A_652 = arith.constant 0 : i32
      %dma_start3A_653 = arith.constant 0 : i32
      %dma_start3A_654 = tpu.memref_slice %arg9[%dma_start3A_652, %dma_start3A_653] : memref<10240x64xf32, #tpu.memory_space<vmem_shared>> -> memref<10240x64xf32, #tpu.memory_space<vmem_shared>>
      %dma_start3A_655 = tpu.memref_slice %arg12[%dma_start3A_646] : memref<5x!tpu.dma_semaphore, #tpu.memory_space<semaphore_mem>> -> memref<1x!tpu.dma_semaphore, #tpu.memory_space<semaphore_mem>>
      %dma_start3A_656 = tpu.memref_squeeze %dma_start3A_655 : memref<1x!tpu.dma_semaphore, #tpu.memory_space<semaphore_mem>> -> memref<!tpu.dma_semaphore, #tpu.memory_space<semaphore_mem>>
      tpu.enqueue_indirect_dma source(%dma_start3A_650 : memref<80x64xf32, #tpu.memory_space<vmem>>) target(%dma_start3A_654 : memref<10240x64xf32, #tpu.memory_space<vmem_shared>>) offsets(%dma_start3A_651 : memref<80xi32, #tpu.memory_space<vmem>>) semaphore(%dma_start3A_656 : memref<!tpu.dma_semaphore, #tpu.memory_space<semaphore_mem>>) {add = true}
    }
    %scan3A_194 = arith.constant 24 : i32
    %dma_wait3A_195 = arith.constant 2 : i32
    %dma_wait3A_196 = arith.constant 2 : i32
    %dma_wait3A_197 = arith.constant 0 : i32
    %dma_wait3A_198 = arith.constant 0 : i32
    %dma_wait3A_199 = tpu.memref_slice %arg7[%dma_wait3A_195, %dma_wait3A_197, %dma_wait3A_198] : memref<5x80x64xf32, #tpu.memory_space<vmem>> -> memref<1x80x64xf32, #tpu.memory_space<vmem>>
    %dma_wait3A_200 = tpu.memref_squeeze %dma_wait3A_199 : memref<1x80x64xf32, #tpu.memory_space<vmem>> -> memref<80x64xf32, #tpu.memory_space<vmem>>
    %dma_wait3A_201 = arith.constant 9760 : i32
    %dma_wait3A_202 = tpu.memref_slice %arg5[%dma_wait3A_201] : memref<10000xi32, #tpu.memory_space<vmem>> -> memref<80xi32, #tpu.memory_space<vmem>>
    %dma_wait3A_203 = arith.constant 0 : i32
    %dma_wait3A_204 = arith.constant 0 : i32
    %dma_wait3A_205 = tpu.memref_slice %arg10[%dma_wait3A_203, %dma_wait3A_204] : memref<10240x64xf32, #tpu.memory_space<vmem_shared>> -> memref<10240x64xf32, #tpu.memory_space<vmem_shared>>
    %dma_wait3A_206 = tpu.memref_slice %arg11[%dma_wait3A_196] : memref<5x!tpu.dma_semaphore, #tpu.memory_space<semaphore_mem>> -> memref<1x!tpu.dma_semaphore, #tpu.memory_space<semaphore_mem>>
    %dma_wait3A_207 = tpu.memref_squeeze %dma_wait3A_206 : memref<1x!tpu.dma_semaphore, #tpu.memory_space<semaphore_mem>> -> memref<!tpu.dma_semaphore, #tpu.memory_space<semaphore_mem>>
    tpu.wait_indirect_dma semaphore(%dma_wait3A_207 : memref<!tpu.dma_semaphore, #tpu.memory_space<semaphore_mem>>) src(%dma_wait3A_205 : memref<10240x64xf32, #tpu.memory_space<vmem_shared>>) dst(%dma_wait3A_200 : memref<80x64xf32, #tpu.memory_space<vmem>>)
    %dma_start3A_208 = arith.constant 2 : i32
    %dma_start3A_209 = arith.constant 2 : i32
    %dma_start3A_210 = arith.constant 0 : i32
    %dma_start3A_211 = arith.constant 0 : i32
    %dma_start3A_212 = tpu.memref_slice %arg7[%dma_start3A_208, %dma_start3A_210, %dma_start3A_211] : memref<5x80x64xf32, #tpu.memory_space<vmem>> -> memref<1x80x64xf32, #tpu.memory_space<vmem>>
    %dma_start3A_213 = tpu.memref_squeeze %dma_start3A_212 : memref<1x80x64xf32, #tpu.memory_space<vmem>> -> memref<80x64xf32, #tpu.memory_space<vmem>>
    %dma_start3A_214 = arith.constant 9760 : i32
    %dma_start3A_215 = tpu.memref_slice %arg6[%dma_start3A_214] : memref<10000xi32, #tpu.memory_space<vmem>> -> memref<80xi32, #tpu.memory_space<vmem>>
    %dma_start3A_216 = arith.constant 0 : i32
    %dma_start3A_217 = arith.constant 0 : i32
    %dma_start3A_218 = tpu.memref_slice %arg9[%dma_start3A_216, %dma_start3A_217] : memref<10240x64xf32, #tpu.memory_space<vmem_shared>> -> memref<10240x64xf32, #tpu.memory_space<vmem_shared>>
    %dma_start3A_219 = tpu.memref_slice %arg12[%dma_start3A_209] : memref<5x!tpu.dma_semaphore, #tpu.memory_space<semaphore_mem>> -> memref<1x!tpu.dma_semaphore, #tpu.memory_space<semaphore_mem>>
    %dma_start3A_220 = tpu.memref_squeeze %dma_start3A_219 : memref<1x!tpu.dma_semaphore, #tpu.memory_space<semaphore_mem>> -> memref<!tpu.dma_semaphore, #tpu.memory_space<semaphore_mem>>
    tpu.enqueue_indirect_dma source(%dma_start3A_213 : memref<80x64xf32, #tpu.memory_space<vmem>>) target(%dma_start3A_218 : memref<10240x64xf32, #tpu.memory_space<vmem_shared>>) offsets(%dma_start3A_215 : memref<80xi32, #tpu.memory_space<vmem>>) semaphore(%dma_start3A_220 : memref<!tpu.dma_semaphore, #tpu.memory_space<semaphore_mem>>) {add = true}
    %dma_wait3A_221 = arith.constant 3 : i32
    %dma_wait3A_222 = arith.constant 3 : i32
    %dma_wait3A_223 = arith.constant 0 : i32
    %dma_wait3A_224 = arith.constant 0 : i32
    %dma_wait3A_225 = tpu.memref_slice %arg7[%dma_wait3A_221, %dma_wait3A_223, %dma_wait3A_224] : memref<5x80x64xf32, #tpu.memory_space<vmem>> -> memref<1x80x64xf32, #tpu.memory_space<vmem>>
    %dma_wait3A_226 = tpu.memref_squeeze %dma_wait3A_225 : memref<1x80x64xf32, #tpu.memory_space<vmem>> -> memref<80x64xf32, #tpu.memory_space<vmem>>
    %dma_wait3A_227 = arith.constant 9840 : i32
    %dma_wait3A_228 = tpu.memref_slice %arg5[%dma_wait3A_227] : memref<10000xi32, #tpu.memory_space<vmem>> -> memref<80xi32, #tpu.memory_space<vmem>>
    %dma_wait3A_229 = arith.constant 0 : i32
    %dma_wait3A_230 = arith.constant 0 : i32
    %dma_wait3A_231 = tpu.memref_slice %arg10[%dma_wait3A_229, %dma_wait3A_230] : memref<10240x64xf32, #tpu.memory_space<vmem_shared>> -> memref<10240x64xf32, #tpu.memory_space<vmem_shared>>
    %dma_wait3A_232 = tpu.memref_slice %arg11[%dma_wait3A_222] : memref<5x!tpu.dma_semaphore, #tpu.memory_space<semaphore_mem>> -> memref<1x!tpu.dma_semaphore, #tpu.memory_space<semaphore_mem>>
    %dma_wait3A_233 = tpu.memref_squeeze %dma_wait3A_232 : memref<1x!tpu.dma_semaphore, #tpu.memory_space<semaphore_mem>> -> memref<!tpu.dma_semaphore, #tpu.memory_space<semaphore_mem>>
    tpu.wait_indirect_dma semaphore(%dma_wait3A_233 : memref<!tpu.dma_semaphore, #tpu.memory_space<semaphore_mem>>) src(%dma_wait3A_231 : memref<10240x64xf32, #tpu.memory_space<vmem_shared>>) dst(%dma_wait3A_226 : memref<80x64xf32, #tpu.memory_space<vmem>>)
    %dma_start3A_234 = arith.constant 3 : i32
    %dma_start3A_235 = arith.constant 3 : i32
    %dma_start3A_236 = arith.constant 0 : i32
    %dma_start3A_237 = arith.constant 0 : i32
    %dma_start3A_238 = tpu.memref_slice %arg7[%dma_start3A_234, %dma_start3A_236, %dma_start3A_237] : memref<5x80x64xf32, #tpu.memory_space<vmem>> -> memref<1x80x64xf32, #tpu.memory_space<vmem>>
    %dma_start3A_239 = tpu.memref_squeeze %dma_start3A_238 : memref<1x80x64xf32, #tpu.memory_space<vmem>> -> memref<80x64xf32, #tpu.memory_space<vmem>>
    %dma_start3A_240 = arith.constant 9840 : i32
    %dma_start3A_241 = tpu.memref_slice %arg6[%dma_start3A_240] : memref<10000xi32, #tpu.memory_space<vmem>> -> memref<80xi32, #tpu.memory_space<vmem>>
    %dma_start3A_242 = arith.constant 0 : i32
    %dma_start3A_243 = arith.constant 0 : i32
    %dma_start3A_244 = tpu.memref_slice %arg9[%dma_start3A_242, %dma_start3A_243] : memref<10240x64xf32, #tpu.memory_space<vmem_shared>> -> memref<10240x64xf32, #tpu.memory_space<vmem_shared>>
    %dma_start3A_245 = tpu.memref_slice %arg12[%dma_start3A_235] : memref<5x!tpu.dma_semaphore, #tpu.memory_space<semaphore_mem>> -> memref<1x!tpu.dma_semaphore, #tpu.memory_space<semaphore_mem>>
    %dma_start3A_246 = tpu.memref_squeeze %dma_start3A_245 : memref<1x!tpu.dma_semaphore, #tpu.memory_space<semaphore_mem>> -> memref<!tpu.dma_semaphore, #tpu.memory_space<semaphore_mem>>
    tpu.enqueue_indirect_dma source(%dma_start3A_239 : memref<80x64xf32, #tpu.memory_space<vmem>>) target(%dma_start3A_244 : memref<10240x64xf32, #tpu.memory_space<vmem_shared>>) offsets(%dma_start3A_241 : memref<80xi32, #tpu.memory_space<vmem>>) semaphore(%dma_start3A_246 : memref<!tpu.dma_semaphore, #tpu.memory_space<semaphore_mem>>) {add = true}
    %dma_wait3A_247 = arith.constant 4 : i32
    %dma_wait3A_248 = arith.constant 4 : i32
    %dma_wait3A_249 = arith.constant 0 : i32
    %dma_wait3A_250 = arith.constant 0 : i32
    %dma_wait3A_251 = tpu.memref_slice %arg7[%dma_wait3A_247, %dma_wait3A_249, %dma_wait3A_250] : memref<5x80x64xf32, #tpu.memory_space<vmem>> -> memref<1x80x64xf32, #tpu.memory_space<vmem>>
    %dma_wait3A_252 = tpu.memref_squeeze %dma_wait3A_251 : memref<1x80x64xf32, #tpu.memory_space<vmem>> -> memref<80x64xf32, #tpu.memory_space<vmem>>
    %dma_wait3A_253 = arith.constant 9920 : i32
    %dma_wait3A_254 = tpu.memref_slice %arg5[%dma_wait3A_253] : memref<10000xi32, #tpu.memory_space<vmem>> -> memref<80xi32, #tpu.memory_space<vmem>>
    %dma_wait3A_255 = arith.constant 0 : i32
    %dma_wait3A_256 = arith.constant 0 : i32
    %dma_wait3A_257 = tpu.memref_slice %arg10[%dma_wait3A_255, %dma_wait3A_256] : memref<10240x64xf32, #tpu.memory_space<vmem_shared>> -> memref<10240x64xf32, #tpu.memory_space<vmem_shared>>
    %dma_wait3A_258 = tpu.memref_slice %arg11[%dma_wait3A_248] : memref<5x!tpu.dma_semaphore, #tpu.memory_space<semaphore_mem>> -> memref<1x!tpu.dma_semaphore, #tpu.memory_space<semaphore_mem>>
    %dma_wait3A_259 = tpu.memref_squeeze %dma_wait3A_258 : memref<1x!tpu.dma_semaphore, #tpu.memory_space<semaphore_mem>> -> memref<!tpu.dma_semaphore, #tpu.memory_space<semaphore_mem>>
    tpu.wait_indirect_dma semaphore(%dma_wait3A_259 : memref<!tpu.dma_semaphore, #tpu.memory_space<semaphore_mem>>) src(%dma_wait3A_257 : memref<10240x64xf32, #tpu.memory_space<vmem_shared>>) dst(%dma_wait3A_252 : memref<80x64xf32, #tpu.memory_space<vmem>>)
    %dma_start3A_260 = arith.constant 4 : i32
    %dma_start3A_261 = arith.constant 4 : i32
    %dma_start3A_262 = arith.constant 0 : i32
    %dma_start3A_263 = arith.constant 0 : i32
    %dma_start3A_264 = tpu.memref_slice %arg7[%dma_start3A_260, %dma_start3A_262, %dma_start3A_263] : memref<5x80x64xf32, #tpu.memory_space<vmem>> -> memref<1x80x64xf32, #tpu.memory_space<vmem>>
    %dma_start3A_265 = tpu.memref_squeeze %dma_start3A_264 : memref<1x80x64xf32, #tpu.memory_space<vmem>> -> memref<80x64xf32, #tpu.memory_space<vmem>>
    %dma_start3A_266 = arith.constant 9920 : i32
    %dma_start3A_267 = tpu.memref_slice %arg6[%dma_start3A_266] : memref<10000xi32, #tpu.memory_space<vmem>> -> memref<80xi32, #tpu.memory_space<vmem>>
    %dma_start3A_268 = arith.constant 0 : i32
    %dma_start3A_269 = arith.constant 0 : i32
    %dma_start3A_270 = tpu.memref_slice %arg9[%dma_start3A_268, %dma_start3A_269] : memref<10240x64xf32, #tpu.memory_space<vmem_shared>> -> memref<10240x64xf32, #tpu.memory_space<vmem_shared>>
    %dma_start3A_271 = tpu.memref_slice %arg12[%dma_start3A_261] : memref<5x!tpu.dma_semaphore, #tpu.memory_space<semaphore_mem>> -> memref<1x!tpu.dma_semaphore, #tpu.memory_space<semaphore_mem>>
    %dma_start3A_272 = tpu.memref_squeeze %dma_start3A_271 : memref<1x!tpu.dma_semaphore, #tpu.memory_space<semaphore_mem>> -> memref<!tpu.dma_semaphore, #tpu.memory_space<semaphore_mem>>
    tpu.enqueue_indirect_dma source(%dma_start3A_265 : memref<80x64xf32, #tpu.memory_space<vmem>>) target(%dma_start3A_270 : memref<10240x64xf32, #tpu.memory_space<vmem_shared>>) offsets(%dma_start3A_267 : memref<80xi32, #tpu.memory_space<vmem>>) semaphore(%dma_start3A_272 : memref<!tpu.dma_semaphore, #tpu.memory_space<semaphore_mem>>) {add = true}
    %dma_wait3A_273 = arith.constant 0 : i32
    %dma_wait3A_274 = arith.constant 0 : i32
    %dma_wait3A_275 = arith.constant 0 : i32
    %dma_wait3A_276 = arith.constant 0 : i32
    %dma_wait3A_277 = tpu.memref_slice %arg7[%dma_wait3A_273, %dma_wait3A_275, %dma_wait3A_276] : memref<5x80x64xf32, #tpu.memory_space<vmem>> -> memref<1x80x64xf32, #tpu.memory_space<vmem>>
    %dma_wait3A_278 = tpu.memref_squeeze %dma_wait3A_277 : memref<1x80x64xf32, #tpu.memory_space<vmem>> -> memref<80x64xf32, #tpu.memory_space<vmem>>
    %dma_wait3A_279 = arith.constant 9600 : i32
    %dma_wait3A_280 = tpu.memref_slice %arg6[%dma_wait3A_279] : memref<10000xi32, #tpu.memory_space<vmem>> -> memref<80xi32, #tpu.memory_space<vmem>>
    %dma_wait3A_281 = arith.constant 0 : i32
    %dma_wait3A_282 = arith.constant 0 : i32
    %dma_wait3A_283 = tpu.memref_slice %arg9[%dma_wait3A_281, %dma_wait3A_282] : memref<10240x64xf32, #tpu.memory_space<vmem_shared>> -> memref<10240x64xf32, #tpu.memory_space<vmem_shared>>
    %dma_wait3A_284 = tpu.memref_slice %arg12[%dma_wait3A_274] : memref<5x!tpu.dma_semaphore, #tpu.memory_space<semaphore_mem>> -> memref<1x!tpu.dma_semaphore, #tpu.memory_space<semaphore_mem>>
    %dma_wait3A_285 = tpu.memref_squeeze %dma_wait3A_284 : memref<1x!tpu.dma_semaphore, #tpu.memory_space<semaphore_mem>> -> memref<!tpu.dma_semaphore, #tpu.memory_space<semaphore_mem>>
    tpu.wait_indirect_dma semaphore(%dma_wait3A_285 : memref<!tpu.dma_semaphore, #tpu.memory_space<semaphore_mem>>) src(%dma_wait3A_278 : memref<80x64xf32, #tpu.memory_space<vmem>>) dst(%dma_wait3A_283 : memref<10240x64xf32, #tpu.memory_space<vmem_shared>>)
    %dma_wait3A_286 = arith.constant 1 : i32
    %dma_wait3A_287 = arith.constant 1 : i32
    %dma_wait3A_288 = arith.constant 0 : i32
    %dma_wait3A_289 = arith.constant 0 : i32
    %dma_wait3A_290 = tpu.memref_slice %arg7[%dma_wait3A_286, %dma_wait3A_288, %dma_wait3A_289] : memref<5x80x64xf32, #tpu.memory_space<vmem>> -> memref<1x80x64xf32, #tpu.memory_space<vmem>>
    %dma_wait3A_291 = tpu.memref_squeeze %dma_wait3A_290 : memref<1x80x64xf32, #tpu.memory_space<vmem>> -> memref<80x64xf32, #tpu.memory_space<vmem>>
    %dma_wait3A_292 = arith.constant 9680 : i32
    %dma_wait3A_293 = tpu.memref_slice %arg6[%dma_wait3A_292] : memref<10000xi32, #tpu.memory_space<vmem>> -> memref<80xi32, #tpu.memory_space<vmem>>
    %dma_wait3A_294 = arith.constant 0 : i32
    %dma_wait3A_295 = arith.constant 0 : i32
    %dma_wait3A_296 = tpu.memref_slice %arg9[%dma_wait3A_294, %dma_wait3A_295] : memref<10240x64xf32, #tpu.memory_space<vmem_shared>> -> memref<10240x64xf32, #tpu.memory_space<vmem_shared>>
    %dma_wait3A_297 = tpu.memref_slice %arg12[%dma_wait3A_287] : memref<5x!tpu.dma_semaphore, #tpu.memory_space<semaphore_mem>> -> memref<1x!tpu.dma_semaphore, #tpu.memory_space<semaphore_mem>>
    %dma_wait3A_298 = tpu.memref_squeeze %dma_wait3A_297 : memref<1x!tpu.dma_semaphore, #tpu.memory_space<semaphore_mem>> -> memref<!tpu.dma_semaphore, #tpu.memory_space<semaphore_mem>>
    tpu.wait_indirect_dma semaphore(%dma_wait3A_298 : memref<!tpu.dma_semaphore, #tpu.memory_space<semaphore_mem>>) src(%dma_wait3A_291 : memref<80x64xf32, #tpu.memory_space<vmem>>) dst(%dma_wait3A_296 : memref<10240x64xf32, #tpu.memory_space<vmem_shared>>)
    %dma_wait3A_299 = arith.constant 2 : i32
    %dma_wait3A_300 = arith.constant 2 : i32
    %dma_wait3A_301 = arith.constant 0 : i32
    %dma_wait3A_302 = arith.constant 0 : i32
    %dma_wait3A_303 = tpu.memref_slice %arg7[%dma_wait3A_299, %dma_wait3A_301, %dma_wait3A_302] : memref<5x80x64xf32, #tpu.memory_space<vmem>> -> memref<1x80x64xf32, #tpu.memory_space<vmem>>
    %dma_wait3A_304 = tpu.memref_squeeze %dma_wait3A_303 : memref<1x80x64xf32, #tpu.memory_space<vmem>> -> memref<80x64xf32, #tpu.memory_space<vmem>>
    %dma_wait3A_305 = arith.constant 9760 : i32
    %dma_wait3A_306 = tpu.memref_slice %arg6[%dma_wait3A_305] : memref<10000xi32, #tpu.memory_space<vmem>> -> memref<80xi32, #tpu.memory_space<vmem>>
    %dma_wait3A_307 = arith.constant 0 : i32
    %dma_wait3A_308 = arith.constant 0 : i32
    %dma_wait3A_309 = tpu.memref_slice %arg9[%dma_wait3A_307, %dma_wait3A_308] : memref<10240x64xf32, #tpu.memory_space<vmem_shared>> -> memref<10240x64xf32, #tpu.memory_space<vmem_shared>>
    %dma_wait3A_310 = tpu.memref_slice %arg12[%dma_wait3A_300] : memref<5x!tpu.dma_semaphore, #tpu.memory_space<semaphore_mem>> -> memref<1x!tpu.dma_semaphore, #tpu.memory_space<semaphore_mem>>
    %dma_wait3A_311 = tpu.memref_squeeze %dma_wait3A_310 : memref<1x!tpu.dma_semaphore, #tpu.memory_space<semaphore_mem>> -> memref<!tpu.dma_semaphore, #tpu.memory_space<semaphore_mem>>
    tpu.wait_indirect_dma semaphore(%dma_wait3A_311 : memref<!tpu.dma_semaphore, #tpu.memory_space<semaphore_mem>>) src(%dma_wait3A_304 : memref<80x64xf32, #tpu.memory_space<vmem>>) dst(%dma_wait3A_309 : memref<10240x64xf32, #tpu.memory_space<vmem_shared>>)
    %dma_wait3A_312 = arith.constant 3 : i32
    %dma_wait3A_313 = arith.constant 3 : i32
    %dma_wait3A_314 = arith.constant 0 : i32
    %dma_wait3A_315 = arith.constant 0 : i32
    %dma_wait3A_316 = tpu.memref_slice %arg7[%dma_wait3A_312, %dma_wait3A_314, %dma_wait3A_315] : memref<5x80x64xf32, #tpu.memory_space<vmem>> -> memref<1x80x64xf32, #tpu.memory_space<vmem>>
    %dma_wait3A_317 = tpu.memref_squeeze %dma_wait3A_316 : memref<1x80x64xf32, #tpu.memory_space<vmem>> -> memref<80x64xf32, #tpu.memory_space<vmem>>
    %dma_wait3A_318 = arith.constant 9840 : i32
    %dma_wait3A_319 = tpu.memref_slice %arg6[%dma_wait3A_318] : memref<10000xi32, #tpu.memory_space<vmem>> -> memref<80xi32, #tpu.memory_space<vmem>>
    %dma_wait3A_320 = arith.constant 0 : i32
    %dma_wait3A_321 = arith.constant 0 : i32
    %dma_wait3A_322 = tpu.memref_slice %arg9[%dma_wait3A_320, %dma_wait3A_321] : memref<10240x64xf32, #tpu.memory_space<vmem_shared>> -> memref<10240x64xf32, #tpu.memory_space<vmem_shared>>
    %dma_wait3A_323 = tpu.memref_slice %arg12[%dma_wait3A_313] : memref<5x!tpu.dma_semaphore, #tpu.memory_space<semaphore_mem>> -> memref<1x!tpu.dma_semaphore, #tpu.memory_space<semaphore_mem>>
    %dma_wait3A_324 = tpu.memref_squeeze %dma_wait3A_323 : memref<1x!tpu.dma_semaphore, #tpu.memory_space<semaphore_mem>> -> memref<!tpu.dma_semaphore, #tpu.memory_space<semaphore_mem>>
    tpu.wait_indirect_dma semaphore(%dma_wait3A_324 : memref<!tpu.dma_semaphore, #tpu.memory_space<semaphore_mem>>) src(%dma_wait3A_317 : memref<80x64xf32, #tpu.memory_space<vmem>>) dst(%dma_wait3A_322 : memref<10240x64xf32, #tpu.memory_space<vmem_shared>>)
    %dma_wait3A_325 = arith.constant 4 : i32
    %dma_wait3A_326 = arith.constant 4 : i32
    %dma_wait3A_327 = arith.constant 0 : i32
    %dma_wait3A_328 = arith.constant 0 : i32
    %dma_wait3A_329 = tpu.memref_slice %arg7[%dma_wait3A_325, %dma_wait3A_327, %dma_wait3A_328] : memref<5x80x64xf32, #tpu.memory_space<vmem>> -> memref<1x80x64xf32, #tpu.memory_space<vmem>>
    %dma_wait3A_330 = tpu.memref_squeeze %dma_wait3A_329 : memref<1x80x64xf32, #tpu.memory_space<vmem>> -> memref<80x64xf32, #tpu.memory_space<vmem>>
    %dma_wait3A_331 = arith.constant 9920 : i32
    %dma_wait3A_332 = tpu.memref_slice %arg6[%dma_wait3A_331] : memref<10000xi32, #tpu.memory_space<vmem>> -> memref<80xi32, #tpu.memory_space<vmem>>
    %dma_wait3A_333 = arith.constant 0 : i32
    %dma_wait3A_334 = arith.constant 0 : i32
    %dma_wait3A_335 = tpu.memref_slice %arg9[%dma_wait3A_333, %dma_wait3A_334] : memref<10240x64xf32, #tpu.memory_space<vmem_shared>> -> memref<10240x64xf32, #tpu.memory_space<vmem_shared>>
    %dma_wait3A_336 = tpu.memref_slice %arg12[%dma_wait3A_326] : memref<5x!tpu.dma_semaphore, #tpu.memory_space<semaphore_mem>> -> memref<1x!tpu.dma_semaphore, #tpu.memory_space<semaphore_mem>>
    %dma_wait3A_337 = tpu.memref_squeeze %dma_wait3A_336 : memref<1x!tpu.dma_semaphore, #tpu.memory_space<semaphore_mem>> -> memref<!tpu.dma_semaphore, #tpu.memory_space<semaphore_mem>>
    tpu.wait_indirect_dma semaphore(%dma_wait3A_337 : memref<!tpu.dma_semaphore, #tpu.memory_space<semaphore_mem>>) src(%dma_wait3A_330 : memref<80x64xf32, #tpu.memory_space<vmem>>) dst(%dma_wait3A_335 : memref<10240x64xf32, #tpu.memory_space<vmem_shared>>)
    %barrier3A_338 = arith.constant 0 : index
    tpu.barrier barrier_id(%barrier3A_338)
    %mul3A_339 = arith.constant 640 : i32
    %mul3A_340 = arith.muli %arg1, %mul3A_339 : i32
    %mul3A_341 = arith.constant 640 : i32
    %mul3A_342 = arith.muli %arg1, %mul3A_341 : i32
    "tpu.region"() ({
      %run_scoped3A = tpu.sem_alloc : memref<!tpu.dma_semaphore, #tpu.memory_space<semaphore_mem>>
      %dma_start3A_343 = arith.constant 0 : i32
      %dma_start3A_344 = arith.constant 0 : i32
      %dma_start3A_345 = tpu.memref_slice %arg4[%arg0, %dma_start3A_343, %dma_start3A_344] : memref<2x10240x64xf32, #tpu.memory_space<hbm>> -> memref<1x10240x64xf32, #tpu.memory_space<hbm>>
      %dma_start3A_346 = tpu.memref_squeeze %dma_start3A_345 : memref<1x10240x64xf32, #tpu.memory_space<hbm>> -> memref<10240x64xf32, #tpu.memory_space<hbm>>
      %dma_start3A_347 = arith.constant 0 : i32
      %dma_start3A_348 = tpu.memref_slice %dma_start3A_346[%mul3A_342, %dma_start3A_347] : memref<10240x64xf32, #tpu.memory_space<hbm>> -> memref<640x64xf32, #tpu.memory_space<hbm>>
      %dma_start3A_349 = arith.constant 0 : i32
      %dma_start3A_350 = tpu.memref_slice %arg9[%mul3A_340, %dma_start3A_349] : memref<10240x64xf32, #tpu.memory_space<vmem_shared>> -> memref<640x64xf32, #tpu.memory_space<vmem_shared>>
      tpu.enqueue_dma source(%dma_start3A_350 : memref<640x64xf32, #tpu.memory_space<vmem_shared>>) target(%dma_start3A_348 : memref<640x64xf32, #tpu.memory_space<hbm>>) target_semaphore(%run_scoped3A : memref<!tpu.dma_semaphore, #tpu.memory_space<semaphore_mem>>)
      %dma_wait3A_351 = arith.constant 0 : i32
      %dma_wait3A_352 = arith.constant 0 : i32
      %dma_wait3A_353 = tpu.memref_slice %arg4[%arg0, %dma_wait3A_351, %dma_wait3A_352] : memref<2x10240x64xf32, #tpu.memory_space<hbm>> -> memref<1x10240x64xf32, #tpu.memory_space<hbm>>
      %dma_wait3A_354 = tpu.memref_squeeze %dma_wait3A_353 : memref<1x10240x64xf32, #tpu.memory_space<hbm>> -> memref<10240x64xf32, #tpu.memory_space<hbm>>
      %dma_wait3A_355 = arith.constant 0 : i32
      %dma_wait3A_356 = tpu.memref_slice %dma_wait3A_354[%mul3A_342, %dma_wait3A_355] : memref<10240x64xf32, #tpu.memory_space<hbm>> -> memref<640x64xf32, #tpu.memory_space<hbm>>
      %dma_wait3A_357 = arith.constant 0 : i32
      %dma_wait3A_358 = tpu.memref_slice %arg9[%mul3A_340, %dma_wait3A_357] : memref<10240x64xf32, #tpu.memory_space<vmem_shared>> -> memref<640x64xf32, #tpu.memory_space<vmem_shared>>
      tpu.wait_dma2 semaphore(%run_scoped3A : memref<!tpu.dma_semaphore, #tpu.memory_space<semaphore_mem>>) src(%dma_wait3A_358 : memref<640x64xf32, #tpu.memory_space<vmem_shared>>) dst(%dma_wait3A_356 : memref<640x64xf32, #tpu.memory_space<hbm>>)
      tpu.yield
    }) : () -> ()
    return
  }
}

module attributes {stable_mosaic.version = 14 : i64} {
  func.func @body(%arg0: i32, %arg1: memref<2x2048xf32, #tpu.memory_space<vmem>>, %arg2: memref<2048x128xf32, #tpu.memory_space<vmem>>, %arg3: memref<128x64xf32, #tpu.memory_space<vmem>>, %arg4: memref<2048x64xf32, #tpu.memory_space<vmem>>) attributes {dimension_semantics = [#tpu.dimension_semantics<arbitrary>], iteration_bounds = array<i64: 5>, scalar_prefetch = 0 : i64, scratch_operands = 0 : i64, tpu.core_type = #tpu.core_type<tc>, window_params = [{transform_indices = @transform_0, window_bounds = array<i64: 2, 2048>}, {transform_indices = @transform_1, window_bounds = array<i64: 2048, 128>}, {pipeline_mode = #tpu.pipeline_mode<synchronous>, transform_indices = @transform_2, window_bounds = array<i64: 128, 64>}, {transform_indices = @transform_3, window_bounds = array<i64: 2048, 64>}]} {
    %get3A = arith.constant 0 : index
    %get3A_0 = arith.constant 0 : index
    %get3A_1 = vector.load %arg2[%get3A, %get3A_0] : memref<2048x128xf32, #tpu.memory_space<vmem>>, vector<2048x128xf32>
    %get3A_2 = arith.constant 0 : index
    %get3A_3 = arith.constant 0 : index
    %get3A_4 = vector.load %arg3[%get3A_2, %get3A_3] : memref<128x64xf32, #tpu.memory_space<vmem>>, vector<128x64xf32>
    %dot_general3A = arith.constant dense<0.000000e+00> : vector<2048x64xf32>
    %dot_general3A_5 = tpu.matmul %get3A_1, %get3A_4, %dot_general3A {dimension_numbers = #tpu.dot_dimension_numbers<[1], [0], [0], [1], [0, 0, 1, 1], [], []>, transpose_lhs_hint = false} : vector<2048x128xf32>, vector<128x64xf32>, vector<2048x64xf32> -> vector<2048x64xf32>
    %get3A_6 = arith.constant 0 : index
    %get3A_7 = arith.constant 0 : index
    %get3A_8 = vector.load %arg1[%get3A_6, %get3A_7] : memref<2x2048xf32, #tpu.memory_space<vmem>>, vector<2x2048xf32>
    %slice3A = vector.extract_strided_slice %get3A_8 {offsets = [0, 0], sizes = [1, 2048], strides = [1, 1]} : vector<2x2048xf32> to vector<1x2048xf32>
    %squeeze3A = vector.shape_cast %slice3A : vector<1x2048xf32> to vector<2048xf32>
    %slice3A_9 = vector.extract_strided_slice %get3A_8 {offsets = [1, 0], sizes = [1, 2048], strides = [1, 1]} : vector<2x2048xf32> to vector<1x2048xf32>
    %squeeze3A_10 = vector.shape_cast %slice3A_9 : vector<1x2048xf32> to vector<2048xf32>
    %add3A = arith.addf %squeeze3A, %squeeze3A_10 : vector<2048xf32>
    %add3A_11 = arith.constant 1.000000e+00 : f32
    %add3A_12 = vector.broadcast %add3A_11 : f32 to vector<2048xf32>
    %add3A_13 = arith.addf %add3A, %add3A_12 : vector<2048xf32>
    %rsqrt3A = math.rsqrt %add3A_13 : vector<2048xf32>
    %broadcast_in_dim3A = vector.shape_cast %rsqrt3A : vector<2048xf32> to vector<2048x1xf32>
    %mul3A = vector.broadcast %broadcast_in_dim3A : vector<2048x1xf32> to vector<2048x64xf32>
    %mul3A_14 = arith.mulf %dot_general3A_5, %mul3A : vector<2048x64xf32>
    %swap3A = arith.constant 0 : index
    %swap3A_15 = arith.constant 0 : index
    %swap3A_16 = vector.load %arg4[%swap3A, %swap3A_15] : memref<2048x64xf32, #tpu.memory_space<vmem>>, vector<2048x64xf32>
    tpu.vector_store %arg4[%swap3A, %swap3A_15], %mul3A_14 {strides = array<i32>} : memref<2048x64xf32, #tpu.memory_space<vmem>>, vector<2048x64xf32>,
    return
  }
  func.func @transform_0(%arg0: i32) -> (i32, i32) {
    %c0_i32 = arith.constant 0 : i32
    %c0_i32_0 = arith.constant 0 : i32
    return %c0_i32, %arg0 : i32, i32
  }
  func.func @transform_1(%arg0: i32) -> (i32, i32) {
    %c0_i32 = arith.constant 0 : i32
    %c0_i32_0 = arith.constant 0 : i32
    return %arg0, %c0_i32 : i32, i32
  }
  func.func @transform_2(%arg0: i32) -> (i32, i32) {
    %c0_i32 = arith.constant 0 : i32
    %c0_i32_0 = arith.constant 0 : i32
    %c0_i32_1 = arith.constant 0 : i32
    return %c0_i32, %c0_i32_0 : i32, i32
  }
  func.func @transform_3(%arg0: i32) -> (i32, i32) {
    %c0_i32 = arith.constant 0 : i32
    %c0_i32_0 = arith.constant 0 : i32
    return %arg0, %c0_i32 : i32, i32
  }
}

module attributes {stable_mosaic.version = 14 : i64} {
  func.func @body(%arg0: i32, %arg1: memref<2x1024x64xf32, #tpu.memory_space<vmem>>, %arg2: memref<2x1024xf32, #tpu.memory_space<vmem>>, %arg3: memref<1024x64xf32, #tpu.memory_space<vmem>>, %arg4: memref<1x64xf32, #tpu.memory_space<vmem>>, %arg5: memref<64x16xf32, #tpu.memory_space<vmem>>, %arg6: memref<1024x16xf32, #tpu.memory_space<vmem>>) attributes {dimension_semantics = [#tpu.dimension_semantics<arbitrary>], iteration_bounds = array<i64: 10>, scalar_prefetch = 0 : i64, scratch_operands = 0 : i64, tpu.core_type = #tpu.core_type<tc>, window_params = [{transform_indices = @transform_0, window_bounds = array<i64: 2, 1024, 64>}, {transform_indices = @transform_1, window_bounds = array<i64: 2, 1024>}, {transform_indices = @transform_2, window_bounds = array<i64: 1024, 64>}, {pipeline_mode = #tpu.pipeline_mode<synchronous>, transform_indices = @transform_3, window_bounds = array<i64: 1, 64>}, {pipeline_mode = #tpu.pipeline_mode<synchronous>, transform_indices = @transform_4, window_bounds = array<i64: 64, 16>}, {transform_indices = @transform_5, window_bounds = array<i64: 1024, 16>}]} {
    %get3A = arith.constant 0 : index
    %get3A_0 = arith.constant 0 : index
    %get3A_1 = vector.load %arg2[%get3A, %get3A_0] : memref<2x1024xf32, #tpu.memory_space<vmem>>, vector<2x1024xf32>
    %slice3A = vector.extract_strided_slice %get3A_1 {offsets = [0, 0], sizes = [1, 1024], strides = [1, 1]} : vector<2x1024xf32> to vector<1x1024xf32>
    %squeeze3A = vector.shape_cast %slice3A : vector<1x1024xf32> to vector<1024xf32>
    %slice3A_2 = vector.extract_strided_slice %get3A_1 {offsets = [1, 0], sizes = [1, 1024], strides = [1, 1]} : vector<2x1024xf32> to vector<1x1024xf32>
    %squeeze3A_3 = vector.shape_cast %slice3A_2 : vector<1x1024xf32> to vector<1024xf32>
    %add3A = arith.addf %squeeze3A, %squeeze3A_3 : vector<1024xf32>
    %add3A_4 = arith.constant 1.000000e+00 : f32
    %add3A_5 = vector.broadcast %add3A_4 : f32 to vector<1024xf32>
    %add3A_6 = arith.addf %add3A, %add3A_5 : vector<1024xf32>
    %rsqrt3A = math.rsqrt %add3A_6 : vector<1024xf32>
    %broadcast_in_dim3A = vector.shape_cast %rsqrt3A : vector<1024xf32> to vector<1024x1xf32>
    %get3A_7 = arith.constant 0 : index
    %get3A_8 = arith.constant 0 : index
    %get3A_9 = arith.constant 0 : index
    %get3A_10 = vector.load %arg1[%get3A_7, %get3A_8, %get3A_9] : memref<2x1024x64xf32, #tpu.memory_space<vmem>>, vector<1x1024x64xf32>
    %get3A_11 = vector.shape_cast %get3A_10 : vector<1x1024x64xf32> to vector<1024x64xf32>
    %get3A_12 = arith.constant 1 : index
    %get3A_13 = arith.constant 0 : index
    %get3A_14 = arith.constant 0 : index
    %get3A_15 = vector.load %arg1[%get3A_12, %get3A_13, %get3A_14] : memref<2x1024x64xf32, #tpu.memory_space<vmem>>, vector<1x1024x64xf32>
    %get3A_16 = vector.shape_cast %get3A_15 : vector<1x1024x64xf32> to vector<1024x64xf32>
    %add3A_17 = arith.addf %get3A_11, %get3A_16 : vector<1024x64xf32>
    %get3A_18 = arith.constant 0 : index
    %get3A_19 = arith.constant 0 : index
    %get3A_20 = vector.load %arg3[%get3A_18, %get3A_19] : memref<1024x64xf32, #tpu.memory_space<vmem>>, vector<1024x64xf32>
    %add3A_21 = arith.addf %add3A_17, %get3A_20 : vector<1024x64xf32>
    %mul3A = vector.broadcast %broadcast_in_dim3A : vector<1024x1xf32> to vector<1024x64xf32>
    %mul3A_22 = arith.mulf %add3A_21, %mul3A : vector<1024x64xf32>
    %get3A_23 = arith.constant 0 : index
    %get3A_24 = arith.constant 0 : index
    %get3A_25 = vector.load %arg4[%get3A_23, %get3A_24] : memref<1x64xf32, #tpu.memory_space<vmem>>, vector<1x64xf32>
    %add3A_26 = vector.broadcast %get3A_25 : vector<1x64xf32> to vector<1024x64xf32>
    %add3A_27 = arith.addf %mul3A_22, %add3A_26 : vector<1024x64xf32>
    %ge3A = arith.constant 0.000000e+00 : f32
    %ge3A_28 = vector.broadcast %ge3A : f32 to vector<1024x64xf32>
    %ge3A_29 = arith.cmpf oge, %add3A_27, %ge3A_28 : vector<1024x64xf32>
    %mul3A_30 = arith.constant 0.00999999977 : f32
    %mul3A_31 = vector.broadcast %mul3A_30 : f32 to vector<1024x64xf32>
    %mul3A_32 = arith.mulf %mul3A_31, %add3A_27 : vector<1024x64xf32>
    %select_n3A = arith.select %ge3A_29, %add3A_27, %mul3A_32 : vector<1024x64xi1>, vector<1024x64xf32>
    %get3A_33 = arith.constant 0 : index
    %get3A_34 = arith.constant 0 : index
    %get3A_35 = vector.load %arg5[%get3A_33, %get3A_34] : memref<64x16xf32, #tpu.memory_space<vmem>>, vector<64x16xf32>
    %dot_general3A = arith.constant dense<0.000000e+00> : vector<1024x16xf32>
    %dot_general3A_36 = tpu.matmul %select_n3A, %get3A_35, %dot_general3A {dimension_numbers = #tpu.dot_dimension_numbers<[1], [0], [0], [1], [0, 0, 1, 1], [], []>, transpose_lhs_hint = false} : vector<1024x64xf32>, vector<64x16xf32>, vector<1024x16xf32> -> vector<1024x16xf32>
    %mul3A_37 = vector.broadcast %broadcast_in_dim3A : vector<1024x1xf32> to vector<1024x16xf32>
    %mul3A_38 = arith.mulf %dot_general3A_36, %mul3A_37 : vector<1024x16xf32>
    %swap3A = arith.constant 0 : index
    %swap3A_39 = arith.constant 0 : index
    %swap3A_40 = vector.load %arg6[%swap3A, %swap3A_39] : memref<1024x16xf32, #tpu.memory_space<vmem>>, vector<1024x16xf32>
    tpu.vector_store %arg6[%swap3A, %swap3A_39], %mul3A_38 {strides = array<i32>} : memref<1024x16xf32, #tpu.memory_space<vmem>>, vector<1024x16xf32>,
    return
  }
  func.func @transform_0(%arg0: i32) -> (i32, i32, i32) {
    %c0_i32 = arith.constant 0 : i32
    %c0_i32_0 = arith.constant 0 : i32
    %c0_i32_1 = arith.constant 0 : i32
    return %c0_i32, %arg0, %c0_i32_0 : i32, i32, i32
  }
  func.func @transform_1(%arg0: i32) -> (i32, i32) {
    %c0_i32 = arith.constant 0 : i32
    %c0_i32_0 = arith.constant 0 : i32
    return %c0_i32, %arg0 : i32, i32
  }
  func.func @transform_2(%arg0: i32) -> (i32, i32) {
    %c0_i32 = arith.constant 0 : i32
    %c0_i32_0 = arith.constant 0 : i32
    return %arg0, %c0_i32 : i32, i32
  }
  func.func @transform_3(%arg0: i32) -> (i32, i32) {
    %c0_i32 = arith.constant 0 : i32
    %c0_i32_0 = arith.constant 0 : i32
    %c0_i32_1 = arith.constant 0 : i32
    return %c0_i32, %c0_i32_0 : i32, i32
  }
  func.func @transform_4(%arg0: i32) -> (i32, i32) {
    %c0_i32 = arith.constant 0 : i32
    %c0_i32_0 = arith.constant 0 : i32
    %c0_i32_1 = arith.constant 0 : i32
    return %c0_i32, %c0_i32_0 : i32, i32
  }
  func.func @transform_5(%arg0: i32) -> (i32, i32) {
    %c0_i32 = arith.constant 0 : i32
    %c0_i32_0 = arith.constant 0 : i32
    return %arg0, %c0_i32 : i32, i32
  }
}

module attributes {stable_mosaic.version = 14 : i64} {
  func.func @body(%arg0: i32, %arg1: memref<2x2048x16xf32, #tpu.memory_space<vmem>>, %arg2: memref<2x2048xf32, #tpu.memory_space<vmem>>, %arg3: memref<2048x16xf32, #tpu.memory_space<vmem>>, %arg4: memref<1x16xf32, #tpu.memory_space<vmem>>, %arg5: memref<2048x4xf32, #tpu.memory_space<vmem>>) attributes {dimension_semantics = [#tpu.dimension_semantics<arbitrary>], iteration_bounds = array<i64: 5>, scalar_prefetch = 0 : i64, scratch_operands = 0 : i64, tpu.core_type = #tpu.core_type<tc>, window_params = [{transform_indices = @transform_0, window_bounds = array<i64: 2, 2048, 16>}, {transform_indices = @transform_1, window_bounds = array<i64: 2, 2048>}, {transform_indices = @transform_2, window_bounds = array<i64: 2048, 16>}, {pipeline_mode = #tpu.pipeline_mode<synchronous>, transform_indices = @transform_3, window_bounds = array<i64: 1, 16>}, {transform_indices = @transform_4, window_bounds = array<i64: 2048, 4>}]} {
    %get3A = arith.constant 0 : index
    %get3A_0 = arith.constant 0 : index
    %get3A_1 = vector.load %arg2[%get3A, %get3A_0] : memref<2x2048xf32, #tpu.memory_space<vmem>>, vector<2x2048xf32>
    %slice3A = vector.extract_strided_slice %get3A_1 {offsets = [0, 0], sizes = [1, 2048], strides = [1, 1]} : vector<2x2048xf32> to vector<1x2048xf32>
    %squeeze3A = vector.shape_cast %slice3A : vector<1x2048xf32> to vector<2048xf32>
    %slice3A_2 = vector.extract_strided_slice %get3A_1 {offsets = [1, 0], sizes = [1, 2048], strides = [1, 1]} : vector<2x2048xf32> to vector<1x2048xf32>
    %squeeze3A_3 = vector.shape_cast %slice3A_2 : vector<1x2048xf32> to vector<2048xf32>
    %add3A = arith.addf %squeeze3A, %squeeze3A_3 : vector<2048xf32>
    %add3A_4 = arith.constant 1.000000e+00 : f32
    %add3A_5 = vector.broadcast %add3A_4 : f32 to vector<2048xf32>
    %add3A_6 = arith.addf %add3A, %add3A_5 : vector<2048xf32>
    %rsqrt3A = math.rsqrt %add3A_6 : vector<2048xf32>
    %broadcast_in_dim3A = vector.shape_cast %rsqrt3A : vector<2048xf32> to vector<2048x1xf32>
    %get3A_7 = arith.constant 0 : index
    %get3A_8 = arith.constant 0 : index
    %get3A_9 = arith.constant 0 : index
    %get3A_10 = vector.load %arg1[%get3A_7, %get3A_8, %get3A_9] : memref<2x2048x16xf32, #tpu.memory_space<vmem>>, vector<1x2048x16xf32>
    %get3A_11 = vector.shape_cast %get3A_10 : vector<1x2048x16xf32> to vector<2048x16xf32>
    %get3A_12 = arith.constant 1 : index
    %get3A_13 = arith.constant 0 : index
    %get3A_14 = arith.constant 0 : index
    %get3A_15 = vector.load %arg1[%get3A_12, %get3A_13, %get3A_14] : memref<2x2048x16xf32, #tpu.memory_space<vmem>>, vector<1x2048x16xf32>
    %get3A_16 = vector.shape_cast %get3A_15 : vector<1x2048x16xf32> to vector<2048x16xf32>
    %add3A_17 = arith.addf %get3A_11, %get3A_16 : vector<2048x16xf32>
    %get3A_18 = arith.constant 0 : index
    %get3A_19 = arith.constant 0 : index
    %get3A_20 = vector.load %arg3[%get3A_18, %get3A_19] : memref<2048x16xf32, #tpu.memory_space<vmem>>, vector<2048x16xf32>
    %add3A_21 = arith.addf %add3A_17, %get3A_20 : vector<2048x16xf32>
    %mul3A = vector.broadcast %broadcast_in_dim3A : vector<2048x1xf32> to vector<2048x16xf32>
    %mul3A_22 = arith.mulf %add3A_21, %mul3A : vector<2048x16xf32>
    %get3A_23 = arith.constant 0 : index
    %get3A_24 = arith.constant 0 : index
    %get3A_25 = vector.load %arg4[%get3A_23, %get3A_24] : memref<1x16xf32, #tpu.memory_space<vmem>>, vector<1x16xf32>
    %add3A_26 = vector.broadcast %get3A_25 : vector<1x16xf32> to vector<2048x16xf32>
    %add3A_27 = arith.addf %mul3A_22, %add3A_26 : vector<2048x16xf32>
    %iota3A = tpu.iota {dimensions = array<i32: 1>} : vector<2048x16xi32>
    %lt3A = arith.constant 4 : i32
    %lt3A_28 = vector.broadcast %lt3A : i32 to vector<2048x16xi32>
    %lt3A_29 = arith.cmpi slt, %iota3A, %lt3A_28 : vector<2048x16xi32>
    %jit3A = arith.constant -1.000000e+30 : f32
    %broadcast_in_dim3A_30 = vector.broadcast %jit3A : f32 to vector<2048x16xf32>
    %select_n3A = arith.select %lt3A_29, %add3A_27, %broadcast_in_dim3A_30 : vector<2048x16xi1>, vector<2048x16xf32>
    %reduce_max3A = arith.constant dense<0xFF800000> : vector<2048xf32>
    %reduce_max3A_31 = vector.multi_reduction <maximumf>, %select_n3A, %reduce_max3A [1] : vector<2048x16xf32> to vector<2048xf32>
    %broadcast_in_dim3A_32 = vector.shape_cast %reduce_max3A_31 : vector<2048xf32> to vector<2048x1xf32>
    %sub3A = vector.broadcast %broadcast_in_dim3A_32 : vector<2048x1xf32> to vector<2048x16xf32>
    %sub3A_33 = arith.subf %select_n3A, %sub3A : vector<2048x16xf32>
    %exp3A = math.exp %sub3A_33 : vector<2048x16xf32>
    %jit3A_34 = arith.constant 0.000000e+00 : f32
    %broadcast_in_dim3A_35 = vector.broadcast %jit3A_34 : f32 to vector<2048x16xf32>
    %select_n3A_36 = arith.select %lt3A_29, %exp3A, %broadcast_in_dim3A_35 : vector<2048x16xi1>, vector<2048x16xf32>
    %reduce_sum3A = arith.constant dense<0.000000e+00> : vector<2048xf32>
    %reduce_sum3A_37 = vector.multi_reduction <add>, %select_n3A_36, %reduce_sum3A [1] : vector<2048x16xf32> to vector<2048xf32>
    %broadcast_in_dim3A_38 = vector.shape_cast %reduce_sum3A_37 : vector<2048xf32> to vector<2048x1xf32>
    %div3A = vector.broadcast %broadcast_in_dim3A_38 : vector<2048x1xf32> to vector<2048x16xf32>
    %div3A_39 = arith.divf %select_n3A_36, %div3A : vector<2048x16xf32>
    %slice3A_40 = vector.extract_strided_slice %div3A_39 {offsets = [0, 0], sizes = [2048, 4], strides = [1, 1]} : vector<2048x16xf32> to vector<2048x4xf32>
    %swap3A = arith.constant 0 : index
    %swap3A_41 = arith.constant 0 : index
    %swap3A_42 = vector.load %arg5[%swap3A, %swap3A_41] : memref<2048x4xf32, #tpu.memory_space<vmem>>, vector<2048x4xf32>
    tpu.vector_store %arg5[%swap3A, %swap3A_41], %slice3A_40 {strides = array<i32>} : memref<2048x4xf32, #tpu.memory_space<vmem>>, vector<2048x4xf32>,
    return
  }
  func.func @transform_0(%arg0: i32) -> (i32, i32, i32) {
    %c0_i32 = arith.constant 0 : i32
    %c0_i32_0 = arith.constant 0 : i32
    %c0_i32_1 = arith.constant 0 : i32
    return %c0_i32, %arg0, %c0_i32_0 : i32, i32, i32
  }
  func.func @transform_1(%arg0: i32) -> (i32, i32) {
    %c0_i32 = arith.constant 0 : i32
    %c0_i32_0 = arith.constant 0 : i32
    return %c0_i32, %arg0 : i32, i32
  }
  func.func @transform_2(%arg0: i32) -> (i32, i32) {
    %c0_i32 = arith.constant 0 : i32
    %c0_i32_0 = arith.constant 0 : i32
    return %arg0, %c0_i32 : i32, i32
  }
  func.func @transform_3(%arg0: i32) -> (i32, i32) {
    %c0_i32 = arith.constant 0 : i32
    %c0_i32_0 = arith.constant 0 : i32
    %c0_i32_1 = arith.constant 0 : i32
    return %c0_i32, %c0_i32_0 : i32, i32
  }
  func.func @transform_4(%arg0: i32) -> (i32, i32) {
    %c0_i32 = arith.constant 0 : i32
    %c0_i32_0 = arith.constant 0 : i32
    return %arg0, %c0_i32 : i32, i32
  }
}

</mosaic_0001>

<sc_bundles>
// kernel: kernel.11.cloned.1.call-start
scs
__scs_entry_jumppad:
0x0: {  	(pc) =	sbr.rel $0x88, $3  }
0x1: {  	(tag) =	ssettag $0x0;
	lr =	simm.s32 $0x1  }
0x2: {  	[smem:$0x3F9B] =	sst lr;
	_ =	strace $0xD0000000  }
0x3: {  	_ = 	snop  }
0x4: {  	_ = 	snop  }
0x5: {  	_ = 	snop  }
0x6: {  	_ = 	snop  }
0x7: {  	_ = 	snop  }
__scs_overlays_trampoline_lowered:
0x8: {  	[smem:$0x3FAA] =	sst s0  }
0x9: {  	[smem:$0x3FAB] =	sst s1  }
0xa: {  	[smem:$0x3FAC] =	sst s2  }
0xb: {  	[smem:$0x3FAD] =	sst s3  }
0xc: {  	[smem:$0x3FAE] =	sst s4  }
0xd: {  	[smem:$0x3FAF] =	sst s5  }
0xe: {  	[smem:$0x3FB0] =	sst s6  }
0xf: {  	[smem:$0x3FB1] =	sst s7  }
0x10: {  	[smem:$0x3FB2] =	sst s8  }
0x11: {  	[smem:$0x3FB3] =	sst s9;
	s0 =	simm.s32 @!p0 $0x0  }
0x12: {  	s1 =	sld [smem:$0x3F99];
	s0 =	simm.s32 @p0 $0x1  }
0x13: {  	[smem:$0x3FB4] =	sst s0;
	s0 =	simm.s32 @!p1 $0x0  }
0x14: {  	s2 =	sld [smem:$0x3F98];
	s0 =	simm.s32 @p1 $0x1  }
0x15: {  	[smem:$0x3FB5] =	sst s0;
	s0 =	simm.s32 @!p2 $0x0  }
0x16: {  	s3 =	sld [smem:$0x3FDB];
	s0 =	simm.s32 @p2 $0x1  }
0x17: {  	s4 =	simm.s32 $0x1BF5;
	[smem:$0x3FB7] =	sst s0  }
0x18: {  	s0 =	sld [smem:$0x3F9A];
	_ =	swait.ge [sflag:s4], $0x0  }
0x19: {  	s7 =	sld [smem:$0x3F9B]  }
0x1a: {  	s8 =	sadd.s32 $0xFFFFE003, lr  }
0x1b: {  	s9 =	sadd.s32 $0xFFFFFEF7, lr;
	s5 =	simm.s32 $0xFFFFFFFF;
	p2 =	slt.u32 s8, $0xFFFFF086  }
0x1c: {  	p1 =	slt.u32 s9, $0xF7A;
	s5 =	simm.s32 @!p2 $0x0  }
0x1d: {  	s5 =	simm.s32 @p1 $0x1;
	p0 =	seq.s32 s7, s2  }
0x1e: {  	s7 =	smul.u32 @!p0 $0xF7A, s2;
	p2 =	seq.s32 @!p0 s5, $0x0  }
0x1f: {  	s9 =	smul.u32 $0xF7A, s1;
	s8 =	simm.s32 @!p0 $0x1BF5;
	p2 =	por !p2, p0  }
0x20: {  	[sflag:s8] =	ssyncset.s32 @!p0 $0xFFFFF086;
	s6 =	sadd.s32 @!p0 s3, s7;
	s7 =	simm.s32 @!p0 $0x108  }
0x21: {  	s3 =	sadd.s32 s3, s9;
	s6 =	sadd.s32 @!p0 $0x88, s6;
	s7 =	simm.s32 @p2 $0x1082  }
0x22: {  	[simem:s7], [sflag:s8] =	dma.local @!p0 [hbm:s6], $0xF7A  }
0x23: {  	s9 =	sor.u32 $0xD0000000, s2;
	s6 =	simm.s32 $0x108;
	_ =	swait.ge @!p0 [sflag:s8], $0x0  }
0x24: {  	s3 =	sadd.s32 $0x88, s3;
	s6 =	simm.s32 @!p1 $0x1082;
	[sflag:s4] =	ssyncset.s32 $0xFFFFF086  }
0x25: {  	[simem:s6], [sflag:s4] =	dma.local [hbm:s3], $0xF7A  }
0x26: {  	[smem:$0x3F9B] =	sst s1;
	(tag) =	ssettag s2;
	_ =	strace s9  }
0x27: {  	s1 =	sld [smem:$0x3FAB]  }
0x28: {  	s2 =	sld [smem:$0x3FAC]  }
0x29: {  	s4 =	sld [smem:$0x3FAE]  }
0x2a: {  	p0 =	seq.s32 s5, $0x0;
	s5 =	sld [smem:$0x3FAF]  }
0x2b: {  	s6 =	sld [smem:$0x3FB0]  }
0x2c: {  	s7 =	sld [smem:$0x3FB1]  }
0x2d: {  	s3 =	simm.s32 $0x108;
	s8 =	sld [smem:$0x3FB2]  }
0x2e: {  	s3 =	simm.s32 @!p0 $0x1082;
	s9 =	sld [smem:$0x3FB3]  }
0x2f: {  	lr =	sadd.s32 s0, s3;
	s0 =	sld [smem:$0x3FAA]  }
0x30: {  	s3 =	sld [smem:$0x3FAD]  }
0x31: {  	[smem:$0x3FB6] =	sst s10  }
0x32: {  	s10 =	sld [smem:$0x3FB4];
	_ =	sdelay $0x3  }
0x33: {  	p0 =	seq.s32 s10, $0x1;
	s10 =	sld [smem:$0x3FB6];
	_ =	sdelay $0x3  }
0x34: {  	[smem:$0x3FB6] =	sst s10  }
0x35: {  	s10 =	sld [smem:$0x3FB5];
	_ =	sdelay $0x3  }
0x36: {  	p1 =	seq.s32 s10, $0x1;
	s10 =	sld [smem:$0x3FB6];
	_ =	sdelay $0x3  }
0x37: {  	[smem:$0x3FB6] =	sst s10  }
0x38: {  	s10 =	sld [smem:$0x3FB7]  }
0x39: {  	_ = 	snop;
	(pc) =	sbr.ind lr, $3  }
0x3a: {  	_ = 	snop  }
0x3b: {  	_ = 	snop  }
0x3c: {  	p2 =	seq.s32 s10, $0x1;
	s10 =	sld [smem:$0x3FB6]  }
0x3d: {  	_ =	shalt  }
0x3e: {  	_ =	shalt  }
0x3f: {  	_ =	shalt  }
0x40: {  	_ =	shalt  }
0x41: {  	_ =	shalt  }
0x42: {  	_ =	shalt  }
0x43: {  	_ =	shalt  }
0x44: {  	_ =	shalt  }
0x45: {  	_ =	shalt  }
0x46: {  	_ =	shalt  }
0x47: {  	_ =	shalt  }
0x48: {  	_ =	shalt  }
0x49: {  	_ =	shalt  }
0x4a: {  	_ =	shalt  }
0x4b: {  	_ =	shalt  }
0x4c: {  	_ =	shalt  }
0x4d: {  	_ =	shalt  }
0x4e: {  	_ =	shalt  }
0x4f: {  	_ =	shalt  }
0x50: {  	_ =	shalt  }
0x51: {  	_ =	shalt  }
0x52: {  	_ =	shalt  }
0x53: {  	_ =	shalt  }
0x54: {  	_ =	shalt  }
0x55: {  	_ =	shalt  }
0x56: {  	_ =	shalt  }
0x57: {  	_ =	shalt  }
0x58: {  	_ =	shalt  }
0x59: {  	_ =	shalt  }
0x5a: {  	_ =	shalt  }
0x5b: {  	_ =	shalt  }
0x5c: {  	_ =	shalt  }
0x5d: {  	_ =	shalt  }
0x5e: {  	_ =	shalt  }
0x5f: {  	_ =	shalt  }
0x60: {  	_ =	shalt  }
0x61: {  	_ =	shalt  }
0x62: {  	_ =	shalt  }
0x63: {  	_ =	shalt  }
0x64: {  	_ =	shalt  }
0x65: {  	_ =	shalt  }
0x66: {  	_ =	shalt  }
0x67: {  	_ =	shalt  }
0x68: {  	_ =	shalt  }
0x69: {  	_ =	shalt  }
0x6a: {  	_ =	shalt  }
0x6b: {  	_ =	shalt  }
0x6c: {  	_ =	shalt  }
0x6d: {  	_ =	shalt  }
0x6e: {  	_ =	shalt  }
0x6f: {  	_ =	shalt  }
0x70: {  	_ =	shalt  }
0x71: {  	_ =	shalt  }
0x72: {  	_ =	shalt  }
0x73: {  	_ =	shalt  }
0x74: {  	_ =	shalt  }
0x75: {  	_ =	shalt  }
0x76: {  	_ =	shalt  }
0x77: {  	_ =	shalt  }
0x78: {  	_ =	shalt  }
0x79: {  	_ =	shalt  }
0x7a: {  	_ =	shalt  }
0x7b: {  	_ =	shalt  }
0x7c: {  	_ =	shalt  }
0x7d: {  	_ =	shalt  }
0x7e: {  	_ =	shalt  }
0x7f: {  	_ =	shalt  }
0x80: {  	_ =	shalt  }
0x81: {  	_ =	shalt  }
0x82: {  	_ =	shalt  }
0x83: {  	_ =	shalt  }
0x84: {  	_ =	shalt  }
0x85: {  	_ =	shalt  }
0x86: {  	_ =	shalt  }
0x87: {  	_ =	shalt  }
.Lfunc_end0:
.L_simem_size_0:
called_computation.1_lowered:
.L_overlay_start_0:
0x88: {  	s2 =	sld [smem:$0x3FD9]  }
0x89: {  	s3 =	sld [smem:$0x3FFE];
	_ =	sdelay $0x1  }
0x8a: {  	s1 =	srdreg.scid  }
0x8b: {  	s0 =	sand.u32 $0x1, s1  }
0x8c: {  	s16 =	sshll.u32 s0, $0xA;
	s2 =	sadd.s32 s3, s2  }
0x8d: {  	s2 =	sadd.s32 s2, s16  }
0x8e: {  	[smem:$0x3FC2] =	sst s2  }
0x8f: {  	_ = 	snop  }
0x90: {  	(tm) =	ssettm $0x1  }
0x91: {  	s17 =	sld [smem:$0x3FFB];
	_ =	sdelay $0x3  }
0x92: {  	_ =	strace s17  }
0x93: {  	s2 =	sld [smem:$0x3FFC];
	_ =	sdelay $0x3  }
0x94: {  	_ =	strace s2  }
0x95: {  	s2 =	sld [smem:$0x3FFD];
	_ =	sdelay $0x3  }
0x96: {  	_ =	strace s2  }
0x97: {  	_ =	strace $0x8FFFFFFF  }
0x98: {  	s18 =	sld [smem:$0x3FDB];
	_ =	sdelay $0x1  }
0x99: {  	s19 =	simm.s32 $_scs_section_size  }
0x9a: {  	s4 =	simm.s32 $_size__tile_overlayer_lowered;
	s5 =	simm.s32 $_tile_overlayer_lowered  }
0x9b: {  	s22 =	simm.s32 $0x1BFF;
	s21 =	sshll.u32 s5, $0x1;
	s2 =	sadd.s32 s19, s18  }
0x9c: {  	s6 =	simm.s32 $0x0;
	s20 =	sshll.u32 s4, $0x1;
	s4 =	sadd.s32 s21, s2  }
0x9d: {  	[timem:s6], [sflag:s22] =	dma.local [hbm:s4], s20  }
0x9e: {  	_ =	swait.ge [sflag:s22], s20  }
0x9f: {  	s3 =	ssub.s32 $0x0, s20;
	[sflag:s22] =	ssyncset.done $0x0  }
0xa0: {  	[sflag:s22] =	ssyncadd.s32 s3;
	_ =	sdelay $0x1  }
0xa1: {  	s23 =	simm.s32 $0x1B8B  }
0xa2: {  	_ =	swait.ge [sflag:s23], $0x1  }
0xa3: {  	[sflag:s23] =	ssyncset.done $0x0  }
0xa4: {  	s25 =	simm.s32 $0x1B8E;
	s24 =	sld [smem:$0x3FFE];
	[sflag:s23] =	ssyncadd.s32 $0xFFFFFFFF  }
0xa5: {  	s26 =	simm.s32 $execute0_lowered;
	[smem:$0x3FD2] =	sst s25  }
0xa6: {  	s4 =	sshll.u32 s26, $0x1;
	_ =	strace $0x80000049;
	[dreg:$0x1] =	wrdreg $0xFFFFFFFF  }
0xa7: {  	s28 =	simm.s32 $_size_execute0_lowered;
	s2 =	sadd.s32 s2, s4;
	[dreg:$0x0] =	wrdreg $0x0  }
0xa8: {  	s4 =	sshll.u32 s28, $0x1;
	[dreg:$0x2] =	wrdreg s2  }
0xa9: {  	[dreg:$0x3] =	wrdreg s4  }
0xaa: {  	[dreg:$0x4] =	wrdreg $0xC0  }
0xab: {  	_ =	task [dreg:s6], $0x5FFFF  }
0xac: {  	[dreg:$0x1] =	wrdreg $0xFFFFFFFF  }
0xad: {  	[dreg:$0x0] =	wrdreg $0x60  }
0xae: {  	[dreg:$0x2] =	wrdreg s24  }
0xaf: {  	[dreg:$0x3] =	wrdreg $0x156200  }
0xb0: {  	[dreg:$0x4] =	wrdreg $0xB6200  }
0xb1: {  	[dreg:$0x5] =	wrdreg $0x9  }
0xb2: {  	_ =	task.clear_ibuf [dreg:s6], $0x6FFFF;
	_ =	strace $0x90000049  }
0xb3: {  	s29 =	simm.s32 $0x9;
	_ =	strace $0x8000004B  }
0xb4: {  	_ =	swait.ge [sflag:s29], $0x1  }
0xb5: {  	[sflag:s29] =	ssyncadd.s32 $0xFFFFFFFF  }
0xb6: {  	_ =	strace $0x9000004B  }
0xb7: {  	_ =	sfence  }
0xb8: {  	s30 =	sld [smem:$0x0];
	_ =	sdelay $0x2  }
0xb9: {  	s31 =	sshll.u32 s1, $0xD;
	s1 =	sshrl.u32 s1, $0x2  }
0xba: {  	s3 =	sand.u32 $0x4000, s31;
	s1 =	sadd.s32 s1, s30  }
0xbb: {  	s0 =	sor.u32 s3, s0;
	s1 =	sshll.u32 s1, $0x11  }
0xbc: {  	s0 =	sor.u32 s1, s0  }
0xbd: {  	s0 =	sadd.s32 $0x8F2B, s0  }
0xbe: {  	[sflag:s0] =	ssyncadd.remote.s32 $0x1  }
0xbf: {  	_ =	sfence.sel $0xFFFF  }
0xc0: {  	[dreg:$0x0] =	wrdreg $0xFFFFFFFF;
	(pc) =	sbr.abs _section_cstart, $3  }
0xc1: {  	[dreg:$0x1] =	wrdreg $0xFFFFFFFF  }
0xc2: {  	_ =	task.clear_ibuf [dreg:s6], $0x2FFFF;
	_ =	strace $0x9FFFFFFF  }
0xc3: {  	(tm) =	ssettm $0x7FFFFFFF  }
tec
execute0_lowered:
.L_overlay_start_1:
0x0: {  	(tag) =	ssettag $0x1  }
0x1: {  	s0 =	rddreg [dreg:$0x0]  }
0x2: {  	s1 =	rddreg [dreg:$0x1]  }
0x3: {  	s2 =	rddreg [dreg:$0x2]  }
0x4: {  	s3 =	srdreg.scid;
	s5 =	simm.s32 $0x0;
	s10 =	stileid.u32  }
0x5: {  	s14 =	simm.s32 $0xB220;
	s15 =	simm.s32 $0xC;
	s16 =	simm.s32 $0x1  }
0x6: {  	s17 =	simm.s32 $0x2;
	s18 =	simm.s32 $0xB;
	s19 =	simm.s32 $0x50  }
0x7: {  	s20 =	simm.s32 $0x4E20;
	s21 =	simm.s32 $0x6220;
	s28 =	simm.s32 $0x8A20  }
0x8: {  	s30 =	simm.s32 $0x9E20;
	s29 =	simm.s32 $0x8;
	s31 =	simm.s32 $0x5  }
0x9: {  	s3 =	sand.u32 $0x1, s3;
	[smem:$0x7FF] =	sst s5;
	s22 =	smul.u32 $0xA000, s10  }
0xa: {  	s23 =	smul.u32 $0x28000, s10;
	s4 =	sshll.u32 s3, $0x4;
	_ =	strace $0x8000004A  }
0xb: {  	s7 =	smul.u32 $0x14000, s3;
	s3 =	ssub.s32 $0x2, s3;
	s4 =	sor.u32 s10, s4  }
0xc: {  	s6 =	sshrl.u32 s22, $0x3;
	s9 =	sshrl.u32 s3, $0x1;
	s25 =	sadd.s32 s22, s1  }
0xd: {  	s5 =	sadd.s32 s22, s2;
	s22 =	simm.s32 $0x7;
	s4 =	smul.u32 $0x4E2, s4  }
0xe: {  	s8 =	sadd.s32 s6, s0;
	s3 =	ssub.s32 s3, s9;
	s13 =	sshrl.u32 s25, $0x3  }
0xf: {  	s25 =	sshrl.u32 s5, $0x3;
	s5 =	simm.s32 $0xA;
	s8 =	sadd.s32 $0x15600, s8  }
0x10: {  	s11 =	smax.u32 s3, $0x1;
	s3 =	simm.s32 $0x3;
	s4 =	sadd.s32 s4, s0  }
0x11: {  	s0 =	sadd.s32 s7, s0;
	[dreg:$0x6] =	wrdreg s8;
	s24 =	sadd.s32 $0x1C00, s4  }
0x12: {  	s8 =	sshll.u32 s10, $0x6;
	s4 =	sadd.s32 $0xB840, s4;
	[dreg:$0x4] =	wrdreg s24  }
0x13: {  	s7 =	sshrl.u32 s23, $0x2;
	s26 =	sor.u32 $0x1C0B, s8;
	[dreg:$0x5] =	wrdreg s4  }
0x14: {  	s10 =	sadd.s32 s7, s2;
	s0 =	sadd.s32 $0x29600, s0;
	[dreg:$0x7] =	wrdreg s26  }
0x15: {  	s23 =	sadd.s32 s6, s0;
	s24 =	simm.s32 $0x7620;
	s0 =	simm.s32 $0x6  }
0x16: {  	v0 =	vimm.f32 $0.0e+00;
	s26 =	simm.s32 $0x4;
	s4 =	simm.s32 $0x9;
	s6 =	simm.s32 $0x0  }
.LBB2_1:
0x17: {  	s7 =	simm.s32 $0x0;
	s9 =	rddreg [dreg:$0x4]  }
0x18: {  	[tilespmem:s7], [sflag:$0x1] =	stream.linear.gather [hbm4b:s9+s7], $0x2710, $0x38;
	[tilespmem:$0x1F620] =	vst v63  }
0x19: {  	s12 =	simm.s32 $0x2710;
	s9 =	rddreg [dreg:$0x5]  }
0x1a: {  	[tilespmem:s12], [sflag:$0x2] =	stream.linear.gather [hbm4b:s9+s7], $0x2710, $0x38;
	[tilespmem:$0x1F620] =	vst v63  }
0x1b: {  	s9 =	rddreg [dreg:$0x6]  }
0x1c: {  	s12 =	rddreg [dreg:$0x7]  }
0x1d: {  	[spmem:s13], [sflag:s12] =	dma.local [hbm:s9], $0x1400;
	[tilespmem:$0xB220] =	vst v0  }
0x1e: {  	[tilespmem:$0xB230] =	vst v0  }
0x1f: {  	[tilespmem:$0xB240] =	vst v0  }
0x20: {  	[tilespmem:$0xB250] =	vst v0  }
0x21: {  	[tilespmem:$0xB260] =	vst v0  }
0x22: {  	[tilespmem:$0xB270] =	vst v0  }
0x23: {  	[tilespmem:$0xB280] =	vst v0  }
0x24: {  	[tilespmem:$0xB290] =	vst v0  }
0x25: {  	[tilespmem:$0xB2A0] =	vst v0  }
0x26: {  	[tilespmem:$0xB2B0] =	vst v0  }
0x27: {  	[tilespmem:$0xB2C0] =	vst v0  }
0x28: {  	[tilespmem:$0xB2D0] =	vst v0  }
0x29: {  	[tilespmem:$0xB2E0] =	vst v0  }
0x2a: {  	[tilespmem:$0xB2F0] =	vst v0  }
0x2b: {  	[tilespmem:$0xB300] =	vst v0  }
0x2c: {  	[tilespmem:$0xB310] =	vst v0  }
0x2d: {  	[tilespmem:$0xB320] =	vst v0  }
0x2e: {  	[tilespmem:$0xB330] =	vst v0  }
0x2f: {  	[tilespmem:$0xB340] =	vst v0  }
0x30: {  	[tilespmem:$0xB350] =	vst v0  }
0x31: {  	[tilespmem:$0xB360] =	vst v0  }
0x32: {  	[tilespmem:$0xB370] =	vst v0  }
0x33: {  	[tilespmem:$0xB380] =	vst v0  }
0x34: {  	[tilespmem:$0xB390] =	vst v0  }
0x35: {  	[tilespmem:$0xB3A0] =	vst v0  }
0x36: {  	[tilespmem:$0xB3B0] =	vst v0  }
0x37: {  	[tilespmem:$0xB3C0] =	vst v0  }
0x38: {  	[tilespmem:$0xB3D0] =	vst v0  }
0x39: {  	[tilespmem:$0xB3E0] =	vst v0  }
0x3a: {  	[tilespmem:$0xB3F0] =	vst v0  }
0x3b: {  	[tilespmem:$0xB400] =	vst v0  }
0x3c: {  	[tilespmem:$0xB410] =	vst v0  }
0x3d: {  	[tilespmem:$0xB420] =	vst v0  }
0x3e: {  	[tilespmem:$0xB430] =	vst v0  }
0x3f: {  	[tilespmem:$0xB440] =	vst v0  }
0x40: {  	[tilespmem:$0xB450] =	vst v0  }
0x41: {  	[tilespmem:$0xB460] =	vst v0  }
0x42: {  	[tilespmem:$0xB470] =	vst v0  }
0x43: {  	[tilespmem:$0xB480] =	vst v0  }
0x44: {  	[tilespmem:$0xB490] =	vst v0  }
0x45: {  	[tilespmem:$0xB4A0] =	vst v0  }
0x46: {  	[tilespmem:$0xB4B0] =	vst v0  }
0x47: {  	[tilespmem:$0xB4C0] =	vst v0  }
0x48: {  	[tilespmem:$0xB4D0] =	vst v0  }
0x49: {  	[tilespmem:$0xB4E0] =	vst v0  }
0x4a: {  	[tilespmem:$0xB4F0] =	vst v0  }
0x4b: {  	[tilespmem:$0xB500] =	vst v0  }
0x4c: {  	[tilespmem:$0xB510] =	vst v0  }
0x4d: {  	[tilespmem:$0xB520] =	vst v0  }
0x4e: {  	[tilespmem:$0xB530] =	vst v0  }
0x4f: {  	[tilespmem:$0xB540] =	vst v0  }
0x50: {  	[tilespmem:$0xB550] =	vst v0  }
0x51: {  	[tilespmem:$0xB560] =	vst v0  }
0x52: {  	[tilespmem:$0xB570] =	vst v0  }
0x53: {  	[tilespmem:$0xB580] =	vst v0  }
0x54: {  	[tilespmem:$0xB590] =	vst v0  }
0x55: {  	[tilespmem:$0xB5A0] =	vst v0  }
0x56: {  	[tilespmem:$0xB5B0] =	vst v0  }
0x57: {  	[tilespmem:$0xB5C0] =	vst v0  }
0x58: {  	[tilespmem:$0xB5D0] =	vst v0  }
0x59: {  	[tilespmem:$0xB5E0] =	vst v0  }
0x5a: {  	[tilespmem:$0xB5F0] =	vst v0  }
0x5b: {  	[tilespmem:$0xB600] =	vst v0  }
0x5c: {  	[tilespmem:$0xB610] =	vst v0;
	s12 =	sadd.s32 $0x0, s10  }
0x5d: {  	[spmem:s12] =	stream.linear.scatter [tilespmem:s14], [sflag:$0xC], $0x400, $0x38;
	[tilespmem:$0x1F620] =	vst v63  }
0x5e: {  	s7 =	simm.s32 $0x1000;
	_ =	swait.ge [sflag:s15], $0x400  }
.LBB2_2:
0x5f: {  	s12 =	sshra.s32 s7, $0x2;
	[sflag:s15] =	ssyncset.done $0x0;
	p0 =	sne.s32 s7, $0x27000  }
.Ltmp0:
0x60: {  	s12 =	sadd.s32 s12, s10;
	[sflag:s15] =	ssyncadd.s32 $0xFFFFFC00;
	(pc) =	sbr.rel @p0 .LBB2_2-.Ltmp0, $3  }
0x61: {  	[spmem:s12] =	stream.linear.scatter [tilespmem:s14], [sflag:$0xC], $0x400, $0x38;
	[tilespmem:$0x1F620] =	vst v63  }
0x62: {  	s7 =	sadd.s32 $0x1000, s7;
	_ =	sdelay $0x1  }
0x63: {  	_ =	swait.ge [sflag:s15], $0x400  }
0x64: {  	[sflag:s15] =	ssyncset.done $0x0  }
0x65: {  	[sflag:s15] =	ssyncadd.s32 $0xFFFFFC00  }
0x66: {  	_ =	swait.ge [sflag:s16], $0x2710  }
0x67: {  	[sflag:s16] =	ssyncset.done $0x0  }
0x68: {  	[sflag:s16] =	ssyncadd.s32 $0xFFFFD8F0  }
0x69: {  	_ =	swait.ge [sflag:s17], $0x2710  }
0x6a: {  	[sflag:s17] =	ssyncset.done $0x0  }
0x6b: {  	[sflag:s17] =	ssyncadd.s32 $0xFFFFD8F0  }
0x6c: {  	_ =	swait.ge [sflag:s18], $0x1400  }
0x6d: {  	[sflag:s18] =	ssyncset.done $0x0  }
0x6e: {  	[sflag:s18] =	ssyncadd.s32 $0xFFFFEC00  }
0x6f: {  	s7 =	simm.s32 $0x0;
	[bflag:$0x0] =	sbarrier.arrive $0xFFFF  }
0x70: {  	[tilespmem:s20], [sflag:$0x1] =	stream.indirect.gather [spmem:s1], $0x40, s7, s19, $0xb8;
	[tilespmem:$0x1F620] =	vst v63  }
0x71: {  	_ = 	snop  }
0x72: {  	[tilespmem:s21], [sflag:$0x2] =	stream.indirect.gather [spmem:s1], $0x40, s19, s19, $0xb8;
	[tilespmem:$0x1F620] =	vst v63  }
0x73: {  	s9 =	simm.s32 $0xA0  }
0x74: {  	[tilespmem:s24], [sflag:$0x3] =	stream.indirect.gather [spmem:s1], $0x40, s9, s19, $0xb8;
	[tilespmem:$0x1F620] =	vst v63  }
0x75: {  	s12 =	simm.s32 $0xF0  }
0x76: {  	[tilespmem:s28], [sflag:$0x4] =	stream.indirect.gather [spmem:s1], $0x40, s12, s19, $0xb8;
	[tilespmem:$0x1F620] =	vst v63  }
0x77: {  	_ =	swait.ge [sflag:s16], $0x1400  }
0x78: {  	[sflag:s16] =	ssyncset.done $0x0  }
0x79: {  	s9 =	simm.s32 $0x2710;
	[sflag:s16] =	ssyncadd.s32 $0xFFFFEC00  }
0x7a: {  	[spmem:s2] =	stream.indirect.scatter.add.f32 [tilespmem:s20], [sflag:$0x6], $0x40, s9, s19, $0xb8;
	[tilespmem:$0x1F620] =	vst v63  }
0x7b: {  	s12 =	simm.s32 $0x140  }
0x7c: {  	[tilespmem:s30], [sflag:$0x5] =	stream.indirect.gather [spmem:s1], $0x40, s12, s19, $0xb8;
	[tilespmem:$0x1F620] =	vst v63  }
0x7d: {  	_ =	swait.ge [sflag:s17], $0x1400  }
0x7e: {  	[sflag:s17] =	ssyncset.done $0x0  }
0x7f: {  	s9 =	simm.s32 $0x2760;
	[sflag:s17] =	ssyncadd.s32 $0xFFFFEC00  }
0x80: {  	[spmem:s2] =	stream.indirect.scatter.add.f32 [tilespmem:s21], [sflag:$0x7], $0x40, s9, s19, $0xb8;
	[tilespmem:$0x1F620] =	vst v63  }
0x81: {  	_ =	swait.ge [sflag:s0], $0x1400  }
0x82: {  	[sflag:s0] =	ssyncset.done $0x0  }
0x83: {  	s12 =	simm.s32 $0x190;
	[sflag:s0] =	ssyncadd.s32 $0xFFFFEC00  }
0x84: {  	[tilespmem:s20], [sflag:$0x1] =	stream.indirect.gather [spmem:s1], $0x40, s12, s19, $0xb8;
	[tilespmem:$0x1F620] =	vst v63  }
0x85: {  	_ =	swait.ge [sflag:s3], $0x1400  }
0x86: {  	[sflag:s3] =	ssyncset.done $0x0  }
0x87: {  	s9 =	simm.s32 $0x27B0;
	[sflag:s3] =	ssyncadd.s32 $0xFFFFEC00  }
0x88: {  	[spmem:s2] =	stream.indirect.scatter.add.f32 [tilespmem:s24], [sflag:$0x8], $0x40, s9, s19, $0xb8;
	[tilespmem:$0x1F620] =	vst v63  }
0x89: {  	_ =	swait.ge [sflag:s22], $0x1400  }
0x8a: {  	[sflag:s22] =	ssyncset.done $0x0  }
0x8b: {  	s12 =	simm.s32 $0x1E0;
	[sflag:s22] =	ssyncadd.s32 $0xFFFFEC00  }
0x8c: {  	[tilespmem:s21], [sflag:$0x2] =	stream.indirect.gather [spmem:s1], $0x40, s12, s19, $0xb8;
	[tilespmem:$0x1F620] =	vst v63  }
0x8d: {  	_ =	swait.ge [sflag:s26], $0x1400  }
0x8e: {  	[sflag:s26] =	ssyncset.done $0x0  }
0x8f: {  	s9 =	simm.s32 $0x2800;
	[sflag:s26] =	ssyncadd.s32 $0xFFFFEC00  }
0x90: {  	[spmem:s2] =	stream.indirect.scatter.add.f32 [tilespmem:s28], [sflag:$0x9], $0x40, s9, s19, $0xb8;
	[tilespmem:$0x1F620] =	vst v63  }
0x91: {  	_ =	swait.ge [sflag:s29], $0x1400  }
0x92: {  	[sflag:s29] =	ssyncset.done $0x0  }
0x93: {  	s12 =	simm.s32 $0x230;
	[sflag:s29] =	ssyncadd.s32 $0xFFFFEC00  }
0x94: {  	[tilespmem:s24], [sflag:$0x3] =	stream.indirect.gather [spmem:s1], $0x40, s12, s19, $0xb8;
	[tilespmem:$0x1F620] =	vst v63  }
0x95: {  	_ =	swait.ge [sflag:s31], $0x1400  }
0x96: {  	[sflag:s31] =	ssyncset.done $0x0  }
0x97: {  	s9 =	simm.s32 $0x2850;
	[sflag:s31] =	ssyncadd.s32 $0xFFFFEC00  }
0x98: {  	[spmem:s2] =	stream.indirect.scatter.add.f32 [tilespmem:s30], [sflag:$0xA], $0x40, s9, s19, $0xb8;
	[tilespmem:$0x1F620] =	vst v63  }
0x99: {  	_ =	swait.ge [sflag:s4], $0x1400  }
0x9a: {  	[sflag:s4] =	ssyncset.done $0x0  }
0x9b: {  	s12 =	simm.s32 $0x280;
	[sflag:s4] =	ssyncadd.s32 $0xFFFFEC00  }
0x9c: {  	[tilespmem:s28], [sflag:$0x4] =	stream.indirect.gather [spmem:s1], $0x40, s12, s19, $0xb8;
	[tilespmem:$0x1F620] =	vst v63  }
0x9d: {  	_ =	swait.ge [sflag:s16], $0x1400  }
0x9e: {  	[sflag:s16] =	ssyncset.done $0x0  }
0x9f: {  	s9 =	simm.s32 $0x28A0;
	[sflag:s16] =	ssyncadd.s32 $0xFFFFEC00  }
0xa0: {  	[spmem:s2] =	stream.indirect.scatter.add.f32 [tilespmem:s20], [sflag:$0x6], $0x40, s9, s19, $0xb8;
	[tilespmem:$0x1F620] =	vst v63  }
0xa1: {  	_ =	swait.ge [sflag:s5], $0x1400  }
0xa2: {  	[sflag:s5] =	ssyncset.done $0x0  }
0xa3: {  	s12 =	simm.s32 $0x2D0;
	[sflag:s5] =	ssyncadd.s32 $0xFFFFEC00  }
0xa4: {  	[tilespmem:s30], [sflag:$0x5] =	stream.indirect.gather [spmem:s1], $0x40, s12, s19, $0xb8;
	[tilespmem:$0x1F620] =	vst v63  }
0xa5: {  	_ =	swait.ge [sflag:s17], $0x1400  }
0xa6: {  	[sflag:s17] =	ssyncset.done $0x0  }
0xa7: {  	s7 =	simm.s32 $0x640;
	s12 =	simm.s32 $0x28F0;
	[sflag:s17] =	ssyncadd.s32 $0xFFFFEC00  }
.LBB2_4:
0xa8: {  	[spmem:s2] =	stream.indirect.scatter.add.f32 [tilespmem:s21], [sflag:$0x7], $0x40, s12, s19, $0xb8;
	[tilespmem:$0x1F620] =	vst v63  }
0xa9: {  	s12 =	smov.u32 s7  }
0xaa: {  	p0 =	sne.s32 s7, $0x8FC0;
	s7 =	sadd.s32 $0x640, s7;
	_ =	swait.ge [sflag:s0], $0x1400  }
0xab: {  	s12 =	sshra.s32 s12, $0x2;
	[sflag:s0] =	ssyncset.done $0x0  }
0xac: {  	s9 =	sadd.s32 $0x190, s12;
	[sflag:s0] =	ssyncadd.s32 $0xFFFFEC00  }
0xad: {  	[tilespmem:s20], [sflag:$0x1] =	stream.indirect.gather [spmem:s1], $0x40, s9, s19, $0xb8;
	[tilespmem:$0x1F620] =	vst v63  }
0xae: {  	_ =	swait.ge [sflag:s3], $0x1400  }
0xaf: {  	[sflag:s3] =	ssyncset.done $0x0  }
0xb0: {  	s9 =	sadd.s32 $0x27B0, s12;
	[sflag:s3] =	ssyncadd.s32 $0xFFFFEC00  }
0xb1: {  	[spmem:s2] =	stream.indirect.scatter.add.f32 [tilespmem:s24], [sflag:$0x8], $0x40, s9, s19, $0xb8;
	[tilespmem:$0x1F620] =	vst v63  }
0xb2: {  	_ =	swait.ge [sflag:s22], $0x1400  }
0xb3: {  	[sflag:s22] =	ssyncset.done $0x0  }
0xb4: {  	s9 =	sadd.s32 $0x1E0, s12;
	[sflag:s22] =	ssyncadd.s32 $0xFFFFEC00  }
0xb5: {  	[tilespmem:s21], [sflag:$0x2] =	stream.indirect.gather [spmem:s1], $0x40, s9, s19, $0xb8;
	[tilespmem:$0x1F620] =	vst v63  }
0xb6: {  	_ =	swait.ge [sflag:s26], $0x1400  }
0xb7: {  	[sflag:s26] =	ssyncset.done $0x0  }
0xb8: {  	s9 =	sadd.s32 $0x2800, s12;
	[sflag:s26] =	ssyncadd.s32 $0xFFFFEC00  }
0xb9: {  	[spmem:s2] =	stream.indirect.scatter.add.f32 [tilespmem:s28], [sflag:$0x9], $0x40, s9, s19, $0xb8;
	[tilespmem:$0x1F620] =	vst v63  }
0xba: {  	_ =	swait.ge [sflag:s29], $0x1400  }
0xbb: {  	[sflag:s29] =	ssyncset.done $0x0  }
0xbc: {  	s9 =	sadd.s32 $0x230, s12;
	[sflag:s29] =	ssyncadd.s32 $0xFFFFEC00  }
0xbd: {  	[tilespmem:s24], [sflag:$0x3] =	stream.indirect.gather [spmem:s1], $0x40, s9, s19, $0xb8;
	[tilespmem:$0x1F620] =	vst v63  }
0xbe: {  	_ =	swait.ge [sflag:s31], $0x1400  }
0xbf: {  	[sflag:s31] =	ssyncset.done $0x0  }
0xc0: {  	s9 =	sadd.s32 $0x2850, s12;
	[sflag:s31] =	ssyncadd.s32 $0xFFFFEC00  }
0xc1: {  	[spmem:s2] =	stream.indirect.scatter.add.f32 [tilespmem:s30], [sflag:$0xA], $0x40, s9, s19, $0xb8;
	[tilespmem:$0x1F620] =	vst v63  }
0xc2: {  	_ =	swait.ge [sflag:s4], $0x1400  }
0xc3: {  	[sflag:s4] =	ssyncset.done $0x0  }
0xc4: {  	s9 =	sadd.s32 $0x280, s12;
	[sflag:s4] =	ssyncadd.s32 $0xFFFFEC00  }
0xc5: {  	[tilespmem:s28], [sflag:$0x4] =	stream.indirect.gather [spmem:s1], $0x40, s9, s19, $0xb8;
	[tilespmem:$0x1F620] =	vst v63  }
0xc6: {  	_ =	swait.ge [sflag:s16], $0x1400  }
0xc7: {  	[sflag:s16] =	ssyncset.done $0x0  }
0xc8: {  	s9 =	sadd.s32 $0x28A0, s12;
	[sflag:s16] =	ssyncadd.s32 $0xFFFFEC00  }
0xc9: {  	[spmem:s2] =	stream.indirect.scatter.add.f32 [tilespmem:s20], [sflag:$0x6], $0x40, s9, s19, $0xb8;
	[tilespmem:$0x1F620] =	vst v63  }
0xca: {  	_ =	swait.ge [sflag:s5], $0x1400  }
0xcb: {  	[sflag:s5] =	ssyncset.done $0x0  }
.Ltmp1:
0xcc: {  	s9 =	sadd.s32 $0x2D0, s12;
	[sflag:s5] =	ssyncadd.s32 $0xFFFFEC00;
	(pc) =	sbr.rel @p0 .LBB2_4-.Ltmp1, $4  }
0xcd: {  	[tilespmem:s30], [sflag:$0x5] =	stream.indirect.gather [spmem:s1], $0x40, s9, s19, $0xb8;
	[tilespmem:$0x1F620] =	vst v63  }
0xce: {  	_ =	swait.ge [sflag:s17], $0x1400  }
0xcf: {  	[sflag:s17] =	ssyncset.done $0x0  }
0xd0: {  	s12 =	sadd.s32 $0x28F0, s12;
	[sflag:s17] =	ssyncadd.s32 $0xFFFFEC00  }
0xd1: {  	[spmem:s2] =	stream.indirect.scatter.add.f32 [tilespmem:s21], [sflag:$0x7], $0x40, s12, s19, $0xb8;
	[tilespmem:$0x1F620] =	vst v63  }
0xd2: {  	_ =	swait.ge [sflag:s3], $0x1400  }
0xd3: {  	[sflag:s3] =	ssyncset.done $0x0  }
0xd4: {  	s7 =	simm.s32 $0x4D30;
	[sflag:s3] =	ssyncadd.s32 $0xFFFFEC00  }
0xd5: {  	[spmem:s2] =	stream.indirect.scatter.add.f32 [tilespmem:s24], [sflag:$0x8], $0x40, s7, s19, $0xb8;
	[tilespmem:$0x1F620] =	vst v63  }
0xd6: {  	_ =	swait.ge [sflag:s26], $0x1400  }
0xd7: {  	[sflag:s26] =	ssyncset.done $0x0  }
0xd8: {  	s12 =	simm.s32 $0x4D80;
	[sflag:s26] =	ssyncadd.s32 $0xFFFFEC00  }
0xd9: {  	[spmem:s2] =	stream.indirect.scatter.add.f32 [tilespmem:s28], [sflag:$0x9], $0x40, s12, s19, $0xb8;
	[tilespmem:$0x1F620] =	vst v63  }
0xda: {  	_ =	swait.ge [sflag:s31], $0x1400  }
0xdb: {  	[sflag:s31] =	ssyncset.done $0x0  }
0xdc: {  	s9 =	simm.s32 $0x4DD0;
	[sflag:s31] =	ssyncadd.s32 $0xFFFFEC00  }
0xdd: {  	[spmem:s2] =	stream.indirect.scatter.add.f32 [tilespmem:s30], [sflag:$0xA], $0x40, s9, s19, $0xb8;
	[tilespmem:$0x1F620] =	vst v63  }
0xde: {  	_ =	swait.ge [sflag:s0], $0x1400  }
0xdf: {  	[sflag:s0] =	ssyncset.done $0x0  }
0xe0: {  	[sflag:s0] =	ssyncadd.s32 $0xFFFFEC00  }
0xe1: {  	_ =	swait.ge [sflag:s22], $0x1400  }
0xe2: {  	[sflag:s22] =	ssyncset.done $0x0  }
0xe3: {  	[sflag:s22] =	ssyncadd.s32 $0xFFFFEC00  }
0xe4: {  	_ =	swait.ge [sflag:s29], $0x1400  }
0xe5: {  	[sflag:s29] =	ssyncset.done $0x0  }
0xe6: {  	[sflag:s29] =	ssyncadd.s32 $0xFFFFEC00  }
0xe7: {  	_ =	swait.ge [sflag:s4], $0x1400  }
0xe8: {  	[sflag:s4] =	ssyncset.done $0x0  }
0xe9: {  	[sflag:s4] =	ssyncadd.s32 $0xFFFFEC00  }
0xea: {  	_ =	swait.ge [sflag:s5], $0x1400  }
0xeb: {  	s6 =	sadd.s32 $0x1, s6;
	[sflag:s5] =	ssyncset.done $0x0  }
0xec: {  	p0 =	sne.s32 s6, s11;
	[sflag:s5] =	ssyncadd.s32 $0xFFFFEC00  }
.Ltmp2:
0xed: {  	s12 =	sor.u32 $0x1C0C, s8;
	[bflag:$0x0] =	sbarrier.arrive $0xFFFF;
	(pc) =	sbr.rel @p0 .LBB2_1-.Ltmp2, $4  }
0xee: {  	[hbm:s23], [sflag:s12] =	dma.local [spmem:s25], $0x1400  }
0xef: {  	_ =	swait.ge [sflag:s15], $0x1400  }
0xf0: {  	[sflag:s15] =	ssyncset.done $0x0  }
0xf1: {  	[sflag:s15] =	ssyncadd.s32 $0xFFFFEC00  }
0xf2: {  	_ =	sfence.sel $0x180000  }
0xf3: {  	[bflag:$0x0] =	sbarrier.arrive $0xFFFF  }
0xf4: {  	_ =	strace $0x9000004A  }
0xf5: {  	s0 =	stileid.u32;
	[bflag:$0x2] =	sbarrier.arrive $0xFFFF  }
0xf6: {  	p0 =	sne.s32 s0, $0x0;
	s0 =	rddreg [dreg:$0x3]  }
0xf7: {  	s0 =	sadd.s32 @!p0 $0x100000, s0  }
0xf8: {  	[sflag:s0] =	ssyncadd.tile.s32 @!p0 $0x1;
	_ =	shalt  }
.Lfunc_end2:
_tile_overlayer_lowered:
.L_overlay_start_2:
0xf9: {  	(tag) =	ssettag $0x2  }
0xfa: {  	s0 =	rddreg [dreg:$0x0];
	s2 =	stileid.u32  }
0xfb: {  	s1 =	rddreg [dreg:$0x1];
	p0 =	sne.s32 s2, $0x0  }
0xfc: {  	s3 =	rddreg [dreg:$0x2];
	[bflag:$0x3] =	sbarrier.arrive $0xFFFF;
	s2 =	simm.s32 @!p0 $0x1C0C  }
0xfd: {  	[timem:s3], [sflag:s2] =	dma.local @!p0 [hbm:s0], s1  }
0xfe: {  	s0 =	simm.s32 @!p0 $0xC  }
0xff: {  	_ =	swait.ge @!p0 [sflag:s0], s1  }
0x100: {  	s1 =	ssub.s32 @!p0 $0x0, s1;
	[sflag:s0] =	ssyncset.done @!p0 $0x0  }
0x101: {  	[sflag:s0] =	ssyncadd.s32 @!p0 s1  }
0x102: {  	[bflag:$0x3] =	sbarrier.arrive $0xFFFF  }
0x103: {  	_ =	shalt  }

// kernel: kernel.14.cloned.1.call-start
scs
__scs_entry_jumppad:
0x0: {  	(pc) =	sbr.rel $0x88, $3  }
0x1: {  	(tag) =	ssettag $0x0;
	lr =	simm.s32 $0x1  }
0x2: {  	[smem:$0x3F9B] =	sst lr;
	_ =	strace $0xD0000000  }
0x3: {  	_ = 	snop  }
0x4: {  	_ = 	snop  }
0x5: {  	_ = 	snop  }
0x6: {  	_ = 	snop  }
0x7: {  	_ = 	snop  }
__scs_overlays_trampoline_lowered:
0x8: {  	[smem:$0x3FAA] =	sst s0  }
0x9: {  	[smem:$0x3FAB] =	sst s1  }
0xa: {  	[smem:$0x3FAC] =	sst s2  }
0xb: {  	[smem:$0x3FAD] =	sst s3  }
0xc: {  	[smem:$0x3FAE] =	sst s4  }
0xd: {  	[smem:$0x3FAF] =	sst s5  }
0xe: {  	[smem:$0x3FB0] =	sst s6  }
0xf: {  	[smem:$0x3FB1] =	sst s7  }
0x10: {  	[smem:$0x3FB2] =	sst s8  }
0x11: {  	[smem:$0x3FB3] =	sst s9;
	s0 =	simm.s32 @!p0 $0x0  }
0x12: {  	s1 =	sld [smem:$0x3F99];
	s0 =	simm.s32 @p0 $0x1  }
0x13: {  	[smem:$0x3FB4] =	sst s0;
	s0 =	simm.s32 @!p1 $0x0  }
0x14: {  	s2 =	sld [smem:$0x3F98];
	s0 =	simm.s32 @p1 $0x1  }
0x15: {  	[smem:$0x3FB5] =	sst s0;
	s0 =	simm.s32 @!p2 $0x0  }
0x16: {  	s3 =	sld [smem:$0x3FDB];
	s0 =	simm.s32 @p2 $0x1  }
0x17: {  	s4 =	simm.s32 $0x1BF5;
	[smem:$0x3FB7] =	sst s0  }
0x18: {  	s0 =	sld [smem:$0x3F9A];
	_ =	swait.ge [sflag:s4], $0x0  }
0x19: {  	s7 =	sld [smem:$0x3F9B]  }
0x1a: {  	s8 =	sadd.s32 $0xFFFFE003, lr  }
0x1b: {  	s9 =	sadd.s32 $0xFFFFFEF7, lr;
	s5 =	simm.s32 $0xFFFFFFFF;
	p2 =	slt.u32 s8, $0xFFFFF086  }
0x1c: {  	p1 =	slt.u32 s9, $0xF7A;
	s5 =	simm.s32 @!p2 $0x0  }
0x1d: {  	s5 =	simm.s32 @p1 $0x1;
	p0 =	seq.s32 s7, s2  }
0x1e: {  	s7 =	smul.u32 @!p0 $0xF7A, s2;
	p2 =	seq.s32 @!p0 s5, $0x0  }
0x1f: {  	s9 =	smul.u32 $0xF7A, s1;
	s8 =	simm.s32 @!p0 $0x1BF5;
	p2 =	por !p2, p0  }
0x20: {  	[sflag:s8] =	ssyncset.s32 @!p0 $0xFFFFF086;
	s6 =	sadd.s32 @!p0 s3, s7;
	s7 =	simm.s32 @!p0 $0x108  }
0x21: {  	s3 =	sadd.s32 s3, s9;
	s6 =	sadd.s32 @!p0 $0x88, s6;
	s7 =	simm.s32 @p2 $0x1082  }
0x22: {  	[simem:s7], [sflag:s8] =	dma.local @!p0 [hbm:s6], $0xF7A  }
0x23: {  	s9 =	sor.u32 $0xD0000000, s2;
	s6 =	simm.s32 $0x108;
	_ =	swait.ge @!p0 [sflag:s8], $0x0  }
0x24: {  	s3 =	sadd.s32 $0x88, s3;
	s6 =	simm.s32 @!p1 $0x1082;
	[sflag:s4] =	ssyncset.s32 $0xFFFFF086  }
0x25: {  	[simem:s6], [sflag:s4] =	dma.local [hbm:s3], $0xF7A  }
0x26: {  	[smem:$0x3F9B] =	sst s1;
	(tag) =	ssettag s2;
	_ =	strace s9  }
0x27: {  	s1 =	sld [smem:$0x3FAB]  }
0x28: {  	s2 =	sld [smem:$0x3FAC]  }
0x29: {  	s4 =	sld [smem:$0x3FAE]  }
0x2a: {  	p0 =	seq.s32 s5, $0x0;
	s5 =	sld [smem:$0x3FAF]  }
0x2b: {  	s6 =	sld [smem:$0x3FB0]  }
0x2c: {  	s7 =	sld [smem:$0x3FB1]  }
0x2d: {  	s3 =	simm.s32 $0x108;
	s8 =	sld [smem:$0x3FB2]  }
0x2e: {  	s3 =	simm.s32 @!p0 $0x1082;
	s9 =	sld [smem:$0x3FB3]  }
0x2f: {  	lr =	sadd.s32 s0, s3;
	s0 =	sld [smem:$0x3FAA]  }
0x30: {  	s3 =	sld [smem:$0x3FAD]  }
0x31: {  	[smem:$0x3FB6] =	sst s10  }
0x32: {  	s10 =	sld [smem:$0x3FB4];
	_ =	sdelay $0x3  }
0x33: {  	p0 =	seq.s32 s10, $0x1;
	s10 =	sld [smem:$0x3FB6];
	_ =	sdelay $0x3  }
0x34: {  	[smem:$0x3FB6] =	sst s10  }
0x35: {  	s10 =	sld [smem:$0x3FB5];
	_ =	sdelay $0x3  }
0x36: {  	p1 =	seq.s32 s10, $0x1;
	s10 =	sld [smem:$0x3FB6];
	_ =	sdelay $0x3  }
0x37: {  	[smem:$0x3FB6] =	sst s10  }
0x38: {  	s10 =	sld [smem:$0x3FB7]  }
0x39: {  	_ = 	snop;
	(pc) =	sbr.ind lr, $3  }
0x3a: {  	_ = 	snop  }
0x3b: {  	_ = 	snop  }
0x3c: {  	p2 =	seq.s32 s10, $0x1;
	s10 =	sld [smem:$0x3FB6]  }
0x3d: {  	_ =	shalt  }
0x3e: {  	_ =	shalt  }
0x3f: {  	_ =	shalt  }
0x40: {  	_ =	shalt  }
0x41: {  	_ =	shalt  }
0x42: {  	_ =	shalt  }
0x43: {  	_ =	shalt  }
0x44: {  	_ =	shalt  }
0x45: {  	_ =	shalt  }
0x46: {  	_ =	shalt  }
0x47: {  	_ =	shalt  }
0x48: {  	_ =	shalt  }
0x49: {  	_ =	shalt  }
0x4a: {  	_ =	shalt  }
0x4b: {  	_ =	shalt  }
0x4c: {  	_ =	shalt  }
0x4d: {  	_ =	shalt  }
0x4e: {  	_ =	shalt  }
0x4f: {  	_ =	shalt  }
0x50: {  	_ =	shalt  }
0x51: {  	_ =	shalt  }
0x52: {  	_ =	shalt  }
0x53: {  	_ =	shalt  }
0x54: {  	_ =	shalt  }
0x55: {  	_ =	shalt  }
0x56: {  	_ =	shalt  }
0x57: {  	_ =	shalt  }
0x58: {  	_ =	shalt  }
0x59: {  	_ =	shalt  }
0x5a: {  	_ =	shalt  }
0x5b: {  	_ =	shalt  }
0x5c: {  	_ =	shalt  }
0x5d: {  	_ =	shalt  }
0x5e: {  	_ =	shalt  }
0x5f: {  	_ =	shalt  }
0x60: {  	_ =	shalt  }
0x61: {  	_ =	shalt  }
0x62: {  	_ =	shalt  }
0x63: {  	_ =	shalt  }
0x64: {  	_ =	shalt  }
0x65: {  	_ =	shalt  }
0x66: {  	_ =	shalt  }
0x67: {  	_ =	shalt  }
0x68: {  	_ =	shalt  }
0x69: {  	_ =	shalt  }
0x6a: {  	_ =	shalt  }
0x6b: {  	_ =	shalt  }
0x6c: {  	_ =	shalt  }
0x6d: {  	_ =	shalt  }
0x6e: {  	_ =	shalt  }
0x6f: {  	_ =	shalt  }
0x70: {  	_ =	shalt  }
0x71: {  	_ =	shalt  }
0x72: {  	_ =	shalt  }
0x73: {  	_ =	shalt  }
0x74: {  	_ =	shalt  }
0x75: {  	_ =	shalt  }
0x76: {  	_ =	shalt  }
0x77: {  	_ =	shalt  }
0x78: {  	_ =	shalt  }
0x79: {  	_ =	shalt  }
0x7a: {  	_ =	shalt  }
0x7b: {  	_ =	shalt  }
0x7c: {  	_ =	shalt  }
0x7d: {  	_ =	shalt  }
0x7e: {  	_ =	shalt  }
0x7f: {  	_ =	shalt  }
0x80: {  	_ =	shalt  }
0x81: {  	_ =	shalt  }
0x82: {  	_ =	shalt  }
0x83: {  	_ =	shalt  }
0x84: {  	_ =	shalt  }
0x85: {  	_ =	shalt  }
0x86: {  	_ =	shalt  }
0x87: {  	_ =	shalt  }
.Lfunc_end0:
.L_simem_size_0:
called_computation.2_lowered:
.L_overlay_start_0:
0x88: {  	s2 =	sld [smem:$0x3FD9]  }
0x89: {  	s3 =	sld [smem:$0x3FFE];
	_ =	sdelay $0x1  }
0x8a: {  	s1 =	srdreg.scid  }
0x8b: {  	s0 =	sand.u32 $0x1, s1  }
0x8c: {  	s16 =	sshll.u32 s0, $0xA;
	s2 =	sadd.s32 s3, s2  }
0x8d: {  	s2 =	sadd.s32 s2, s16  }
0x8e: {  	[smem:$0x3FC2] =	sst s2  }
0x8f: {  	_ = 	snop  }
0x90: {  	(tm) =	ssettm $0x1  }
0x91: {  	s17 =	sld [smem:$0x3FFB];
	_ =	sdelay $0x3  }
0x92: {  	_ =	strace s17  }
0x93: {  	s2 =	sld [smem:$0x3FFC];
	_ =	sdelay $0x3  }
0x94: {  	_ =	strace s2  }
0x95: {  	s2 =	sld [smem:$0x3FFD];
	_ =	sdelay $0x3  }
0x96: {  	_ =	strace s2  }
0x97: {  	_ =	strace $0x8FFFFFFF  }
0x98: {  	s18 =	sld [smem:$0x3FDB];
	_ =	sdelay $0x1  }
0x99: {  	s19 =	simm.s32 $_scs_section_size  }
0x9a: {  	s4 =	simm.s32 $_size__tile_overlayer_lowered;
	s5 =	simm.s32 $_tile_overlayer_lowered  }
0x9b: {  	s22 =	simm.s32 $0x1BFF;
	s21 =	sshll.u32 s5, $0x1;
	s2 =	sadd.s32 s19, s18  }
0x9c: {  	s6 =	simm.s32 $0x0;
	s20 =	sshll.u32 s4, $0x1;
	s4 =	sadd.s32 s21, s2  }
0x9d: {  	[timem:s6], [sflag:s22] =	dma.local [hbm:s4], s20  }
0x9e: {  	_ =	swait.ge [sflag:s22], s20  }
0x9f: {  	s3 =	ssub.s32 $0x0, s20;
	[sflag:s22] =	ssyncset.done $0x0  }
0xa0: {  	[sflag:s22] =	ssyncadd.s32 s3;
	_ =	sdelay $0x1  }
0xa1: {  	s23 =	simm.s32 $0x1B8B  }
0xa2: {  	_ =	swait.ge [sflag:s23], $0x1  }
0xa3: {  	[sflag:s23] =	ssyncset.done $0x0  }
0xa4: {  	s25 =	simm.s32 $0x1B8E;
	s24 =	sld [smem:$0x3FFE];
	[sflag:s23] =	ssyncadd.s32 $0xFFFFFFFF  }
0xa5: {  	s26 =	simm.s32 $execute0_lowered;
	[smem:$0x3FD2] =	sst s25  }
0xa6: {  	s4 =	sshll.u32 s26, $0x1;
	_ =	strace $0x8000004C;
	[dreg:$0x1] =	wrdreg $0xFFFFFFFF  }
0xa7: {  	s28 =	simm.s32 $_size_execute0_lowered;
	s2 =	sadd.s32 s2, s4;
	[dreg:$0x0] =	wrdreg $0x0  }
0xa8: {  	s4 =	sshll.u32 s28, $0x1;
	[dreg:$0x2] =	wrdreg s2  }
0xa9: {  	[dreg:$0x3] =	wrdreg s4  }
0xaa: {  	[dreg:$0x4] =	wrdreg $0xC0  }
0xab: {  	_ =	task [dreg:s6], $0x5FFFF  }
0xac: {  	[dreg:$0x1] =	wrdreg $0xFFFFFFFF  }
0xad: {  	[dreg:$0x0] =	wrdreg $0x60  }
0xae: {  	[dreg:$0x2] =	wrdreg s24  }
0xaf: {  	[dreg:$0x3] =	wrdreg $0x90200  }
0xb0: {  	[dreg:$0x4] =	wrdreg $0x68200  }
0xb1: {  	[dreg:$0x5] =	wrdreg $0x9  }
0xb2: {  	_ =	task.clear_ibuf [dreg:s6], $0x6FFFF;
	_ =	strace $0x9000004C  }
0xb3: {  	s29 =	simm.s32 $0x9;
	_ =	strace $0x8000004E  }
0xb4: {  	_ =	swait.ge [sflag:s29], $0x1  }
0xb5: {  	[sflag:s29] =	ssyncadd.s32 $0xFFFFFFFF  }
0xb6: {  	_ =	strace $0x9000004E  }
0xb7: {  	_ =	sfence  }
0xb8: {  	s30 =	sld [smem:$0x0];
	_ =	sdelay $0x2  }
0xb9: {  	s31 =	sshll.u32 s1, $0xD;
	s1 =	sshrl.u32 s1, $0x2  }
0xba: {  	s3 =	sand.u32 $0x4000, s31;
	s1 =	sadd.s32 s1, s30  }
0xbb: {  	s0 =	sor.u32 s3, s0;
	s1 =	sshll.u32 s1, $0x11  }
0xbc: {  	s0 =	sor.u32 s1, s0  }
0xbd: {  	s0 =	sadd.s32 $0x8F2B, s0  }
0xbe: {  	[sflag:s0] =	ssyncadd.remote.s32 $0x1  }
0xbf: {  	_ =	sfence.sel $0xFFFF  }
0xc0: {  	[dreg:$0x0] =	wrdreg $0xFFFFFFFF;
	(pc) =	sbr.abs _section_cstart, $3  }
0xc1: {  	[dreg:$0x1] =	wrdreg $0xFFFFFFFF  }
0xc2: {  	_ =	task.clear_ibuf [dreg:s6], $0x2FFFF;
	_ =	strace $0x9FFFFFFF  }
0xc3: {  	(tm) =	ssettm $0x7FFFFFFF  }
tec
execute0_lowered:
.L_overlay_start_1:
0x0: {  	(tag) =	ssettag $0x1  }
0x1: {  	s0 =	rddreg [dreg:$0x0]  }
0x2: {  	s1 =	rddreg [dreg:$0x1]  }
0x3: {  	s2 =	rddreg [dreg:$0x2];
	s3 =	srdreg.scid  }
0x4: {  	s5 =	simm.s32 $0x0;
	s10 =	stileid.u32;
	s12 =	simm.s32 $0x2710  }
0x5: {  	s14 =	simm.s32 $0x6720;
	s15 =	simm.s32 $0xC;
	s16 =	simm.s32 $0x1  }
0x6: {  	s17 =	simm.s32 $0x2;
	s18 =	simm.s32 $0xB;
	s19 =	simm.s32 $0x50  }
0x7: {  	s20 =	simm.s32 $0x4E20;
	s21 =	simm.s32 $0x5320;
	s28 =	simm.s32 $0x5D20  }
0x8: {  	s30 =	simm.s32 $0x6220;
	s29 =	simm.s32 $0x8;
	s31 =	simm.s32 $0x5  }
0x9: {  	s3 =	sand.u32 $0x1, s3;
	[smem:$0x7FF] =	sst s5;
	s22 =	smul.u32 $0x2800, s10  }
0xa: {  	s23 =	smul.u32 $0xA000, s10;
	s4 =	sshll.u32 s3, $0x4;
	_ =	strace $0x8000004D  }
0xb: {  	s7 =	smul.u32 $0x5000, s3;
	s3 =	ssub.s32 $0x2, s3;
	s4 =	sor.u32 s10, s4  }
0xc: {  	s6 =	sshrl.u32 s22, $0x3;
	s9 =	sshrl.u32 s3, $0x1;
	s25 =	sadd.s32 s22, s1  }
0xd: {  	s5 =	sadd.s32 s22, s2;
	s22 =	simm.s32 $0x7;
	s4 =	smul.u32 $0x4E2, s4  }
0xe: {  	s8 =	sadd.s32 s6, s0;
	s3 =	ssub.s32 s3, s9;
	s13 =	sshrl.u32 s25, $0x3  }
0xf: {  	s25 =	sshrl.u32 s5, $0x3;
	s5 =	simm.s32 $0xA;
	s8 =	sadd.s32 $0x15600, s8  }
0x10: {  	s11 =	smax.u32 s3, $0x1;
	s3 =	simm.s32 $0x3;
	s4 =	sadd.s32 s4, s0  }
0x11: {  	s0 =	sadd.s32 s7, s0;
	[dreg:$0x6] =	wrdreg s8;
	s24 =	sadd.s32 $0x1C00, s4  }
0x12: {  	s8 =	sshll.u32 s10, $0x6;
	s4 =	sadd.s32 $0xB840, s4;
	[dreg:$0x4] =	wrdreg s24  }
0x13: {  	s7 =	sshrl.u32 s23, $0x2;
	s26 =	sor.u32 $0x1C0B, s8;
	[dreg:$0x5] =	wrdreg s4  }
0x14: {  	s10 =	sadd.s32 s7, s2;
	s0 =	sadd.s32 $0x1A600, s0;
	[dreg:$0x7] =	wrdreg s26  }
0x15: {  	s23 =	sadd.s32 s6, s0;
	s24 =	simm.s32 $0x5820;
	s0 =	simm.s32 $0x6  }
0x16: {  	v0 =	vimm.f32 $0.0e+00;
	s26 =	simm.s32 $0x4;
	s4 =	simm.s32 $0x9;
	s6 =	simm.s32 $0x0  }
.LBB2_1:
0x17: {  	s7 =	simm.s32 $0x0;
	s9 =	rddreg [dreg:$0x4]  }
0x18: {  	[tilespmem:s7], [sflag:$0x1] =	stream.linear.gather [hbm4b:s9+s7], $0x2710, $0x38;
	[tilespmem:$0xB820] =	vst v63  }
0x19: {  	s9 =	rddreg [dreg:$0x5]  }
0x1a: {  	[tilespmem:s12], [sflag:$0x2] =	stream.linear.gather [hbm4b:s9+s7], $0x2710, $0x38;
	[tilespmem:$0xB820] =	vst v63  }
0x1b: {  	s7 =	rddreg [dreg:$0x6]  }
0x1c: {  	s9 =	rddreg [dreg:$0x7]  }
0x1d: {  	[spmem:s13], [sflag:s9] =	dma.local [hbm:s7], $0x500;
	[tilespmem:$0x6720] =	vst v0  }
0x1e: {  	[tilespmem:$0x6730] =	vst v0  }
0x1f: {  	[tilespmem:$0x6740] =	vst v0  }
0x20: {  	[tilespmem:$0x6750] =	vst v0  }
0x21: {  	[tilespmem:$0x6760] =	vst v0  }
0x22: {  	[tilespmem:$0x6770] =	vst v0  }
0x23: {  	[tilespmem:$0x6780] =	vst v0  }
0x24: {  	[tilespmem:$0x6790] =	vst v0  }
0x25: {  	[tilespmem:$0x67A0] =	vst v0  }
0x26: {  	[tilespmem:$0x67B0] =	vst v0  }
0x27: {  	[tilespmem:$0x67C0] =	vst v0  }
0x28: {  	[tilespmem:$0x67D0] =	vst v0  }
0x29: {  	[tilespmem:$0x67E0] =	vst v0  }
0x2a: {  	[tilespmem:$0x67F0] =	vst v0  }
0x2b: {  	[tilespmem:$0x6800] =	vst v0  }
0x2c: {  	[tilespmem:$0x6810] =	vst v0;
	s9 =	sadd.s32 $0x0, s10  }
0x2d: {  	[spmem:s9] =	stream.linear.scatter [tilespmem:s14], [sflag:$0xC], $0x100, $0x38;
	[tilespmem:$0xB820] =	vst v63  }
0x2e: {  	s7 =	simm.s32 $0x400;
	_ =	swait.ge [sflag:s15], $0x100  }
.LBB2_2:
0x2f: {  	s9 =	sshra.s32 s7, $0x2;
	[sflag:s15] =	ssyncset.done $0x0;
	p0 =	sne.s32 s7, $0x9C00  }
.Ltmp0:
0x30: {  	s9 =	sadd.s32 s9, s10;
	[sflag:s15] =	ssyncadd.s32 $0xFFFFFF00;
	(pc) =	sbr.rel @p0 .LBB2_2-.Ltmp0, $3  }
0x31: {  	[spmem:s9] =	stream.linear.scatter [tilespmem:s14], [sflag:$0xC], $0x100, $0x38;
	[tilespmem:$0xB820] =	vst v63  }
0x32: {  	s7 =	sadd.s32 $0x400, s7;
	_ =	sdelay $0x1  }
0x33: {  	_ =	swait.ge [sflag:s15], $0x100  }
0x34: {  	[sflag:s15] =	ssyncset.done $0x0  }
0x35: {  	[sflag:s15] =	ssyncadd.s32 $0xFFFFFF00  }
0x36: {  	_ =	swait.ge [sflag:s16], $0x2710  }
0x37: {  	[sflag:s16] =	ssyncset.done $0x0  }
0x38: {  	[sflag:s16] =	ssyncadd.s32 $0xFFFFD8F0  }
0x39: {  	_ =	swait.ge [sflag:s17], $0x2710  }
0x3a: {  	[sflag:s17] =	ssyncset.done $0x0  }
0x3b: {  	[sflag:s17] =	ssyncadd.s32 $0xFFFFD8F0  }
0x3c: {  	_ =	swait.ge [sflag:s18], $0x500  }
0x3d: {  	[sflag:s18] =	ssyncset.done $0x0  }
0x3e: {  	[sflag:s18] =	ssyncadd.s32 $0xFFFFFB00  }
0x3f: {  	s7 =	simm.s32 $0x0;
	[bflag:$0x0] =	sbarrier.arrive $0xFFFF  }
0x40: {  	[tilespmem:s20], [sflag:$0x1] =	stream.indirect.gather [spmem:s1], $0x10, s7, s19, $0xb8;
	[tilespmem:$0xB820] =	vst v63  }
0x41: {  	_ = 	snop  }
0x42: {  	[tilespmem:s21], [sflag:$0x2] =	stream.indirect.gather [spmem:s1], $0x10, s19, s19, $0xb8;
	[tilespmem:$0xB820] =	vst v63  }
0x43: {  	s9 =	simm.s32 $0xA0  }
0x44: {  	[tilespmem:s24], [sflag:$0x3] =	stream.indirect.gather [spmem:s1], $0x10, s9, s19, $0xb8;
	[tilespmem:$0xB820] =	vst v63  }
0x45: {  	s9 =	simm.s32 $0xF0  }
0x46: {  	[tilespmem:s28], [sflag:$0x4] =	stream.indirect.gather [spmem:s1], $0x10, s9, s19, $0xb8;
	[tilespmem:$0xB820] =	vst v63  }
0x47: {  	_ =	swait.ge [sflag:s16], $0x500  }
0x48: {  	[sflag:s16] =	ssyncset.done $0x0  }
0x49: {  	[sflag:s16] =	ssyncadd.s32 $0xFFFFFB00  }
0x4a: {  	[spmem:s2] =	stream.indirect.scatter.add.f32 [tilespmem:s20], [sflag:$0x6], $0x10, s12, s19, $0xb8;
	[tilespmem:$0xB820] =	vst v63  }
0x4b: {  	s12 =	simm.s32 $0x140  }
0x4c: {  	[tilespmem:s30], [sflag:$0x5] =	stream.indirect.gather [spmem:s1], $0x10, s12, s19, $0xb8;
	[tilespmem:$0xB820] =	vst v63  }
0x4d: {  	_ =	swait.ge [sflag:s17], $0x500  }
0x4e: {  	[sflag:s17] =	ssyncset.done $0x0  }
0x4f: {  	s9 =	simm.s32 $0x2760;
	[sflag:s17] =	ssyncadd.s32 $0xFFFFFB00  }
0x50: {  	[spmem:s2] =	stream.indirect.scatter.add.f32 [tilespmem:s21], [sflag:$0x7], $0x10, s9, s19, $0xb8;
	[tilespmem:$0xB820] =	vst v63  }
0x51: {  	_ =	swait.ge [sflag:s0], $0x500  }
0x52: {  	[sflag:s0] =	ssyncset.done $0x0  }
0x53: {  	s12 =	simm.s32 $0x190;
	[sflag:s0] =	ssyncadd.s32 $0xFFFFFB00  }
0x54: {  	[tilespmem:s20], [sflag:$0x1] =	stream.indirect.gather [spmem:s1], $0x10, s12, s19, $0xb8;
	[tilespmem:$0xB820] =	vst v63  }
0x55: {  	_ =	swait.ge [sflag:s3], $0x500  }
0x56: {  	[sflag:s3] =	ssyncset.done $0x0  }
0x57: {  	s9 =	simm.s32 $0x27B0;
	[sflag:s3] =	ssyncadd.s32 $0xFFFFFB00  }
0x58: {  	[spmem:s2] =	stream.indirect.scatter.add.f32 [tilespmem:s24], [sflag:$0x8], $0x10, s9, s19, $0xb8;
	[tilespmem:$0xB820] =	vst v63  }
0x59: {  	_ =	swait.ge [sflag:s22], $0x500  }
0x5a: {  	[sflag:s22] =	ssyncset.done $0x0  }
0x5b: {  	s12 =	simm.s32 $0x1E0;
	[sflag:s22] =	ssyncadd.s32 $0xFFFFFB00  }
0x5c: {  	[tilespmem:s21], [sflag:$0x2] =	stream.indirect.gather [spmem:s1], $0x10, s12, s19, $0xb8;
	[tilespmem:$0xB820] =	vst v63  }
0x5d: {  	_ =	swait.ge [sflag:s26], $0x500  }
0x5e: {  	[sflag:s26] =	ssyncset.done $0x0  }
0x5f: {  	s9 =	simm.s32 $0x2800;
	[sflag:s26] =	ssyncadd.s32 $0xFFFFFB00  }
0x60: {  	[spmem:s2] =	stream.indirect.scatter.add.f32 [tilespmem:s28], [sflag:$0x9], $0x10, s9, s19, $0xb8;
	[tilespmem:$0xB820] =	vst v63  }
0x61: {  	_ =	swait.ge [sflag:s29], $0x500  }
0x62: {  	[sflag:s29] =	ssyncset.done $0x0  }
0x63: {  	s12 =	simm.s32 $0x230;
	[sflag:s29] =	ssyncadd.s32 $0xFFFFFB00  }
0x64: {  	[tilespmem:s24], [sflag:$0x3] =	stream.indirect.gather [spmem:s1], $0x10, s12, s19, $0xb8;
	[tilespmem:$0xB820] =	vst v63  }
0x65: {  	_ =	swait.ge [sflag:s31], $0x500  }
0x66: {  	[sflag:s31] =	ssyncset.done $0x0  }
0x67: {  	s9 =	simm.s32 $0x2850;
	[sflag:s31] =	ssyncadd.s32 $0xFFFFFB00  }
0x68: {  	[spmem:s2] =	stream.indirect.scatter.add.f32 [tilespmem:s30], [sflag:$0xA], $0x10, s9, s19, $0xb8;
	[tilespmem:$0xB820] =	vst v63  }
0x69: {  	_ =	swait.ge [sflag:s4], $0x500  }
0x6a: {  	[sflag:s4] =	ssyncset.done $0x0  }
0x6b: {  	s12 =	simm.s32 $0x280;
	[sflag:s4] =	ssyncadd.s32 $0xFFFFFB00  }
0x6c: {  	[tilespmem:s28], [sflag:$0x4] =	stream.indirect.gather [spmem:s1], $0x10, s12, s19, $0xb8;
	[tilespmem:$0xB820] =	vst v63  }
0x6d: {  	_ =	swait.ge [sflag:s16], $0x500  }
0x6e: {  	[sflag:s16] =	ssyncset.done $0x0  }
0x6f: {  	s9 =	simm.s32 $0x28A0;
	[sflag:s16] =	ssyncadd.s32 $0xFFFFFB00  }
0x70: {  	[spmem:s2] =	stream.indirect.scatter.add.f32 [tilespmem:s20], [sflag:$0x6], $0x10, s9, s19, $0xb8;
	[tilespmem:$0xB820] =	vst v63  }
0x71: {  	_ =	swait.ge [sflag:s5], $0x500  }
0x72: {  	[sflag:s5] =	ssyncset.done $0x0  }
0x73: {  	s12 =	simm.s32 $0x2D0;
	[sflag:s5] =	ssyncadd.s32 $0xFFFFFB00  }
0x74: {  	[tilespmem:s30], [sflag:$0x5] =	stream.indirect.gather [spmem:s1], $0x10, s12, s19, $0xb8;
	[tilespmem:$0xB820] =	vst v63  }
0x75: {  	_ =	swait.ge [sflag:s17], $0x500  }
0x76: {  	[sflag:s17] =	ssyncset.done $0x0  }
0x77: {  	s7 =	simm.s32 $0x640;
	s9 =	simm.s32 $0x28F0;
	[sflag:s17] =	ssyncadd.s32 $0xFFFFFB00  }
.LBB2_4:
0x78: {  	[spmem:s2] =	stream.indirect.scatter.add.f32 [tilespmem:s21], [sflag:$0x7], $0x10, s9, s19, $0xb8;
	[tilespmem:$0xB820] =	vst v63  }
0x79: {  	s9 =	smov.u32 s7  }
0x7a: {  	p0 =	sne.s32 s7, $0x8FC0;
	s7 =	sadd.s32 $0x640, s7;
	_ =	swait.ge [sflag:s0], $0x500  }
0x7b: {  	s9 =	sshra.s32 s9, $0x2;
	[sflag:s0] =	ssyncset.done $0x0  }
0x7c: {  	s12 =	sadd.s32 $0x190, s9;
	[sflag:s0] =	ssyncadd.s32 $0xFFFFFB00  }
0x7d: {  	[tilespmem:s20], [sflag:$0x1] =	stream.indirect.gather [spmem:s1], $0x10, s12, s19, $0xb8;
	[tilespmem:$0xB820] =	vst v63  }
0x7e: {  	_ =	swait.ge [sflag:s3], $0x500  }
0x7f: {  	[sflag:s3] =	ssyncset.done $0x0  }
0x80: {  	s12 =	sadd.s32 $0x27B0, s9;
	[sflag:s3] =	ssyncadd.s32 $0xFFFFFB00  }
0x81: {  	[spmem:s2] =	stream.indirect.scatter.add.f32 [tilespmem:s24], [sflag:$0x8], $0x10, s12, s19, $0xb8;
	[tilespmem:$0xB820] =	vst v63  }
0x82: {  	_ =	swait.ge [sflag:s22], $0x500  }
0x83: {  	[sflag:s22] =	ssyncset.done $0x0  }
0x84: {  	s12 =	sadd.s32 $0x1E0, s9;
	[sflag:s22] =	ssyncadd.s32 $0xFFFFFB00  }
0x85: {  	[tilespmem:s21], [sflag:$0x2] =	stream.indirect.gather [spmem:s1], $0x10, s12, s19, $0xb8;
	[tilespmem:$0xB820] =	vst v63  }
0x86: {  	_ =	swait.ge [sflag:s26], $0x500  }
0x87: {  	[sflag:s26] =	ssyncset.done $0x0  }
0x88: {  	s12 =	sadd.s32 $0x2800, s9;
	[sflag:s26] =	ssyncadd.s32 $0xFFFFFB00  }
0x89: {  	[spmem:s2] =	stream.indirect.scatter.add.f32 [tilespmem:s28], [sflag:$0x9], $0x10, s12, s19, $0xb8;
	[tilespmem:$0xB820] =	vst v63  }
0x8a: {  	_ =	swait.ge [sflag:s29], $0x500  }
0x8b: {  	[sflag:s29] =	ssyncset.done $0x0  }
0x8c: {  	s12 =	sadd.s32 $0x230, s9;
	[sflag:s29] =	ssyncadd.s32 $0xFFFFFB00  }
0x8d: {  	[tilespmem:s24], [sflag:$0x3] =	stream.indirect.gather [spmem:s1], $0x10, s12, s19, $0xb8;
	[tilespmem:$0xB820] =	vst v63  }
0x8e: {  	_ =	swait.ge [sflag:s31], $0x500  }
0x8f: {  	[sflag:s31] =	ssyncset.done $0x0  }
0x90: {  	s12 =	sadd.s32 $0x2850, s9;
	[sflag:s31] =	ssyncadd.s32 $0xFFFFFB00  }
0x91: {  	[spmem:s2] =	stream.indirect.scatter.add.f32 [tilespmem:s30], [sflag:$0xA], $0x10, s12, s19, $0xb8;
	[tilespmem:$0xB820] =	vst v63  }
0x92: {  	_ =	swait.ge [sflag:s4], $0x500  }
0x93: {  	[sflag:s4] =	ssyncset.done $0x0  }
0x94: {  	s12 =	sadd.s32 $0x280, s9;
	[sflag:s4] =	ssyncadd.s32 $0xFFFFFB00  }
0x95: {  	[tilespmem:s28], [sflag:$0x4] =	stream.indirect.gather [spmem:s1], $0x10, s12, s19, $0xb8;
	[tilespmem:$0xB820] =	vst v63  }
0x96: {  	_ =	swait.ge [sflag:s16], $0x500  }
0x97: {  	[sflag:s16] =	ssyncset.done $0x0  }
0x98: {  	s12 =	sadd.s32 $0x28A0, s9;
	[sflag:s16] =	ssyncadd.s32 $0xFFFFFB00  }
0x99: {  	[spmem:s2] =	stream.indirect.scatter.add.f32 [tilespmem:s20], [sflag:$0x6], $0x10, s12, s19, $0xb8;
	[tilespmem:$0xB820] =	vst v63  }
0x9a: {  	_ =	swait.ge [sflag:s5], $0x500  }
0x9b: {  	[sflag:s5] =	ssyncset.done $0x0  }
.Ltmp1:
0x9c: {  	s12 =	sadd.s32 $0x2D0, s9;
	[sflag:s5] =	ssyncadd.s32 $0xFFFFFB00;
	(pc) =	sbr.rel @p0 .LBB2_4-.Ltmp1, $4  }
0x9d: {  	[tilespmem:s30], [sflag:$0x5] =	stream.indirect.gather [spmem:s1], $0x10, s12, s19, $0xb8;
	[tilespmem:$0xB820] =	vst v63  }
0x9e: {  	_ =	swait.ge [sflag:s17], $0x500  }
0x9f: {  	[sflag:s17] =	ssyncset.done $0x0  }
0xa0: {  	s9 =	sadd.s32 $0x28F0, s9;
	[sflag:s17] =	ssyncadd.s32 $0xFFFFFB00  }
0xa1: {  	[spmem:s2] =	stream.indirect.scatter.add.f32 [tilespmem:s21], [sflag:$0x7], $0x10, s9, s19, $0xb8;
	[tilespmem:$0xB820] =	vst v63  }
0xa2: {  	_ =	swait.ge [sflag:s3], $0x500  }
0xa3: {  	[sflag:s3] =	ssyncset.done $0x0  }
0xa4: {  	s7 =	simm.s32 $0x4D30;
	[sflag:s3] =	ssyncadd.s32 $0xFFFFFB00  }
0xa5: {  	[spmem:s2] =	stream.indirect.scatter.add.f32 [tilespmem:s24], [sflag:$0x8], $0x10, s7, s19, $0xb8;
	[tilespmem:$0xB820] =	vst v63  }
0xa6: {  	_ =	swait.ge [sflag:s26], $0x500  }
0xa7: {  	[sflag:s26] =	ssyncset.done $0x0  }
0xa8: {  	s12 =	simm.s32 $0x4D80;
	[sflag:s26] =	ssyncadd.s32 $0xFFFFFB00  }
0xa9: {  	[spmem:s2] =	stream.indirect.scatter.add.f32 [tilespmem:s28], [sflag:$0x9], $0x10, s12, s19, $0xb8;
	[tilespmem:$0xB820] =	vst v63  }
0xaa: {  	_ =	swait.ge [sflag:s31], $0x500  }
0xab: {  	[sflag:s31] =	ssyncset.done $0x0  }
0xac: {  	s9 =	simm.s32 $0x4DD0;
	[sflag:s31] =	ssyncadd.s32 $0xFFFFFB00  }
0xad: {  	[spmem:s2] =	stream.indirect.scatter.add.f32 [tilespmem:s30], [sflag:$0xA], $0x10, s9, s19, $0xb8;
	[tilespmem:$0xB820] =	vst v63  }
0xae: {  	_ =	swait.ge [sflag:s0], $0x500  }
0xaf: {  	[sflag:s0] =	ssyncset.done $0x0  }
0xb0: {  	[sflag:s0] =	ssyncadd.s32 $0xFFFFFB00  }
0xb1: {  	_ =	swait.ge [sflag:s22], $0x500  }
0xb2: {  	[sflag:s22] =	ssyncset.done $0x0  }
0xb3: {  	[sflag:s22] =	ssyncadd.s32 $0xFFFFFB00  }
0xb4: {  	_ =	swait.ge [sflag:s29], $0x500  }
0xb5: {  	[sflag:s29] =	ssyncset.done $0x0  }
0xb6: {  	[sflag:s29] =	ssyncadd.s32 $0xFFFFFB00  }
0xb7: {  	_ =	swait.ge [sflag:s4], $0x500  }
0xb8: {  	[sflag:s4] =	ssyncset.done $0x0  }
0xb9: {  	[sflag:s4] =	ssyncadd.s32 $0xFFFFFB00  }
0xba: {  	_ =	swait.ge [sflag:s5], $0x500  }
0xbb: {  	s6 =	sadd.s32 $0x1, s6;
	[sflag:s5] =	ssyncset.done $0x0  }
0xbc: {  	p0 =	sne.s32 s6, s11;
	[sflag:s5] =	ssyncadd.s32 $0xFFFFFB00  }
.Ltmp2:
0xbd: {  	s12 =	sor.u32 $0x1C0C, s8;
	[bflag:$0x0] =	sbarrier.arrive $0xFFFF;
	(pc) =	sbr.rel @p0 .LBB2_1-.Ltmp2, $4  }
0xbe: {  	[hbm:s23], [sflag:s12] =	dma.local [spmem:s25], $0x500  }
0xbf: {  	_ =	swait.ge [sflag:s15], $0x500  }
0xc0: {  	[sflag:s15] =	ssyncset.done $0x0  }
0xc1: {  	s12 =	simm.s32 $0x2710;
	[sflag:s15] =	ssyncadd.s32 $0xFFFFFB00  }
0xc2: {  	_ =	sfence.sel $0x180000  }
0xc3: {  	[bflag:$0x0] =	sbarrier.arrive $0xFFFF  }
0xc4: {  	_ =	strace $0x9000004D  }
0xc5: {  	s0 =	stileid.u32;
	[bflag:$0x2] =	sbarrier.arrive $0xFFFF  }
0xc6: {  	p0 =	sne.s32 s0, $0x0;
	s0 =	rddreg [dreg:$0x3]  }
0xc7: {  	s0 =	sadd.s32 @!p0 $0x100000, s0  }
0xc8: {  	[sflag:s0] =	ssyncadd.tile.s32 @!p0 $0x1;
	_ =	shalt  }
.Lfunc_end2:
_tile_overlayer_lowered:
.L_overlay_start_2:
0xc9: {  	(tag) =	ssettag $0x2  }
0xca: {  	s0 =	rddreg [dreg:$0x0];
	s2 =	stileid.u32  }
0xcb: {  	s1 =	rddreg [dreg:$0x1];
	p0 =	sne.s32 s2, $0x0  }
0xcc: {  	s3 =	rddreg [dreg:$0x2];
	[bflag:$0x3] =	sbarrier.arrive $0xFFFF;
	s2 =	simm.s32 @!p0 $0x1C0C  }
0xcd: {  	[timem:s3], [sflag:s2] =	dma.local @!p0 [hbm:s0], s1  }
0xce: {  	s0 =	simm.s32 @!p0 $0xC  }
0xcf: {  	_ =	swait.ge @!p0 [sflag:s0], s1  }
0xd0: {  	s1 =	ssub.s32 @!p0 $0x0, s1;
	[sflag:s0] =	ssyncset.done @!p0 $0x0  }
0xd1: {  	[sflag:s0] =	ssyncadd.s32 @!p0 s1  }
0xd2: {  	[bflag:$0x3] =	sbarrier.arrive $0xFFFF  }
0xd3: {  	_ =	shalt  }

// kernel: kernel.8.cloned.1.call-start
scs
__scs_entry_jumppad:
0x0: {  	(pc) =	sbr.rel $0x88, $3  }
0x1: {  	(tag) =	ssettag $0x0;
	lr =	simm.s32 $0x1  }
0x2: {  	[smem:$0x3F9B] =	sst lr;
	_ =	strace $0xD0000000  }
0x3: {  	_ = 	snop  }
0x4: {  	_ = 	snop  }
0x5: {  	_ = 	snop  }
0x6: {  	_ = 	snop  }
0x7: {  	_ = 	snop  }
__scs_overlays_trampoline_lowered:
0x8: {  	[smem:$0x3FAA] =	sst s0  }
0x9: {  	[smem:$0x3FAB] =	sst s1  }
0xa: {  	[smem:$0x3FAC] =	sst s2  }
0xb: {  	[smem:$0x3FAD] =	sst s3  }
0xc: {  	[smem:$0x3FAE] =	sst s4  }
0xd: {  	[smem:$0x3FAF] =	sst s5  }
0xe: {  	[smem:$0x3FB0] =	sst s6  }
0xf: {  	[smem:$0x3FB1] =	sst s7  }
0x10: {  	[smem:$0x3FB2] =	sst s8  }
0x11: {  	[smem:$0x3FB3] =	sst s9;
	s0 =	simm.s32 @!p0 $0x0  }
0x12: {  	s1 =	sld [smem:$0x3F99];
	s0 =	simm.s32 @p0 $0x1  }
0x13: {  	[smem:$0x3FB4] =	sst s0;
	s0 =	simm.s32 @!p1 $0x0  }
0x14: {  	s2 =	sld [smem:$0x3F98];
	s0 =	simm.s32 @p1 $0x1  }
0x15: {  	[smem:$0x3FB5] =	sst s0;
	s0 =	simm.s32 @!p2 $0x0  }
0x16: {  	s3 =	sld [smem:$0x3FDB];
	s0 =	simm.s32 @p2 $0x1  }
0x17: {  	s4 =	simm.s32 $0x1BF5;
	[smem:$0x3FB7] =	sst s0  }
0x18: {  	s0 =	sld [smem:$0x3F9A];
	_ =	swait.ge [sflag:s4], $0x0  }
0x19: {  	s7 =	sld [smem:$0x3F9B]  }
0x1a: {  	s8 =	sadd.s32 $0xFFFFE003, lr  }
0x1b: {  	s9 =	sadd.s32 $0xFFFFFEF7, lr;
	s5 =	simm.s32 $0xFFFFFFFF;
	p2 =	slt.u32 s8, $0xFFFFF086  }
0x1c: {  	p1 =	slt.u32 s9, $0xF7A;
	s5 =	simm.s32 @!p2 $0x0  }
0x1d: {  	s5 =	simm.s32 @p1 $0x1;
	p0 =	seq.s32 s7, s2  }
0x1e: {  	s7 =	smul.u32 @!p0 $0xF7A, s2;
	p2 =	seq.s32 @!p0 s5, $0x0  }
0x1f: {  	s9 =	smul.u32 $0xF7A, s1;
	s8 =	simm.s32 @!p0 $0x1BF5;
	p2 =	por !p2, p0  }
0x20: {  	[sflag:s8] =	ssyncset.s32 @!p0 $0xFFFFF086;
	s6 =	sadd.s32 @!p0 s3, s7;
	s7 =	simm.s32 @!p0 $0x108  }
0x21: {  	s3 =	sadd.s32 s3, s9;
	s6 =	sadd.s32 @!p0 $0x88, s6;
	s7 =	simm.s32 @p2 $0x1082  }
0x22: {  	[simem:s7], [sflag:s8] =	dma.local @!p0 [hbm:s6], $0xF7A  }
0x23: {  	s9 =	sor.u32 $0xD0000000, s2;
	s6 =	simm.s32 $0x108;
	_ =	swait.ge @!p0 [sflag:s8], $0x0  }
0x24: {  	s3 =	sadd.s32 $0x88, s3;
	s6 =	simm.s32 @!p1 $0x1082;
	[sflag:s4] =	ssyncset.s32 $0xFFFFF086  }
0x25: {  	[simem:s6], [sflag:s4] =	dma.local [hbm:s3], $0xF7A  }
0x26: {  	[smem:$0x3F9B] =	sst s1;
	(tag) =	ssettag s2;
	_ =	strace s9  }
0x27: {  	s1 =	sld [smem:$0x3FAB]  }
0x28: {  	s2 =	sld [smem:$0x3FAC]  }
0x29: {  	s4 =	sld [smem:$0x3FAE]  }
0x2a: {  	p0 =	seq.s32 s5, $0x0;
	s5 =	sld [smem:$0x3FAF]  }
0x2b: {  	s6 =	sld [smem:$0x3FB0]  }
0x2c: {  	s7 =	sld [smem:$0x3FB1]  }
0x2d: {  	s3 =	simm.s32 $0x108;
	s8 =	sld [smem:$0x3FB2]  }
0x2e: {  	s3 =	simm.s32 @!p0 $0x1082;
	s9 =	sld [smem:$0x3FB3]  }
0x2f: {  	lr =	sadd.s32 s0, s3;
	s0 =	sld [smem:$0x3FAA]  }
0x30: {  	s3 =	sld [smem:$0x3FAD]  }
0x31: {  	[smem:$0x3FB6] =	sst s10  }
0x32: {  	s10 =	sld [smem:$0x3FB4];
	_ =	sdelay $0x3  }
0x33: {  	p0 =	seq.s32 s10, $0x1;
	s10 =	sld [smem:$0x3FB6];
	_ =	sdelay $0x3  }
0x34: {  	[smem:$0x3FB6] =	sst s10  }
0x35: {  	s10 =	sld [smem:$0x3FB5];
	_ =	sdelay $0x3  }
0x36: {  	p1 =	seq.s32 s10, $0x1;
	s10 =	sld [smem:$0x3FB6];
	_ =	sdelay $0x3  }
0x37: {  	[smem:$0x3FB6] =	sst s10  }
0x38: {  	s10 =	sld [smem:$0x3FB7]  }
0x39: {  	_ = 	snop;
	(pc) =	sbr.ind lr, $3  }
0x3a: {  	_ = 	snop  }
0x3b: {  	_ = 	snop  }
0x3c: {  	p2 =	seq.s32 s10, $0x1;
	s10 =	sld [smem:$0x3FB6]  }
0x3d: {  	_ =	shalt  }
0x3e: {  	_ =	shalt  }
0x3f: {  	_ =	shalt  }
0x40: {  	_ =	shalt  }
0x41: {  	_ =	shalt  }
0x42: {  	_ =	shalt  }
0x43: {  	_ =	shalt  }
0x44: {  	_ =	shalt  }
0x45: {  	_ =	shalt  }
0x46: {  	_ =	shalt  }
0x47: {  	_ =	shalt  }
0x48: {  	_ =	shalt  }
0x49: {  	_ =	shalt  }
0x4a: {  	_ =	shalt  }
0x4b: {  	_ =	shalt  }
0x4c: {  	_ =	shalt  }
0x4d: {  	_ =	shalt  }
0x4e: {  	_ =	shalt  }
0x4f: {  	_ =	shalt  }
0x50: {  	_ =	shalt  }
0x51: {  	_ =	shalt  }
0x52: {  	_ =	shalt  }
0x53: {  	_ =	shalt  }
0x54: {  	_ =	shalt  }
0x55: {  	_ =	shalt  }
0x56: {  	_ =	shalt  }
0x57: {  	_ =	shalt  }
0x58: {  	_ =	shalt  }
0x59: {  	_ =	shalt  }
0x5a: {  	_ =	shalt  }
0x5b: {  	_ =	shalt  }
0x5c: {  	_ =	shalt  }
0x5d: {  	_ =	shalt  }
0x5e: {  	_ =	shalt  }
0x5f: {  	_ =	shalt  }
0x60: {  	_ =	shalt  }
0x61: {  	_ =	shalt  }
0x62: {  	_ =	shalt  }
0x63: {  	_ =	shalt  }
0x64: {  	_ =	shalt  }
0x65: {  	_ =	shalt  }
0x66: {  	_ =	shalt  }
0x67: {  	_ =	shalt  }
0x68: {  	_ =	shalt  }
0x69: {  	_ =	shalt  }
0x6a: {  	_ =	shalt  }
0x6b: {  	_ =	shalt  }
0x6c: {  	_ =	shalt  }
0x6d: {  	_ =	shalt  }
0x6e: {  	_ =	shalt  }
0x6f: {  	_ =	shalt  }
0x70: {  	_ =	shalt  }
0x71: {  	_ =	shalt  }
0x72: {  	_ =	shalt  }
0x73: {  	_ =	shalt  }
0x74: {  	_ =	shalt  }
0x75: {  	_ =	shalt  }
0x76: {  	_ =	shalt  }
0x77: {  	_ =	shalt  }
0x78: {  	_ =	shalt  }
0x79: {  	_ =	shalt  }
0x7a: {  	_ =	shalt  }
0x7b: {  	_ =	shalt  }
0x7c: {  	_ =	shalt  }
0x7d: {  	_ =	shalt  }
0x7e: {  	_ =	shalt  }
0x7f: {  	_ =	shalt  }
0x80: {  	_ =	shalt  }
0x81: {  	_ =	shalt  }
0x82: {  	_ =	shalt  }
0x83: {  	_ =	shalt  }
0x84: {  	_ =	shalt  }
0x85: {  	_ =	shalt  }
0x86: {  	_ =	shalt  }
0x87: {  	_ =	shalt  }
.Lfunc_end0:
.L_simem_size_0:
called_computation_lowered:
.L_overlay_start_0:
0x88: {  	s2 =	sld [smem:$0x3FD9]  }
0x89: {  	s3 =	sld [smem:$0x3FFE];
	_ =	sdelay $0x1  }
0x8a: {  	s1 =	srdreg.scid  }
0x8b: {  	s0 =	sand.u32 $0x1, s1  }
0x8c: {  	s17 =	sshll.u32 s0, $0xA;
	s2 =	sadd.s32 s3, s2  }
0x8d: {  	s2 =	sadd.s32 s2, s17  }
0x8e: {  	[smem:$0x3FC2] =	sst s2  }
0x8f: {  	_ = 	snop  }
0x90: {  	s2 =	sld [smem:$0x3FD0];
	(tm) =	ssettm $0x1  }
0x91: {  	s18 =	sld [smem:$0x3FFB];
	_ =	sdelay $0x3  }
0x92: {  	_ =	strace s18  }
0x93: {  	s3 =	sld [smem:$0x3FFC];
	_ =	sdelay $0x3  }
0x94: {  	_ =	strace s3  }
0x95: {  	s3 =	sld [smem:$0x3FFD];
	_ =	sdelay $0x3  }
0x96: {  	_ =	strace s3  }
0x97: {  	_ =	strace $0x8FFFFFFF  }
0x98: {  	s19 =	sld [smem:$0x3FDB];
	_ =	sdelay $0x1  }
0x99: {  	s4 =	simm.s32 $_scs_section_size  }
0x9a: {  	s5 =	simm.s32 $_size__tile_overlayer_lowered;
	s6 =	simm.s32 $_tile_overlayer_lowered  }
0x9b: {  	s22 =	simm.s32 $0x1BFF;
	s21 =	sshll.u32 s6, $0x1;
	s3 =	sadd.s32 s4, s19  }
0x9c: {  	s7 =	simm.s32 $0x0;
	s20 =	sshll.u32 s5, $0x1;
	s5 =	sadd.s32 s21, s3  }
0x9d: {  	[timem:s7], [sflag:s22] =	dma.local [hbm:s5], s20  }
0x9e: {  	_ =	swait.ge [sflag:s22], s20  }
0x9f: {  	s4 =	ssub.s32 $0x0, s20;
	[sflag:s22] =	ssyncset.done $0x0  }
0xa0: {  	[sflag:s22] =	ssyncadd.s32 s4;
	_ =	sdelay $0x1  }
0xa1: {  	s23 =	simm.s32 $0x1B8B  }
0xa2: {  	_ =	swait.ge [sflag:s23], $0x1  }
0xa3: {  	[sflag:s23] =	ssyncset.done $0x0  }
0xa4: {  	s25 =	simm.s32 $0x1B8E;
	s24 =	sld [smem:$0x3FFE];
	[sflag:s23] =	ssyncadd.s32 $0xFFFFFFFF  }
0xa5: {  	s26 =	simm.s32 $execute0_lowered;
	[smem:$0x3FD2] =	sst s25  }
0xa6: {  	s5 =	sshll.u32 s26, $0x1;
	_ =	strace $0x80000046;
	[dreg:$0x1] =	wrdreg $0xFFFFFFFF  }
0xa7: {  	s28 =	simm.s32 $_size_execute0_lowered;
	s3 =	sadd.s32 s3, s5;
	[dreg:$0x0] =	wrdreg $0x0  }
0xa8: {  	s5 =	sshll.u32 s28, $0x1;
	[dreg:$0x2] =	wrdreg s3  }
0xa9: {  	[dreg:$0x3] =	wrdreg s5  }
0xaa: {  	[dreg:$0x4] =	wrdreg $0xC0  }
0xab: {  	_ =	task [dreg:s7], $0x5FFFF  }
0xac: {  	[dreg:$0x1] =	wrdreg $0xFFFFFFFF  }
0xad: {  	[dreg:$0x0] =	wrdreg $0x60  }
0xae: {  	[dreg:$0x2] =	wrdreg s24  }
0xaf: {  	[dreg:$0x3] =	wrdreg s2  }
0xb0: {  	[dreg:$0x4] =	wrdreg $0x54100  }
0xb1: {  	[dreg:$0x5] =	wrdreg $0x9  }
0xb2: {  	_ =	task.clear_ibuf [dreg:s7], $0x6FFFF;
	_ =	strace $0x90000046  }
0xb3: {  	s29 =	simm.s32 $0x9;
	_ =	strace $0x80000048  }
0xb4: {  	_ =	swait.ge [sflag:s29], $0x1  }
0xb5: {  	[sflag:s29] =	ssyncadd.s32 $0xFFFFFFFF  }
0xb6: {  	_ =	strace $0x90000048  }
0xb7: {  	_ =	sfence  }
0xb8: {  	s30 =	sld [smem:$0x0];
	_ =	sdelay $0x2  }
0xb9: {  	s31 =	sshll.u32 s1, $0xD;
	s1 =	sshrl.u32 s1, $0x2  }
0xba: {  	s3 =	sand.u32 $0x4000, s31;
	s1 =	sadd.s32 s1, s30  }
0xbb: {  	s0 =	sor.u32 s3, s0;
	s1 =	sshll.u32 s1, $0x11  }
0xbc: {  	s0 =	sor.u32 s1, s0  }
0xbd: {  	s0 =	sadd.s32 $0x8F2B, s0  }
0xbe: {  	[sflag:s0] =	ssyncadd.remote.s32 $0x1  }
0xbf: {  	_ =	sfence.sel $0xFFFF  }
0xc0: {  	[dreg:$0x0] =	wrdreg $0xFFFFFFFF;
	(pc) =	sbr.abs _section_cstart, $3  }
0xc1: {  	[dreg:$0x1] =	wrdreg $0xFFFFFFFF  }
0xc2: {  	_ =	task.clear_ibuf [dreg:s7], $0x2FFFF;
	_ =	strace $0x9FFFFFFF  }
0xc3: {  	(tm) =	ssettm $0x7FFFFFFF  }
tec
execute0_lowered:
.L_overlay_start_1:
0x0: {  	(tag) =	ssettag $0x1  }
0x1: {  	s3 =	rddreg [dreg:$0x0]  }
0x2: {  	s0 =	srdreg.scid;
	s21 =	rddreg [dreg:$0x1]  }
0x3: {  	s5 =	rddreg [dreg:$0x2];
	s24 =	simm.s32 $0x2710;
	s25 =	simm.s32 $0x2  }
0x4: {  	s26 =	simm.s32 $0x4F10;
	s13 =	sand.u32 $0x1, s0;
	s0 =	stileid.u32  }
0x5: {  	s28 =	simm.s32 $0x5190;
	s29 =	simm.s32 $0x0;
	s7 =	smul.u32 $0xA000, s0  }
0x6: {  	s1 =	sshll.u32 s13, $0x4;
	s6 =	ssub.s32 $0x2, s13;
	s18 =	smul.u32 $0x280, s0  }
0x7: {  	s19 =	smul.u32 $0x2800, s13;
	s2 =	sor.u32 s0, s1;
	s8 =	sshrl.u32 s6, $0x1  }
0x8: {  	s4 =	smul.u32 $0x4E2, s2;
	s2 =	simm.s32 $0x0;
	s22 =	ssub.s32 s6, s8  }
0x9: {  	s31 =	sshrl.u32 s7, $0x2;
	s20 =	sadd.s32 s18, s19;
	[smem:$0x7FF] =	sst s2  }
0xa: {  	s23 =	sshrl.u32 s20, $0x3;
	s22 =	smax.u32 s22, $0x1;
	_ =	strace $0x80000047  }
0xb: {  	s3 =	sadd.s32 s4, s3;
	s4 =	sadd.s32 s18, s5;
	s5 =	sadd.s32 s31, s5  }
0xc: {  	s21 =	sadd.s32 s21, s23;
	s23 =	simm.s32 $0x1;
	s3 =	sadd.s32 $0xB840, s3  }
0xd: {  	s6 =	sadd.s32 $0x2800, s4;
	s7 =	sadd.s32 $0x5000, s4;
	s8 =	sadd.s32 $0x7800, s4  }
0xe: {  	s9 =	sadd.s32 $0xA000, s4;
	s10 =	sadd.s32 $0xC800, s4;
	s11 =	sadd.s32 $0xF000, s4  }
0xf: {  	s12 =	sadd.s32 $0x11800, s4;
	s13 =	sadd.s32 $0x14000, s4;
	s14 =	sadd.s32 $0x16800, s4  }
0x10: {  	s15 =	sadd.s32 $0x19000, s4;
	s16 =	sadd.s32 $0x1B800, s4;
	s17 =	sadd.s32 $0x1E000, s4  }
0x11: {  	v0 =	vimm.f32 $0.0e+00;
	v1 =	vimm.f32 $1.000000000e+00;
	s18 =	sadd.s32 $0x20800, s4;
	s19 =	sadd.s32 $0x23000, s4;
	s20 =	sadd.s32 $0x25800, s4  }
.LBB2_1:
0x12: {  	[tilespmem:s2], [sflag:$0x1] =	stream.linear.gather [hbm4b:s3+s2], $0x2710, $0x38;
	[tilespmem:$0x7C10] =	vst v63  }
0x13: {  	s30 =	simm.s32 $0x40;
	s31 =	simm.s32 $0x0  }
.LBB2_2:
0x14: {  	p0 =	sne.s32 s30, $0x9FC0;
	[tilespmem:s31+$0x2710] =	vst v0;
	s31 =	smov.u32 s30;
	s30 =	sadd.s32 $0x40, s30  }
.Ltmp0:
0x15: {  	(pc) =	sbr.rel @p0 .LBB2_2-.Ltmp0, $2  }
0x16: {  	_ =	sdelay $0x2  }
0x17: {  	s31 =	sshra.s32 s31, $0x2  }
0x18: {  	[tilespmem:s31+$0x2710] =	vst v0  }
0x19: {  	_ =	swait.ge [sflag:s23], $0x2710  }
0x1a: {  	[sflag:s23] =	ssyncset.done $0x0  }
0x1b: {  	s30 =	simm.s32 $0x0;
	[sflag:s23] =	ssyncadd.s32 $0xFFFFD8F0  }
.LBB2_4:
0x1c: {  	s31 =	sshra.s32 s30, $0x2  }
0x1d: {  	v2 =	vld [tilespmem:s31+$0x0];
	_ =	sdelay $0x7  }
0x1e: {  	[tilespmem:v2+s24+$0x0] =	vst.idx.add.f32.msk $0xffff, v1  }
0x1f: {  	v2 =	vld [tilespmem:s31+$0x10];
	_ =	sdelay $0x7  }
0x20: {  	[tilespmem:v2+s24+$0x0] =	vst.idx.add.f32.msk $0xffff, v1  }
0x21: {  	v2 =	vld [tilespmem:s31+$0x20];
	_ =	sdelay $0x7  }
0x22: {  	[tilespmem:v2+s24+$0x0] =	vst.idx.add.f32.msk $0xffff, v1  }
0x23: {  	v2 =	vld [tilespmem:s31+$0x30];
	_ =	sdelay $0x7  }
0x24: {  	[tilespmem:v2+s24+$0x0] =	vst.idx.add.f32.msk $0xffff, v1  }
0x25: {  	v2 =	vld [tilespmem:s31+$0x40];
	_ =	sdelay $0x7  }
0x26: {  	[tilespmem:v2+s24+$0x0] =	vst.idx.add.f32.msk $0xffff, v1  }
0x27: {  	v2 =	vld [tilespmem:s31+$0x50];
	_ =	sdelay $0x7  }
0x28: {  	[tilespmem:v2+s24+$0x0] =	vst.idx.add.f32.msk $0xffff, v1  }
0x29: {  	v2 =	vld [tilespmem:s31+$0x60];
	_ =	sdelay $0x7  }
0x2a: {  	[tilespmem:v2+s24+$0x0] =	vst.idx.add.f32.msk $0xffff, v1  }
0x2b: {  	v2 =	vld [tilespmem:s31+$0x70];
	_ =	sdelay $0x7  }
0x2c: {  	[tilespmem:v2+s24+$0x0] =	vst.idx.add.f32.msk $0xffff, v1  }
0x2d: {  	v2 =	vld [tilespmem:s31+$0x80];
	_ =	sdelay $0x7  }
0x2e: {  	[tilespmem:v2+s24+$0x0] =	vst.idx.add.f32.msk $0xffff, v1  }
0x2f: {  	v2 =	vld [tilespmem:s31+$0x90];
	_ =	sdelay $0x7  }
0x30: {  	[tilespmem:v2+s24+$0x0] =	vst.idx.add.f32.msk $0xffff, v1  }
0x31: {  	v2 =	vld [tilespmem:s31+$0xA0];
	_ =	sdelay $0x7  }
0x32: {  	[tilespmem:v2+s24+$0x0] =	vst.idx.add.f32.msk $0xffff, v1  }
0x33: {  	v2 =	vld [tilespmem:s31+$0xB0];
	_ =	sdelay $0x7  }
0x34: {  	[tilespmem:v2+s24+$0x0] =	vst.idx.add.f32.msk $0xffff, v1  }
0x35: {  	v2 =	vld [tilespmem:s31+$0xC0];
	_ =	sdelay $0x7  }
0x36: {  	[tilespmem:v2+s24+$0x0] =	vst.idx.add.f32.msk $0xffff, v1  }
0x37: {  	v2 =	vld [tilespmem:s31+$0xD0];
	_ =	sdelay $0x7  }
0x38: {  	[tilespmem:v2+s24+$0x0] =	vst.idx.add.f32.msk $0xffff, v1  }
0x39: {  	v2 =	vld [tilespmem:s31+$0xE0];
	_ =	sdelay $0x7  }
0x3a: {  	[tilespmem:v2+s24+$0x0] =	vst.idx.add.f32.msk $0xffff, v1  }
0x3b: {  	v2 =	vld [tilespmem:s31+$0xF0];
	_ =	sdelay $0x7  }
0x3c: {  	[tilespmem:v2+s24+$0x0] =	vst.idx.add.f32.msk $0xffff, v1  }
0x3d: {  	v2 =	vld [tilespmem:s31+$0x100];
	_ =	sdelay $0x7  }
0x3e: {  	[tilespmem:v2+s24+$0x0] =	vst.idx.add.f32.msk $0xffff, v1  }
0x3f: {  	v2 =	vld [tilespmem:s31+$0x110];
	_ =	sdelay $0x7  }
0x40: {  	[tilespmem:v2+s24+$0x0] =	vst.idx.add.f32.msk $0xffff, v1  }
0x41: {  	v2 =	vld [tilespmem:s31+$0x120];
	_ =	sdelay $0x7  }
0x42: {  	[tilespmem:v2+s24+$0x0] =	vst.idx.add.f32.msk $0xffff, v1  }
0x43: {  	v2 =	vld [tilespmem:s31+$0x130];
	_ =	sdelay $0x7  }
0x44: {  	[tilespmem:v2+s24+$0x0] =	vst.idx.add.f32.msk $0xffff, v1  }
0x45: {  	v2 =	vld [tilespmem:s31+$0x140];
	_ =	sdelay $0x7  }
0x46: {  	[tilespmem:v2+s24+$0x0] =	vst.idx.add.f32.msk $0xffff, v1  }
0x47: {  	v2 =	vld [tilespmem:s31+$0x150];
	_ =	sdelay $0x7  }
0x48: {  	[tilespmem:v2+s24+$0x0] =	vst.idx.add.f32.msk $0xffff, v1  }
0x49: {  	v2 =	vld [tilespmem:s31+$0x160];
	_ =	sdelay $0x7  }
0x4a: {  	[tilespmem:v2+s24+$0x0] =	vst.idx.add.f32.msk $0xffff, v1  }
0x4b: {  	v2 =	vld [tilespmem:s31+$0x170];
	_ =	sdelay $0x7  }
0x4c: {  	[tilespmem:v2+s24+$0x0] =	vst.idx.add.f32.msk $0xffff, v1  }
0x4d: {  	v2 =	vld [tilespmem:s31+$0x180];
	_ =	sdelay $0x2  }
0x4e: {  	p0 =	sne.s32 s30, $0x9600  }
.Ltmp1:
0x4f: {  	_ = 	snop;
	(pc) =	sbr.rel @p0 .LBB2_4-.Ltmp1, $2  }
0x50: {  	_ =	sdelay $0x2  }
0x51: {  	s30 =	sadd.s32 $0x640, s30;
	[tilespmem:v2+s24+$0x0] =	vst.idx.add.f32.msk $0xffff, v1  }
0x52: {  	[spmem:s5] =	stream.linear.scatter [tilespmem:s24], [sflag:$0x2], $0x2800, $0x38;
	[tilespmem:$0x7C10] =	vst v63  }
0x53: {  	_ =	swait.ge [sflag:s25], $0x2800  }
0x54: {  	[sflag:s25] =	ssyncset.done $0x0  }
0x55: {  	[sflag:s25] =	ssyncadd.s32 $0xFFFFD800  }
0x56: {  	[bflag:$0x0] =	sbarrier.arrive $0xFFFF  }
0x57: {  	[tilespmem:s26], [sflag:$0x2] =	stream.linear.gather [spmem:s4], $0x280, $0x38;
	[tilespmem:$0x7C10] =	vst v63  }
0x58: {  	_ =	swait.ge [sflag:s25], $0x280  }
0x59: {  	[sflag:s25] =	ssyncset.done $0x0  }
0x5a: {  	[sflag:s25] =	ssyncadd.s32 $0xFFFFFD80  }
0x5b: {  	[tilespmem:s28], [sflag:$0x2] =	stream.linear.gather [spmem:s6], $0x280, $0x38;
	[tilespmem:$0x7C10] =	vst v63  }
0x5c: {  	_ =	swait.ge [sflag:s25], $0x280  }
0x5d: {  	[sflag:s25] =	ssyncset.done $0x0  }
0x5e: {  	s30 =	simm.s32 $0x0;
	[sflag:s25] =	ssyncadd.s32 $0xFFFFFD80  }
0x5f: {  	s31 =	simm.s32 $0x40;
	v2 =	vld [tilespmem:s30+$0x5190]  }
.LBB2_6:
0x60: {  	p0 =	sne.s32 s31, $0x9C0;
	v3 =	vld [tilespmem:s30+$0x4F10];
	_ =	sdelay $0x2  }
.Ltmp2:
0x61: {  	(pc) =	sbr.rel @p0 .LBB2_6-.Ltmp2, $4  }
0x62: {  	_ = 	snop  }
0x63: {  	v3 =	vadd.f32 v2, v3  }
0x64: {  	s1 =	sshra.s32 s31, $0x2  }
0x65: {  	s31 =	sadd.s32 $0x40, s31;
	v2 =	vld [tilespmem:s1+$0x5190];
	[tilespmem:s30+$0x4F10] =	vst v3;
	s30 =	smov.u32 s1  }
0x66: {  	v3 =	vld [tilespmem:s30+$0x4F10];
	_ =	sdelay $0x4  }
0x67: {  	v2 =	vadd.f32 v2, v3;
	_ =	sdelay $0x1  }
0x68: {  	[tilespmem:s30+$0x4F10] =	vst v2  }
0x69: {  	[tilespmem:s28], [sflag:$0x2] =	stream.linear.gather [spmem:s7], $0x280, $0x38;
	[tilespmem:$0x7C10] =	vst v63  }
0x6a: {  	_ =	swait.ge [sflag:s25], $0x280  }
0x6b: {  	[sflag:s25] =	ssyncset.done $0x0  }
0x6c: {  	s30 =	simm.s32 $0x0;
	[sflag:s25] =	ssyncadd.s32 $0xFFFFFD80  }
0x6d: {  	s31 =	simm.s32 $0x40;
	v2 =	vld [tilespmem:s30+$0x5190]  }
.LBB2_8:
0x6e: {  	p0 =	sne.s32 s31, $0x9C0;
	v3 =	vld [tilespmem:s30+$0x4F10];
	_ =	sdelay $0x2  }
.Ltmp3:
0x6f: {  	(pc) =	sbr.rel @p0 .LBB2_8-.Ltmp3, $4  }
0x70: {  	_ = 	snop  }
0x71: {  	v3 =	vadd.f32 v2, v3  }
0x72: {  	s1 =	sshra.s32 s31, $0x2  }
0x73: {  	s31 =	sadd.s32 $0x40, s31;
	v2 =	vld [tilespmem:s1+$0x5190];
	[tilespmem:s30+$0x4F10] =	vst v3;
	s30 =	smov.u32 s1  }
0x74: {  	v3 =	vld [tilespmem:s30+$0x4F10];
	_ =	sdelay $0x4  }
0x75: {  	v2 =	vadd.f32 v2, v3;
	_ =	sdelay $0x1  }
0x76: {  	[tilespmem:s30+$0x4F10] =	vst v2  }
0x77: {  	[tilespmem:s28], [sflag:$0x2] =	stream.linear.gather [spmem:s8], $0x280, $0x38;
	[tilespmem:$0x7C10] =	vst v63  }
0x78: {  	_ =	swait.ge [sflag:s25], $0x280  }
0x79: {  	[sflag:s25] =	ssyncset.done $0x0  }
0x7a: {  	s30 =	simm.s32 $0x0;
	[sflag:s25] =	ssyncadd.s32 $0xFFFFFD80  }
0x7b: {  	s31 =	simm.s32 $0x40;
	v2 =	vld [tilespmem:s30+$0x5190]  }
.LBB2_10:
0x7c: {  	p0 =	sne.s32 s31, $0x9C0;
	v3 =	vld [tilespmem:s30+$0x4F10];
	_ =	sdelay $0x2  }
.Ltmp4:
0x7d: {  	(pc) =	sbr.rel @p0 .LBB2_10-.Ltmp4, $4  }
0x7e: {  	_ = 	snop  }
0x7f: {  	v3 =	vadd.f32 v2, v3  }
0x80: {  	s1 =	sshra.s32 s31, $0x2  }
0x81: {  	s31 =	sadd.s32 $0x40, s31;
	v2 =	vld [tilespmem:s1+$0x5190];
	[tilespmem:s30+$0x4F10] =	vst v3;
	s30 =	smov.u32 s1  }
0x82: {  	v3 =	vld [tilespmem:s30+$0x4F10];
	_ =	sdelay $0x4  }
0x83: {  	v2 =	vadd.f32 v2, v3;
	_ =	sdelay $0x1  }
0x84: {  	[tilespmem:s30+$0x4F10] =	vst v2  }
0x85: {  	[tilespmem:s28], [sflag:$0x2] =	stream.linear.gather [spmem:s9], $0x280, $0x38;
	[tilespmem:$0x7C10] =	vst v63  }
0x86: {  	_ =	swait.ge [sflag:s25], $0x280  }
0x87: {  	[sflag:s25] =	ssyncset.done $0x0  }
0x88: {  	s30 =	simm.s32 $0x0;
	[sflag:s25] =	ssyncadd.s32 $0xFFFFFD80  }
0x89: {  	s31 =	simm.s32 $0x40;
	v2 =	vld [tilespmem:s30+$0x5190]  }
.LBB2_12:
0x8a: {  	p0 =	sne.s32 s31, $0x9C0;
	v3 =	vld [tilespmem:s30+$0x4F10];
	_ =	sdelay $0x2  }
.Ltmp5:
0x8b: {  	(pc) =	sbr.rel @p0 .LBB2_12-.Ltmp5, $4  }
0x8c: {  	_ = 	snop  }
0x8d: {  	v3 =	vadd.f32 v2, v3  }
0x8e: {  	s1 =	sshra.s32 s31, $0x2  }
0x8f: {  	s31 =	sadd.s32 $0x40, s31;
	v2 =	vld [tilespmem:s1+$0x5190];
	[tilespmem:s30+$0x4F10] =	vst v3;
	s30 =	smov.u32 s1  }
0x90: {  	v3 =	vld [tilespmem:s30+$0x4F10];
	_ =	sdelay $0x4  }
0x91: {  	v2 =	vadd.f32 v2, v3;
	_ =	sdelay $0x1  }
0x92: {  	[tilespmem:s30+$0x4F10] =	vst v2  }
0x93: {  	[tilespmem:s28], [sflag:$0x2] =	stream.linear.gather [spmem:s10], $0x280, $0x38;
	[tilespmem:$0x7C10] =	vst v63  }
0x94: {  	_ =	swait.ge [sflag:s25], $0x280  }
0x95: {  	[sflag:s25] =	ssyncset.done $0x0  }
0x96: {  	s30 =	simm.s32 $0x0;
	[sflag:s25] =	ssyncadd.s32 $0xFFFFFD80  }
0x97: {  	s31 =	simm.s32 $0x40;
	v2 =	vld [tilespmem:s30+$0x5190]  }
.LBB2_14:
0x98: {  	p0 =	sne.s32 s31, $0x9C0;
	v3 =	vld [tilespmem:s30+$0x4F10];
	_ =	sdelay $0x2  }
.Ltmp6:
0x99: {  	(pc) =	sbr.rel @p0 .LBB2_14-.Ltmp6, $4  }
0x9a: {  	_ = 	snop  }
0x9b: {  	v3 =	vadd.f32 v2, v3  }
0x9c: {  	s1 =	sshra.s32 s31, $0x2  }
0x9d: {  	s31 =	sadd.s32 $0x40, s31;
	v2 =	vld [tilespmem:s1+$0x5190];
	[tilespmem:s30+$0x4F10] =	vst v3;
	s30 =	smov.u32 s1  }
0x9e: {  	v3 =	vld [tilespmem:s30+$0x4F10];
	_ =	sdelay $0x4  }
0x9f: {  	v2 =	vadd.f32 v2, v3;
	_ =	sdelay $0x1  }
0xa0: {  	[tilespmem:s30+$0x4F10] =	vst v2  }
0xa1: {  	[tilespmem:s28], [sflag:$0x2] =	stream.linear.gather [spmem:s11], $0x280, $0x38;
	[tilespmem:$0x7C10] =	vst v63  }
0xa2: {  	_ =	swait.ge [sflag:s25], $0x280  }
0xa3: {  	[sflag:s25] =	ssyncset.done $0x0  }
0xa4: {  	s30 =	simm.s32 $0x0;
	[sflag:s25] =	ssyncadd.s32 $0xFFFFFD80  }
0xa5: {  	s31 =	simm.s32 $0x40;
	v2 =	vld [tilespmem:s30+$0x5190]  }
.LBB2_16:
0xa6: {  	p0 =	sne.s32 s31, $0x9C0;
	v3 =	vld [tilespmem:s30+$0x4F10];
	_ =	sdelay $0x2  }
.Ltmp7:
0xa7: {  	(pc) =	sbr.rel @p0 .LBB2_16-.Ltmp7, $4  }
0xa8: {  	_ = 	snop  }
0xa9: {  	v3 =	vadd.f32 v2, v3  }
0xaa: {  	s1 =	sshra.s32 s31, $0x2  }
0xab: {  	s31 =	sadd.s32 $0x40, s31;
	v2 =	vld [tilespmem:s1+$0x5190];
	[tilespmem:s30+$0x4F10] =	vst v3;
	s30 =	smov.u32 s1  }
0xac: {  	v3 =	vld [tilespmem:s30+$0x4F10];
	_ =	sdelay $0x4  }
0xad: {  	v2 =	vadd.f32 v2, v3;
	_ =	sdelay $0x1  }
0xae: {  	[tilespmem:s30+$0x4F10] =	vst v2  }
0xaf: {  	[tilespmem:s28], [sflag:$0x2] =	stream.linear.gather [spmem:s12], $0x280, $0x38;
	[tilespmem:$0x7C10] =	vst v63  }
0xb0: {  	_ =	swait.ge [sflag:s25], $0x280  }
0xb1: {  	[sflag:s25] =	ssyncset.done $0x0  }
0xb2: {  	s30 =	simm.s32 $0x0;
	[sflag:s25] =	ssyncadd.s32 $0xFFFFFD80  }
0xb3: {  	s31 =	simm.s32 $0x40;
	v2 =	vld [tilespmem:s30+$0x5190]  }
.LBB2_18:
0xb4: {  	p0 =	sne.s32 s31, $0x9C0;
	v3 =	vld [tilespmem:s30+$0x4F10];
	_ =	sdelay $0x2  }
.Ltmp8:
0xb5: {  	(pc) =	sbr.rel @p0 .LBB2_18-.Ltmp8, $4  }
0xb6: {  	_ = 	snop  }
0xb7: {  	v3 =	vadd.f32 v2, v3  }
0xb8: {  	s1 =	sshra.s32 s31, $0x2  }
0xb9: {  	s31 =	sadd.s32 $0x40, s31;
	v2 =	vld [tilespmem:s1+$0x5190];
	[tilespmem:s30+$0x4F10] =	vst v3;
	s30 =	smov.u32 s1  }
0xba: {  	v3 =	vld [tilespmem:s30+$0x4F10];
	_ =	sdelay $0x4  }
0xbb: {  	v2 =	vadd.f32 v2, v3;
	_ =	sdelay $0x1  }
0xbc: {  	[tilespmem:s30+$0x4F10] =	vst v2  }
0xbd: {  	[tilespmem:s28], [sflag:$0x2] =	stream.linear.gather [spmem:s13], $0x280, $0x38;
	[tilespmem:$0x7C10] =	vst v63  }
0xbe: {  	_ =	swait.ge [sflag:s25], $0x280  }
0xbf: {  	[sflag:s25] =	ssyncset.done $0x0  }
0xc0: {  	s30 =	simm.s32 $0x0;
	[sflag:s25] =	ssyncadd.s32 $0xFFFFFD80  }
0xc1: {  	s31 =	simm.s32 $0x40;
	v2 =	vld [tilespmem:s30+$0x5190]  }
.LBB2_20:
0xc2: {  	p0 =	sne.s32 s31, $0x9C0;
	v3 =	vld [tilespmem:s30+$0x4F10];
	_ =	sdelay $0x2  }
.Ltmp9:
0xc3: {  	(pc) =	sbr.rel @p0 .LBB2_20-.Ltmp9, $4  }
0xc4: {  	_ = 	snop  }
0xc5: {  	v3 =	vadd.f32 v2, v3  }
0xc6: {  	s1 =	sshra.s32 s31, $0x2  }
0xc7: {  	s31 =	sadd.s32 $0x40, s31;
	v2 =	vld [tilespmem:s1+$0x5190];
	[tilespmem:s30+$0x4F10] =	vst v3;
	s30 =	smov.u32 s1  }
0xc8: {  	v3 =	vld [tilespmem:s30+$0x4F10];
	_ =	sdelay $0x4  }
0xc9: {  	v2 =	vadd.f32 v2, v3;
	_ =	sdelay $0x1  }
0xca: {  	[tilespmem:s30+$0x4F10] =	vst v2  }
0xcb: {  	[tilespmem:s28], [sflag:$0x2] =	stream.linear.gather [spmem:s14], $0x280, $0x38;
	[tilespmem:$0x7C10] =	vst v63  }
0xcc: {  	_ =	swait.ge [sflag:s25], $0x280  }
0xcd: {  	[sflag:s25] =	ssyncset.done $0x0  }
0xce: {  	s30 =	simm.s32 $0x0;
	[sflag:s25] =	ssyncadd.s32 $0xFFFFFD80  }
0xcf: {  	s31 =	simm.s32 $0x40;
	v2 =	vld [tilespmem:s30+$0x5190]  }
.LBB2_22:
0xd0: {  	p0 =	sne.s32 s31, $0x9C0;
	v3 =	vld [tilespmem:s30+$0x4F10];
	_ =	sdelay $0x2  }
.Ltmp10:
0xd1: {  	(pc) =	sbr.rel @p0 .LBB2_22-.Ltmp10, $4  }
0xd2: {  	_ = 	snop  }
0xd3: {  	v3 =	vadd.f32 v2, v3  }
0xd4: {  	s1 =	sshra.s32 s31, $0x2  }
0xd5: {  	s31 =	sadd.s32 $0x40, s31;
	v2 =	vld [tilespmem:s1+$0x5190];
	[tilespmem:s30+$0x4F10] =	vst v3;
	s30 =	smov.u32 s1  }
0xd6: {  	v3 =	vld [tilespmem:s30+$0x4F10];
	_ =	sdelay $0x4  }
0xd7: {  	v2 =	vadd.f32 v2, v3;
	_ =	sdelay $0x1  }
0xd8: {  	[tilespmem:s30+$0x4F10] =	vst v2  }
0xd9: {  	[tilespmem:s28], [sflag:$0x2] =	stream.linear.gather [spmem:s15], $0x280, $0x38;
	[tilespmem:$0x7C10] =	vst v63  }
0xda: {  	_ =	swait.ge [sflag:s25], $0x280  }
0xdb: {  	[sflag:s25] =	ssyncset.done $0x0  }
0xdc: {  	s30 =	simm.s32 $0x0;
	[sflag:s25] =	ssyncadd.s32 $0xFFFFFD80  }
0xdd: {  	s31 =	simm.s32 $0x40;
	v2 =	vld [tilespmem:s30+$0x5190]  }
.LBB2_24:
0xde: {  	p0 =	sne.s32 s31, $0x9C0;
	v3 =	vld [tilespmem:s30+$0x4F10];
	_ =	sdelay $0x2  }
.Ltmp11:
0xdf: {  	(pc) =	sbr.rel @p0 .LBB2_24-.Ltmp11, $4  }
0xe0: {  	_ = 	snop  }
0xe1: {  	v3 =	vadd.f32 v2, v3  }
0xe2: {  	s1 =	sshra.s32 s31, $0x2  }
0xe3: {  	s31 =	sadd.s32 $0x40, s31;
	v2 =	vld [tilespmem:s1+$0x5190];
	[tilespmem:s30+$0x4F10] =	vst v3;
	s30 =	smov.u32 s1  }
0xe4: {  	v3 =	vld [tilespmem:s30+$0x4F10];
	_ =	sdelay $0x4  }
0xe5: {  	v2 =	vadd.f32 v2, v3;
	_ =	sdelay $0x1  }
0xe6: {  	[tilespmem:s30+$0x4F10] =	vst v2  }
0xe7: {  	[tilespmem:s28], [sflag:$0x2] =	stream.linear.gather [spmem:s16], $0x280, $0x38;
	[tilespmem:$0x7C10] =	vst v63  }
0xe8: {  	_ =	swait.ge [sflag:s25], $0x280  }
0xe9: {  	[sflag:s25] =	ssyncset.done $0x0  }
0xea: {  	s30 =	simm.s32 $0x0;
	[sflag:s25] =	ssyncadd.s32 $0xFFFFFD80  }
0xeb: {  	s31 =	simm.s32 $0x40;
	v2 =	vld [tilespmem:s30+$0x5190]  }
.LBB2_26:
0xec: {  	p0 =	sne.s32 s31, $0x9C0;
	v3 =	vld [tilespmem:s30+$0x4F10];
	_ =	sdelay $0x2  }
.Ltmp12:
0xed: {  	(pc) =	sbr.rel @p0 .LBB2_26-.Ltmp12, $4  }
0xee: {  	_ = 	snop  }
0xef: {  	v3 =	vadd.f32 v2, v3  }
0xf0: {  	s1 =	sshra.s32 s31, $0x2  }
0xf1: {  	s31 =	sadd.s32 $0x40, s31;
	v2 =	vld [tilespmem:s1+$0x5190];
	[tilespmem:s30+$0x4F10] =	vst v3;
	s30 =	smov.u32 s1  }
0xf2: {  	v3 =	vld [tilespmem:s30+$0x4F10];
	_ =	sdelay $0x4  }
0xf3: {  	v2 =	vadd.f32 v2, v3;
	_ =	sdelay $0x1  }
0xf4: {  	[tilespmem:s30+$0x4F10] =	vst v2  }
0xf5: {  	[tilespmem:s28], [sflag:$0x2] =	stream.linear.gather [spmem:s17], $0x280, $0x38;
	[tilespmem:$0x7C10] =	vst v63  }
0xf6: {  	_ =	swait.ge [sflag:s25], $0x280  }
0xf7: {  	[sflag:s25] =	ssyncset.done $0x0  }
0xf8: {  	s30 =	simm.s32 $0x0;
	[sflag:s25] =	ssyncadd.s32 $0xFFFFFD80  }
0xf9: {  	s31 =	simm.s32 $0x40;
	v2 =	vld [tilespmem:s30+$0x5190]  }
.LBB2_28:
0xfa: {  	p0 =	sne.s32 s31, $0x9C0;
	v3 =	vld [tilespmem:s30+$0x4F10];
	_ =	sdelay $0x2  }
.Ltmp13:
0xfb: {  	(pc) =	sbr.rel @p0 .LBB2_28-.Ltmp13, $4  }
0xfc: {  	_ = 	snop  }
0xfd: {  	v3 =	vadd.f32 v2, v3  }
0xfe: {  	s1 =	sshra.s32 s31, $0x2  }
0xff: {  	s31 =	sadd.s32 $0x40, s31;
	v2 =	vld [tilespmem:s1+$0x5190];
	[tilespmem:s30+$0x4F10] =	vst v3;
	s30 =	smov.u32 s1  }
0x100: {  	v3 =	vld [tilespmem:s30+$0x4F10];
	_ =	sdelay $0x4  }
0x101: {  	v2 =	vadd.f32 v2, v3;
	_ =	sdelay $0x1  }
0x102: {  	[tilespmem:s30+$0x4F10] =	vst v2  }
0x103: {  	[tilespmem:s28], [sflag:$0x2] =	stream.linear.gather [spmem:s18], $0x280, $0x38;
	[tilespmem:$0x7C10] =	vst v63  }
0x104: {  	_ =	swait.ge [sflag:s25], $0x280  }
0x105: {  	[sflag:s25] =	ssyncset.done $0x0  }
0x106: {  	s30 =	simm.s32 $0x0;
	[sflag:s25] =	ssyncadd.s32 $0xFFFFFD80  }
0x107: {  	s31 =	simm.s32 $0x40;
	v2 =	vld [tilespmem:s30+$0x5190]  }
.LBB2_30:
0x108: {  	p0 =	sne.s32 s31, $0x9C0;
	v3 =	vld [tilespmem:s30+$0x4F10];
	_ =	sdelay $0x2  }
.Ltmp14:
0x109: {  	(pc) =	sbr.rel @p0 .LBB2_30-.Ltmp14, $4  }
0x10a: {  	_ = 	snop  }
0x10b: {  	v3 =	vadd.f32 v2, v3  }
0x10c: {  	s1 =	sshra.s32 s31, $0x2  }
0x10d: {  	s31 =	sadd.s32 $0x40, s31;
	v2 =	vld [tilespmem:s1+$0x5190];
	[tilespmem:s30+$0x4F10] =	vst v3;
	s30 =	smov.u32 s1  }
0x10e: {  	v3 =	vld [tilespmem:s30+$0x4F10];
	_ =	sdelay $0x4  }
0x10f: {  	v2 =	vadd.f32 v2, v3;
	_ =	sdelay $0x1  }
0x110: {  	[tilespmem:s30+$0x4F10] =	vst v2  }
0x111: {  	[tilespmem:s28], [sflag:$0x2] =	stream.linear.gather [spmem:s19], $0x280, $0x38;
	[tilespmem:$0x7C10] =	vst v63  }
0x112: {  	_ =	swait.ge [sflag:s25], $0x280  }
0x113: {  	[sflag:s25] =	ssyncset.done $0x0  }
0x114: {  	s30 =	simm.s32 $0x0;
	[sflag:s25] =	ssyncadd.s32 $0xFFFFFD80  }
0x115: {  	s31 =	simm.s32 $0x40;
	v2 =	vld [tilespmem:s30+$0x5190]  }
.LBB2_32:
0x116: {  	p0 =	sne.s32 s31, $0x9C0;
	v3 =	vld [tilespmem:s30+$0x4F10];
	_ =	sdelay $0x2  }
.Ltmp15:
0x117: {  	(pc) =	sbr.rel @p0 .LBB2_32-.Ltmp15, $4  }
0x118: {  	_ = 	snop  }
0x119: {  	v3 =	vadd.f32 v2, v3  }
0x11a: {  	s1 =	sshra.s32 s31, $0x2  }
0x11b: {  	s31 =	sadd.s32 $0x40, s31;
	v2 =	vld [tilespmem:s1+$0x5190];
	[tilespmem:s30+$0x4F10] =	vst v3;
	s30 =	smov.u32 s1  }
0x11c: {  	v3 =	vld [tilespmem:s30+$0x4F10];
	_ =	sdelay $0x4  }
0x11d: {  	v2 =	vadd.f32 v2, v3;
	_ =	sdelay $0x1  }
0x11e: {  	[tilespmem:s30+$0x4F10] =	vst v2  }
0x11f: {  	[tilespmem:s28], [sflag:$0x2] =	stream.linear.gather [spmem:s20], $0x280, $0x38;
	[tilespmem:$0x7C10] =	vst v63  }
0x120: {  	_ =	swait.ge [sflag:s25], $0x280  }
0x121: {  	[sflag:s25] =	ssyncset.done $0x0  }
0x122: {  	s30 =	simm.s32 $0x0;
	[sflag:s25] =	ssyncadd.s32 $0xFFFFFD80  }
0x123: {  	s31 =	simm.s32 $0x40;
	v2 =	vld [tilespmem:s30+$0x5190]  }
.LBB2_34:
0x124: {  	p0 =	sne.s32 s31, $0x9C0;
	v3 =	vld [tilespmem:s30+$0x4F10];
	_ =	sdelay $0x2  }
.Ltmp16:
0x125: {  	(pc) =	sbr.rel @p0 .LBB2_34-.Ltmp16, $4  }
0x126: {  	_ = 	snop  }
0x127: {  	v3 =	vadd.f32 v2, v3  }
0x128: {  	s1 =	sshra.s32 s31, $0x2  }
0x129: {  	s31 =	sadd.s32 $0x40, s31;
	v2 =	vld [tilespmem:s1+$0x5190];
	[tilespmem:s30+$0x4F10] =	vst v3;
	s30 =	smov.u32 s1  }
0x12a: {  	v3 =	vld [tilespmem:s30+$0x4F10];
	_ =	sdelay $0x4  }
0x12b: {  	s29 =	sadd.s32 $0x1, s29;
	v2 =	vadd.f32 v2, v3  }
0x12c: {  	p0 =	sne.s32 s29, s22  }
.Ltmp17:
0x12d: {  	[tilespmem:s30+$0x4F10] =	vst v2;
	(pc) =	sbr.rel @p0 .LBB2_1-.Ltmp17, $4  }
0x12e: {  	[hbm4b:s21+s2] =	stream.linear.scatter [tilespmem:s26], [sflag:$0x2], $0x280, $0x38;
	[tilespmem:$0x7C10] =	vst v63  }
0x12f: {  	_ =	swait.ge [sflag:s25], $0x280  }
0x130: {  	[sflag:s25] =	ssyncset.done $0x0  }
0x131: {  	[sflag:s25] =	ssyncadd.s32 $0xFFFFFD80  }
0x132: {  	_ =	sfence.sel $0x180000  }
0x133: {  	[bflag:$0x0] =	sbarrier.arrive $0xFFFF  }
0x134: {  	_ =	strace $0x90000047  }
0x135: {  	[bflag:$0x2] =	sbarrier.arrive $0xFFFF  }
0x136: {  	p0 =	sne.s32 s0, $0x0;
	s0 =	rddreg [dreg:$0x3]  }
0x137: {  	s0 =	sadd.s32 @!p0 $0x100000, s0  }
0x138: {  	[sflag:s0] =	ssyncadd.tile.s32 @!p0 $0x1;
	_ =	shalt  }
.Lfunc_end2:
_tile_overlayer_lowered:
.L_overlay_start_2:
0x139: {  	(tag) =	ssettag $0x2  }
0x13a: {  	s0 =	rddreg [dreg:$0x0];
	s2 =	stileid.u32  }
0x13b: {  	s1 =	rddreg [dreg:$0x1];
	p0 =	sne.s32 s2, $0x0  }
0x13c: {  	s3 =	rddreg [dreg:$0x2];
	[bflag:$0x3] =	sbarrier.arrive $0xFFFF;
	s2 =	simm.s32 @!p0 $0x1C02  }
0x13d: {  	[timem:s3], [sflag:s2] =	dma.local @!p0 [hbm:s0], s1  }
0x13e: {  	s0 =	simm.s32 @!p0 $0x2  }
0x13f: {  	_ =	swait.ge @!p0 [sflag:s0], s1  }
0x140: {  	s1 =	ssub.s32 @!p0 $0x0, s1;
	[sflag:s0] =	ssyncset.done @!p0 $0x0  }
0x141: {  	[sflag:s0] =	ssyncadd.s32 @!p0 s1  }
0x142: {  	[bflag:$0x3] =	sbarrier.arrive $0xFFFF  }
0x143: {  	_ =	shalt  }

</sc_bundles>
